<compile_context>
chip_gen: v7x
topology: tpu7x:2x2x1
jax: 0.10.2.dev20260603
libtpu: 0.0.44.dev20260713+nightly
codegen_flags: <defaults>
</compile_context>

<pallas_src>
import functools

import jax
import jax.numpy as jnp
from jax import lax
from jax.experimental import pallas as pl
from jax.experimental.pallas import tpu as pltpu
from jax.experimental.pallas import tpu_sc as plsc

N = 100000
D = 128
DEG = 16
B = 1024
NEG = 10
Q = 2 * B + NEG
NW = 32
QP = 2304
BPW = QP // NW
CH = 18
NCH = BPW // CH


def _sc_gather_kernel(nodes_hbm, nbflat_hbm, feat_hbm, degp_hbm,
                      s_out, degr_out, nf_out,
                      nodes_v, idxnb, nb1d, degv, rows_a,
                      rows_b, nf_v, s_v, sem_nf, sem_deg, sem_a, sem_b):
    wid = lax.axis_index("s") * 2 + lax.axis_index("c")
    base = wid * BPW

    pltpu.sync_copy(nodes_hbm.at[pl.ds(base, BPW)],
                    nodes_v.at[pl.ds(0, BPW)])

    lanesN = lax.iota(jnp.int32, 16) * N
    for g in range((BPW + 15) // 16):
        nv = nodes_v[pl.ds(g * 16, 16)]
        for j in range(16):
            q = g * 16 + j
            if q >= BPW:
                break
            idxnb[pl.ds(q * DEG, DEG)] = nv[j] + lanesN
    pltpu.async_copy(nbflat_hbm.at[idxnb], nb1d, sem_a).wait()

    rows = (rows_a, rows_b)
    csems = (sem_a, sem_b)

    def start(ci):
        return pltpu.async_copy(
            feat_hbm.at[nb1d.at[pl.ds(ci * CH * DEG, CH * DEG)]],
            rows[ci % 2], csems[ci % 2])

    cur = start(0)
    nf_copy = pltpu.async_copy(feat_hbm.at[nodes_v.at[pl.ds(0, BPW)]],
                               nf_v, sem_nf)
    for ci in range(NCH):
        nxt = start(ci + 1) if ci + 1 < NCH else None
        cur.wait()
        rv = rows[ci % 2]

        def reduce_one(q, _):
            for c in range(D // 16):
                acc = rv[q * DEG, pl.ds(c * 16, 16)]
                for k in range(1, DEG):
                    acc = acc + rv[q * DEG + k, pl.ds(c * 16, 16)]
                s_v[ci * CH + q, pl.ds(c * 16, 16)] = acc
            return 0

        lax.fori_loop(0, CH, reduce_one, 0)
        cur = nxt

    pltpu.sync_copy(s_v, s_out.at[pl.ds(base, BPW)])

    nf_copy.wait()
    pltpu.sync_copy(nf_v, nf_out.at[pl.ds(base, BPW)])

    pltpu.async_copy(degp_hbm.at[nb1d], degv, sem_deg).wait()
    pltpu.sync_copy(degv, degr_out.at[pl.ds(base * DEG, BPW * DEG)])


@functools.lru_cache(maxsize=None)
def _build_sc_gather():
    return pl.kernel(
        _sc_gather_kernel,
        out_type=[
            jax.ShapeDtypeStruct((QP, D), jnp.float32),
            jax.ShapeDtypeStruct((QP * DEG,), jnp.float32),
            jax.ShapeDtypeStruct((QP, D), jnp.float32),
        ],
        mesh=plsc.VectorSubcoreMesh(core_axis_name="c",
                                    subcore_axis_name="s"),
        compiler_params=pltpu.CompilerParams(needs_layout_passes=False),
        scratch_types=[
            pltpu.VMEM((80,), jnp.int32),
            pltpu.VMEM((BPW * DEG,), jnp.int32),
            pltpu.VMEM((BPW * DEG,), jnp.int32),
            pltpu.VMEM((BPW * DEG,), jnp.float32),
            pltpu.VMEM((CH * DEG, D), jnp.float32),
            pltpu.VMEM((CH * DEG, D), jnp.float32),
            pltpu.VMEM((BPW, D), jnp.float32),
            pltpu.VMEM((BPW, D), jnp.float32),
            pltpu.SemaphoreType.DMA,
            pltpu.SemaphoreType.DMA,
            pltpu.SemaphoreType.DMA,
            pltpu.SemaphoreType.DMA,
        ],
    )


def _tc_tail_kernel(s_ref, deg_ref, nf_ref, w1_ref, b1_ref, w2_ref, b2_ref,
                    o1_ref, o2_ref, o3_ref):
    g = jnp.sum(deg_ref[...], axis=1, keepdims=True)
    w1s = jnp.sum(w1_ref[:, D:], axis=1)
    ne = lax.dot_general(s_ref[...], w1_ref[:, :D],
                         (((1,), (1,)), ((), ())),
                         preferred_element_type=jnp.float32)
    ne = ne + g * w1s[None, :] + float(DEG) * b1_ref[...]
    f = lax.dot_general(nf_ref[...], w2_ref[:, :D],
                        (((1,), (1,)), ((), ())),
                        preferred_element_type=jnp.float32)
    f = f + lax.dot_general(ne, w2_ref[:, D:],
                            (((1,), (1,)), ((), ())),
                            preferred_element_type=jnp.float32)
    f = f + b2_ref[...]
    n = jnp.sqrt(jnp.sum(f * f, axis=1, keepdims=True))
    f = f / jnp.maximum(n, 1e-12)
    o1_ref[...] = f[0:B]
    o2_ref[...] = f[B:2 * B]
    o3_ref[...] = f[2 * B:2 * B + 256]


def kernel(inputs1, inputs2, neg, neighbors, feat_data, degrees, W1, b1, W2,
           b2):
    nodes = jnp.concatenate([inputs1, inputs2, neg]).astype(jnp.int32)
    nodes = jnp.pad(nodes, (0, QP - Q))
    nbflat = neighbors.astype(jnp.int32).T.reshape(N * DEG)
    s, degr, nf = _build_sc_gather()(nodes, nbflat, feat_data, degrees)

    out1, out2, out3 = pl.pallas_call(
        _tc_tail_kernel,
        out_shape=[
            jax.ShapeDtypeStruct((B, D), jnp.float32),
            jax.ShapeDtypeStruct((B, D), jnp.float32),
            jax.ShapeDtypeStruct((256, D), jnp.float32),
        ],
    )(s, degr.reshape(QP, DEG), nf, W1, b1.reshape(1, D), W2,
      b2.reshape(1, D))

    return out1, out2, out3[:NEG]

# --- scband reference (transcript-rebuilt; emitter-appended) ---
"""Pipeline reference for scband-supervised-graph-sage-49039936585979 (READ-ONLY COPY).

The authoritative reference and input builder live on the scoring server;
editing this copy changes nothing except your own understanding.
"""

import jax, jax.numpy as jnp
import numpy as np

N = 100000   # n_nodes
D = 128      # d_feat == args.feat_dim (must match for concat in agg_one_hop)
DEG = 16     # fixed neighborhood size (adj_lists rendered as dense [N, DEG])
B = 1024     # batch of positive node pairs
NEG = 10     # neg_sample_size


def setup_inputs(seed: int = 0) -> dict:
    key = jax.random.key(seed)
    ks = jax.random.split(key, 8)
    inputs1 = jax.random.randint(ks[0], (B,), 0, N)
    inputs2 = jax.random.randint(ks[1], (B,), 0, N)
    # fixed_unigram_candidate_sampler with constant degrees reduces to uniform sampling;
    # sampled once here to keep the reference deterministic.
    neg = jax.random.randint(ks[2], (NEG,), 0, N)
    neighbors = jax.random.randint(ks[3], (N, DEG), 0, N)  # adj_lists as dense matrix
    feat_data = jax.random.normal(ks[4], (N, D), dtype=jnp.float32)
    degrees = jnp.full((N,), float(DEG), dtype=jnp.float32)  # self.feats row i = degrees[i] repeated D times
    W1 = jax.random.normal(ks[5], (D, 2 * D), dtype=jnp.float32) * 0.05  # linear1: 2D -> D
    b1 = jnp.zeros((D,), dtype=jnp.float32)
    W2 = jax.random.normal(ks[6], (D, 2 * D), dtype=jnp.float32) * 0.05  # linear2: 2D -> feat_dim(=D)
    b2 = jnp.zeros((D,), dtype=jnp.float32)
    return {"inputs1": inputs1, "inputs2": inputs2, "neg": neg, "neighbors": neighbors,
            "feat_data": feat_data, "degrees": degrees, "W1": W1, "b1": b1, "W2": W2, "b2": b2}


def _aggregate(nodes, neighbors, feat_data, degrees, W1, b1, W2, b2):
    # vectorized form of SupervisedGraphSage.aggregator + agg_one_hop
    nb = neighbors[nodes]                          # [Q, DEG] one-hop neighbor ids (gather)
    nf = jnp.take(feat_data, nb, axis=0)           # [Q, DEG, D] neighbor features (gather)
    df = jnp.broadcast_to(degrees[nb][..., None], nf.shape)  # self.feats[nb]: degree broadcast to D
    agg = jnp.concatenate([nf, df], axis=-1)       # [Q, DEG, 2D]
    emb = agg @ W1.T + b1                          # linear1 -> [Q, DEG, D]
    neighbor_embeddings = emb.sum(axis=1)          # .sum(dim=0) per node -> [Q, D]
    node_feats = jnp.take(feat_data, nodes, axis=0)  # [Q, D]
    final = jnp.concatenate([node_feats, neighbor_embeddings], axis=-1) @ W2.T + b2  # linear2 -> [Q, D]
    return final


def _normalize(x):
    # F.normalize(x, dim=1), p=2, eps=1e-12
    n = jnp.linalg.norm(x, axis=1, keepdims=True)
    return x / jnp.maximum(n, 1e-12)


def reference(inputs1, inputs2, neg, neighbors, feat_data, degrees, W1, b1, W2, b2):
    outputs11 = _aggregate(inputs1, neighbors, feat_data, degrees, W1, b1, W2, b2)
    outputs21 = _aggregate(inputs2, neighbors, feat_data, degrees, W1, b1, W2, b2)
    neg_out = _aggregate(neg, neighbors, feat_data, degrees, W1, b1, W2, b2)
    return (_normalize(outputs11), _normalize(outputs21), _normalize(neg_out))

if __name__ == "__main__":
    import jax
    _d = setup_inputs()
    print(jax.jit(kernel)(*tuple(_d.values())))

</pallas_src>

<mosaic_0001>
#map = affine_map<(d0, d1) -> (0)>
#map1 = affine_map<(d0, d1) -> (0, 0)>
module attributes {stable_mosaic.version = 14 : i64} {
  func.func @_sc_gather_kernel(%arg0: i32, %arg1: i32, %arg2: memref<2304xi32, #tpu.memory_space<hbm>>, %arg3: memref<1600000xi32, #tpu.memory_space<hbm>>, %arg4: memref<100000x128xf32, #tpu.memory_space<hbm>>, %arg5: memref<100000xf32, #tpu.memory_space<hbm>>, %arg6: memref<2304x128xf32, #tpu.memory_space<hbm>>, %arg7: memref<36864xf32, #tpu.memory_space<hbm>>, %arg8: memref<2304x128xf32, #tpu.memory_space<hbm>>, %arg9: memref<80xi32, #tpu.memory_space<vmem>>, %arg10: memref<1152xi32, #tpu.memory_space<vmem>>, %arg11: memref<1152xi32, #tpu.memory_space<vmem>>, %arg12: memref<1152xf32, #tpu.memory_space<vmem>>, %arg13: memref<288x128xf32, #tpu.memory_space<vmem>>, %arg14: memref<288x128xf32, #tpu.memory_space<vmem>>, %arg15: memref<72x128xf32, #tpu.memory_space<vmem>>, %arg16: memref<72x128xf32, #tpu.memory_space<vmem>>, %arg17: memref<!tpu.dma_semaphore, #tpu.memory_space<semaphore_mem>>, %arg18: memref<!tpu.dma_semaphore, #tpu.memory_space<semaphore_mem>>, %arg19: memref<!tpu.dma_semaphore, #tpu.memory_space<semaphore_mem>>, %arg20: memref<!tpu.dma_semaphore, #tpu.memory_space<semaphore_mem>>) attributes {dimension_semantics = [#tpu.dimension_semantics<core_parallel>, #tpu.dimension_semantics<subcore_parallel>], iteration_bounds = array<i64: 2, 16>, scalar_prefetch = 0 : i64, scratch_operands = 12 : i64, tpu.core_type = #tpu.core_type<sc_vector_subcore>, window_params = [{transform_indices = #map}, {transform_indices = #map}, {transform_indices = #map1}, {transform_indices = #map}, {transform_indices = #map1}, {transform_indices = #map}, {transform_indices = #map1}]} {
    %mul3A = arith.constant 2 : i32
    %mul3A_0 = arith.muli %arg1, %mul3A : i32
    %add3A = arith.addi %mul3A_0, %arg0 : i32
    %mul3A_1 = arith.constant 72 : i32
    %mul3A_2 = arith.muli %add3A, %mul3A_1 : i32
    "tpu.region"() ({
      %run_scoped3A = tpu.sem_alloc : memref<!tpu.dma_semaphore, #tpu.memory_space<semaphore_mem>>
      %dma_start3A_529 = arith.constant 0 : i32
      %dma_start3A_530 = tpu.memref_slice %arg9[%dma_start3A_529] : memref<80xi32, #tpu.memory_space<vmem>> -> memref<72xi32, #tpu.memory_space<vmem>>
      %dma_start3A_531 = tpu.memref_slice %arg2[%mul3A_2] : memref<2304xi32, #tpu.memory_space<hbm>> -> memref<72xi32, #tpu.memory_space<hbm>>
      %dma_start3A_532 = arith.constant 0 : i32
      %dma_start3A_533 = tpu.memref_slice %arg9[%dma_start3A_532] : memref<80xi32, #tpu.memory_space<vmem>> -> memref<72xi32, #tpu.memory_space<vmem>>
      %dma_start3A_534 = tpu.memref_slice %arg2[%mul3A_2] : memref<2304xi32, #tpu.memory_space<hbm>> -> memref<72xi32, #tpu.memory_space<hbm>>
      tpu.enqueue_dma source(%dma_start3A_534 : memref<72xi32, #tpu.memory_space<hbm>>) target(%dma_start3A_533 : memref<72xi32, #tpu.memory_space<vmem>>) target_semaphore(%run_scoped3A : memref<!tpu.dma_semaphore, #tpu.memory_space<semaphore_mem>>)
      %dma_wait3A_535 = arith.constant 0 : i32
      %dma_wait3A_536 = tpu.memref_slice %arg9[%dma_wait3A_535] : memref<80xi32, #tpu.memory_space<vmem>> -> memref<72xi32, #tpu.memory_space<vmem>>
      %dma_wait3A_537 = tpu.memref_slice %arg2[%mul3A_2] : memref<2304xi32, #tpu.memory_space<hbm>> -> memref<72xi32, #tpu.memory_space<hbm>>
      %dma_wait3A_538 = arith.constant 0 : i32
      %dma_wait3A_539 = tpu.memref_slice %arg9[%dma_wait3A_538] : memref<80xi32, #tpu.memory_space<vmem>> -> memref<72xi32, #tpu.memory_space<vmem>>
      %dma_wait3A_540 = tpu.memref_slice %arg2[%mul3A_2] : memref<2304xi32, #tpu.memory_space<hbm>> -> memref<72xi32, #tpu.memory_space<hbm>>
      tpu.wait_dma2 semaphore(%run_scoped3A : memref<!tpu.dma_semaphore, #tpu.memory_space<semaphore_mem>>) src(%dma_wait3A_540 : memref<72xi32, #tpu.memory_space<hbm>>) dst(%dma_wait3A_539 : memref<72xi32, #tpu.memory_space<vmem>>)
      tpu.yield
    }) : () -> ()
    %iota3A = tpu.iota {dimensions = array<i32: 0>} : vector<16xi32>
    %mul3A_3 = arith.constant 100000 : i32
    %mul3A_4 = vector.broadcast %mul3A_3 : i32 to vector<16xi32>
    %mul3A_5 = arith.muli %iota3A, %mul3A_4 : vector<16xi32>
    %get3A = arith.constant 0 : index
    %get3A_6 = tpu.vector_load %arg9[%get3A] {strides = array<i32>} : memref<80xi32, #tpu.memory_space<vmem>>, vector<16xi32>,
    %slice3A = vector.extract_strided_slice %get3A_6 {offsets = [0], sizes = [1], strides = [1]} : vector<16xi32> to vector<1xi32>
    %squeeze3A = vector.extract %slice3A[0] : i32 from vector<1xi32>
    %add3A_7 = vector.broadcast %squeeze3A : i32 to vector<16xi32>
    %add3A_8 = arith.addi %add3A_7, %mul3A_5 : vector<16xi32>
    %swap3A = arith.constant 0 : index
    %swap3A_9 = tpu.vector_load %arg10[%swap3A] {strides = array<i32>} : memref<1152xi32, #tpu.memory_space<vmem>>, vector<16xi32>,
    tpu.vector_store %arg10[%swap3A], %add3A_8 {strides = array<i32>} : memref<1152xi32, #tpu.memory_space<vmem>>, vector<16xi32>,
    %slice3A_10 = vector.extract_strided_slice %get3A_6 {offsets = [1], sizes = [1], strides = [1]} : vector<16xi32> to vector<1xi32>
    %squeeze3A_11 = vector.extract %slice3A_10[0] : i32 from vector<1xi32>
    %add3A_12 = vector.broadcast %squeeze3A_11 : i32 to vector<16xi32>
    %add3A_13 = arith.addi %add3A_12, %mul3A_5 : vector<16xi32>
    %swap3A_14 = arith.constant 16 : index
    %swap3A_15 = tpu.vector_load %arg10[%swap3A_14] {strides = array<i32>} : memref<1152xi32, #tpu.memory_space<vmem>>, vector<16xi32>,
    tpu.vector_store %arg10[%swap3A_14], %add3A_13 {strides = array<i32>} : memref<1152xi32, #tpu.memory_space<vmem>>, vector<16xi32>,
    %slice3A_16 = vector.extract_strided_slice %get3A_6 {offsets = [2], sizes = [1], strides = [1]} : vector<16xi32> to vector<1xi32>
    %squeeze3A_17 = vector.extract %slice3A_16[0] : i32 from vector<1xi32>
    %add3A_18 = vector.broadcast %squeeze3A_17 : i32 to vector<16xi32>
    %add3A_19 = arith.addi %add3A_18, %mul3A_5 : vector<16xi32>
    %swap3A_20 = arith.constant 32 : index
    %swap3A_21 = tpu.vector_load %arg10[%swap3A_20] {strides = array<i32>} : memref<1152xi32, #tpu.memory_space<vmem>>, vector<16xi32>,
    tpu.vector_store %arg10[%swap3A_20], %add3A_19 {strides = array<i32>} : memref<1152xi32, #tpu.memory_space<vmem>>, vector<16xi32>,
    %slice3A_22 = vector.extract_strided_slice %get3A_6 {offsets = [3], sizes = [1], strides = [1]} : vector<16xi32> to vector<1xi32>
    %squeeze3A_23 = vector.extract %slice3A_22[0] : i32 from vector<1xi32>
    %add3A_24 = vector.broadcast %squeeze3A_23 : i32 to vector<16xi32>
    %add3A_25 = arith.addi %add3A_24, %mul3A_5 : vector<16xi32>
    %swap3A_26 = arith.constant 48 : index
    %swap3A_27 = tpu.vector_load %arg10[%swap3A_26] {strides = array<i32>} : memref<1152xi32, #tpu.memory_space<vmem>>, vector<16xi32>,
    tpu.vector_store %arg10[%swap3A_26], %add3A_25 {strides = array<i32>} : memref<1152xi32, #tpu.memory_space<vmem>>, vector<16xi32>,
    %slice3A_28 = vector.extract_strided_slice %get3A_6 {offsets = [4], sizes = [1], strides = [1]} : vector<16xi32> to vector<1xi32>
    %squeeze3A_29 = vector.extract %slice3A_28[0] : i32 from vector<1xi32>
    %add3A_30 = vector.broadcast %squeeze3A_29 : i32 to vector<16xi32>
    %add3A_31 = arith.addi %add3A_30, %mul3A_5 : vector<16xi32>
    %swap3A_32 = arith.constant 64 : index
    %swap3A_33 = tpu.vector_load %arg10[%swap3A_32] {strides = array<i32>} : memref<1152xi32, #tpu.memory_space<vmem>>, vector<16xi32>,
    tpu.vector_store %arg10[%swap3A_32], %add3A_31 {strides = array<i32>} : memref<1152xi32, #tpu.memory_space<vmem>>, vector<16xi32>,
    %slice3A_34 = vector.extract_strided_slice %get3A_6 {offsets = [5], sizes = [1], strides = [1]} : vector<16xi32> to vector<1xi32>
    %squeeze3A_35 = vector.extract %slice3A_34[0] : i32 from vector<1xi32>
    %add3A_36 = vector.broadcast %squeeze3A_35 : i32 to vector<16xi32>
    %add3A_37 = arith.addi %add3A_36, %mul3A_5 : vector<16xi32>
    %swap3A_38 = arith.constant 80 : index
    %swap3A_39 = tpu.vector_load %arg10[%swap3A_38] {strides = array<i32>} : memref<1152xi32, #tpu.memory_space<vmem>>, vector<16xi32>,
    tpu.vector_store %arg10[%swap3A_38], %add3A_37 {strides = array<i32>} : memref<1152xi32, #tpu.memory_space<vmem>>, vector<16xi32>,
    %slice3A_40 = vector.extract_strided_slice %get3A_6 {offsets = [6], sizes = [1], strides = [1]} : vector<16xi32> to vector<1xi32>
    %squeeze3A_41 = vector.extract %slice3A_40[0] : i32 from vector<1xi32>
    %add3A_42 = vector.broadcast %squeeze3A_41 : i32 to vector<16xi32>
    %add3A_43 = arith.addi %add3A_42, %mul3A_5 : vector<16xi32>
    %swap3A_44 = arith.constant 96 : index
    %swap3A_45 = tpu.vector_load %arg10[%swap3A_44] {strides = array<i32>} : memref<1152xi32, #tpu.memory_space<vmem>>, vector<16xi32>,
    tpu.vector_store %arg10[%swap3A_44], %add3A_43 {strides = array<i32>} : memref<1152xi32, #tpu.memory_space<vmem>>, vector<16xi32>,
    %slice3A_46 = vector.extract_strided_slice %get3A_6 {offsets = [7], sizes = [1], strides = [1]} : vector<16xi32> to vector<1xi32>
    %squeeze3A_47 = vector.extract %slice3A_46[0] : i32 from vector<1xi32>
    %add3A_48 = vector.broadcast %squeeze3A_47 : i32 to vector<16xi32>
    %add3A_49 = arith.addi %add3A_48, %mul3A_5 : vector<16xi32>
    %swap3A_50 = arith.constant 112 : index
    %swap3A_51 = tpu.vector_load %arg10[%swap3A_50] {strides = array<i32>} : memref<1152xi32, #tpu.memory_space<vmem>>, vector<16xi32>,
    tpu.vector_store %arg10[%swap3A_50], %add3A_49 {strides = array<i32>} : memref<1152xi32, #tpu.memory_space<vmem>>, vector<16xi32>,
    %slice3A_52 = vector.extract_strided_slice %get3A_6 {offsets = [8], sizes = [1], strides = [1]} : vector<16xi32> to vector<1xi32>
    %squeeze3A_53 = vector.extract %slice3A_52[0] : i32 from vector<1xi32>
    %add3A_54 = vector.broadcast %squeeze3A_53 : i32 to vector<16xi32>
    %add3A_55 = arith.addi %add3A_54, %mul3A_5 : vector<16xi32>
    %swap3A_56 = arith.constant 128 : index
    %swap3A_57 = tpu.vector_load %arg10[%swap3A_56] {strides = array<i32>} : memref<1152xi32, #tpu.memory_space<vmem>>, vector<16xi32>,
    tpu.vector_store %arg10[%swap3A_56], %add3A_55 {strides = array<i32>} : memref<1152xi32, #tpu.memory_space<vmem>>, vector<16xi32>,
    %slice3A_58 = vector.extract_strided_slice %get3A_6 {offsets = [9], sizes = [1], strides = [1]} : vector<16xi32> to vector<1xi32>
    %squeeze3A_59 = vector.extract %slice3A_58[0] : i32 from vector<1xi32>
    %add3A_60 = vector.broadcast %squeeze3A_59 : i32 to vector<16xi32>
    %add3A_61 = arith.addi %add3A_60, %mul3A_5 : vector<16xi32>
    %swap3A_62 = arith.constant 144 : index
    %swap3A_63 = tpu.vector_load %arg10[%swap3A_62] {strides = array<i32>} : memref<1152xi32, #tpu.memory_space<vmem>>, vector<16xi32>,
    tpu.vector_store %arg10[%swap3A_62], %add3A_61 {strides = array<i32>} : memref<1152xi32, #tpu.memory_space<vmem>>, vector<16xi32>,
    %slice3A_64 = vector.extract_strided_slice %get3A_6 {offsets = [10], sizes = [1], strides = [1]} : vector<16xi32> to vector<1xi32>
    %squeeze3A_65 = vector.extract %slice3A_64[0] : i32 from vector<1xi32>
    %add3A_66 = vector.broadcast %squeeze3A_65 : i32 to vector<16xi32>
    %add3A_67 = arith.addi %add3A_66, %mul3A_5 : vector<16xi32>
    %swap3A_68 = arith.constant 160 : index
    %swap3A_69 = tpu.vector_load %arg10[%swap3A_68] {strides = array<i32>} : memref<1152xi32, #tpu.memory_space<vmem>>, vector<16xi32>,
    tpu.vector_store %arg10[%swap3A_68], %add3A_67 {strides = array<i32>} : memref<1152xi32, #tpu.memory_space<vmem>>, vector<16xi32>,
    %slice3A_70 = vector.extract_strided_slice %get3A_6 {offsets = [11], sizes = [1], strides = [1]} : vector<16xi32> to vector<1xi32>
    %squeeze3A_71 = vector.extract %slice3A_70[0] : i32 from vector<1xi32>
    %add3A_72 = vector.broadcast %squeeze3A_71 : i32 to vector<16xi32>
    %add3A_73 = arith.addi %add3A_72, %mul3A_5 : vector<16xi32>
    %swap3A_74 = arith.constant 176 : index
    %swap3A_75 = tpu.vector_load %arg10[%swap3A_74] {strides = array<i32>} : memref<1152xi32, #tpu.memory_space<vmem>>, vector<16xi32>,
    tpu.vector_store %arg10[%swap3A_74], %add3A_73 {strides = array<i32>} : memref<1152xi32, #tpu.memory_space<vmem>>, vector<16xi32>,
    %slice3A_76 = vector.extract_strided_slice %get3A_6 {offsets = [12], sizes = [1], strides = [1]} : vector<16xi32> to vector<1xi32>
    %squeeze3A_77 = vector.extract %slice3A_76[0] : i32 from vector<1xi32>
    %add3A_78 = vector.broadcast %squeeze3A_77 : i32 to vector<16xi32>
    %add3A_79 = arith.addi %add3A_78, %mul3A_5 : vector<16xi32>
    %swap3A_80 = arith.constant 192 : index
    %swap3A_81 = tpu.vector_load %arg10[%swap3A_80] {strides = array<i32>} : memref<1152xi32, #tpu.memory_space<vmem>>, vector<16xi32>,
    tpu.vector_store %arg10[%swap3A_80], %add3A_79 {strides = array<i32>} : memref<1152xi32, #tpu.memory_space<vmem>>, vector<16xi32>,
    %slice3A_82 = vector.extract_strided_slice %get3A_6 {offsets = [13], sizes = [1], strides = [1]} : vector<16xi32> to vector<1xi32>
    %squeeze3A_83 = vector.extract %slice3A_82[0] : i32 from vector<1xi32>
    %add3A_84 = vector.broadcast %squeeze3A_83 : i32 to vector<16xi32>
    %add3A_85 = arith.addi %add3A_84, %mul3A_5 : vector<16xi32>
    %swap3A_86 = arith.constant 208 : index
    %swap3A_87 = tpu.vector_load %arg10[%swap3A_86] {strides = array<i32>} : memref<1152xi32, #tpu.memory_space<vmem>>, vector<16xi32>,
    tpu.vector_store %arg10[%swap3A_86], %add3A_85 {strides = array<i32>} : memref<1152xi32, #tpu.memory_space<vmem>>, vector<16xi32>,
    %slice3A_88 = vector.extract_strided_slice %get3A_6 {offsets = [14], sizes = [1], strides = [1]} : vector<16xi32> to vector<1xi32>
    %squeeze3A_89 = vector.extract %slice3A_88[0] : i32 from vector<1xi32>
    %add3A_90 = vector.broadcast %squeeze3A_89 : i32 to vector<16xi32>
    %add3A_91 = arith.addi %add3A_90, %mul3A_5 : vector<16xi32>
    %swap3A_92 = arith.constant 224 : index
    %swap3A_93 = tpu.vector_load %arg10[%swap3A_92] {strides = array<i32>} : memref<1152xi32, #tpu.memory_space<vmem>>, vector<16xi32>,
    tpu.vector_store %arg10[%swap3A_92], %add3A_91 {strides = array<i32>} : memref<1152xi32, #tpu.memory_space<vmem>>, vector<16xi32>,
    %slice3A_94 = vector.extract_strided_slice %get3A_6 {offsets = [15], sizes = [1], strides = [1]} : vector<16xi32> to vector<1xi32>
    %squeeze3A_95 = vector.extract %slice3A_94[0] : i32 from vector<1xi32>
    %add3A_96 = vector.broadcast %squeeze3A_95 : i32 to vector<16xi32>
    %add3A_97 = arith.addi %add3A_96, %mul3A_5 : vector<16xi32>
    %swap3A_98 = arith.constant 240 : index
    %swap3A_99 = tpu.vector_load %arg10[%swap3A_98] {strides = array<i32>} : memref<1152xi32, #tpu.memory_space<vmem>>, vector<16xi32>,
    tpu.vector_store %arg10[%swap3A_98], %add3A_97 {strides = array<i32>} : memref<1152xi32, #tpu.memory_space<vmem>>, vector<16xi32>,
    %get3A_100 = arith.constant 16 : index
    %get3A_101 = tpu.vector_load %arg9[%get3A_100] {strides = array<i32>} : memref<80xi32, #tpu.memory_space<vmem>>, vector<16xi32>,
    %slice3A_102 = vector.extract_strided_slice %get3A_101 {offsets = [0], sizes = [1], strides = [1]} : vector<16xi32> to vector<1xi32>
    %squeeze3A_103 = vector.extract %slice3A_102[0] : i32 from vector<1xi32>
    %add3A_104 = vector.broadcast %squeeze3A_103 : i32 to vector<16xi32>
    %add3A_105 = arith.addi %add3A_104, %mul3A_5 : vector<16xi32>
    %swap3A_106 = arith.constant 256 : index
    %swap3A_107 = tpu.vector_load %arg10[%swap3A_106] {strides = array<i32>} : memref<1152xi32, #tpu.memory_space<vmem>>, vector<16xi32>,
    tpu.vector_store %arg10[%swap3A_106], %add3A_105 {strides = array<i32>} : memref<1152xi32, #tpu.memory_space<vmem>>, vector<16xi32>,
    %slice3A_108 = vector.extract_strided_slice %get3A_101 {offsets = [1], sizes = [1], strides = [1]} : vector<16xi32> to vector<1xi32>
    %squeeze3A_109 = vector.extract %slice3A_108[0] : i32 from vector<1xi32>
    %add3A_110 = vector.broadcast %squeeze3A_109 : i32 to vector<16xi32>
    %add3A_111 = arith.addi %add3A_110, %mul3A_5 : vector<16xi32>
    %swap3A_112 = arith.constant 272 : index
    %swap3A_113 = tpu.vector_load %arg10[%swap3A_112] {strides = array<i32>} : memref<1152xi32, #tpu.memory_space<vmem>>, vector<16xi32>,
    tpu.vector_store %arg10[%swap3A_112], %add3A_111 {strides = array<i32>} : memref<1152xi32, #tpu.memory_space<vmem>>, vector<16xi32>,
    %slice3A_114 = vector.extract_strided_slice %get3A_101 {offsets = [2], sizes = [1], strides = [1]} : vector<16xi32> to vector<1xi32>
    %squeeze3A_115 = vector.extract %slice3A_114[0] : i32 from vector<1xi32>
    %add3A_116 = vector.broadcast %squeeze3A_115 : i32 to vector<16xi32>
    %add3A_117 = arith.addi %add3A_116, %mul3A_5 : vector<16xi32>
    %swap3A_118 = arith.constant 288 : index
    %swap3A_119 = tpu.vector_load %arg10[%swap3A_118] {strides = array<i32>} : memref<1152xi32, #tpu.memory_space<vmem>>, vector<16xi32>,
    tpu.vector_store %arg10[%swap3A_118], %add3A_117 {strides = array<i32>} : memref<1152xi32, #tpu.memory_space<vmem>>, vector<16xi32>,
    %slice3A_120 = vector.extract_strided_slice %get3A_101 {offsets = [3], sizes = [1], strides = [1]} : vector<16xi32> to vector<1xi32>
    %squeeze3A_121 = vector.extract %slice3A_120[0] : i32 from vector<1xi32>
    %add3A_122 = vector.broadcast %squeeze3A_121 : i32 to vector<16xi32>
    %add3A_123 = arith.addi %add3A_122, %mul3A_5 : vector<16xi32>
    %swap3A_124 = arith.constant 304 : index
    %swap3A_125 = tpu.vector_load %arg10[%swap3A_124] {strides = array<i32>} : memref<1152xi32, #tpu.memory_space<vmem>>, vector<16xi32>,
    tpu.vector_store %arg10[%swap3A_124], %add3A_123 {strides = array<i32>} : memref<1152xi32, #tpu.memory_space<vmem>>, vector<16xi32>,
    %slice3A_126 = vector.extract_strided_slice %get3A_101 {offsets = [4], sizes = [1], strides = [1]} : vector<16xi32> to vector<1xi32>
    %squeeze3A_127 = vector.extract %slice3A_126[0] : i32 from vector<1xi32>
    %add3A_128 = vector.broadcast %squeeze3A_127 : i32 to vector<16xi32>
    %add3A_129 = arith.addi %add3A_128, %mul3A_5 : vector<16xi32>
    %swap3A_130 = arith.constant 320 : index
    %swap3A_131 = tpu.vector_load %arg10[%swap3A_130] {strides = array<i32>} : memref<1152xi32, #tpu.memory_space<vmem>>, vector<16xi32>,
    tpu.vector_store %arg10[%swap3A_130], %add3A_129 {strides = array<i32>} : memref<1152xi32, #tpu.memory_space<vmem>>, vector<16xi32>,
    %slice3A_132 = vector.extract_strided_slice %get3A_101 {offsets = [5], sizes = [1], strides = [1]} : vector<16xi32> to vector<1xi32>
    %squeeze3A_133 = vector.extract %slice3A_132[0] : i32 from vector<1xi32>
    %add3A_134 = vector.broadcast %squeeze3A_133 : i32 to vector<16xi32>
    %add3A_135 = arith.addi %add3A_134, %mul3A_5 : vector<16xi32>
    %swap3A_136 = arith.constant 336 : index
    %swap3A_137 = tpu.vector_load %arg10[%swap3A_136] {strides = array<i32>} : memref<1152xi32, #tpu.memory_space<vmem>>, vector<16xi32>,
    tpu.vector_store %arg10[%swap3A_136], %add3A_135 {strides = array<i32>} : memref<1152xi32, #tpu.memory_space<vmem>>, vector<16xi32>,
    %slice3A_138 = vector.extract_strided_slice %get3A_101 {offsets = [6], sizes = [1], strides = [1]} : vector<16xi32> to vector<1xi32>
    %squeeze3A_139 = vector.extract %slice3A_138[0] : i32 from vector<1xi32>
    %add3A_140 = vector.broadcast %squeeze3A_139 : i32 to vector<16xi32>
    %add3A_141 = arith.addi %add3A_140, %mul3A_5 : vector<16xi32>
    %swap3A_142 = arith.constant 352 : index
    %swap3A_143 = tpu.vector_load %arg10[%swap3A_142] {strides = array<i32>} : memref<1152xi32, #tpu.memory_space<vmem>>, vector<16xi32>,
    tpu.vector_store %arg10[%swap3A_142], %add3A_141 {strides = array<i32>} : memref<1152xi32, #tpu.memory_space<vmem>>, vector<16xi32>,
    %slice3A_144 = vector.extract_strided_slice %get3A_101 {offsets = [7], sizes = [1], strides = [1]} : vector<16xi32> to vector<1xi32>
    %squeeze3A_145 = vector.extract %slice3A_144[0] : i32 from vector<1xi32>
    %add3A_146 = vector.broadcast %squeeze3A_145 : i32 to vector<16xi32>
    %add3A_147 = arith.addi %add3A_146, %mul3A_5 : vector<16xi32>
    %swap3A_148 = arith.constant 368 : index
    %swap3A_149 = tpu.vector_load %arg10[%swap3A_148] {strides = array<i32>} : memref<1152xi32, #tpu.memory_space<vmem>>, vector<16xi32>,
    tpu.vector_store %arg10[%swap3A_148], %add3A_147 {strides = array<i32>} : memref<1152xi32, #tpu.memory_space<vmem>>, vector<16xi32>,
    %slice3A_150 = vector.extract_strided_slice %get3A_101 {offsets = [8], sizes = [1], strides = [1]} : vector<16xi32> to vector<1xi32>
    %squeeze3A_151 = vector.extract %slice3A_150[0] : i32 from vector<1xi32>
    %add3A_152 = vector.broadcast %squeeze3A_151 : i32 to vector<16xi32>
    %add3A_153 = arith.addi %add3A_152, %mul3A_5 : vector<16xi32>
    %swap3A_154 = arith.constant 384 : index
    %swap3A_155 = tpu.vector_load %arg10[%swap3A_154] {strides = array<i32>} : memref<1152xi32, #tpu.memory_space<vmem>>, vector<16xi32>,
    tpu.vector_store %arg10[%swap3A_154], %add3A_153 {strides = array<i32>} : memref<1152xi32, #tpu.memory_space<vmem>>, vector<16xi32>,
    %slice3A_156 = vector.extract_strided_slice %get3A_101 {offsets = [9], sizes = [1], strides = [1]} : vector<16xi32> to vector<1xi32>
    %squeeze3A_157 = vector.extract %slice3A_156[0] : i32 from vector<1xi32>
    %add3A_158 = vector.broadcast %squeeze3A_157 : i32 to vector<16xi32>
    %add3A_159 = arith.addi %add3A_158, %mul3A_5 : vector<16xi32>
    %swap3A_160 = arith.constant 400 : index
    %swap3A_161 = tpu.vector_load %arg10[%swap3A_160] {strides = array<i32>} : memref<1152xi32, #tpu.memory_space<vmem>>, vector<16xi32>,
    tpu.vector_store %arg10[%swap3A_160], %add3A_159 {strides = array<i32>} : memref<1152xi32, #tpu.memory_space<vmem>>, vector<16xi32>,
    %slice3A_162 = vector.extract_strided_slice %get3A_101 {offsets = [10], sizes = [1], strides = [1]} : vector<16xi32> to vector<1xi32>
    %squeeze3A_163 = vector.extract %slice3A_162[0] : i32 from vector<1xi32>
    %add3A_164 = vector.broadcast %squeeze3A_163 : i32 to vector<16xi32>
    %add3A_165 = arith.addi %add3A_164, %mul3A_5 : vector<16xi32>
    %swap3A_166 = arith.constant 416 : index
    %swap3A_167 = tpu.vector_load %arg10[%swap3A_166] {strides = array<i32>} : memref<1152xi32, #tpu.memory_space<vmem>>, vector<16xi32>,
    tpu.vector_store %arg10[%swap3A_166], %add3A_165 {strides = array<i32>} : memref<1152xi32, #tpu.memory_space<vmem>>, vector<16xi32>,
    %slice3A_168 = vector.extract_strided_slice %get3A_101 {offsets = [11], sizes = [1], strides = [1]} : vector<16xi32> to vector<1xi32>
    %squeeze3A_169 = vector.extract %slice3A_168[0] : i32 from vector<1xi32>
    %add3A_170 = vector.broadcast %squeeze3A_169 : i32 to vector<16xi32>
    %add3A_171 = arith.addi %add3A_170, %mul3A_5 : vector<16xi32>
    %swap3A_172 = arith.constant 432 : index
    %swap3A_173 = tpu.vector_load %arg10[%swap3A_172] {strides = array<i32>} : memref<1152xi32, #tpu.memory_space<vmem>>, vector<16xi32>,
    tpu.vector_store %arg10[%swap3A_172], %add3A_171 {strides = array<i32>} : memref<1152xi32, #tpu.memory_space<vmem>>, vector<16xi32>,
    %slice3A_174 = vector.extract_strided_slice %get3A_101 {offsets = [12], sizes = [1], strides = [1]} : vector<16xi32> to vector<1xi32>
    %squeeze3A_175 = vector.extract %slice3A_174[0] : i32 from vector<1xi32>
    %add3A_176 = vector.broadcast %squeeze3A_175 : i32 to vector<16xi32>
    %add3A_177 = arith.addi %add3A_176, %mul3A_5 : vector<16xi32>
    %swap3A_178 = arith.constant 448 : index
    %swap3A_179 = tpu.vector_load %arg10[%swap3A_178] {strides = array<i32>} : memref<1152xi32, #tpu.memory_space<vmem>>, vector<16xi32>,
    tpu.vector_store %arg10[%swap3A_178], %add3A_177 {strides = array<i32>} : memref<1152xi32, #tpu.memory_space<vmem>>, vector<16xi32>,
    %slice3A_180 = vector.extract_strided_slice %get3A_101 {offsets = [13], sizes = [1], strides = [1]} : vector<16xi32> to vector<1xi32>
    %squeeze3A_181 = vector.extract %slice3A_180[0] : i32 from vector<1xi32>
    %add3A_182 = vector.broadcast %squeeze3A_181 : i32 to vector<16xi32>
    %add3A_183 = arith.addi %add3A_182, %mul3A_5 : vector<16xi32>
    %swap3A_184 = arith.constant 464 : index
    %swap3A_185 = tpu.vector_load %arg10[%swap3A_184] {strides = array<i32>} : memref<1152xi32, #tpu.memory_space<vmem>>, vector<16xi32>,
    tpu.vector_store %arg10[%swap3A_184], %add3A_183 {strides = array<i32>} : memref<1152xi32, #tpu.memory_space<vmem>>, vector<16xi32>,
    %slice3A_186 = vector.extract_strided_slice %get3A_101 {offsets = [14], sizes = [1], strides = [1]} : vector<16xi32> to vector<1xi32>
    %squeeze3A_187 = vector.extract %slice3A_186[0] : i32 from vector<1xi32>
    %add3A_188 = vector.broadcast %squeeze3A_187 : i32 to vector<16xi32>
    %add3A_189 = arith.addi %add3A_188, %mul3A_5 : vector<16xi32>
    %swap3A_190 = arith.constant 480 : index
    %swap3A_191 = tpu.vector_load %arg10[%swap3A_190] {strides = array<i32>} : memref<1152xi32, #tpu.memory_space<vmem>>, vector<16xi32>,
    tpu.vector_store %arg10[%swap3A_190], %add3A_189 {strides = array<i32>} : memref<1152xi32, #tpu.memory_space<vmem>>, vector<16xi32>,
    %slice3A_192 = vector.extract_strided_slice %get3A_101 {offsets = [15], sizes = [1], strides = [1]} : vector<16xi32> to vector<1xi32>
    %squeeze3A_193 = vector.extract %slice3A_192[0] : i32 from vector<1xi32>
    %add3A_194 = vector.broadcast %squeeze3A_193 : i32 to vector<16xi32>
    %add3A_195 = arith.addi %add3A_194, %mul3A_5 : vector<16xi32>
    %swap3A_196 = arith.constant 496 : index
    %swap3A_197 = tpu.vector_load %arg10[%swap3A_196] {strides = array<i32>} : memref<1152xi32, #tpu.memory_space<vmem>>, vector<16xi32>,
    tpu.vector_store %arg10[%swap3A_196], %add3A_195 {strides = array<i32>} : memref<1152xi32, #tpu.memory_space<vmem>>, vector<16xi32>,
    %get3A_198 = arith.constant 32 : index
    %get3A_199 = tpu.vector_load %arg9[%get3A_198] {strides = array<i32>} : memref<80xi32, #tpu.memory_space<vmem>>, vector<16xi32>,
    %slice3A_200 = vector.extract_strided_slice %get3A_199 {offsets = [0], sizes = [1], strides = [1]} : vector<16xi32> to vector<1xi32>
    %squeeze3A_201 = vector.extract %slice3A_200[0] : i32 from vector<1xi32>
    %add3A_202 = vector.broadcast %squeeze3A_201 : i32 to vector<16xi32>
    %add3A_203 = arith.addi %add3A_202, %mul3A_5 : vector<16xi32>
    %swap3A_204 = arith.constant 512 : index
    %swap3A_205 = tpu.vector_load %arg10[%swap3A_204] {strides = array<i32>} : memref<1152xi32, #tpu.memory_space<vmem>>, vector<16xi32>,
    tpu.vector_store %arg10[%swap3A_204], %add3A_203 {strides = array<i32>} : memref<1152xi32, #tpu.memory_space<vmem>>, vector<16xi32>,
    %slice3A_206 = vector.extract_strided_slice %get3A_199 {offsets = [1], sizes = [1], strides = [1]} : vector<16xi32> to vector<1xi32>
    %squeeze3A_207 = vector.extract %slice3A_206[0] : i32 from vector<1xi32>
    %add3A_208 = vector.broadcast %squeeze3A_207 : i32 to vector<16xi32>
    %add3A_209 = arith.addi %add3A_208, %mul3A_5 : vector<16xi32>
    %swap3A_210 = arith.constant 528 : index
    %swap3A_211 = tpu.vector_load %arg10[%swap3A_210] {strides = array<i32>} : memref<1152xi32, #tpu.memory_space<vmem>>, vector<16xi32>,
    tpu.vector_store %arg10[%swap3A_210], %add3A_209 {strides = array<i32>} : memref<1152xi32, #tpu.memory_space<vmem>>, vector<16xi32>,
    %slice3A_212 = vector.extract_strided_slice %get3A_199 {offsets = [2], sizes = [1], strides = [1]} : vector<16xi32> to vector<1xi32>
    %squeeze3A_213 = vector.extract %slice3A_212[0] : i32 from vector<1xi32>
    %add3A_214 = vector.broadcast %squeeze3A_213 : i32 to vector<16xi32>
    %add3A_215 = arith.addi %add3A_214, %mul3A_5 : vector<16xi32>
    %swap3A_216 = arith.constant 544 : index
    %swap3A_217 = tpu.vector_load %arg10[%swap3A_216] {strides = array<i32>} : memref<1152xi32, #tpu.memory_space<vmem>>, vector<16xi32>,
    tpu.vector_store %arg10[%swap3A_216], %add3A_215 {strides = array<i32>} : memref<1152xi32, #tpu.memory_space<vmem>>, vector<16xi32>,
    %slice3A_218 = vector.extract_strided_slice %get3A_199 {offsets = [3], sizes = [1], strides = [1]} : vector<16xi32> to vector<1xi32>
    %squeeze3A_219 = vector.extract %slice3A_218[0] : i32 from vector<1xi32>
    %add3A_220 = vector.broadcast %squeeze3A_219 : i32 to vector<16xi32>
    %add3A_221 = arith.addi %add3A_220, %mul3A_5 : vector<16xi32>
    %swap3A_222 = arith.constant 560 : index
    %swap3A_223 = tpu.vector_load %arg10[%swap3A_222] {strides = array<i32>} : memref<1152xi32, #tpu.memory_space<vmem>>, vector<16xi32>,
    tpu.vector_store %arg10[%swap3A_222], %add3A_221 {strides = array<i32>} : memref<1152xi32, #tpu.memory_space<vmem>>, vector<16xi32>,
    %slice3A_224 = vector.extract_strided_slice %get3A_199 {offsets = [4], sizes = [1], strides = [1]} : vector<16xi32> to vector<1xi32>
    %squeeze3A_225 = vector.extract %slice3A_224[0] : i32 from vector<1xi32>
    %add3A_226 = vector.broadcast %squeeze3A_225 : i32 to vector<16xi32>
    %add3A_227 = arith.addi %add3A_226, %mul3A_5 : vector<16xi32>
    %swap3A_228 = arith.constant 576 : index
    %swap3A_229 = tpu.vector_load %arg10[%swap3A_228] {strides = array<i32>} : memref<1152xi32, #tpu.memory_space<vmem>>, vector<16xi32>,
    tpu.vector_store %arg10[%swap3A_228], %add3A_227 {strides = array<i32>} : memref<1152xi32, #tpu.memory_space<vmem>>, vector<16xi32>,
    %slice3A_230 = vector.extract_strided_slice %get3A_199 {offsets = [5], sizes = [1], strides = [1]} : vector<16xi32> to vector<1xi32>
    %squeeze3A_231 = vector.extract %slice3A_230[0] : i32 from vector<1xi32>
    %add3A_232 = vector.broadcast %squeeze3A_231 : i32 to vector<16xi32>
    %add3A_233 = arith.addi %add3A_232, %mul3A_5 : vector<16xi32>
    %swap3A_234 = arith.constant 592 : index
    %swap3A_235 = tpu.vector_load %arg10[%swap3A_234] {strides = array<i32>} : memref<1152xi32, #tpu.memory_space<vmem>>, vector<16xi32>,
    tpu.vector_store %arg10[%swap3A_234], %add3A_233 {strides = array<i32>} : memref<1152xi32, #tpu.memory_space<vmem>>, vector<16xi32>,
    %slice3A_236 = vector.extract_strided_slice %get3A_199 {offsets = [6], sizes = [1], strides = [1]} : vector<16xi32> to vector<1xi32>
    %squeeze3A_237 = vector.extract %slice3A_236[0] : i32 from vector<1xi32>
    %add3A_238 = vector.broadcast %squeeze3A_237 : i32 to vector<16xi32>
    %add3A_239 = arith.addi %add3A_238, %mul3A_5 : vector<16xi32>
    %swap3A_240 = arith.constant 608 : index
    %swap3A_241 = tpu.vector_load %arg10[%swap3A_240] {strides = array<i32>} : memref<1152xi32, #tpu.memory_space<vmem>>, vector<16xi32>,
    tpu.vector_store %arg10[%swap3A_240], %add3A_239 {strides = array<i32>} : memref<1152xi32, #tpu.memory_space<vmem>>, vector<16xi32>,
    %slice3A_242 = vector.extract_strided_slice %get3A_199 {offsets = [7], sizes = [1], strides = [1]} : vector<16xi32> to vector<1xi32>
    %squeeze3A_243 = vector.extract %slice3A_242[0] : i32 from vector<1xi32>
    %add3A_244 = vector.broadcast %squeeze3A_243 : i32 to vector<16xi32>
    %add3A_245 = arith.addi %add3A_244, %mul3A_5 : vector<16xi32>
    %swap3A_246 = arith.constant 624 : index
    %swap3A_247 = tpu.vector_load %arg10[%swap3A_246] {strides = array<i32>} : memref<1152xi32, #tpu.memory_space<vmem>>, vector<16xi32>,
    tpu.vector_store %arg10[%swap3A_246], %add3A_245 {strides = array<i32>} : memref<1152xi32, #tpu.memory_space<vmem>>, vector<16xi32>,
    %slice3A_248 = vector.extract_strided_slice %get3A_199 {offsets = [8], sizes = [1], strides = [1]} : vector<16xi32> to vector<1xi32>
    %squeeze3A_249 = vector.extract %slice3A_248[0] : i32 from vector<1xi32>
    %add3A_250 = vector.broadcast %squeeze3A_249 : i32 to vector<16xi32>
    %add3A_251 = arith.addi %add3A_250, %mul3A_5 : vector<16xi32>
    %swap3A_252 = arith.constant 640 : index
    %swap3A_253 = tpu.vector_load %arg10[%swap3A_252] {strides = array<i32>} : memref<1152xi32, #tpu.memory_space<vmem>>, vector<16xi32>,
    tpu.vector_store %arg10[%swap3A_252], %add3A_251 {strides = array<i32>} : memref<1152xi32, #tpu.memory_space<vmem>>, vector<16xi32>,
    %slice3A_254 = vector.extract_strided_slice %get3A_199 {offsets = [9], sizes = [1], strides = [1]} : vector<16xi32> to vector<1xi32>
    %squeeze3A_255 = vector.extract %slice3A_254[0] : i32 from vector<1xi32>
    %add3A_256 = vector.broadcast %squeeze3A_255 : i32 to vector<16xi32>
    %add3A_257 = arith.addi %add3A_256, %mul3A_5 : vector<16xi32>
    %swap3A_258 = arith.constant 656 : index
    %swap3A_259 = tpu.vector_load %arg10[%swap3A_258] {strides = array<i32>} : memref<1152xi32, #tpu.memory_space<vmem>>, vector<16xi32>,
    tpu.vector_store %arg10[%swap3A_258], %add3A_257 {strides = array<i32>} : memref<1152xi32, #tpu.memory_space<vmem>>, vector<16xi32>,
    %slice3A_260 = vector.extract_strided_slice %get3A_199 {offsets = [10], sizes = [1], strides = [1]} : vector<16xi32> to vector<1xi32>
    %squeeze3A_261 = vector.extract %slice3A_260[0] : i32 from vector<1xi32>
    %add3A_262 = vector.broadcast %squeeze3A_261 : i32 to vector<16xi32>
    %add3A_263 = arith.addi %add3A_262, %mul3A_5 : vector<16xi32>
    %swap3A_264 = arith.constant 672 : index
    %swap3A_265 = tpu.vector_load %arg10[%swap3A_264] {strides = array<i32>} : memref<1152xi32, #tpu.memory_space<vmem>>, vector<16xi32>,
    tpu.vector_store %arg10[%swap3A_264], %add3A_263 {strides = array<i32>} : memref<1152xi32, #tpu.memory_space<vmem>>, vector<16xi32>,
    %slice3A_266 = vector.extract_strided_slice %get3A_199 {offsets = [11], sizes = [1], strides = [1]} : vector<16xi32> to vector<1xi32>
    %squeeze3A_267 = vector.extract %slice3A_266[0] : i32 from vector<1xi32>
    %add3A_268 = vector.broadcast %squeeze3A_267 : i32 to vector<16xi32>
    %add3A_269 = arith.addi %add3A_268, %mul3A_5 : vector<16xi32>
    %swap3A_270 = arith.constant 688 : index
    %swap3A_271 = tpu.vector_load %arg10[%swap3A_270] {strides = array<i32>} : memref<1152xi32, #tpu.memory_space<vmem>>, vector<16xi32>,
    tpu.vector_store %arg10[%swap3A_270], %add3A_269 {strides = array<i32>} : memref<1152xi32, #tpu.memory_space<vmem>>, vector<16xi32>,
    %slice3A_272 = vector.extract_strided_slice %get3A_199 {offsets = [12], sizes = [1], strides = [1]} : vector<16xi32> to vector<1xi32>
    %squeeze3A_273 = vector.extract %slice3A_272[0] : i32 from vector<1xi32>
    %add3A_274 = vector.broadcast %squeeze3A_273 : i32 to vector<16xi32>
    %add3A_275 = arith.addi %add3A_274, %mul3A_5 : vector<16xi32>
    %swap3A_276 = arith.constant 704 : index
    %swap3A_277 = tpu.vector_load %arg10[%swap3A_276] {strides = array<i32>} : memref<1152xi32, #tpu.memory_space<vmem>>, vector<16xi32>,
    tpu.vector_store %arg10[%swap3A_276], %add3A_275 {strides = array<i32>} : memref<1152xi32, #tpu.memory_space<vmem>>, vector<16xi32>,
    %slice3A_278 = vector.extract_strided_slice %get3A_199 {offsets = [13], sizes = [1], strides = [1]} : vector<16xi32> to vector<1xi32>
    %squeeze3A_279 = vector.extract %slice3A_278[0] : i32 from vector<1xi32>
    %add3A_280 = vector.broadcast %squeeze3A_279 : i32 to vector<16xi32>
    %add3A_281 = arith.addi %add3A_280, %mul3A_5 : vector<16xi32>
    %swap3A_282 = arith.constant 720 : index
    %swap3A_283 = tpu.vector_load %arg10[%swap3A_282] {strides = array<i32>} : memref<1152xi32, #tpu.memory_space<vmem>>, vector<16xi32>,
    tpu.vector_store %arg10[%swap3A_282], %add3A_281 {strides = array<i32>} : memref<1152xi32, #tpu.memory_space<vmem>>, vector<16xi32>,
    %slice3A_284 = vector.extract_strided_slice %get3A_199 {offsets = [14], sizes = [1], strides = [1]} : vector<16xi32> to vector<1xi32>
    %squeeze3A_285 = vector.extract %slice3A_284[0] : i32 from vector<1xi32>
    %add3A_286 = vector.broadcast %squeeze3A_285 : i32 to vector<16xi32>
    %add3A_287 = arith.addi %add3A_286, %mul3A_5 : vector<16xi32>
    %swap3A_288 = arith.constant 736 : index
    %swap3A_289 = tpu.vector_load %arg10[%swap3A_288] {strides = array<i32>} : memref<1152xi32, #tpu.memory_space<vmem>>, vector<16xi32>,
    tpu.vector_store %arg10[%swap3A_288], %add3A_287 {strides = array<i32>} : memref<1152xi32, #tpu.memory_space<vmem>>, vector<16xi32>,
    %slice3A_290 = vector.extract_strided_slice %get3A_199 {offsets = [15], sizes = [1], strides = [1]} : vector<16xi32> to vector<1xi32>
    %squeeze3A_291 = vector.extract %slice3A_290[0] : i32 from vector<1xi32>
    %add3A_292 = vector.broadcast %squeeze3A_291 : i32 to vector<16xi32>
    %add3A_293 = arith.addi %add3A_292, %mul3A_5 : vector<16xi32>
    %swap3A_294 = arith.constant 752 : index
    %swap3A_295 = tpu.vector_load %arg10[%swap3A_294] {strides = array<i32>} : memref<1152xi32, #tpu.memory_space<vmem>>, vector<16xi32>,
    tpu.vector_store %arg10[%swap3A_294], %add3A_293 {strides = array<i32>} : memref<1152xi32, #tpu.memory_space<vmem>>, vector<16xi32>,
    %get3A_296 = arith.constant 48 : index
    %get3A_297 = tpu.vector_load %arg9[%get3A_296] {strides = array<i32>} : memref<80xi32, #tpu.memory_space<vmem>>, vector<16xi32>,
    %slice3A_298 = vector.extract_strided_slice %get3A_297 {offsets = [0], sizes = [1], strides = [1]} : vector<16xi32> to vector<1xi32>
    %squeeze3A_299 = vector.extract %slice3A_298[0] : i32 from vector<1xi32>
    %add3A_300 = vector.broadcast %squeeze3A_299 : i32 to vector<16xi32>
    %add3A_301 = arith.addi %add3A_300, %mul3A_5 : vector<16xi32>
    %swap3A_302 = arith.constant 768 : index
    %swap3A_303 = tpu.vector_load %arg10[%swap3A_302] {strides = array<i32>} : memref<1152xi32, #tpu.memory_space<vmem>>, vector<16xi32>,
    tpu.vector_store %arg10[%swap3A_302], %add3A_301 {strides = array<i32>} : memref<1152xi32, #tpu.memory_space<vmem>>, vector<16xi32>,
    %slice3A_304 = vector.extract_strided_slice %get3A_297 {offsets = [1], sizes = [1], strides = [1]} : vector<16xi32> to vector<1xi32>
    %squeeze3A_305 = vector.extract %slice3A_304[0] : i32 from vector<1xi32>
    %add3A_306 = vector.broadcast %squeeze3A_305 : i32 to vector<16xi32>
    %add3A_307 = arith.addi %add3A_306, %mul3A_5 : vector<16xi32>
    %swap3A_308 = arith.constant 784 : index
    %swap3A_309 = tpu.vector_load %arg10[%swap3A_308] {strides = array<i32>} : memref<1152xi32, #tpu.memory_space<vmem>>, vector<16xi32>,
    tpu.vector_store %arg10[%swap3A_308], %add3A_307 {strides = array<i32>} : memref<1152xi32, #tpu.memory_space<vmem>>, vector<16xi32>,
    %slice3A_310 = vector.extract_strided_slice %get3A_297 {offsets = [2], sizes = [1], strides = [1]} : vector<16xi32> to vector<1xi32>
    %squeeze3A_311 = vector.extract %slice3A_310[0] : i32 from vector<1xi32>
    %add3A_312 = vector.broadcast %squeeze3A_311 : i32 to vector<16xi32>
    %add3A_313 = arith.addi %add3A_312, %mul3A_5 : vector<16xi32>
    %swap3A_314 = arith.constant 800 : index
    %swap3A_315 = tpu.vector_load %arg10[%swap3A_314] {strides = array<i32>} : memref<1152xi32, #tpu.memory_space<vmem>>, vector<16xi32>,
    tpu.vector_store %arg10[%swap3A_314], %add3A_313 {strides = array<i32>} : memref<1152xi32, #tpu.memory_space<vmem>>, vector<16xi32>,
    %slice3A_316 = vector.extract_strided_slice %get3A_297 {offsets = [3], sizes = [1], strides = [1]} : vector<16xi32> to vector<1xi32>
    %squeeze3A_317 = vector.extract %slice3A_316[0] : i32 from vector<1xi32>
    %add3A_318 = vector.broadcast %squeeze3A_317 : i32 to vector<16xi32>
    %add3A_319 = arith.addi %add3A_318, %mul3A_5 : vector<16xi32>
    %swap3A_320 = arith.constant 816 : index
    %swap3A_321 = tpu.vector_load %arg10[%swap3A_320] {strides = array<i32>} : memref<1152xi32, #tpu.memory_space<vmem>>, vector<16xi32>,
    tpu.vector_store %arg10[%swap3A_320], %add3A_319 {strides = array<i32>} : memref<1152xi32, #tpu.memory_space<vmem>>, vector<16xi32>,
    %slice3A_322 = vector.extract_strided_slice %get3A_297 {offsets = [4], sizes = [1], strides = [1]} : vector<16xi32> to vector<1xi32>
    %squeeze3A_323 = vector.extract %slice3A_322[0] : i32 from vector<1xi32>
    %add3A_324 = vector.broadcast %squeeze3A_323 : i32 to vector<16xi32>
    %add3A_325 = arith.addi %add3A_324, %mul3A_5 : vector<16xi32>
    %swap3A_326 = arith.constant 832 : index
    %swap3A_327 = tpu.vector_load %arg10[%swap3A_326] {strides = array<i32>} : memref<1152xi32, #tpu.memory_space<vmem>>, vector<16xi32>,
    tpu.vector_store %arg10[%swap3A_326], %add3A_325 {strides = array<i32>} : memref<1152xi32, #tpu.memory_space<vmem>>, vector<16xi32>,
    %slice3A_328 = vector.extract_strided_slice %get3A_297 {offsets = [5], sizes = [1], strides = [1]} : vector<16xi32> to vector<1xi32>
    %squeeze3A_329 = vector.extract %slice3A_328[0] : i32 from vector<1xi32>
    %add3A_330 = vector.broadcast %squeeze3A_329 : i32 to vector<16xi32>
    %add3A_331 = arith.addi %add3A_330, %mul3A_5 : vector<16xi32>
    %swap3A_332 = arith.constant 848 : index
    %swap3A_333 = tpu.vector_load %arg10[%swap3A_332] {strides = array<i32>} : memref<1152xi32, #tpu.memory_space<vmem>>, vector<16xi32>,
    tpu.vector_store %arg10[%swap3A_332], %add3A_331 {strides = array<i32>} : memref<1152xi32, #tpu.memory_space<vmem>>, vector<16xi32>,
    %slice3A_334 = vector.extract_strided_slice %get3A_297 {offsets = [6], sizes = [1], strides = [1]} : vector<16xi32> to vector<1xi32>
    %squeeze3A_335 = vector.extract %slice3A_334[0] : i32 from vector<1xi32>
    %add3A_336 = vector.broadcast %squeeze3A_335 : i32 to vector<16xi32>
    %add3A_337 = arith.addi %add3A_336, %mul3A_5 : vector<16xi32>
    %swap3A_338 = arith.constant 864 : index
    %swap3A_339 = tpu.vector_load %arg10[%swap3A_338] {strides = array<i32>} : memref<1152xi32, #tpu.memory_space<vmem>>, vector<16xi32>,
    tpu.vector_store %arg10[%swap3A_338], %add3A_337 {strides = array<i32>} : memref<1152xi32, #tpu.memory_space<vmem>>, vector<16xi32>,
    %slice3A_340 = vector.extract_strided_slice %get3A_297 {offsets = [7], sizes = [1], strides = [1]} : vector<16xi32> to vector<1xi32>
    %squeeze3A_341 = vector.extract %slice3A_340[0] : i32 from vector<1xi32>
    %add3A_342 = vector.broadcast %squeeze3A_341 : i32 to vector<16xi32>
    %add3A_343 = arith.addi %add3A_342, %mul3A_5 : vector<16xi32>
    %swap3A_344 = arith.constant 880 : index
    %swap3A_345 = tpu.vector_load %arg10[%swap3A_344] {strides = array<i32>} : memref<1152xi32, #tpu.memory_space<vmem>>, vector<16xi32>,
    tpu.vector_store %arg10[%swap3A_344], %add3A_343 {strides = array<i32>} : memref<1152xi32, #tpu.memory_space<vmem>>, vector<16xi32>,
    %slice3A_346 = vector.extract_strided_slice %get3A_297 {offsets = [8], sizes = [1], strides = [1]} : vector<16xi32> to vector<1xi32>
    %squeeze3A_347 = vector.extract %slice3A_346[0] : i32 from vector<1xi32>
    %add3A_348 = vector.broadcast %squeeze3A_347 : i32 to vector<16xi32>
    %add3A_349 = arith.addi %add3A_348, %mul3A_5 : vector<16xi32>
    %swap3A_350 = arith.constant 896 : index
    %swap3A_351 = tpu.vector_load %arg10[%swap3A_350] {strides = array<i32>} : memref<1152xi32, #tpu.memory_space<vmem>>, vector<16xi32>,
    tpu.vector_store %arg10[%swap3A_350], %add3A_349 {strides = array<i32>} : memref<1152xi32, #tpu.memory_space<vmem>>, vector<16xi32>,
    %slice3A_352 = vector.extract_strided_slice %get3A_297 {offsets = [9], sizes = [1], strides = [1]} : vector<16xi32> to vector<1xi32>
    %squeeze3A_353 = vector.extract %slice3A_352[0] : i32 from vector<1xi32>
    %add3A_354 = vector.broadcast %squeeze3A_353 : i32 to vector<16xi32>
    %add3A_355 = arith.addi %add3A_354, %mul3A_5 : vector<16xi32>
    %swap3A_356 = arith.constant 912 : index
    %swap3A_357 = tpu.vector_load %arg10[%swap3A_356] {strides = array<i32>} : memref<1152xi32, #tpu.memory_space<vmem>>, vector<16xi32>,
    tpu.vector_store %arg10[%swap3A_356], %add3A_355 {strides = array<i32>} : memref<1152xi32, #tpu.memory_space<vmem>>, vector<16xi32>,
    %slice3A_358 = vector.extract_strided_slice %get3A_297 {offsets = [10], sizes = [1], strides = [1]} : vector<16xi32> to vector<1xi32>
    %squeeze3A_359 = vector.extract %slice3A_358[0] : i32 from vector<1xi32>
    %add3A_360 = vector.broadcast %squeeze3A_359 : i32 to vector<16xi32>
    %add3A_361 = arith.addi %add3A_360, %mul3A_5 : vector<16xi32>
    %swap3A_362 = arith.constant 928 : index
    %swap3A_363 = tpu.vector_load %arg10[%swap3A_362] {strides = array<i32>} : memref<1152xi32, #tpu.memory_space<vmem>>, vector<16xi32>,
    tpu.vector_store %arg10[%swap3A_362], %add3A_361 {strides = array<i32>} : memref<1152xi32, #tpu.memory_space<vmem>>, vector<16xi32>,
    %slice3A_364 = vector.extract_strided_slice %get3A_297 {offsets = [11], sizes = [1], strides = [1]} : vector<16xi32> to vector<1xi32>
    %squeeze3A_365 = vector.extract %slice3A_364[0] : i32 from vector<1xi32>
    %add3A_366 = vector.broadcast %squeeze3A_365 : i32 to vector<16xi32>
    %add3A_367 = arith.addi %add3A_366, %mul3A_5 : vector<16xi32>
    %swap3A_368 = arith.constant 944 : index
    %swap3A_369 = tpu.vector_load %arg10[%swap3A_368] {strides = array<i32>} : memref<1152xi32, #tpu.memory_space<vmem>>, vector<16xi32>,
    tpu.vector_store %arg10[%swap3A_368], %add3A_367 {strides = array<i32>} : memref<1152xi32, #tpu.memory_space<vmem>>, vector<16xi32>,
    %slice3A_370 = vector.extract_strided_slice %get3A_297 {offsets = [12], sizes = [1], strides = [1]} : vector<16xi32> to vector<1xi32>
    %squeeze3A_371 = vector.extract %slice3A_370[0] : i32 from vector<1xi32>
    %add3A_372 = vector.broadcast %squeeze3A_371 : i32 to vector<16xi32>
    %add3A_373 = arith.addi %add3A_372, %mul3A_5 : vector<16xi32>
    %swap3A_374 = arith.constant 960 : index
    %swap3A_375 = tpu.vector_load %arg10[%swap3A_374] {strides = array<i32>} : memref<1152xi32, #tpu.memory_space<vmem>>, vector<16xi32>,
    tpu.vector_store %arg10[%swap3A_374], %add3A_373 {strides = array<i32>} : memref<1152xi32, #tpu.memory_space<vmem>>, vector<16xi32>,
    %slice3A_376 = vector.extract_strided_slice %get3A_297 {offsets = [13], sizes = [1], strides = [1]} : vector<16xi32> to vector<1xi32>
    %squeeze3A_377 = vector.extract %slice3A_376[0] : i32 from vector<1xi32>
    %add3A_378 = vector.broadcast %squeeze3A_377 : i32 to vector<16xi32>
    %add3A_379 = arith.addi %add3A_378, %mul3A_5 : vector<16xi32>
    %swap3A_380 = arith.constant 976 : index
    %swap3A_381 = tpu.vector_load %arg10[%swap3A_380] {strides = array<i32>} : memref<1152xi32, #tpu.memory_space<vmem>>, vector<16xi32>,
    tpu.vector_store %arg10[%swap3A_380], %add3A_379 {strides = array<i32>} : memref<1152xi32, #tpu.memory_space<vmem>>, vector<16xi32>,
    %slice3A_382 = vector.extract_strided_slice %get3A_297 {offsets = [14], sizes = [1], strides = [1]} : vector<16xi32> to vector<1xi32>
    %squeeze3A_383 = vector.extract %slice3A_382[0] : i32 from vector<1xi32>
    %add3A_384 = vector.broadcast %squeeze3A_383 : i32 to vector<16xi32>
    %add3A_385 = arith.addi %add3A_384, %mul3A_5 : vector<16xi32>
    %swap3A_386 = arith.constant 992 : index
    %swap3A_387 = tpu.vector_load %arg10[%swap3A_386] {strides = array<i32>} : memref<1152xi32, #tpu.memory_space<vmem>>, vector<16xi32>,
    tpu.vector_store %arg10[%swap3A_386], %add3A_385 {strides = array<i32>} : memref<1152xi32, #tpu.memory_space<vmem>>, vector<16xi32>,
    %slice3A_388 = vector.extract_strided_slice %get3A_297 {offsets = [15], sizes = [1], strides = [1]} : vector<16xi32> to vector<1xi32>
    %squeeze3A_389 = vector.extract %slice3A_388[0] : i32 from vector<1xi32>
    %add3A_390 = vector.broadcast %squeeze3A_389 : i32 to vector<16xi32>
    %add3A_391 = arith.addi %add3A_390, %mul3A_5 : vector<16xi32>
    %swap3A_392 = arith.constant 1008 : index
    %swap3A_393 = tpu.vector_load %arg10[%swap3A_392] {strides = array<i32>} : memref<1152xi32, #tpu.memory_space<vmem>>, vector<16xi32>,
    tpu.vector_store %arg10[%swap3A_392], %add3A_391 {strides = array<i32>} : memref<1152xi32, #tpu.memory_space<vmem>>, vector<16xi32>,
    %get3A_394 = arith.constant 64 : index
    %get3A_395 = tpu.vector_load %arg9[%get3A_394] {strides = array<i32>} : memref<80xi32, #tpu.memory_space<vmem>>, vector<16xi32>,
    %slice3A_396 = vector.extract_strided_slice %get3A_395 {offsets = [0], sizes = [1], strides = [1]} : vector<16xi32> to vector<1xi32>
    %squeeze3A_397 = vector.extract %slice3A_396[0] : i32 from vector<1xi32>
    %add3A_398 = vector.broadcast %squeeze3A_397 : i32 to vector<16xi32>
    %add3A_399 = arith.addi %add3A_398, %mul3A_5 : vector<16xi32>
    %swap3A_400 = arith.constant 1024 : index
    %swap3A_401 = tpu.vector_load %arg10[%swap3A_400] {strides = array<i32>} : memref<1152xi32, #tpu.memory_space<vmem>>, vector<16xi32>,
    tpu.vector_store %arg10[%swap3A_400], %add3A_399 {strides = array<i32>} : memref<1152xi32, #tpu.memory_space<vmem>>, vector<16xi32>,
    %slice3A_402 = vector.extract_strided_slice %get3A_395 {offsets = [1], sizes = [1], strides = [1]} : vector<16xi32> to vector<1xi32>
    %squeeze3A_403 = vector.extract %slice3A_402[0] : i32 from vector<1xi32>
    %add3A_404 = vector.broadcast %squeeze3A_403 : i32 to vector<16xi32>
    %add3A_405 = arith.addi %add3A_404, %mul3A_5 : vector<16xi32>
    %swap3A_406 = arith.constant 1040 : index
    %swap3A_407 = tpu.vector_load %arg10[%swap3A_406] {strides = array<i32>} : memref<1152xi32, #tpu.memory_space<vmem>>, vector<16xi32>,
    tpu.vector_store %arg10[%swap3A_406], %add3A_405 {strides = array<i32>} : memref<1152xi32, #tpu.memory_space<vmem>>, vector<16xi32>,
    %slice3A_408 = vector.extract_strided_slice %get3A_395 {offsets = [2], sizes = [1], strides = [1]} : vector<16xi32> to vector<1xi32>
    %squeeze3A_409 = vector.extract %slice3A_408[0] : i32 from vector<1xi32>
    %add3A_410 = vector.broadcast %squeeze3A_409 : i32 to vector<16xi32>
    %add3A_411 = arith.addi %add3A_410, %mul3A_5 : vector<16xi32>
    %swap3A_412 = arith.constant 1056 : index
    %swap3A_413 = tpu.vector_load %arg10[%swap3A_412] {strides = array<i32>} : memref<1152xi32, #tpu.memory_space<vmem>>, vector<16xi32>,
    tpu.vector_store %arg10[%swap3A_412], %add3A_411 {strides = array<i32>} : memref<1152xi32, #tpu.memory_space<vmem>>, vector<16xi32>,
    %slice3A_414 = vector.extract_strided_slice %get3A_395 {offsets = [3], sizes = [1], strides = [1]} : vector<16xi32> to vector<1xi32>
    %squeeze3A_415 = vector.extract %slice3A_414[0] : i32 from vector<1xi32>
    %add3A_416 = vector.broadcast %squeeze3A_415 : i32 to vector<16xi32>
    %add3A_417 = arith.addi %add3A_416, %mul3A_5 : vector<16xi32>
    %swap3A_418 = arith.constant 1072 : index
    %swap3A_419 = tpu.vector_load %arg10[%swap3A_418] {strides = array<i32>} : memref<1152xi32, #tpu.memory_space<vmem>>, vector<16xi32>,
    tpu.vector_store %arg10[%swap3A_418], %add3A_417 {strides = array<i32>} : memref<1152xi32, #tpu.memory_space<vmem>>, vector<16xi32>,
    %slice3A_420 = vector.extract_strided_slice %get3A_395 {offsets = [4], sizes = [1], strides = [1]} : vector<16xi32> to vector<1xi32>
    %squeeze3A_421 = vector.extract %slice3A_420[0] : i32 from vector<1xi32>
    %add3A_422 = vector.broadcast %squeeze3A_421 : i32 to vector<16xi32>
    %add3A_423 = arith.addi %add3A_422, %mul3A_5 : vector<16xi32>
    %swap3A_424 = arith.constant 1088 : index
    %swap3A_425 = tpu.vector_load %arg10[%swap3A_424] {strides = array<i32>} : memref<1152xi32, #tpu.memory_space<vmem>>, vector<16xi32>,
    tpu.vector_store %arg10[%swap3A_424], %add3A_423 {strides = array<i32>} : memref<1152xi32, #tpu.memory_space<vmem>>, vector<16xi32>,
    %slice3A_426 = vector.extract_strided_slice %get3A_395 {offsets = [5], sizes = [1], strides = [1]} : vector<16xi32> to vector<1xi32>
    %squeeze3A_427 = vector.extract %slice3A_426[0] : i32 from vector<1xi32>
    %add3A_428 = vector.broadcast %squeeze3A_427 : i32 to vector<16xi32>
    %add3A_429 = arith.addi %add3A_428, %mul3A_5 : vector<16xi32>
    %swap3A_430 = arith.constant 1104 : index
    %swap3A_431 = tpu.vector_load %arg10[%swap3A_430] {strides = array<i32>} : memref<1152xi32, #tpu.memory_space<vmem>>, vector<16xi32>,
    tpu.vector_store %arg10[%swap3A_430], %add3A_429 {strides = array<i32>} : memref<1152xi32, #tpu.memory_space<vmem>>, vector<16xi32>,
    %slice3A_432 = vector.extract_strided_slice %get3A_395 {offsets = [6], sizes = [1], strides = [1]} : vector<16xi32> to vector<1xi32>
    %squeeze3A_433 = vector.extract %slice3A_432[0] : i32 from vector<1xi32>
    %add3A_434 = vector.broadcast %squeeze3A_433 : i32 to vector<16xi32>
    %add3A_435 = arith.addi %add3A_434, %mul3A_5 : vector<16xi32>
    %swap3A_436 = arith.constant 1120 : index
    %swap3A_437 = tpu.vector_load %arg10[%swap3A_436] {strides = array<i32>} : memref<1152xi32, #tpu.memory_space<vmem>>, vector<16xi32>,
    tpu.vector_store %arg10[%swap3A_436], %add3A_435 {strides = array<i32>} : memref<1152xi32, #tpu.memory_space<vmem>>, vector<16xi32>,
    %slice3A_438 = vector.extract_strided_slice %get3A_395 {offsets = [7], sizes = [1], strides = [1]} : vector<16xi32> to vector<1xi32>
    %squeeze3A_439 = vector.extract %slice3A_438[0] : i32 from vector<1xi32>
    %add3A_440 = vector.broadcast %squeeze3A_439 : i32 to vector<16xi32>
    %add3A_441 = arith.addi %add3A_440, %mul3A_5 : vector<16xi32>
    %swap3A_442 = arith.constant 1136 : index
    %swap3A_443 = tpu.vector_load %arg10[%swap3A_442] {strides = array<i32>} : memref<1152xi32, #tpu.memory_space<vmem>>, vector<16xi32>,
    tpu.vector_store %arg10[%swap3A_442], %add3A_441 {strides = array<i32>} : memref<1152xi32, #tpu.memory_space<vmem>>, vector<16xi32>,
    %dma_start3A = arith.constant 0 : i32
    %dma_start3A_444 = tpu.memref_slice %arg3[%dma_start3A] : memref<1600000xi32, #tpu.memory_space<hbm>> -> memref<1600000xi32, #tpu.memory_space<hbm>>
    tpu.enqueue_indirect_dma source(%dma_start3A_444 : memref<1600000xi32, #tpu.memory_space<hbm>>) target(%arg11 : memref<1152xi32, #tpu.memory_space<vmem>>) offsets(%arg10 : memref<1152xi32, #tpu.memory_space<vmem>>) semaphore(%arg19 : memref<!tpu.dma_semaphore, #tpu.memory_space<semaphore_mem>>)
    %dma_wait3A = arith.constant 0 : i32
    %dma_wait3A_445 = tpu.memref_slice %arg3[%dma_wait3A] : memref<1600000xi32, #tpu.memory_space<hbm>> -> memref<1600000xi32, #tpu.memory_space<hbm>>
    tpu.wait_indirect_dma semaphore(%arg19 : memref<!tpu.dma_semaphore, #tpu.memory_space<semaphore_mem>>) src(%dma_wait3A_445 : memref<1600000xi32, #tpu.memory_space<hbm>>) dst(%arg11 : memref<1152xi32, #tpu.memory_space<vmem>>)
    %dma_start3A_446 = arith.constant 0 : i32
    %dma_start3A_447 = tpu.memref_slice %arg11[%dma_start3A_446] : memref<1152xi32, #tpu.memory_space<vmem>> -> memref<288xi32, #tpu.memory_space<vmem>>
    %dma_start3A_448 = arith.constant 0 : i32
    %dma_start3A_449 = arith.constant 0 : i32
    %dma_start3A_450 = tpu.memref_slice %arg4[%dma_start3A_448, %dma_start3A_449] : memref<100000x128xf32, #tpu.memory_space<hbm>> -> memref<100000x128xf32, #tpu.memory_space<hbm>>
    tpu.enqueue_indirect_dma source(%dma_start3A_450 : memref<100000x128xf32, #tpu.memory_space<hbm>>) target(%arg13 : memref<288x128xf32, #tpu.memory_space<vmem>>) offsets(%dma_start3A_447 : memref<288xi32, #tpu.memory_space<vmem>>) semaphore(%arg19 : memref<!tpu.dma_semaphore, #tpu.memory_space<semaphore_mem>>)
    %dma_start3A_451 = arith.constant 0 : i32
    %dma_start3A_452 = tpu.memref_slice %arg9[%dma_start3A_451] : memref<80xi32, #tpu.memory_space<vmem>> -> memref<72xi32, #tpu.memory_space<vmem>>
    %dma_start3A_453 = arith.constant 0 : i32
    %dma_start3A_454 = arith.constant 0 : i32
    %dma_start3A_455 = tpu.memref_slice %arg4[%dma_start3A_453, %dma_start3A_454] : memref<100000x128xf32, #tpu.memory_space<hbm>> -> memref<100000x128xf32, #tpu.memory_space<hbm>>
    tpu.enqueue_indirect_dma source(%dma_start3A_455 : memref<100000x128xf32, #tpu.memory_space<hbm>>) target(%arg15 : memref<72x128xf32, #tpu.memory_space<vmem>>) offsets(%dma_start3A_452 : memref<72xi32, #tpu.memory_space<vmem>>) semaphore(%arg17 : memref<!tpu.dma_semaphore, #tpu.memory_space<semaphore_mem>>)
    %dma_start3A_456 = arith.constant 288 : i32
    %dma_start3A_457 = tpu.memref_slice %arg11[%dma_start3A_456] : memref<1152xi32, #tpu.memory_space<vmem>> -> memref<288xi32, #tpu.memory_space<vmem>>
    %dma_start3A_458 = arith.constant 0 : i32
    %dma_start3A_459 = arith.constant 0 : i32
    %dma_start3A_460 = tpu.memref_slice %arg4[%dma_start3A_458, %dma_start3A_459] : memref<100000x128xf32, #tpu.memory_space<hbm>> -> memref<100000x128xf32, #tpu.memory_space<hbm>>
    tpu.enqueue_indirect_dma source(%dma_start3A_460 : memref<100000x128xf32, #tpu.memory_space<hbm>>) target(%arg14 : memref<288x128xf32, #tpu.memory_space<vmem>>) offsets(%dma_start3A_457 : memref<288xi32, #tpu.memory_space<vmem>>) semaphore(%arg20 : memref<!tpu.dma_semaphore, #tpu.memory_space<semaphore_mem>>)
    %dma_wait3A_461 = arith.constant 0 : i32
    %dma_wait3A_462 = tpu.memref_slice %arg11[%dma_wait3A_461] : memref<1152xi32, #tpu.memory_space<vmem>> -> memref<288xi32, #tpu.memory_space<vmem>>
    %dma_wait3A_463 = arith.constant 0 : i32
    %dma_wait3A_464 = arith.constant 0 : i32
    %dma_wait3A_465 = tpu.memref_slice %arg4[%dma_wait3A_463, %dma_wait3A_464] : memref<100000x128xf32, #tpu.memory_space<hbm>> -> memref<100000x128xf32, #tpu.memory_space<hbm>>
    tpu.wait_indirect_dma semaphore(%arg19 : memref<!tpu.dma_semaphore, #tpu.memory_space<semaphore_mem>>) src(%dma_wait3A_465 : memref<100000x128xf32, #tpu.memory_space<hbm>>) dst(%arg13 : memref<288x128xf32, #tpu.memory_space<vmem>>)
    %scan3A = arith.constant 0 : i32
    %scan3A_466 = arith.constant 0 : i32
    %scan3A_467 = arith.constant 18 : i32
    %scan3A_468 = arith.addi %scan3A_466, %scan3A_467 : i32
    %scan3A_469 = arith.constant 1 : i32
    %scan3A_470 = scf.for %scan3A_529 = %scan3A_466 to %scan3A_468 step %scan3A_469 iter_args(%scan3A_530 = %scan3A) -> (i32)  : i32 {
      %mul3A_531 = arith.constant 16 : i32
      %mul3A_532 = arith.muli %scan3A_529, %mul3A_531 : i32
      %get3A_533 = arith.index_cast %mul3A_532 : i32 to index
      %get3A_534 = arith.constant 0 : index
      %get3A_535 = tpu.vector_load %arg13[%get3A_533, %get3A_534] {strides = array<i32>} : memref<288x128xf32, #tpu.memory_space<vmem>>, vector<16xf32>,
      %mul3A_536 = arith.constant 16 : i32
      %mul3A_537 = arith.muli %scan3A_529, %mul3A_536 : i32
      %add3A_538 = arith.constant 1 : i32
      %add3A_539 = arith.addi %mul3A_537, %add3A_538 : i32
      %get3A_540 = arith.index_cast %add3A_539 : i32 to index
      %get3A_541 = arith.constant 0 : index
      %get3A_542 = tpu.vector_load %arg13[%get3A_540, %get3A_541] {strides = array<i32>} : memref<288x128xf32, #tpu.memory_space<vmem>>, vector<16xf32>,
      %add3A_543 = arith.addf %get3A_535, %get3A_542 : vector<16xf32>
      %mul3A_544 = arith.constant 16 : i32
      %mul3A_545 = arith.muli %scan3A_529, %mul3A_544 : i32
      %add3A_546 = arith.constant 2 : i32
      %add3A_547 = arith.addi %mul3A_545, %add3A_546 : i32
      %get3A_548 = arith.index_cast %add3A_547 : i32 to index
      %get3A_549 = arith.constant 0 : index
      %get3A_550 = tpu.vector_load %arg13[%get3A_548, %get3A_549] {strides = array<i32>} : memref<288x128xf32, #tpu.memory_space<vmem>>, vector<16xf32>,
      %add3A_551 = arith.addf %add3A_543, %get3A_550 : vector<16xf32>
      %mul3A_552 = arith.constant 16 : i32
      %mul3A_553 = arith.muli %scan3A_529, %mul3A_552 : i32
      %add3A_554 = arith.constant 3 : i32
      %add3A_555 = arith.addi %mul3A_553, %add3A_554 : i32
      %get3A_556 = arith.index_cast %add3A_555 : i32 to index
      %get3A_557 = arith.constant 0 : index
      %get3A_558 = tpu.vector_load %arg13[%get3A_556, %get3A_557] {strides = array<i32>} : memref<288x128xf32, #tpu.memory_space<vmem>>, vector<16xf32>,
      %add3A_559 = arith.addf %add3A_551, %get3A_558 : vector<16xf32>
      %mul3A_560 = arith.constant 16 : i32
      %mul3A_561 = arith.muli %scan3A_529, %mul3A_560 : i32
      %add3A_562 = arith.constant 4 : i32
      %add3A_563 = arith.addi %mul3A_561, %add3A_562 : i32
      %get3A_564 = arith.index_cast %add3A_563 : i32 to index
      %get3A_565 = arith.constant 0 : index
      %get3A_566 = tpu.vector_load %arg13[%get3A_564, %get3A_565] {strides = array<i32>} : memref<288x128xf32, #tpu.memory_space<vmem>>, vector<16xf32>,
      %add3A_567 = arith.addf %add3A_559, %get3A_566 : vector<16xf32>
      %mul3A_568 = arith.constant 16 : i32
      %mul3A_569 = arith.muli %scan3A_529, %mul3A_568 : i32
      %add3A_570 = arith.constant 5 : i32
      %add3A_571 = arith.addi %mul3A_569, %add3A_570 : i32
      %get3A_572 = arith.index_cast %add3A_571 : i32 to index
      %get3A_573 = arith.constant 0 : index
      %get3A_574 = tpu.vector_load %arg13[%get3A_572, %get3A_573] {strides = array<i32>} : memref<288x128xf32, #tpu.memory_space<vmem>>, vector<16xf32>,
      %add3A_575 = arith.addf %add3A_567, %get3A_574 : vector<16xf32>
      %mul3A_576 = arith.constant 16 : i32
      %mul3A_577 = arith.muli %scan3A_529, %mul3A_576 : i32
      %add3A_578 = arith.constant 6 : i32
      %add3A_579 = arith.addi %mul3A_577, %add3A_578 : i32
      %get3A_580 = arith.index_cast %add3A_579 : i32 to index
      %get3A_581 = arith.constant 0 : index
      %get3A_582 = tpu.vector_load %arg13[%get3A_580, %get3A_581] {strides = array<i32>} : memref<288x128xf32, #tpu.memory_space<vmem>>, vector<16xf32>,
      %add3A_583 = arith.addf %add3A_575, %get3A_582 : vector<16xf32>
      %mul3A_584 = arith.constant 16 : i32
      %mul3A_585 = arith.muli %scan3A_529, %mul3A_584 : i32
      %add3A_586 = arith.constant 7 : i32
      %add3A_587 = arith.addi %mul3A_585, %add3A_586 : i32
      %get3A_588 = arith.index_cast %add3A_587 : i32 to index
      %get3A_589 = arith.constant 0 : index
      %get3A_590 = tpu.vector_load %arg13[%get3A_588, %get3A_589] {strides = array<i32>} : memref<288x128xf32, #tpu.memory_space<vmem>>, vector<16xf32>,
      %add3A_591 = arith.addf %add3A_583, %get3A_590 : vector<16xf32>
      %mul3A_592 = arith.constant 16 : i32
      %mul3A_593 = arith.muli %scan3A_529, %mul3A_592 : i32
      %add3A_594 = arith.constant 8 : i32
      %add3A_595 = arith.addi %mul3A_593, %add3A_594 : i32
      %get3A_596 = arith.index_cast %add3A_595 : i32 to index
      %get3A_597 = arith.constant 0 : index
      %get3A_598 = tpu.vector_load %arg13[%get3A_596, %get3A_597] {strides = array<i32>} : memref<288x128xf32, #tpu.memory_space<vmem>>, vector<16xf32>,
      %add3A_599 = arith.addf %add3A_591, %get3A_598 : vector<16xf32>
      %mul3A_600 = arith.constant 16 : i32
      %mul3A_601 = arith.muli %scan3A_529, %mul3A_600 : i32
      %add3A_602 = arith.constant 9 : i32
      %add3A_603 = arith.addi %mul3A_601, %add3A_602 : i32
      %get3A_604 = arith.index_cast %add3A_603 : i32 to index
      %get3A_605 = arith.constant 0 : index
      %get3A_606 = tpu.vector_load %arg13[%get3A_604, %get3A_605] {strides = array<i32>} : memref<288x128xf32, #tpu.memory_space<vmem>>, vector<16xf32>,
      %add3A_607 = arith.addf %add3A_599, %get3A_606 : vector<16xf32>
      %mul3A_608 = arith.constant 16 : i32
      %mul3A_609 = arith.muli %scan3A_529, %mul3A_608 : i32
      %add3A_610 = arith.constant 10 : i32
      %add3A_611 = arith.addi %mul3A_609, %add3A_610 : i32
      %get3A_612 = arith.index_cast %add3A_611 : i32 to index
      %get3A_613 = arith.constant 0 : index
      %get3A_614 = tpu.vector_load %arg13[%get3A_612, %get3A_613] {strides = array<i32>} : memref<288x128xf32, #tpu.memory_space<vmem>>, vector<16xf32>,
      %add3A_615 = arith.addf %add3A_607, %get3A_614 : vector<16xf32>
      %mul3A_616 = arith.constant 16 : i32
      %mul3A_617 = arith.muli %scan3A_529, %mul3A_616 : i32
      %add3A_618 = arith.constant 11 : i32
      %add3A_619 = arith.addi %mul3A_617, %add3A_618 : i32
      %get3A_620 = arith.index_cast %add3A_619 : i32 to index
      %get3A_621 = arith.constant 0 : index
      %get3A_622 = tpu.vector_load %arg13[%get3A_620, %get3A_621] {strides = array<i32>} : memref<288x128xf32, #tpu.memory_space<vmem>>, vector<16xf32>,
      %add3A_623 = arith.addf %add3A_615, %get3A_622 : vector<16xf32>
      %mul3A_624 = arith.constant 16 : i32
      %mul3A_625 = arith.muli %scan3A_529, %mul3A_624 : i32
      %add3A_626 = arith.constant 12 : i32
      %add3A_627 = arith.addi %mul3A_625, %add3A_626 : i32
      %get3A_628 = arith.index_cast %add3A_627 : i32 to index
      %get3A_629 = arith.constant 0 : index
      %get3A_630 = tpu.vector_load %arg13[%get3A_628, %get3A_629] {strides = array<i32>} : memref<288x128xf32, #tpu.memory_space<vmem>>, vector<16xf32>,
      %add3A_631 = arith.addf %add3A_623, %get3A_630 : vector<16xf32>
      %mul3A_632 = arith.constant 16 : i32
      %mul3A_633 = arith.muli %scan3A_529, %mul3A_632 : i32
      %add3A_634 = arith.constant 13 : i32
      %add3A_635 = arith.addi %mul3A_633, %add3A_634 : i32
      %get3A_636 = arith.index_cast %add3A_635 : i32 to index
      %get3A_637 = arith.constant 0 : index
      %get3A_638 = tpu.vector_load %arg13[%get3A_636, %get3A_637] {strides = array<i32>} : memref<288x128xf32, #tpu.memory_space<vmem>>, vector<16xf32>,
      %add3A_639 = arith.addf %add3A_631, %get3A_638 : vector<16xf32>
      %mul3A_640 = arith.constant 16 : i32
      %mul3A_641 = arith.muli %scan3A_529, %mul3A_640 : i32
      %add3A_642 = arith.constant 14 : i32
      %add3A_643 = arith.addi %mul3A_641, %add3A_642 : i32
      %get3A_644 = arith.index_cast %add3A_643 : i32 to index
      %get3A_645 = arith.constant 0 : index
      %get3A_646 = tpu.vector_load %arg13[%get3A_644, %get3A_645] {strides = array<i32>} : memref<288x128xf32, #tpu.memory_space<vmem>>, vector<16xf32>,
      %add3A_647 = arith.addf %add3A_639, %get3A_646 : vector<16xf32>
      %mul3A_648 = arith.constant 16 : i32
      %mul3A_649 = arith.muli %scan3A_529, %mul3A_648 : i32
      %add3A_650 = arith.constant 15 : i32
      %add3A_651 = arith.addi %mul3A_649, %add3A_650 : i32
      %get3A_652 = arith.index_cast %add3A_651 : i32 to index
      %get3A_653 = arith.constant 0 : index
      %get3A_654 = tpu.vector_load %arg13[%get3A_652, %get3A_653] {strides = array<i32>} : memref<288x128xf32, #tpu.memory_space<vmem>>, vector<16xf32>,
      %add3A_655 = arith.addf %add3A_647, %get3A_654 : vector<16xf32>
      %add3A_656 = arith.constant 0 : i32
      %add3A_657 = arith.addi %add3A_656, %scan3A_529 : i32
      %swap3A_658 = arith.index_cast %add3A_657 : i32 to index
      %swap3A_659 = arith.constant 0 : index
      %swap3A_660 = tpu.vector_load %arg16[%swap3A_658, %swap3A_659] {strides = array<i32>} : memref<72x128xf32, #tpu.memory_space<vmem>>, vector<16xf32>,
      tpu.vector_store %arg16[%swap3A_658, %swap3A_659], %add3A_655 {strides = array<i32>} : memref<72x128xf32, #tpu.memory_space<vmem>>, vector<16xf32>,
      %mul3A_661 = arith.constant 16 : i32
      %mul3A_662 = arith.muli %scan3A_529, %mul3A_661 : i32
      %get3A_663 = arith.index_cast %mul3A_662 : i32 to index
      %get3A_664 = arith.constant 16 : index
      %get3A_665 = tpu.vector_load %arg13[%get3A_663, %get3A_664] {strides = array<i32>} : memref<288x128xf32, #tpu.memory_space<vmem>>, vector<16xf32>,
      %mul3A_666 = arith.constant 16 : i32
      %mul3A_667 = arith.muli %scan3A_529, %mul3A_666 : i32
      %add3A_668 = arith.constant 1 : i32
      %add3A_669 = arith.addi %mul3A_667, %add3A_668 : i32
      %get3A_670 = arith.index_cast %add3A_669 : i32 to index
      %get3A_671 = arith.constant 16 : index
      %get3A_672 = tpu.vector_load %arg13[%get3A_670, %get3A_671] {strides = array<i32>} : memref<288x128xf32, #tpu.memory_space<vmem>>, vector<16xf32>,
      %add3A_673 = arith.addf %get3A_665, %get3A_672 : vector<16xf32>
      %mul3A_674 = arith.constant 16 : i32
      %mul3A_675 = arith.muli %scan3A_529, %mul3A_674 : i32
      %add3A_676 = arith.constant 2 : i32
      %add3A_677 = arith.addi %mul3A_675, %add3A_676 : i32
      %get3A_678 = arith.index_cast %add3A_677 : i32 to index
      %get3A_679 = arith.constant 16 : index
      %get3A_680 = tpu.vector_load %arg13[%get3A_678, %get3A_679] {strides = array<i32>} : memref<288x128xf32, #tpu.memory_space<vmem>>, vector<16xf32>,
      %add3A_681 = arith.addf %add3A_673, %get3A_680 : vector<16xf32>
      %mul3A_682 = arith.constant 16 : i32
      %mul3A_683 = arith.muli %scan3A_529, %mul3A_682 : i32
      %add3A_684 = arith.constant 3 : i32
      %add3A_685 = arith.addi %mul3A_683, %add3A_684 : i32
      %get3A_686 = arith.index_cast %add3A_685 : i32 to index
      %get3A_687 = arith.constant 16 : index
      %get3A_688 = tpu.vector_load %arg13[%get3A_686, %get3A_687] {strides = array<i32>} : memref<288x128xf32, #tpu.memory_space<vmem>>, vector<16xf32>,
      %add3A_689 = arith.addf %add3A_681, %get3A_688 : vector<16xf32>
      %mul3A_690 = arith.constant 16 : i32
      %mul3A_691 = arith.muli %scan3A_529, %mul3A_690 : i32
      %add3A_692 = arith.constant 4 : i32
      %add3A_693 = arith.addi %mul3A_691, %add3A_692 : i32
      %get3A_694 = arith.index_cast %add3A_693 : i32 to index
      %get3A_695 = arith.constant 16 : index
      %get3A_696 = tpu.vector_load %arg13[%get3A_694, %get3A_695] {strides = array<i32>} : memref<288x128xf32, #tpu.memory_space<vmem>>, vector<16xf32>,
      %add3A_697 = arith.addf %add3A_689, %get3A_696 : vector<16xf32>
      %mul3A_698 = arith.constant 16 : i32
      %mul3A_699 = arith.muli %scan3A_529, %mul3A_698 : i32
      %add3A_700 = arith.constant 5 : i32
      %add3A_701 = arith.addi %mul3A_699, %add3A_700 : i32
      %get3A_702 = arith.index_cast %add3A_701 : i32 to index
      %get3A_703 = arith.constant 16 : index
      %get3A_704 = tpu.vector_load %arg13[%get3A_702, %get3A_703] {strides = array<i32>} : memref<288x128xf32, #tpu.memory_space<vmem>>, vector<16xf32>,
      %add3A_705 = arith.addf %add3A_697, %get3A_704 : vector<16xf32>
      %mul3A_706 = arith.constant 16 : i32
      %mul3A_707 = arith.muli %scan3A_529, %mul3A_706 : i32
      %add3A_708 = arith.constant 6 : i32
      %add3A_709 = arith.addi %mul3A_707, %add3A_708 : i32
      %get3A_710 = arith.index_cast %add3A_709 : i32 to index
      %get3A_711 = arith.constant 16 : index
      %get3A_712 = tpu.vector_load %arg13[%get3A_710, %get3A_711] {strides = array<i32>} : memref<288x128xf32, #tpu.memory_space<vmem>>, vector<16xf32>,
      %add3A_713 = arith.addf %add3A_705, %get3A_712 : vector<16xf32>
      %mul3A_714 = arith.constant 16 : i32
      %mul3A_715 = arith.muli %scan3A_529, %mul3A_714 : i32
      %add3A_716 = arith.constant 7 : i32
      %add3A_717 = arith.addi %mul3A_715, %add3A_716 : i32
      %get3A_718 = arith.index_cast %add3A_717 : i32 to index
      %get3A_719 = arith.constant 16 : index
      %get3A_720 = tpu.vector_load %arg13[%get3A_718, %get3A_719] {strides = array<i32>} : memref<288x128xf32, #tpu.memory_space<vmem>>, vector<16xf32>,
      %add3A_721 = arith.addf %add3A_713, %get3A_720 : vector<16xf32>
      %mul3A_722 = arith.constant 16 : i32
      %mul3A_723 = arith.muli %scan3A_529, %mul3A_722 : i32
      %add3A_724 = arith.constant 8 : i32
      %add3A_725 = arith.addi %mul3A_723, %add3A_724 : i32
      %get3A_726 = arith.index_cast %add3A_725 : i32 to index
      %get3A_727 = arith.constant 16 : index
      %get3A_728 = tpu.vector_load %arg13[%get3A_726, %get3A_727] {strides = array<i32>} : memref<288x128xf32, #tpu.memory_space<vmem>>, vector<16xf32>,
      %add3A_729 = arith.addf %add3A_721, %get3A_728 : vector<16xf32>
      %mul3A_730 = arith.constant 16 : i32
      %mul3A_731 = arith.muli %scan3A_529, %mul3A_730 : i32
      %add3A_732 = arith.constant 9 : i32
      %add3A_733 = arith.addi %mul3A_731, %add3A_732 : i32
      %get3A_734 = arith.index_cast %add3A_733 : i32 to index
      %get3A_735 = arith.constant 16 : index
      %get3A_736 = tpu.vector_load %arg13[%get3A_734, %get3A_735] {strides = array<i32>} : memref<288x128xf32, #tpu.memory_space<vmem>>, vector<16xf32>,
      %add3A_737 = arith.addf %add3A_729, %get3A_736 : vector<16xf32>
      %mul3A_738 = arith.constant 16 : i32
      %mul3A_739 = arith.muli %scan3A_529, %mul3A_738 : i32
      %add3A_740 = arith.constant 10 : i32
      %add3A_741 = arith.addi %mul3A_739, %add3A_740 : i32
      %get3A_742 = arith.index_cast %add3A_741 : i32 to index
      %get3A_743 = arith.constant 16 : index
      %get3A_744 = tpu.vector_load %arg13[%get3A_742, %get3A_743] {strides = array<i32>} : memref<288x128xf32, #tpu.memory_space<vmem>>, vector<16xf32>,
      %add3A_745 = arith.addf %add3A_737, %get3A_744 : vector<16xf32>
      %mul3A_746 = arith.constant 16 : i32
      %mul3A_747 = arith.muli %scan3A_529, %mul3A_746 : i32
      %add3A_748 = arith.constant 11 : i32
      %add3A_749 = arith.addi %mul3A_747, %add3A_748 : i32
      %get3A_750 = arith.index_cast %add3A_749 : i32 to index
      %get3A_751 = arith.constant 16 : index
      %get3A_752 = tpu.vector_load %arg13[%get3A_750, %get3A_751] {strides = array<i32>} : memref<288x128xf32, #tpu.memory_space<vmem>>, vector<16xf32>,
      %add3A_753 = arith.addf %add3A_745, %get3A_752 : vector<16xf32>
      %mul3A_754 = arith.constant 16 : i32
      %mul3A_755 = arith.muli %scan3A_529, %mul3A_754 : i32
      %add3A_756 = arith.constant 12 : i32
      %add3A_757 = arith.addi %mul3A_755, %add3A_756 : i32
      %get3A_758 = arith.index_cast %add3A_757 : i32 to index
      %get3A_759 = arith.constant 16 : index
      %get3A_760 = tpu.vector_load %arg13[%get3A_758, %get3A_759] {strides = array<i32>} : memref<288x128xf32, #tpu.memory_space<vmem>>, vector<16xf32>,
      %add3A_761 = arith.addf %add3A_753, %get3A_760 : vector<16xf32>
      %mul3A_762 = arith.constant 16 : i32
      %mul3A_763 = arith.muli %scan3A_529, %mul3A_762 : i32
      %add3A_764 = arith.constant 13 : i32
      %add3A_765 = arith.addi %mul3A_763, %add3A_764 : i32
      %get3A_766 = arith.index_cast %add3A_765 : i32 to index
      %get3A_767 = arith.constant 16 : index
      %get3A_768 = tpu.vector_load %arg13[%get3A_766, %get3A_767] {strides = array<i32>} : memref<288x128xf32, #tpu.memory_space<vmem>>, vector<16xf32>,
      %add3A_769 = arith.addf %add3A_761, %get3A_768 : vector<16xf32>
      %mul3A_770 = arith.constant 16 : i32
      %mul3A_771 = arith.muli %scan3A_529, %mul3A_770 : i32
      %add3A_772 = arith.constant 14 : i32
      %add3A_773 = arith.addi %mul3A_771, %add3A_772 : i32
      %get3A_774 = arith.index_cast %add3A_773 : i32 to index
      %get3A_775 = arith.constant 16 : index
      %get3A_776 = tpu.vector_load %arg13[%get3A_774, %get3A_775] {strides = array<i32>} : memref<288x128xf32, #tpu.memory_space<vmem>>, vector<16xf32>,
      %add3A_777 = arith.addf %add3A_769, %get3A_776 : vector<16xf32>
      %mul3A_778 = arith.constant 16 : i32
      %mul3A_779 = arith.muli %scan3A_529, %mul3A_778 : i32
      %add3A_780 = arith.constant 15 : i32
      %add3A_781 = arith.addi %mul3A_779, %add3A_780 : i32
      %get3A_782 = arith.index_cast %add3A_781 : i32 to index
      %get3A_783 = arith.constant 16 : index
      %get3A_784 = tpu.vector_load %arg13[%get3A_782, %get3A_783] {strides = array<i32>} : memref<288x128xf32, #tpu.memory_space<vmem>>, vector<16xf32>,
      %add3A_785 = arith.addf %add3A_777, %get3A_784 : vector<16xf32>
      %add3A_786 = arith.constant 0 : i32
      %add3A_787 = arith.addi %add3A_786, %scan3A_529 : i32
      %swap3A_788 = arith.index_cast %add3A_787 : i32 to index
      %swap3A_789 = arith.constant 16 : index
      %swap3A_790 = tpu.vector_load %arg16[%swap3A_788, %swap3A_789] {strides = array<i32>} : memref<72x128xf32, #tpu.memory_space<vmem>>, vector<16xf32>,
      tpu.vector_store %arg16[%swap3A_788, %swap3A_789], %add3A_785 {strides = array<i32>} : memref<72x128xf32, #tpu.memory_space<vmem>>, vector<16xf32>,
      %mul3A_791 = arith.constant 16 : i32
      %mul3A_792 = arith.muli %scan3A_529, %mul3A_791 : i32
      %get3A_793 = arith.index_cast %mul3A_792 : i32 to index
      %get3A_794 = arith.constant 32 : index
      %get3A_795 = tpu.vector_load %arg13[%get3A_793, %get3A_794] {strides = array<i32>} : memref<288x128xf32, #tpu.memory_space<vmem>>, vector<16xf32>,
      %mul3A_796 = arith.constant 16 : i32
      %mul3A_797 = arith.muli %scan3A_529, %mul3A_796 : i32
      %add3A_798 = arith.constant 1 : i32
      %add3A_799 = arith.addi %mul3A_797, %add3A_798 : i32
      %get3A_800 = arith.index_cast %add3A_799 : i32 to index
      %get3A_801 = arith.constant 32 : index
      %get3A_802 = tpu.vector_load %arg13[%get3A_800, %get3A_801] {strides = array<i32>} : memref<288x128xf32, #tpu.memory_space<vmem>>, vector<16xf32>,
      %add3A_803 = arith.addf %get3A_795, %get3A_802 : vector<16xf32>
      %mul3A_804 = arith.constant 16 : i32
      %mul3A_805 = arith.muli %scan3A_529, %mul3A_804 : i32
      %add3A_806 = arith.constant 2 : i32
      %add3A_807 = arith.addi %mul3A_805, %add3A_806 : i32
      %get3A_808 = arith.index_cast %add3A_807 : i32 to index
      %get3A_809 = arith.constant 32 : index
      %get3A_810 = tpu.vector_load %arg13[%get3A_808, %get3A_809] {strides = array<i32>} : memref<288x128xf32, #tpu.memory_space<vmem>>, vector<16xf32>,
      %add3A_811 = arith.addf %add3A_803, %get3A_810 : vector<16xf32>
      %mul3A_812 = arith.constant 16 : i32
      %mul3A_813 = arith.muli %scan3A_529, %mul3A_812 : i32
      %add3A_814 = arith.constant 3 : i32
      %add3A_815 = arith.addi %mul3A_813, %add3A_814 : i32
      %get3A_816 = arith.index_cast %add3A_815 : i32 to index
      %get3A_817 = arith.constant 32 : index
      %get3A_818 = tpu.vector_load %arg13[%get3A_816, %get3A_817] {strides = array<i32>} : memref<288x128xf32, #tpu.memory_space<vmem>>, vector<16xf32>,
      %add3A_819 = arith.addf %add3A_811, %get3A_818 : vector<16xf32>
      %mul3A_820 = arith.constant 16 : i32
      %mul3A_821 = arith.muli %scan3A_529, %mul3A_820 : i32
      %add3A_822 = arith.constant 4 : i32
      %add3A_823 = arith.addi %mul3A_821, %add3A_822 : i32
      %get3A_824 = arith.index_cast %add3A_823 : i32 to index
      %get3A_825 = arith.constant 32 : index
      %get3A_826 = tpu.vector_load %arg13[%get3A_824, %get3A_825] {strides = array<i32>} : memref<288x128xf32, #tpu.memory_space<vmem>>, vector<16xf32>,
      %add3A_827 = arith.addf %add3A_819, %get3A_826 : vector<16xf32>
      %mul3A_828 = arith.constant 16 : i32
      %mul3A_829 = arith.muli %scan3A_529, %mul3A_828 : i32
      %add3A_830 = arith.constant 5 : i32
      %add3A_831 = arith.addi %mul3A_829, %add3A_830 : i32
      %get3A_832 = arith.index_cast %add3A_831 : i32 to index
      %get3A_833 = arith.constant 32 : index
      %get3A_834 = tpu.vector_load %arg13[%get3A_832, %get3A_833] {strides = array<i32>} : memref<288x128xf32, #tpu.memory_space<vmem>>, vector<16xf32>,
      %add3A_835 = arith.addf %add3A_827, %get3A_834 : vector<16xf32>
      %mul3A_836 = arith.constant 16 : i32
      %mul3A_837 = arith.muli %scan3A_529, %mul3A_836 : i32
      %add3A_838 = arith.constant 6 : i32
      %add3A_839 = arith.addi %mul3A_837, %add3A_838 : i32
      %get3A_840 = arith.index_cast %add3A_839 : i32 to index
      %get3A_841 = arith.constant 32 : index
      %get3A_842 = tpu.vector_load %arg13[%get3A_840, %get3A_841] {strides = array<i32>} : memref<288x128xf32, #tpu.memory_space<vmem>>, vector<16xf32>,
      %add3A_843 = arith.addf %add3A_835, %get3A_842 : vector<16xf32>
      %mul3A_844 = arith.constant 16 : i32
      %mul3A_845 = arith.muli %scan3A_529, %mul3A_844 : i32
      %add3A_846 = arith.constant 7 : i32
      %add3A_847 = arith.addi %mul3A_845, %add3A_846 : i32
      %get3A_848 = arith.index_cast %add3A_847 : i32 to index
      %get3A_849 = arith.constant 32 : index
      %get3A_850 = tpu.vector_load %arg13[%get3A_848, %get3A_849] {strides = array<i32>} : memref<288x128xf32, #tpu.memory_space<vmem>>, vector<16xf32>,
      %add3A_851 = arith.addf %add3A_843, %get3A_850 : vector<16xf32>
      %mul3A_852 = arith.constant 16 : i32
      %mul3A_853 = arith.muli %scan3A_529, %mul3A_852 : i32
      %add3A_854 = arith.constant 8 : i32
      %add3A_855 = arith.addi %mul3A_853, %add3A_854 : i32
      %get3A_856 = arith.index_cast %add3A_855 : i32 to index
      %get3A_857 = arith.constant 32 : index
      %get3A_858 = tpu.vector_load %arg13[%get3A_856, %get3A_857] {strides = array<i32>} : memref<288x128xf32, #tpu.memory_space<vmem>>, vector<16xf32>,
      %add3A_859 = arith.addf %add3A_851, %get3A_858 : vector<16xf32>
      %mul3A_860 = arith.constant 16 : i32
      %mul3A_861 = arith.muli %scan3A_529, %mul3A_860 : i32
      %add3A_862 = arith.constant 9 : i32
      %add3A_863 = arith.addi %mul3A_861, %add3A_862 : i32
      %get3A_864 = arith.index_cast %add3A_863 : i32 to index
      %get3A_865 = arith.constant 32 : index
      %get3A_866 = tpu.vector_load %arg13[%get3A_864, %get3A_865] {strides = array<i32>} : memref<288x128xf32, #tpu.memory_space<vmem>>, vector<16xf32>,
      %add3A_867 = arith.addf %add3A_859, %get3A_866 : vector<16xf32>
      %mul3A_868 = arith.constant 16 : i32
      %mul3A_869 = arith.muli %scan3A_529, %mul3A_868 : i32
      %add3A_870 = arith.constant 10 : i32
      %add3A_871 = arith.addi %mul3A_869, %add3A_870 : i32
      %get3A_872 = arith.index_cast %add3A_871 : i32 to index
      %get3A_873 = arith.constant 32 : index
      %get3A_874 = tpu.vector_load %arg13[%get3A_872, %get3A_873] {strides = array<i32>} : memref<288x128xf32, #tpu.memory_space<vmem>>, vector<16xf32>,
      %add3A_875 = arith.addf %add3A_867, %get3A_874 : vector<16xf32>
      %mul3A_876 = arith.constant 16 : i32
      %mul3A_877 = arith.muli %scan3A_529, %mul3A_876 : i32
      %add3A_878 = arith.constant 11 : i32
      %add3A_879 = arith.addi %mul3A_877, %add3A_878 : i32
      %get3A_880 = arith.index_cast %add3A_879 : i32 to index
      %get3A_881 = arith.constant 32 : index
      %get3A_882 = tpu.vector_load %arg13[%get3A_880, %get3A_881] {strides = array<i32>} : memref<288x128xf32, #tpu.memory_space<vmem>>, vector<16xf32>,
      %add3A_883 = arith.addf %add3A_875, %get3A_882 : vector<16xf32>
      %mul3A_884 = arith.constant 16 : i32
      %mul3A_885 = arith.muli %scan3A_529, %mul3A_884 : i32
      %add3A_886 = arith.constant 12 : i32
      %add3A_887 = arith.addi %mul3A_885, %add3A_886 : i32
      %get3A_888 = arith.index_cast %add3A_887 : i32 to index
      %get3A_889 = arith.constant 32 : index
      %get3A_890 = tpu.vector_load %arg13[%get3A_888, %get3A_889] {strides = array<i32>} : memref<288x128xf32, #tpu.memory_space<vmem>>, vector<16xf32>,
      %add3A_891 = arith.addf %add3A_883, %get3A_890 : vector<16xf32>
      %mul3A_892 = arith.constant 16 : i32
      %mul3A_893 = arith.muli %scan3A_529, %mul3A_892 : i32
      %add3A_894 = arith.constant 13 : i32
      %add3A_895 = arith.addi %mul3A_893, %add3A_894 : i32
      %get3A_896 = arith.index_cast %add3A_895 : i32 to index
      %get3A_897 = arith.constant 32 : index
      %get3A_898 = tpu.vector_load %arg13[%get3A_896, %get3A_897] {strides = array<i32>} : memref<288x128xf32, #tpu.memory_space<vmem>>, vector<16xf32>,
      %add3A_899 = arith.addf %add3A_891, %get3A_898 : vector<16xf32>
      %mul3A_900 = arith.constant 16 : i32
      %mul3A_901 = arith.muli %scan3A_529, %mul3A_900 : i32
      %add3A_902 = arith.constant 14 : i32
      %add3A_903 = arith.addi %mul3A_901, %add3A_902 : i32
      %get3A_904 = arith.index_cast %add3A_903 : i32 to index
      %get3A_905 = arith.constant 32 : index
      %get3A_906 = tpu.vector_load %arg13[%get3A_904, %get3A_905] {strides = array<i32>} : memref<288x128xf32, #tpu.memory_space<vmem>>, vector<16xf32>,
      %add3A_907 = arith.addf %add3A_899, %get3A_906 : vector<16xf32>
      %mul3A_908 = arith.constant 16 : i32
      %mul3A_909 = arith.muli %scan3A_529, %mul3A_908 : i32
      %add3A_910 = arith.constant 15 : i32
      %add3A_911 = arith.addi %mul3A_909, %add3A_910 : i32
      %get3A_912 = arith.index_cast %add3A_911 : i32 to index
      %get3A_913 = arith.constant 32 : index
      %get3A_914 = tpu.vector_load %arg13[%get3A_912, %get3A_913] {strides = array<i32>} : memref<288x128xf32, #tpu.memory_space<vmem>>, vector<16xf32>,
      %add3A_915 = arith.addf %add3A_907, %get3A_914 : vector<16xf32>
      %add3A_916 = arith.constant 0 : i32
      %add3A_917 = arith.addi %add3A_916, %scan3A_529 : i32
      %swap3A_918 = arith.index_cast %add3A_917 : i32 to index
      %swap3A_919 = arith.constant 32 : index
      %swap3A_920 = tpu.vector_load %arg16[%swap3A_918, %swap3A_919] {strides = array<i32>} : memref<72x128xf32, #tpu.memory_space<vmem>>, vector<16xf32>,
      tpu.vector_store %arg16[%swap3A_918, %swap3A_919], %add3A_915 {strides = array<i32>} : memref<72x128xf32, #tpu.memory_space<vmem>>, vector<16xf32>,
      %mul3A_921 = arith.constant 16 : i32
      %mul3A_922 = arith.muli %scan3A_529, %mul3A_921 : i32
      %get3A_923 = arith.index_cast %mul3A_922 : i32 to index
      %get3A_924 = arith.constant 48 : index
      %get3A_925 = tpu.vector_load %arg13[%get3A_923, %get3A_924] {strides = array<i32>} : memref<288x128xf32, #tpu.memory_space<vmem>>, vector<16xf32>,
      %mul3A_926 = arith.constant 16 : i32
      %mul3A_927 = arith.muli %scan3A_529, %mul3A_926 : i32
      %add3A_928 = arith.constant 1 : i32
      %add3A_929 = arith.addi %mul3A_927, %add3A_928 : i32
      %get3A_930 = arith.index_cast %add3A_929 : i32 to index
      %get3A_931 = arith.constant 48 : index
      %get3A_932 = tpu.vector_load %arg13[%get3A_930, %get3A_931] {strides = array<i32>} : memref<288x128xf32, #tpu.memory_space<vmem>>, vector<16xf32>,
      %add3A_933 = arith.addf %get3A_925, %get3A_932 : vector<16xf32>
      %mul3A_934 = arith.constant 16 : i32
      %mul3A_935 = arith.muli %scan3A_529, %mul3A_934 : i32
      %add3A_936 = arith.constant 2 : i32
      %add3A_937 = arith.addi %mul3A_935, %add3A_936 : i32
      %get3A_938 = arith.index_cast %add3A_937 : i32 to index
      %get3A_939 = arith.constant 48 : index
      %get3A_940 = tpu.vector_load %arg13[%get3A_938, %get3A_939] {strides = array<i32>} : memref<288x128xf32, #tpu.memory_space<vmem>>, vector<16xf32>,
      %add3A_941 = arith.addf %add3A_933, %get3A_940 : vector<16xf32>
      %mul3A_942 = arith.constant 16 : i32
      %mul3A_943 = arith.muli %scan3A_529, %mul3A_942 : i32
      %add3A_944 = arith.constant 3 : i32
      %add3A_945 = arith.addi %mul3A_943, %add3A_944 : i32
      %get3A_946 = arith.index_cast %add3A_945 : i32 to index
      %get3A_947 = arith.constant 48 : index
      %get3A_948 = tpu.vector_load %arg13[%get3A_946, %get3A_947] {strides = array<i32>} : memref<288x128xf32, #tpu.memory_space<vmem>>, vector<16xf32>,
      %add3A_949 = arith.addf %add3A_941, %get3A_948 : vector<16xf32>
      %mul3A_950 = arith.constant 16 : i32
      %mul3A_951 = arith.muli %scan3A_529, %mul3A_950 : i32
      %add3A_952 = arith.constant 4 : i32
      %add3A_953 = arith.addi %mul3A_951, %add3A_952 : i32
      %get3A_954 = arith.index_cast %add3A_953 : i32 to index
      %get3A_955 = arith.constant 48 : index
      %get3A_956 = tpu.vector_load %arg13[%get3A_954, %get3A_955] {strides = array<i32>} : memref<288x128xf32, #tpu.memory_space<vmem>>, vector<16xf32>,
      %add3A_957 = arith.addf %add3A_949, %get3A_956 : vector<16xf32>
      %mul3A_958 = arith.constant 16 : i32
      %mul3A_959 = arith.muli %scan3A_529, %mul3A_958 : i32
      %add3A_960 = arith.constant 5 : i32
      %add3A_961 = arith.addi %mul3A_959, %add3A_960 : i32
      %get3A_962 = arith.index_cast %add3A_961 : i32 to index
      %get3A_963 = arith.constant 48 : index
      %get3A_964 = tpu.vector_load %arg13[%get3A_962, %get3A_963] {strides = array<i32>} : memref<288x128xf32, #tpu.memory_space<vmem>>, vector<16xf32>,
      %add3A_965 = arith.addf %add3A_957, %get3A_964 : vector<16xf32>
      %mul3A_966 = arith.constant 16 : i32
      %mul3A_967 = arith.muli %scan3A_529, %mul3A_966 : i32
      %add3A_968 = arith.constant 6 : i32
      %add3A_969 = arith.addi %mul3A_967, %add3A_968 : i32
      %get3A_970 = arith.index_cast %add3A_969 : i32 to index
      %get3A_971 = arith.constant 48 : index
      %get3A_972 = tpu.vector_load %arg13[%get3A_970, %get3A_971] {strides = array<i32>} : memref<288x128xf32, #tpu.memory_space<vmem>>, vector<16xf32>,
      %add3A_973 = arith.addf %add3A_965, %get3A_972 : vector<16xf32>
      %mul3A_974 = arith.constant 16 : i32
      %mul3A_975 = arith.muli %scan3A_529, %mul3A_974 : i32
      %add3A_976 = arith.constant 7 : i32
      %add3A_977 = arith.addi %mul3A_975, %add3A_976 : i32
      %get3A_978 = arith.index_cast %add3A_977 : i32 to index
      %get3A_979 = arith.constant 48 : index
      %get3A_980 = tpu.vector_load %arg13[%get3A_978, %get3A_979] {strides = array<i32>} : memref<288x128xf32, #tpu.memory_space<vmem>>, vector<16xf32>,
      %add3A_981 = arith.addf %add3A_973, %get3A_980 : vector<16xf32>
      %mul3A_982 = arith.constant 16 : i32
      %mul3A_983 = arith.muli %scan3A_529, %mul3A_982 : i32
      %add3A_984 = arith.constant 8 : i32
      %add3A_985 = arith.addi %mul3A_983, %add3A_984 : i32
      %get3A_986 = arith.index_cast %add3A_985 : i32 to index
      %get3A_987 = arith.constant 48 : index
      %get3A_988 = tpu.vector_load %arg13[%get3A_986, %get3A_987] {strides = array<i32>} : memref<288x128xf32, #tpu.memory_space<vmem>>, vector<16xf32>,
      %add3A_989 = arith.addf %add3A_981, %get3A_988 : vector<16xf32>
      %mul3A_990 = arith.constant 16 : i32
      %mul3A_991 = arith.muli %scan3A_529, %mul3A_990 : i32
      %add3A_992 = arith.constant 9 : i32
      %add3A_993 = arith.addi %mul3A_991, %add3A_992 : i32
      %get3A_994 = arith.index_cast %add3A_993 : i32 to index
      %get3A_995 = arith.constant 48 : index
      %get3A_996 = tpu.vector_load %arg13[%get3A_994, %get3A_995] {strides = array<i32>} : memref<288x128xf32, #tpu.memory_space<vmem>>, vector<16xf32>,
      %add3A_997 = arith.addf %add3A_989, %get3A_996 : vector<16xf32>
      %mul3A_998 = arith.constant 16 : i32
      %mul3A_999 = arith.muli %scan3A_529, %mul3A_998 : i32
      %add3A_1000 = arith.constant 10 : i32
      %add3A_1001 = arith.addi %mul3A_999, %add3A_1000 : i32
      %get3A_1002 = arith.index_cast %add3A_1001 : i32 to index
      %get3A_1003 = arith.constant 48 : index
      %get3A_1004 = tpu.vector_load %arg13[%get3A_1002, %get3A_1003] {strides = array<i32>} : memref<288x128xf32, #tpu.memory_space<vmem>>, vector<16xf32>,
      %add3A_1005 = arith.addf %add3A_997, %get3A_1004 : vector<16xf32>
      %mul3A_1006 = arith.constant 16 : i32
      %mul3A_1007 = arith.muli %scan3A_529, %mul3A_1006 : i32
      %add3A_1008 = arith.constant 11 : i32
      %add3A_1009 = arith.addi %mul3A_1007, %add3A_1008 : i32
      %get3A_1010 = arith.index_cast %add3A_1009 : i32 to index
      %get3A_1011 = arith.constant 48 : index
      %get3A_1012 = tpu.vector_load %arg13[%get3A_1010, %get3A_1011] {strides = array<i32>} : memref<288x128xf32, #tpu.memory_space<vmem>>, vector<16xf32>,
      %add3A_1013 = arith.addf %add3A_1005, %get3A_1012 : vector<16xf32>
      %mul3A_1014 = arith.constant 16 : i32
      %mul3A_1015 = arith.muli %scan3A_529, %mul3A_1014 : i32
      %add3A_1016 = arith.constant 12 : i32
      %add3A_1017 = arith.addi %mul3A_1015, %add3A_1016 : i32
      %get3A_1018 = arith.index_cast %add3A_1017 : i32 to index
      %get3A_1019 = arith.constant 48 : index
      %get3A_1020 = tpu.vector_load %arg13[%get3A_1018, %get3A_1019] {strides = array<i32>} : memref<288x128xf32, #tpu.memory_space<vmem>>, vector<16xf32>,
      %add3A_1021 = arith.addf %add3A_1013, %get3A_1020 : vector<16xf32>
      %mul3A_1022 = arith.constant 16 : i32
      %mul3A_1023 = arith.muli %scan3A_529, %mul3A_1022 : i32
      %add3A_1024 = arith.constant 13 : i32
      %add3A_1025 = arith.addi %mul3A_1023, %add3A_1024 : i32
      %get3A_1026 = arith.index_cast %add3A_1025 : i32 to index
      %get3A_1027 = arith.constant 48 : index
      %get3A_1028 = tpu.vector_load %arg13[%get3A_1026, %get3A_1027] {strides = array<i32>} : memref<288x128xf32, #tpu.memory_space<vmem>>, vector<16xf32>,
      %add3A_1029 = arith.addf %add3A_1021, %get3A_1028 : vector<16xf32>
      %mul3A_1030 = arith.constant 16 : i32
      %mul3A_1031 = arith.muli %scan3A_529, %mul3A_1030 : i32
      %add3A_1032 = arith.constant 14 : i32
      %add3A_1033 = arith.addi %mul3A_1031, %add3A_1032 : i32
      %get3A_1034 = arith.index_cast %add3A_1033 : i32 to index
      %get3A_1035 = arith.constant 48 : index
      %get3A_1036 = tpu.vector_load %arg13[%get3A_1034, %get3A_1035] {strides = array<i32>} : memref<288x128xf32, #tpu.memory_space<vmem>>, vector<16xf32>,
      %add3A_1037 = arith.addf %add3A_1029, %get3A_1036 : vector<16xf32>
      %mul3A_1038 = arith.constant 16 : i32
      %mul3A_1039 = arith.muli %scan3A_529, %mul3A_1038 : i32
      %add3A_1040 = arith.constant 15 : i32
      %add3A_1041 = arith.addi %mul3A_1039, %add3A_1040 : i32
      %get3A_1042 = arith.index_cast %add3A_1041 : i32 to index
      %get3A_1043 = arith.constant 48 : index
      %get3A_1044 = tpu.vector_load %arg13[%get3A_1042, %get3A_1043] {strides = array<i32>} : memref<288x128xf32, #tpu.memory_space<vmem>>, vector<16xf32>,
      %add3A_1045 = arith.addf %add3A_1037, %get3A_1044 : vector<16xf32>
      %add3A_1046 = arith.constant 0 : i32
      %add3A_1047 = arith.addi %add3A_1046, %scan3A_529 : i32
      %swap3A_1048 = arith.index_cast %add3A_1047 : i32 to index
      %swap3A_1049 = arith.constant 48 : index
      %swap3A_1050 = tpu.vector_load %arg16[%swap3A_1048, %swap3A_1049] {strides = array<i32>} : memref<72x128xf32, #tpu.memory_space<vmem>>, vector<16xf32>,
      tpu.vector_store %arg16[%swap3A_1048, %swap3A_1049], %add3A_1045 {strides = array<i32>} : memref<72x128xf32, #tpu.memory_space<vmem>>, vector<16xf32>,
      %mul3A_1051 = arith.constant 16 : i32
      %mul3A_1052 = arith.muli %scan3A_529, %mul3A_1051 : i32
      %get3A_1053 = arith.index_cast %mul3A_1052 : i32 to index
      %get3A_1054 = arith.constant 64 : index
      %get3A_1055 = tpu.vector_load %arg13[%get3A_1053, %get3A_1054] {strides = array<i32>} : memref<288x128xf32, #tpu.memory_space<vmem>>, vector<16xf32>,
      %mul3A_1056 = arith.constant 16 : i32
      %mul3A_1057 = arith.muli %scan3A_529, %mul3A_1056 : i32
      %add3A_1058 = arith.constant 1 : i32
      %add3A_1059 = arith.addi %mul3A_1057, %add3A_1058 : i32
      %get3A_1060 = arith.index_cast %add3A_1059 : i32 to index
      %get3A_1061 = arith.constant 64 : index
      %get3A_1062 = tpu.vector_load %arg13[%get3A_1060, %get3A_1061] {strides = array<i32>} : memref<288x128xf32, #tpu.memory_space<vmem>>, vector<16xf32>,
      %add3A_1063 = arith.addf %get3A_1055, %get3A_1062 : vector<16xf32>
      %mul3A_1064 = arith.constant 16 : i32
      %mul3A_1065 = arith.muli %scan3A_529, %mul3A_1064 : i32
      %add3A_1066 = arith.constant 2 : i32
      %add3A_1067 = arith.addi %mul3A_1065, %add3A_1066 : i32
      %get3A_1068 = arith.index_cast %add3A_1067 : i32 to index
      %get3A_1069 = arith.constant 64 : index
      %get3A_1070 = tpu.vector_load %arg13[%get3A_1068, %get3A_1069] {strides = array<i32>} : memref<288x128xf32, #tpu.memory_space<vmem>>, vector<16xf32>,
      %add3A_1071 = arith.addf %add3A_1063, %get3A_1070 : vector<16xf32>
      %mul3A_1072 = arith.constant 16 : i32
      %mul3A_1073 = arith.muli %scan3A_529, %mul3A_1072 : i32
      %add3A_1074 = arith.constant 3 : i32
      %add3A_1075 = arith.addi %mul3A_1073, %add3A_1074 : i32
      %get3A_1076 = arith.index_cast %add3A_1075 : i32 to index
      %get3A_1077 = arith.constant 64 : index
      %get3A_1078 = tpu.vector_load %arg13[%get3A_1076, %get3A_1077] {strides = array<i32>} : memref<288x128xf32, #tpu.memory_space<vmem>>, vector<16xf32>,
      %add3A_1079 = arith.addf %add3A_1071, %get3A_1078 : vector<16xf32>
      %mul3A_1080 = arith.constant 16 : i32
      %mul3A_1081 = arith.muli %scan3A_529, %mul3A_1080 : i32
      %add3A_1082 = arith.constant 4 : i32
      %add3A_1083 = arith.addi %mul3A_1081, %add3A_1082 : i32
      %get3A_1084 = arith.index_cast %add3A_1083 : i32 to index
      %get3A_1085 = arith.constant 64 : index
      %get3A_1086 = tpu.vector_load %arg13[%get3A_1084, %get3A_1085] {strides = array<i32>} : memref<288x128xf32, #tpu.memory_space<vmem>>, vector<16xf32>,
      %add3A_1087 = arith.addf %add3A_1079, %get3A_1086 : vector<16xf32>
      %mul3A_1088 = arith.constant 16 : i32
      %mul3A_1089 = arith.muli %scan3A_529, %mul3A_1088 : i32
      %add3A_1090 = arith.constant 5 : i32
      %add3A_1091 = arith.addi %mul3A_1089, %add3A_1090 : i32
      %get3A_1092 = arith.index_cast %add3A_1091 : i32 to index
      %get3A_1093 = arith.constant 64 : index
      %get3A_1094 = tpu.vector_load %arg13[%get3A_1092, %get3A_1093] {strides = array<i32>} : memref<288x128xf32, #tpu.memory_space<vmem>>, vector<16xf32>,
      %add3A_1095 = arith.addf %add3A_1087, %get3A_1094 : vector<16xf32>
      %mul3A_1096 = arith.constant 16 : i32
      %mul3A_1097 = arith.muli %scan3A_529, %mul3A_1096 : i32
      %add3A_1098 = arith.constant 6 : i32
      %add3A_1099 = arith.addi %mul3A_1097, %add3A_1098 : i32
      %get3A_1100 = arith.index_cast %add3A_1099 : i32 to index
      %get3A_1101 = arith.constant 64 : index
      %get3A_1102 = tpu.vector_load %arg13[%get3A_1100, %get3A_1101] {strides = array<i32>} : memref<288x128xf32, #tpu.memory_space<vmem>>, vector<16xf32>,
      %add3A_1103 = arith.addf %add3A_1095, %get3A_1102 : vector<16xf32>
      %mul3A_1104 = arith.constant 16 : i32
      %mul3A_1105 = arith.muli %scan3A_529, %mul3A_1104 : i32
      %add3A_1106 = arith.constant 7 : i32
      %add3A_1107 = arith.addi %mul3A_1105, %add3A_1106 : i32
      %get3A_1108 = arith.index_cast %add3A_1107 : i32 to index
      %get3A_1109 = arith.constant 64 : index
      %get3A_1110 = tpu.vector_load %arg13[%get3A_1108, %get3A_1109] {strides = array<i32>} : memref<288x128xf32, #tpu.memory_space<vmem>>, vector<16xf32>,
      %add3A_1111 = arith.addf %add3A_1103, %get3A_1110 : vector<16xf32>
      %mul3A_1112 = arith.constant 16 : i32
      %mul3A_1113 = arith.muli %scan3A_529, %mul3A_1112 : i32
      %add3A_1114 = arith.constant 8 : i32
      %add3A_1115 = arith.addi %mul3A_1113, %add3A_1114 : i32
      %get3A_1116 = arith.index_cast %add3A_1115 : i32 to index
      %get3A_1117 = arith.constant 64 : index
      %get3A_1118 = tpu.vector_load %arg13[%get3A_1116, %get3A_1117] {strides = array<i32>} : memref<288x128xf32, #tpu.memory_space<vmem>>, vector<16xf32>,
      %add3A_1119 = arith.addf %add3A_1111, %get3A_1118 : vector<16xf32>
      %mul3A_1120 = arith.constant 16 : i32
      %mul3A_1121 = arith.muli %scan3A_529, %mul3A_1120 : i32
      %add3A_1122 = arith.constant 9 : i32
      %add3A_1123 = arith.addi %mul3A_1121, %add3A_1122 : i32
      %get3A_1124 = arith.index_cast %add3A_1123 : i32 to index
      %get3A_1125 = arith.constant 64 : index
      %get3A_1126 = tpu.vector_load %arg13[%get3A_1124, %get3A_1125] {strides = array<i32>} : memref<288x128xf32, #tpu.memory_space<vmem>>, vector<16xf32>,
      %add3A_1127 = arith.addf %add3A_1119, %get3A_1126 : vector<16xf32>
      %mul3A_1128 = arith.constant 16 : i32
      %mul3A_1129 = arith.muli %scan3A_529, %mul3A_1128 : i32
      %add3A_1130 = arith.constant 10 : i32
      %add3A_1131 = arith.addi %mul3A_1129, %add3A_1130 : i32
      %get3A_1132 = arith.index_cast %add3A_1131 : i32 to index
      %get3A_1133 = arith.constant 64 : index
      %get3A_1134 = tpu.vector_load %arg13[%get3A_1132, %get3A_1133] {strides = array<i32>} : memref<288x128xf32, #tpu.memory_space<vmem>>, vector<16xf32>,
      %add3A_1135 = arith.addf %add3A_1127, %get3A_1134 : vector<16xf32>
      %mul3A_1136 = arith.constant 16 : i32
      %mul3A_1137 = arith.muli %scan3A_529, %mul3A_1136 : i32
      %add3A_1138 = arith.constant 11 : i32
      %add3A_1139 = arith.addi %mul3A_1137, %add3A_1138 : i32
      %get3A_1140 = arith.index_cast %add3A_1139 : i32 to index
      %get3A_1141 = arith.constant 64 : index
      %get3A_1142 = tpu.vector_load %arg13[%get3A_1140, %get3A_1141] {strides = array<i32>} : memref<288x128xf32, #tpu.memory_space<vmem>>, vector<16xf32>,
      %add3A_1143 = arith.addf %add3A_1135, %get3A_1142 : vector<16xf32>
      %mul3A_1144 = arith.constant 16 : i32
      %mul3A_1145 = arith.muli %scan3A_529, %mul3A_1144 : i32
      %add3A_1146 = arith.constant 12 : i32
      %add3A_1147 = arith.addi %mul3A_1145, %add3A_1146 : i32
      %get3A_1148 = arith.index_cast %add3A_1147 : i32 to index
      %get3A_1149 = arith.constant 64 : index
      %get3A_1150 = tpu.vector_load %arg13[%get3A_1148, %get3A_1149] {strides = array<i32>} : memref<288x128xf32, #tpu.memory_space<vmem>>, vector<16xf32>,
      %add3A_1151 = arith.addf %add3A_1143, %get3A_1150 : vector<16xf32>
      %mul3A_1152 = arith.constant 16 : i32
      %mul3A_1153 = arith.muli %scan3A_529, %mul3A_1152 : i32
      %add3A_1154 = arith.constant 13 : i32
      %add3A_1155 = arith.addi %mul3A_1153, %add3A_1154 : i32
      %get3A_1156 = arith.index_cast %add3A_1155 : i32 to index
      %get3A_1157 = arith.constant 64 : index
      %get3A_1158 = tpu.vector_load %arg13[%get3A_1156, %get3A_1157] {strides = array<i32>} : memref<288x128xf32, #tpu.memory_space<vmem>>, vector<16xf32>,
      %add3A_1159 = arith.addf %add3A_1151, %get3A_1158 : vector<16xf32>
      %mul3A_1160 = arith.constant 16 : i32
      %mul3A_1161 = arith.muli %scan3A_529, %mul3A_1160 : i32
      %add3A_1162 = arith.constant 14 : i32
      %add3A_1163 = arith.addi %mul3A_1161, %add3A_1162 : i32
      %get3A_1164 = arith.index_cast %add3A_1163 : i32 to index
      %get3A_1165 = arith.constant 64 : index
      %get3A_1166 = tpu.vector_load %arg13[%get3A_1164, %get3A_1165] {strides = array<i32>} : memref<288x128xf32, #tpu.memory_space<vmem>>, vector<16xf32>,
      %add3A_1167 = arith.addf %add3A_1159, %get3A_1166 : vector<16xf32>
      %mul3A_1168 = arith.constant 16 : i32
      %mul3A_1169 = arith.muli %scan3A_529, %mul3A_1168 : i32
      %add3A_1170 = arith.constant 15 : i32
      %add3A_1171 = arith.addi %mul3A_1169, %add3A_1170 : i32
      %get3A_1172 = arith.index_cast %add3A_1171 : i32 to index
      %get3A_1173 = arith.constant 64 : index
      %get3A_1174 = tpu.vector_load %arg13[%get3A_1172, %get3A_1173] {strides = array<i32>} : memref<288x128xf32, #tpu.memory_space<vmem>>, vector<16xf32>,
      %add3A_1175 = arith.addf %add3A_1167, %get3A_1174 : vector<16xf32>
      %add3A_1176 = arith.constant 0 : i32
      %add3A_1177 = arith.addi %add3A_1176, %scan3A_529 : i32
      %swap3A_1178 = arith.index_cast %add3A_1177 : i32 to index
      %swap3A_1179 = arith.constant 64 : index
      %swap3A_1180 = tpu.vector_load %arg16[%swap3A_1178, %swap3A_1179] {strides = array<i32>} : memref<72x128xf32, #tpu.memory_space<vmem>>, vector<16xf32>,
      tpu.vector_store %arg16[%swap3A_1178, %swap3A_1179], %add3A_1175 {strides = array<i32>} : memref<72x128xf32, #tpu.memory_space<vmem>>, vector<16xf32>,
      %mul3A_1181 = arith.constant 16 : i32
      %mul3A_1182 = arith.muli %scan3A_529, %mul3A_1181 : i32
      %get3A_1183 = arith.index_cast %mul3A_1182 : i32 to index
      %get3A_1184 = arith.constant 80 : index
      %get3A_1185 = tpu.vector_load %arg13[%get3A_1183, %get3A_1184] {strides = array<i32>} : memref<288x128xf32, #tpu.memory_space<vmem>>, vector<16xf32>,
      %mul3A_1186 = arith.constant 16 : i32
      %mul3A_1187 = arith.muli %scan3A_529, %mul3A_1186 : i32
      %add3A_1188 = arith.constant 1 : i32
      %add3A_1189 = arith.addi %mul3A_1187, %add3A_1188 : i32
      %get3A_1190 = arith.index_cast %add3A_1189 : i32 to index
      %get3A_1191 = arith.constant 80 : index
      %get3A_1192 = tpu.vector_load %arg13[%get3A_1190, %get3A_1191] {strides = array<i32>} : memref<288x128xf32, #tpu.memory_space<vmem>>, vector<16xf32>,
      %add3A_1193 = arith.addf %get3A_1185, %get3A_1192 : vector<16xf32>
      %mul3A_1194 = arith.constant 16 : i32
      %mul3A_1195 = arith.muli %scan3A_529, %mul3A_1194 : i32
      %add3A_1196 = arith.constant 2 : i32
      %add3A_1197 = arith.addi %mul3A_1195, %add3A_1196 : i32
      %get3A_1198 = arith.index_cast %add3A_1197 : i32 to index
      %get3A_1199 = arith.constant 80 : index
      %get3A_1200 = tpu.vector_load %arg13[%get3A_1198, %get3A_1199] {strides = array<i32>} : memref<288x128xf32, #tpu.memory_space<vmem>>, vector<16xf32>,
      %add3A_1201 = arith.addf %add3A_1193, %get3A_1200 : vector<16xf32>
      %mul3A_1202 = arith.constant 16 : i32
      %mul3A_1203 = arith.muli %scan3A_529, %mul3A_1202 : i32
      %add3A_1204 = arith.constant 3 : i32
      %add3A_1205 = arith.addi %mul3A_1203, %add3A_1204 : i32
      %get3A_1206 = arith.index_cast %add3A_1205 : i32 to index
      %get3A_1207 = arith.constant 80 : index
      %get3A_1208 = tpu.vector_load %arg13[%get3A_1206, %get3A_1207] {strides = array<i32>} : memref<288x128xf32, #tpu.memory_space<vmem>>, vector<16xf32>,
      %add3A_1209 = arith.addf %add3A_1201, %get3A_1208 : vector<16xf32>
      %mul3A_1210 = arith.constant 16 : i32
      %mul3A_1211 = arith.muli %scan3A_529, %mul3A_1210 : i32
      %add3A_1212 = arith.constant 4 : i32
      %add3A_1213 = arith.addi %mul3A_1211, %add3A_1212 : i32
      %get3A_1214 = arith.index_cast %add3A_1213 : i32 to index
      %get3A_1215 = arith.constant 80 : index
      %get3A_1216 = tpu.vector_load %arg13[%get3A_1214, %get3A_1215] {strides = array<i32>} : memref<288x128xf32, #tpu.memory_space<vmem>>, vector<16xf32>,
      %add3A_1217 = arith.addf %add3A_1209, %get3A_1216 : vector<16xf32>
      %mul3A_1218 = arith.constant 16 : i32
      %mul3A_1219 = arith.muli %scan3A_529, %mul3A_1218 : i32
      %add3A_1220 = arith.constant 5 : i32
      %add3A_1221 = arith.addi %mul3A_1219, %add3A_1220 : i32
      %get3A_1222 = arith.index_cast %add3A_1221 : i32 to index
      %get3A_1223 = arith.constant 80 : index
      %get3A_1224 = tpu.vector_load %arg13[%get3A_1222, %get3A_1223] {strides = array<i32>} : memref<288x128xf32, #tpu.memory_space<vmem>>, vector<16xf32>,
      %add3A_1225 = arith.addf %add3A_1217, %get3A_1224 : vector<16xf32>
      %mul3A_1226 = arith.constant 16 : i32
      %mul3A_1227 = arith.muli %scan3A_529, %mul3A_1226 : i32
      %add3A_1228 = arith.constant 6 : i32
      %add3A_1229 = arith.addi %mul3A_1227, %add3A_1228 : i32
      %get3A_1230 = arith.index_cast %add3A_1229 : i32 to index
      %get3A_1231 = arith.constant 80 : index
      %get3A_1232 = tpu.vector_load %arg13[%get3A_1230, %get3A_1231] {strides = array<i32>} : memref<288x128xf32, #tpu.memory_space<vmem>>, vector<16xf32>,
      %add3A_1233 = arith.addf %add3A_1225, %get3A_1232 : vector<16xf32>
      %mul3A_1234 = arith.constant 16 : i32
      %mul3A_1235 = arith.muli %scan3A_529, %mul3A_1234 : i32
      %add3A_1236 = arith.constant 7 : i32
      %add3A_1237 = arith.addi %mul3A_1235, %add3A_1236 : i32
      %get3A_1238 = arith.index_cast %add3A_1237 : i32 to index
      %get3A_1239 = arith.constant 80 : index
      %get3A_1240 = tpu.vector_load %arg13[%get3A_1238, %get3A_1239] {strides = array<i32>} : memref<288x128xf32, #tpu.memory_space<vmem>>, vector<16xf32>,
      %add3A_1241 = arith.addf %add3A_1233, %get3A_1240 : vector<16xf32>
      %mul3A_1242 = arith.constant 16 : i32
      %mul3A_1243 = arith.muli %scan3A_529, %mul3A_1242 : i32
      %add3A_1244 = arith.constant 8 : i32
      %add3A_1245 = arith.addi %mul3A_1243, %add3A_1244 : i32
      %get3A_1246 = arith.index_cast %add3A_1245 : i32 to index
      %get3A_1247 = arith.constant 80 : index
      %get3A_1248 = tpu.vector_load %arg13[%get3A_1246, %get3A_1247] {strides = array<i32>} : memref<288x128xf32, #tpu.memory_space<vmem>>, vector<16xf32>,
      %add3A_1249 = arith.addf %add3A_1241, %get3A_1248 : vector<16xf32>
      %mul3A_1250 = arith.constant 16 : i32
      %mul3A_1251 = arith.muli %scan3A_529, %mul3A_1250 : i32
      %add3A_1252 = arith.constant 9 : i32
      %add3A_1253 = arith.addi %mul3A_1251, %add3A_1252 : i32
      %get3A_1254 = arith.index_cast %add3A_1253 : i32 to index
      %get3A_1255 = arith.constant 80 : index
      %get3A_1256 = tpu.vector_load %arg13[%get3A_1254, %get3A_1255] {strides = array<i32>} : memref<288x128xf32, #tpu.memory_space<vmem>>, vector<16xf32>,
      %add3A_1257 = arith.addf %add3A_1249, %get3A_1256 : vector<16xf32>
      %mul3A_1258 = arith.constant 16 : i32
      %mul3A_1259 = arith.muli %scan3A_529, %mul3A_1258 : i32
      %add3A_1260 = arith.constant 10 : i32
      %add3A_1261 = arith.addi %mul3A_1259, %add3A_1260 : i32
      %get3A_1262 = arith.index_cast %add3A_1261 : i32 to index
      %get3A_1263 = arith.constant 80 : index
      %get3A_1264 = tpu.vector_load %arg13[%get3A_1262, %get3A_1263] {strides = array<i32>} : memref<288x128xf32, #tpu.memory_space<vmem>>, vector<16xf32>,
      %add3A_1265 = arith.addf %add3A_1257, %get3A_1264 : vector<16xf32>
      %mul3A_1266 = arith.constant 16 : i32
      %mul3A_1267 = arith.muli %scan3A_529, %mul3A_1266 : i32
      %add3A_1268 = arith.constant 11 : i32
      %add3A_1269 = arith.addi %mul3A_1267, %add3A_1268 : i32
      %get3A_1270 = arith.index_cast %add3A_1269 : i32 to index
      %get3A_1271 = arith.constant 80 : index
      %get3A_1272 = tpu.vector_load %arg13[%get3A_1270, %get3A_1271] {strides = array<i32>} : memref<288x128xf32, #tpu.memory_space<vmem>>, vector<16xf32>,
      %add3A_1273 = arith.addf %add3A_1265, %get3A_1272 : vector<16xf32>
      %mul3A_1274 = arith.constant 16 : i32
      %mul3A_1275 = arith.muli %scan3A_529, %mul3A_1274 : i32
      %add3A_1276 = arith.constant 12 : i32
      %add3A_1277 = arith.addi %mul3A_1275, %add3A_1276 : i32
      %get3A_1278 = arith.index_cast %add3A_1277 : i32 to index
      %get3A_1279 = arith.constant 80 : index
      %get3A_1280 = tpu.vector_load %arg13[%get3A_1278, %get3A_1279] {strides = array<i32>} : memref<288x128xf32, #tpu.memory_space<vmem>>, vector<16xf32>,
      %add3A_1281 = arith.addf %add3A_1273, %get3A_1280 : vector<16xf32>
      %mul3A_1282 = arith.constant 16 : i32
      %mul3A_1283 = arith.muli %scan3A_529, %mul3A_1282 : i32
      %add3A_1284 = arith.constant 13 : i32
      %add3A_1285 = arith.addi %mul3A_1283, %add3A_1284 : i32
      %get3A_1286 = arith.index_cast %add3A_1285 : i32 to index
      %get3A_1287 = arith.constant 80 : index
      %get3A_1288 = tpu.vector_load %arg13[%get3A_1286, %get3A_1287] {strides = array<i32>} : memref<288x128xf32, #tpu.memory_space<vmem>>, vector<16xf32>,
      %add3A_1289 = arith.addf %add3A_1281, %get3A_1288 : vector<16xf32>
      %mul3A_1290 = arith.constant 16 : i32
      %mul3A_1291 = arith.muli %scan3A_529, %mul3A_1290 : i32
      %add3A_1292 = arith.constant 14 : i32
      %add3A_1293 = arith.addi %mul3A_1291, %add3A_1292 : i32
      %get3A_1294 = arith.index_cast %add3A_1293 : i32 to index
      %get3A_1295 = arith.constant 80 : index
      %get3A_1296 = tpu.vector_load %arg13[%get3A_1294, %get3A_1295] {strides = array<i32>} : memref<288x128xf32, #tpu.memory_space<vmem>>, vector<16xf32>,
      %add3A_1297 = arith.addf %add3A_1289, %get3A_1296 : vector<16xf32>
      %mul3A_1298 = arith.constant 16 : i32
      %mul3A_1299 = arith.muli %scan3A_529, %mul3A_1298 : i32
      %add3A_1300 = arith.constant 15 : i32
      %add3A_1301 = arith.addi %mul3A_1299, %add3A_1300 : i32
      %get3A_1302 = arith.index_cast %add3A_1301 : i32 to index
      %get3A_1303 = arith.constant 80 : index
      %get3A_1304 = tpu.vector_load %arg13[%get3A_1302, %get3A_1303] {strides = array<i32>} : memref<288x128xf32, #tpu.memory_space<vmem>>, vector<16xf32>,
      %add3A_1305 = arith.addf %add3A_1297, %get3A_1304 : vector<16xf32>
      %add3A_1306 = arith.constant 0 : i32
      %add3A_1307 = arith.addi %add3A_1306, %scan3A_529 : i32
      %swap3A_1308 = arith.index_cast %add3A_1307 : i32 to index
      %swap3A_1309 = arith.constant 80 : index
      %swap3A_1310 = tpu.vector_load %arg16[%swap3A_1308, %swap3A_1309] {strides = array<i32>} : memref<72x128xf32, #tpu.memory_space<vmem>>, vector<16xf32>,
      tpu.vector_store %arg16[%swap3A_1308, %swap3A_1309], %add3A_1305 {strides = array<i32>} : memref<72x128xf32, #tpu.memory_space<vmem>>, vector<16xf32>,
      %mul3A_1311 = arith.constant 16 : i32
      %mul3A_1312 = arith.muli %scan3A_529, %mul3A_1311 : i32
      %get3A_1313 = arith.index_cast %mul3A_1312 : i32 to index
      %get3A_1314 = arith.constant 96 : index
      %get3A_1315 = tpu.vector_load %arg13[%get3A_1313, %get3A_1314] {strides = array<i32>} : memref<288x128xf32, #tpu.memory_space<vmem>>, vector<16xf32>,
      %mul3A_1316 = arith.constant 16 : i32
      %mul3A_1317 = arith.muli %scan3A_529, %mul3A_1316 : i32
      %add3A_1318 = arith.constant 1 : i32
      %add3A_1319 = arith.addi %mul3A_1317, %add3A_1318 : i32
      %get3A_1320 = arith.index_cast %add3A_1319 : i32 to index
      %get3A_1321 = arith.constant 96 : index
      %get3A_1322 = tpu.vector_load %arg13[%get3A_1320, %get3A_1321] {strides = array<i32>} : memref<288x128xf32, #tpu.memory_space<vmem>>, vector<16xf32>,
      %add3A_1323 = arith.addf %get3A_1315, %get3A_1322 : vector<16xf32>
      %mul3A_1324 = arith.constant 16 : i32
      %mul3A_1325 = arith.muli %scan3A_529, %mul3A_1324 : i32
      %add3A_1326 = arith.constant 2 : i32
      %add3A_1327 = arith.addi %mul3A_1325, %add3A_1326 : i32
      %get3A_1328 = arith.index_cast %add3A_1327 : i32 to index
      %get3A_1329 = arith.constant 96 : index
      %get3A_1330 = tpu.vector_load %arg13[%get3A_1328, %get3A_1329] {strides = array<i32>} : memref<288x128xf32, #tpu.memory_space<vmem>>, vector<16xf32>,
      %add3A_1331 = arith.addf %add3A_1323, %get3A_1330 : vector<16xf32>
      %mul3A_1332 = arith.constant 16 : i32
      %mul3A_1333 = arith.muli %scan3A_529, %mul3A_1332 : i32
      %add3A_1334 = arith.constant 3 : i32
      %add3A_1335 = arith.addi %mul3A_1333, %add3A_1334 : i32
      %get3A_1336 = arith.index_cast %add3A_1335 : i32 to index
      %get3A_1337 = arith.constant 96 : index
      %get3A_1338 = tpu.vector_load %arg13[%get3A_1336, %get3A_1337] {strides = array<i32>} : memref<288x128xf32, #tpu.memory_space<vmem>>, vector<16xf32>,
      %add3A_1339 = arith.addf %add3A_1331, %get3A_1338 : vector<16xf32>
      %mul3A_1340 = arith.constant 16 : i32
      %mul3A_1341 = arith.muli %scan3A_529, %mul3A_1340 : i32
      %add3A_1342 = arith.constant 4 : i32
      %add3A_1343 = arith.addi %mul3A_1341, %add3A_1342 : i32
      %get3A_1344 = arith.index_cast %add3A_1343 : i32 to index
      %get3A_1345 = arith.constant 96 : index
      %get3A_1346 = tpu.vector_load %arg13[%get3A_1344, %get3A_1345] {strides = array<i32>} : memref<288x128xf32, #tpu.memory_space<vmem>>, vector<16xf32>,
      %add3A_1347 = arith.addf %add3A_1339, %get3A_1346 : vector<16xf32>
      %mul3A_1348 = arith.constant 16 : i32
      %mul3A_1349 = arith.muli %scan3A_529, %mul3A_1348 : i32
      %add3A_1350 = arith.constant 5 : i32
      %add3A_1351 = arith.addi %mul3A_1349, %add3A_1350 : i32
      %get3A_1352 = arith.index_cast %add3A_1351 : i32 to index
      %get3A_1353 = arith.constant 96 : index
      %get3A_1354 = tpu.vector_load %arg13[%get3A_1352, %get3A_1353] {strides = array<i32>} : memref<288x128xf32, #tpu.memory_space<vmem>>, vector<16xf32>,
      %add3A_1355 = arith.addf %add3A_1347, %get3A_1354 : vector<16xf32>
      %mul3A_1356 = arith.constant 16 : i32
      %mul3A_1357 = arith.muli %scan3A_529, %mul3A_1356 : i32
      %add3A_1358 = arith.constant 6 : i32
      %add3A_1359 = arith.addi %mul3A_1357, %add3A_1358 : i32
      %get3A_1360 = arith.index_cast %add3A_1359 : i32 to index
      %get3A_1361 = arith.constant 96 : index
      %get3A_1362 = tpu.vector_load %arg13[%get3A_1360, %get3A_1361] {strides = array<i32>} : memref<288x128xf32, #tpu.memory_space<vmem>>, vector<16xf32>,
      %add3A_1363 = arith.addf %add3A_1355, %get3A_1362 : vector<16xf32>
      %mul3A_1364 = arith.constant 16 : i32
      %mul3A_1365 = arith.muli %scan3A_529, %mul3A_1364 : i32
      %add3A_1366 = arith.constant 7 : i32
      %add3A_1367 = arith.addi %mul3A_1365, %add3A_1366 : i32
      %get3A_1368 = arith.index_cast %add3A_1367 : i32 to index
      %get3A_1369 = arith.constant 96 : index
      %get3A_1370 = tpu.vector_load %arg13[%get3A_1368, %get3A_1369] {strides = array<i32>} : memref<288x128xf32, #tpu.memory_space<vmem>>, vector<16xf32>,
      %add3A_1371 = arith.addf %add3A_1363, %get3A_1370 : vector<16xf32>
      %mul3A_1372 = arith.constant 16 : i32
      %mul3A_1373 = arith.muli %scan3A_529, %mul3A_1372 : i32
      %add3A_1374 = arith.constant 8 : i32
      %add3A_1375 = arith.addi %mul3A_1373, %add3A_1374 : i32
      %get3A_1376 = arith.index_cast %add3A_1375 : i32 to index
      %get3A_1377 = arith.constant 96 : index
      %get3A_1378 = tpu.vector_load %arg13[%get3A_1376, %get3A_1377] {strides = array<i32>} : memref<288x128xf32, #tpu.memory_space<vmem>>, vector<16xf32>,
      %add3A_1379 = arith.addf %add3A_1371, %get3A_1378 : vector<16xf32>
      %mul3A_1380 = arith.constant 16 : i32
      %mul3A_1381 = arith.muli %scan3A_529, %mul3A_1380 : i32
      %add3A_1382 = arith.constant 9 : i32
      %add3A_1383 = arith.addi %mul3A_1381, %add3A_1382 : i32
      %get3A_1384 = arith.index_cast %add3A_1383 : i32 to index
      %get3A_1385 = arith.constant 96 : index
      %get3A_1386 = tpu.vector_load %arg13[%get3A_1384, %get3A_1385] {strides = array<i32>} : memref<288x128xf32, #tpu.memory_space<vmem>>, vector<16xf32>,
      %add3A_1387 = arith.addf %add3A_1379, %get3A_1386 : vector<16xf32>
      %mul3A_1388 = arith.constant 16 : i32
      %mul3A_1389 = arith.muli %scan3A_529, %mul3A_1388 : i32
      %add3A_1390 = arith.constant 10 : i32
      %add3A_1391 = arith.addi %mul3A_1389, %add3A_1390 : i32
      %get3A_1392 = arith.index_cast %add3A_1391 : i32 to index
      %get3A_1393 = arith.constant 96 : index
      %get3A_1394 = tpu.vector_load %arg13[%get3A_1392, %get3A_1393] {strides = array<i32>} : memref<288x128xf32, #tpu.memory_space<vmem>>, vector<16xf32>,
      %add3A_1395 = arith.addf %add3A_1387, %get3A_1394 : vector<16xf32>
      %mul3A_1396 = arith.constant 16 : i32
      %mul3A_1397 = arith.muli %scan3A_529, %mul3A_1396 : i32
      %add3A_1398 = arith.constant 11 : i32
      %add3A_1399 = arith.addi %mul3A_1397, %add3A_1398 : i32
      %get3A_1400 = arith.index_cast %add3A_1399 : i32 to index
      %get3A_1401 = arith.constant 96 : index
      %get3A_1402 = tpu.vector_load %arg13[%get3A_1400, %get3A_1401] {strides = array<i32>} : memref<288x128xf32, #tpu.memory_space<vmem>>, vector<16xf32>,
      %add3A_1403 = arith.addf %add3A_1395, %get3A_1402 : vector<16xf32>
      %mul3A_1404 = arith.constant 16 : i32
      %mul3A_1405 = arith.muli %scan3A_529, %mul3A_1404 : i32
      %add3A_1406 = arith.constant 12 : i32
      %add3A_1407 = arith.addi %mul3A_1405, %add3A_1406 : i32
      %get3A_1408 = arith.index_cast %add3A_1407 : i32 to index
      %get3A_1409 = arith.constant 96 : index
      %get3A_1410 = tpu.vector_load %arg13[%get3A_1408, %get3A_1409] {strides = array<i32>} : memref<288x128xf32, #tpu.memory_space<vmem>>, vector<16xf32>,
      %add3A_1411 = arith.addf %add3A_1403, %get3A_1410 : vector<16xf32>
      %mul3A_1412 = arith.constant 16 : i32
      %mul3A_1413 = arith.muli %scan3A_529, %mul3A_1412 : i32
      %add3A_1414 = arith.constant 13 : i32
      %add3A_1415 = arith.addi %mul3A_1413, %add3A_1414 : i32
      %get3A_1416 = arith.index_cast %add3A_1415 : i32 to index
      %get3A_1417 = arith.constant 96 : index
      %get3A_1418 = tpu.vector_load %arg13[%get3A_1416, %get3A_1417] {strides = array<i32>} : memref<288x128xf32, #tpu.memory_space<vmem>>, vector<16xf32>,
      %add3A_1419 = arith.addf %add3A_1411, %get3A_1418 : vector<16xf32>
      %mul3A_1420 = arith.constant 16 : i32
      %mul3A_1421 = arith.muli %scan3A_529, %mul3A_1420 : i32
      %add3A_1422 = arith.constant 14 : i32
      %add3A_1423 = arith.addi %mul3A_1421, %add3A_1422 : i32
      %get3A_1424 = arith.index_cast %add3A_1423 : i32 to index
      %get3A_1425 = arith.constant 96 : index
      %get3A_1426 = tpu.vector_load %arg13[%get3A_1424, %get3A_1425] {strides = array<i32>} : memref<288x128xf32, #tpu.memory_space<vmem>>, vector<16xf32>,
      %add3A_1427 = arith.addf %add3A_1419, %get3A_1426 : vector<16xf32>
      %mul3A_1428 = arith.constant 16 : i32
      %mul3A_1429 = arith.muli %scan3A_529, %mul3A_1428 : i32
      %add3A_1430 = arith.constant 15 : i32
      %add3A_1431 = arith.addi %mul3A_1429, %add3A_1430 : i32
      %get3A_1432 = arith.index_cast %add3A_1431 : i32 to index
      %get3A_1433 = arith.constant 96 : index
      %get3A_1434 = tpu.vector_load %arg13[%get3A_1432, %get3A_1433] {strides = array<i32>} : memref<288x128xf32, #tpu.memory_space<vmem>>, vector<16xf32>,
      %add3A_1435 = arith.addf %add3A_1427, %get3A_1434 : vector<16xf32>
      %add3A_1436 = arith.constant 0 : i32
      %add3A_1437 = arith.addi %add3A_1436, %scan3A_529 : i32
      %swap3A_1438 = arith.index_cast %add3A_1437 : i32 to index
      %swap3A_1439 = arith.constant 96 : index
      %swap3A_1440 = tpu.vector_load %arg16[%swap3A_1438, %swap3A_1439] {strides = array<i32>} : memref<72x128xf32, #tpu.memory_space<vmem>>, vector<16xf32>,
      tpu.vector_store %arg16[%swap3A_1438, %swap3A_1439], %add3A_1435 {strides = array<i32>} : memref<72x128xf32, #tpu.memory_space<vmem>>, vector<16xf32>,
      %mul3A_1441 = arith.constant 16 : i32
      %mul3A_1442 = arith.muli %scan3A_529, %mul3A_1441 : i32
      %get3A_1443 = arith.index_cast %mul3A_1442 : i32 to index
      %get3A_1444 = arith.constant 112 : index
      %get3A_1445 = tpu.vector_load %arg13[%get3A_1443, %get3A_1444] {strides = array<i32>} : memref<288x128xf32, #tpu.memory_space<vmem>>, vector<16xf32>,
      %mul3A_1446 = arith.constant 16 : i32
      %mul3A_1447 = arith.muli %scan3A_529, %mul3A_1446 : i32
      %add3A_1448 = arith.constant 1 : i32
      %add3A_1449 = arith.addi %mul3A_1447, %add3A_1448 : i32
      %get3A_1450 = arith.index_cast %add3A_1449 : i32 to index
      %get3A_1451 = arith.constant 112 : index
      %get3A_1452 = tpu.vector_load %arg13[%get3A_1450, %get3A_1451] {strides = array<i32>} : memref<288x128xf32, #tpu.memory_space<vmem>>, vector<16xf32>,
      %add3A_1453 = arith.addf %get3A_1445, %get3A_1452 : vector<16xf32>
      %mul3A_1454 = arith.constant 16 : i32
      %mul3A_1455 = arith.muli %scan3A_529, %mul3A_1454 : i32
      %add3A_1456 = arith.constant 2 : i32
      %add3A_1457 = arith.addi %mul3A_1455, %add3A_1456 : i32
      %get3A_1458 = arith.index_cast %add3A_1457 : i32 to index
      %get3A_1459 = arith.constant 112 : index
      %get3A_1460 = tpu.vector_load %arg13[%get3A_1458, %get3A_1459] {strides = array<i32>} : memref<288x128xf32, #tpu.memory_space<vmem>>, vector<16xf32>,
      %add3A_1461 = arith.addf %add3A_1453, %get3A_1460 : vector<16xf32>
      %mul3A_1462 = arith.constant 16 : i32
      %mul3A_1463 = arith.muli %scan3A_529, %mul3A_1462 : i32
      %add3A_1464 = arith.constant 3 : i32
      %add3A_1465 = arith.addi %mul3A_1463, %add3A_1464 : i32
      %get3A_1466 = arith.index_cast %add3A_1465 : i32 to index
      %get3A_1467 = arith.constant 112 : index
      %get3A_1468 = tpu.vector_load %arg13[%get3A_1466, %get3A_1467] {strides = array<i32>} : memref<288x128xf32, #tpu.memory_space<vmem>>, vector<16xf32>,
      %add3A_1469 = arith.addf %add3A_1461, %get3A_1468 : vector<16xf32>
      %mul3A_1470 = arith.constant 16 : i32
      %mul3A_1471 = arith.muli %scan3A_529, %mul3A_1470 : i32
      %add3A_1472 = arith.constant 4 : i32
      %add3A_1473 = arith.addi %mul3A_1471, %add3A_1472 : i32
      %get3A_1474 = arith.index_cast %add3A_1473 : i32 to index
      %get3A_1475 = arith.constant 112 : index
      %get3A_1476 = tpu.vector_load %arg13[%get3A_1474, %get3A_1475] {strides = array<i32>} : memref<288x128xf32, #tpu.memory_space<vmem>>, vector<16xf32>,
      %add3A_1477 = arith.addf %add3A_1469, %get3A_1476 : vector<16xf32>
      %mul3A_1478 = arith.constant 16 : i32
      %mul3A_1479 = arith.muli %scan3A_529, %mul3A_1478 : i32
      %add3A_1480 = arith.constant 5 : i32
      %add3A_1481 = arith.addi %mul3A_1479, %add3A_1480 : i32
      %get3A_1482 = arith.index_cast %add3A_1481 : i32 to index
      %get3A_1483 = arith.constant 112 : index
      %get3A_1484 = tpu.vector_load %arg13[%get3A_1482, %get3A_1483] {strides = array<i32>} : memref<288x128xf32, #tpu.memory_space<vmem>>, vector<16xf32>,
      %add3A_1485 = arith.addf %add3A_1477, %get3A_1484 : vector<16xf32>
      %mul3A_1486 = arith.constant 16 : i32
      %mul3A_1487 = arith.muli %scan3A_529, %mul3A_1486 : i32
      %add3A_1488 = arith.constant 6 : i32
      %add3A_1489 = arith.addi %mul3A_1487, %add3A_1488 : i32
      %get3A_1490 = arith.index_cast %add3A_1489 : i32 to index
      %get3A_1491 = arith.constant 112 : index
      %get3A_1492 = tpu.vector_load %arg13[%get3A_1490, %get3A_1491] {strides = array<i32>} : memref<288x128xf32, #tpu.memory_space<vmem>>, vector<16xf32>,
      %add3A_1493 = arith.addf %add3A_1485, %get3A_1492 : vector<16xf32>
      %mul3A_1494 = arith.constant 16 : i32
      %mul3A_1495 = arith.muli %scan3A_529, %mul3A_1494 : i32
      %add3A_1496 = arith.constant 7 : i32
      %add3A_1497 = arith.addi %mul3A_1495, %add3A_1496 : i32
      %get3A_1498 = arith.index_cast %add3A_1497 : i32 to index
      %get3A_1499 = arith.constant 112 : index
      %get3A_1500 = tpu.vector_load %arg13[%get3A_1498, %get3A_1499] {strides = array<i32>} : memref<288x128xf32, #tpu.memory_space<vmem>>, vector<16xf32>,
      %add3A_1501 = arith.addf %add3A_1493, %get3A_1500 : vector<16xf32>
      %mul3A_1502 = arith.constant 16 : i32
      %mul3A_1503 = arith.muli %scan3A_529, %mul3A_1502 : i32
      %add3A_1504 = arith.constant 8 : i32
      %add3A_1505 = arith.addi %mul3A_1503, %add3A_1504 : i32
      %get3A_1506 = arith.index_cast %add3A_1505 : i32 to index
      %get3A_1507 = arith.constant 112 : index
      %get3A_1508 = tpu.vector_load %arg13[%get3A_1506, %get3A_1507] {strides = array<i32>} : memref<288x128xf32, #tpu.memory_space<vmem>>, vector<16xf32>,
      %add3A_1509 = arith.addf %add3A_1501, %get3A_1508 : vector<16xf32>
      %mul3A_1510 = arith.constant 16 : i32
      %mul3A_1511 = arith.muli %scan3A_529, %mul3A_1510 : i32
      %add3A_1512 = arith.constant 9 : i32
      %add3A_1513 = arith.addi %mul3A_1511, %add3A_1512 : i32
      %get3A_1514 = arith.index_cast %add3A_1513 : i32 to index
      %get3A_1515 = arith.constant 112 : index
      %get3A_1516 = tpu.vector_load %arg13[%get3A_1514, %get3A_1515] {strides = array<i32>} : memref<288x128xf32, #tpu.memory_space<vmem>>, vector<16xf32>,
      %add3A_1517 = arith.addf %add3A_1509, %get3A_1516 : vector<16xf32>
      %mul3A_1518 = arith.constant 16 : i32
      %mul3A_1519 = arith.muli %scan3A_529, %mul3A_1518 : i32
      %add3A_1520 = arith.constant 10 : i32
      %add3A_1521 = arith.addi %mul3A_1519, %add3A_1520 : i32
      %get3A_1522 = arith.index_cast %add3A_1521 : i32 to index
      %get3A_1523 = arith.constant 112 : index
      %get3A_1524 = tpu.vector_load %arg13[%get3A_1522, %get3A_1523] {strides = array<i32>} : memref<288x128xf32, #tpu.memory_space<vmem>>, vector<16xf32>,
      %add3A_1525 = arith.addf %add3A_1517, %get3A_1524 : vector<16xf32>
      %mul3A_1526 = arith.constant 16 : i32
      %mul3A_1527 = arith.muli %scan3A_529, %mul3A_1526 : i32
      %add3A_1528 = arith.constant 11 : i32
      %add3A_1529 = arith.addi %mul3A_1527, %add3A_1528 : i32
      %get3A_1530 = arith.index_cast %add3A_1529 : i32 to index
      %get3A_1531 = arith.constant 112 : index
      %get3A_1532 = tpu.vector_load %arg13[%get3A_1530, %get3A_1531] {strides = array<i32>} : memref<288x128xf32, #tpu.memory_space<vmem>>, vector<16xf32>,
      %add3A_1533 = arith.addf %add3A_1525, %get3A_1532 : vector<16xf32>
      %mul3A_1534 = arith.constant 16 : i32
      %mul3A_1535 = arith.muli %scan3A_529, %mul3A_1534 : i32
      %add3A_1536 = arith.constant 12 : i32
      %add3A_1537 = arith.addi %mul3A_1535, %add3A_1536 : i32
      %get3A_1538 = arith.index_cast %add3A_1537 : i32 to index
      %get3A_1539 = arith.constant 112 : index
      %get3A_1540 = tpu.vector_load %arg13[%get3A_1538, %get3A_1539] {strides = array<i32>} : memref<288x128xf32, #tpu.memory_space<vmem>>, vector<16xf32>,
      %add3A_1541 = arith.addf %add3A_1533, %get3A_1540 : vector<16xf32>
      %mul3A_1542 = arith.constant 16 : i32
      %mul3A_1543 = arith.muli %scan3A_529, %mul3A_1542 : i32
      %add3A_1544 = arith.constant 13 : i32
      %add3A_1545 = arith.addi %mul3A_1543, %add3A_1544 : i32
      %get3A_1546 = arith.index_cast %add3A_1545 : i32 to index
      %get3A_1547 = arith.constant 112 : index
      %get3A_1548 = tpu.vector_load %arg13[%get3A_1546, %get3A_1547] {strides = array<i32>} : memref<288x128xf32, #tpu.memory_space<vmem>>, vector<16xf32>,
      %add3A_1549 = arith.addf %add3A_1541, %get3A_1548 : vector<16xf32>
      %mul3A_1550 = arith.constant 16 : i32
      %mul3A_1551 = arith.muli %scan3A_529, %mul3A_1550 : i32
      %add3A_1552 = arith.constant 14 : i32
      %add3A_1553 = arith.addi %mul3A_1551, %add3A_1552 : i32
      %get3A_1554 = arith.index_cast %add3A_1553 : i32 to index
      %get3A_1555 = arith.constant 112 : index
      %get3A_1556 = tpu.vector_load %arg13[%get3A_1554, %get3A_1555] {strides = array<i32>} : memref<288x128xf32, #tpu.memory_space<vmem>>, vector<16xf32>,
      %add3A_1557 = arith.addf %add3A_1549, %get3A_1556 : vector<16xf32>
      %mul3A_1558 = arith.constant 16 : i32
      %mul3A_1559 = arith.muli %scan3A_529, %mul3A_1558 : i32
      %add3A_1560 = arith.constant 15 : i32
      %add3A_1561 = arith.addi %mul3A_1559, %add3A_1560 : i32
      %get3A_1562 = arith.index_cast %add3A_1561 : i32 to index
      %get3A_1563 = arith.constant 112 : index
      %get3A_1564 = tpu.vector_load %arg13[%get3A_1562, %get3A_1563] {strides = array<i32>} : memref<288x128xf32, #tpu.memory_space<vmem>>, vector<16xf32>,
      %add3A_1565 = arith.addf %add3A_1557, %get3A_1564 : vector<16xf32>
      %add3A_1566 = arith.constant 0 : i32
      %add3A_1567 = arith.addi %add3A_1566, %scan3A_529 : i32
      %swap3A_1568 = arith.index_cast %add3A_1567 : i32 to index
      %swap3A_1569 = arith.constant 112 : index
      %swap3A_1570 = tpu.vector_load %arg16[%swap3A_1568, %swap3A_1569] {strides = array<i32>} : memref<72x128xf32, #tpu.memory_space<vmem>>, vector<16xf32>,
      tpu.vector_store %arg16[%swap3A_1568, %swap3A_1569], %add3A_1565 {strides = array<i32>} : memref<72x128xf32, #tpu.memory_space<vmem>>, vector<16xf32>,
      %scan3A_1571 = arith.constant 0 : i32
      scf.yield %scan3A_1571 : i32
    }
    %scan3A_471 = arith.constant 18 : i32
    %dma_start3A_472 = arith.constant 576 : i32
    %dma_start3A_473 = tpu.memref_slice %arg11[%dma_start3A_472] : memref<1152xi32, #tpu.memory_space<vmem>> -> memref<288xi32, #tpu.memory_space<vmem>>
    %dma_start3A_474 = arith.constant 0 : i32
    %dma_start3A_475 = arith.constant 0 : i32
    %dma_start3A_476 = tpu.memref_slice %arg4[%dma_start3A_474, %dma_start3A_475] : memref<100000x128xf32, #tpu.memory_space<hbm>> -> memref<100000x128xf32, #tpu.memory_space<hbm>>
    tpu.enqueue_indirect_dma source(%dma_start3A_476 : memref<100000x128xf32, #tpu.memory_space<hbm>>) target(%arg13 : memref<288x128xf32, #tpu.memory_space<vmem>>) offsets(%dma_start3A_473 : memref<288xi32, #tpu.memory_space<vmem>>) semaphore(%arg19 : memref<!tpu.dma_semaphore, #tpu.memory_space<semaphore_mem>>)
    %dma_wait3A_477 = arith.constant 288 : i32
    %dma_wait3A_478 = tpu.memref_slice %arg11[%dma_wait3A_477] : memref<1152xi32, #tpu.memory_space<vmem>> -> memref<288xi32, #tpu.memory_space<vmem>>
    %dma_wait3A_479 = arith.constant 0 : i32
    %dma_wait3A_480 = arith.constant 0 : i32
    %dma_wait3A_481 = tpu.memref_slice %arg4[%dma_wait3A_479, %dma_wait3A_480] : memref<100000x128xf32, #tpu.memory_space<hbm>> -> memref<100000x128xf32, #tpu.memory_space<hbm>>
    tpu.wait_indirect_dma semaphore(%arg20 : memref<!tpu.dma_semaphore, #tpu.memory_space<semaphore_mem>>) src(%dma_wait3A_481 : memref<100000x128xf32, #tpu.memory_space<hbm>>) dst(%arg14 : memref<288x128xf32, #tpu.memory_space<vmem>>)
    %scan3A_482 = arith.constant 0 : i32
    %scan3A_483 = arith.constant 0 : i32
    %scan3A_484 = arith.constant 18 : i32
    %scan3A_485 = arith.addi %scan3A_483, %scan3A_484 : i32
    %scan3A_486 = arith.constant 1 : i32
    %scan3A_487 = scf.for %scan3A_529 = %scan3A_483 to %scan3A_485 step %scan3A_486 iter_args(%scan3A_530 = %scan3A_482) -> (i32)  : i32 {
      %mul3A_531 = arith.constant 16 : i32
      %mul3A_532 = arith.muli %scan3A_529, %mul3A_531 : i32
      %get3A_533 = arith.index_cast %mul3A_532 : i32 to index
      %get3A_534 = arith.constant 0 : index
      %get3A_535 = tpu.vector_load %arg14[%get3A_533, %get3A_534] {strides = array<i32>} : memref<288x128xf32, #tpu.memory_space<vmem>>, vector<16xf32>,
      %mul3A_536 = arith.constant 16 : i32
      %mul3A_537 = arith.muli %scan3A_529, %mul3A_536 : i32
      %add3A_538 = arith.constant 1 : i32
      %add3A_539 = arith.addi %mul3A_537, %add3A_538 : i32
      %get3A_540 = arith.index_cast %add3A_539 : i32 to index
      %get3A_541 = arith.constant 0 : index
      %get3A_542 = tpu.vector_load %arg14[%get3A_540, %get3A_541] {strides = array<i32>} : memref<288x128xf32, #tpu.memory_space<vmem>>, vector<16xf32>,
      %add3A_543 = arith.addf %get3A_535, %get3A_542 : vector<16xf32>
      %mul3A_544 = arith.constant 16 : i32
      %mul3A_545 = arith.muli %scan3A_529, %mul3A_544 : i32
      %add3A_546 = arith.constant 2 : i32
      %add3A_547 = arith.addi %mul3A_545, %add3A_546 : i32
      %get3A_548 = arith.index_cast %add3A_547 : i32 to index
      %get3A_549 = arith.constant 0 : index
      %get3A_550 = tpu.vector_load %arg14[%get3A_548, %get3A_549] {strides = array<i32>} : memref<288x128xf32, #tpu.memory_space<vmem>>, vector<16xf32>,
      %add3A_551 = arith.addf %add3A_543, %get3A_550 : vector<16xf32>
      %mul3A_552 = arith.constant 16 : i32
      %mul3A_553 = arith.muli %scan3A_529, %mul3A_552 : i32
      %add3A_554 = arith.constant 3 : i32
      %add3A_555 = arith.addi %mul3A_553, %add3A_554 : i32
      %get3A_556 = arith.index_cast %add3A_555 : i32 to index
      %get3A_557 = arith.constant 0 : index
      %get3A_558 = tpu.vector_load %arg14[%get3A_556, %get3A_557] {strides = array<i32>} : memref<288x128xf32, #tpu.memory_space<vmem>>, vector<16xf32>,
      %add3A_559 = arith.addf %add3A_551, %get3A_558 : vector<16xf32>
      %mul3A_560 = arith.constant 16 : i32
      %mul3A_561 = arith.muli %scan3A_529, %mul3A_560 : i32
      %add3A_562 = arith.constant 4 : i32
      %add3A_563 = arith.addi %mul3A_561, %add3A_562 : i32
      %get3A_564 = arith.index_cast %add3A_563 : i32 to index
      %get3A_565 = arith.constant 0 : index
      %get3A_566 = tpu.vector_load %arg14[%get3A_564, %get3A_565] {strides = array<i32>} : memref<288x128xf32, #tpu.memory_space<vmem>>, vector<16xf32>,
      %add3A_567 = arith.addf %add3A_559, %get3A_566 : vector<16xf32>
      %mul3A_568 = arith.constant 16 : i32
      %mul3A_569 = arith.muli %scan3A_529, %mul3A_568 : i32
      %add3A_570 = arith.constant 5 : i32
      %add3A_571 = arith.addi %mul3A_569, %add3A_570 : i32
      %get3A_572 = arith.index_cast %add3A_571 : i32 to index
      %get3A_573 = arith.constant 0 : index
      %get3A_574 = tpu.vector_load %arg14[%get3A_572, %get3A_573] {strides = array<i32>} : memref<288x128xf32, #tpu.memory_space<vmem>>, vector<16xf32>,
      %add3A_575 = arith.addf %add3A_567, %get3A_574 : vector<16xf32>
      %mul3A_576 = arith.constant 16 : i32
      %mul3A_577 = arith.muli %scan3A_529, %mul3A_576 : i32
      %add3A_578 = arith.constant 6 : i32
      %add3A_579 = arith.addi %mul3A_577, %add3A_578 : i32
      %get3A_580 = arith.index_cast %add3A_579 : i32 to index
      %get3A_581 = arith.constant 0 : index
      %get3A_582 = tpu.vector_load %arg14[%get3A_580, %get3A_581] {strides = array<i32>} : memref<288x128xf32, #tpu.memory_space<vmem>>, vector<16xf32>,
      %add3A_583 = arith.addf %add3A_575, %get3A_582 : vector<16xf32>
      %mul3A_584 = arith.constant 16 : i32
      %mul3A_585 = arith.muli %scan3A_529, %mul3A_584 : i32
      %add3A_586 = arith.constant 7 : i32
      %add3A_587 = arith.addi %mul3A_585, %add3A_586 : i32
      %get3A_588 = arith.index_cast %add3A_587 : i32 to index
      %get3A_589 = arith.constant 0 : index
      %get3A_590 = tpu.vector_load %arg14[%get3A_588, %get3A_589] {strides = array<i32>} : memref<288x128xf32, #tpu.memory_space<vmem>>, vector<16xf32>,
      %add3A_591 = arith.addf %add3A_583, %get3A_590 : vector<16xf32>
      %mul3A_592 = arith.constant 16 : i32
      %mul3A_593 = arith.muli %scan3A_529, %mul3A_592 : i32
      %add3A_594 = arith.constant 8 : i32
      %add3A_595 = arith.addi %mul3A_593, %add3A_594 : i32
      %get3A_596 = arith.index_cast %add3A_595 : i32 to index
      %get3A_597 = arith.constant 0 : index
      %get3A_598 = tpu.vector_load %arg14[%get3A_596, %get3A_597] {strides = array<i32>} : memref<288x128xf32, #tpu.memory_space<vmem>>, vector<16xf32>,
      %add3A_599 = arith.addf %add3A_591, %get3A_598 : vector<16xf32>
      %mul3A_600 = arith.constant 16 : i32
      %mul3A_601 = arith.muli %scan3A_529, %mul3A_600 : i32
      %add3A_602 = arith.constant 9 : i32
      %add3A_603 = arith.addi %mul3A_601, %add3A_602 : i32
      %get3A_604 = arith.index_cast %add3A_603 : i32 to index
      %get3A_605 = arith.constant 0 : index
      %get3A_606 = tpu.vector_load %arg14[%get3A_604, %get3A_605] {strides = array<i32>} : memref<288x128xf32, #tpu.memory_space<vmem>>, vector<16xf32>,
      %add3A_607 = arith.addf %add3A_599, %get3A_606 : vector<16xf32>
      %mul3A_608 = arith.constant 16 : i32
      %mul3A_609 = arith.muli %scan3A_529, %mul3A_608 : i32
      %add3A_610 = arith.constant 10 : i32
      %add3A_611 = arith.addi %mul3A_609, %add3A_610 : i32
      %get3A_612 = arith.index_cast %add3A_611 : i32 to index
      %get3A_613 = arith.constant 0 : index
      %get3A_614 = tpu.vector_load %arg14[%get3A_612, %get3A_613] {strides = array<i32>} : memref<288x128xf32, #tpu.memory_space<vmem>>, vector<16xf32>,
      %add3A_615 = arith.addf %add3A_607, %get3A_614 : vector<16xf32>
      %mul3A_616 = arith.constant 16 : i32
      %mul3A_617 = arith.muli %scan3A_529, %mul3A_616 : i32
      %add3A_618 = arith.constant 11 : i32
      %add3A_619 = arith.addi %mul3A_617, %add3A_618 : i32
      %get3A_620 = arith.index_cast %add3A_619 : i32 to index
      %get3A_621 = arith.constant 0 : index
      %get3A_622 = tpu.vector_load %arg14[%get3A_620, %get3A_621] {strides = array<i32>} : memref<288x128xf32, #tpu.memory_space<vmem>>, vector<16xf32>,
      %add3A_623 = arith.addf %add3A_615, %get3A_622 : vector<16xf32>
      %mul3A_624 = arith.constant 16 : i32
      %mul3A_625 = arith.muli %scan3A_529, %mul3A_624 : i32
      %add3A_626 = arith.constant 12 : i32
      %add3A_627 = arith.addi %mul3A_625, %add3A_626 : i32
      %get3A_628 = arith.index_cast %add3A_627 : i32 to index
      %get3A_629 = arith.constant 0 : index
      %get3A_630 = tpu.vector_load %arg14[%get3A_628, %get3A_629] {strides = array<i32>} : memref<288x128xf32, #tpu.memory_space<vmem>>, vector<16xf32>,
      %add3A_631 = arith.addf %add3A_623, %get3A_630 : vector<16xf32>
      %mul3A_632 = arith.constant 16 : i32
      %mul3A_633 = arith.muli %scan3A_529, %mul3A_632 : i32
      %add3A_634 = arith.constant 13 : i32
      %add3A_635 = arith.addi %mul3A_633, %add3A_634 : i32
      %get3A_636 = arith.index_cast %add3A_635 : i32 to index
      %get3A_637 = arith.constant 0 : index
      %get3A_638 = tpu.vector_load %arg14[%get3A_636, %get3A_637] {strides = array<i32>} : memref<288x128xf32, #tpu.memory_space<vmem>>, vector<16xf32>,
      %add3A_639 = arith.addf %add3A_631, %get3A_638 : vector<16xf32>
      %mul3A_640 = arith.constant 16 : i32
      %mul3A_641 = arith.muli %scan3A_529, %mul3A_640 : i32
      %add3A_642 = arith.constant 14 : i32
      %add3A_643 = arith.addi %mul3A_641, %add3A_642 : i32
      %get3A_644 = arith.index_cast %add3A_643 : i32 to index
      %get3A_645 = arith.constant 0 : index
      %get3A_646 = tpu.vector_load %arg14[%get3A_644, %get3A_645] {strides = array<i32>} : memref<288x128xf32, #tpu.memory_space<vmem>>, vector<16xf32>,
      %add3A_647 = arith.addf %add3A_639, %get3A_646 : vector<16xf32>
      %mul3A_648 = arith.constant 16 : i32
      %mul3A_649 = arith.muli %scan3A_529, %mul3A_648 : i32
      %add3A_650 = arith.constant 15 : i32
      %add3A_651 = arith.addi %mul3A_649, %add3A_650 : i32
      %get3A_652 = arith.index_cast %add3A_651 : i32 to index
      %get3A_653 = arith.constant 0 : index
      %get3A_654 = tpu.vector_load %arg14[%get3A_652, %get3A_653] {strides = array<i32>} : memref<288x128xf32, #tpu.memory_space<vmem>>, vector<16xf32>,
      %add3A_655 = arith.addf %add3A_647, %get3A_654 : vector<16xf32>
      %add3A_656 = arith.constant 18 : i32
      %add3A_657 = arith.addi %add3A_656, %scan3A_529 : i32
      %swap3A_658 = arith.index_cast %add3A_657 : i32 to index
      %swap3A_659 = arith.constant 0 : index
      %swap3A_660 = tpu.vector_load %arg16[%swap3A_658, %swap3A_659] {strides = array<i32>} : memref<72x128xf32, #tpu.memory_space<vmem>>, vector<16xf32>,
      tpu.vector_store %arg16[%swap3A_658, %swap3A_659], %add3A_655 {strides = array<i32>} : memref<72x128xf32, #tpu.memory_space<vmem>>, vector<16xf32>,
      %mul3A_661 = arith.constant 16 : i32
      %mul3A_662 = arith.muli %scan3A_529, %mul3A_661 : i32
      %get3A_663 = arith.index_cast %mul3A_662 : i32 to index
      %get3A_664 = arith.constant 16 : index
      %get3A_665 = tpu.vector_load %arg14[%get3A_663, %get3A_664] {strides = array<i32>} : memref<288x128xf32, #tpu.memory_space<vmem>>, vector<16xf32>,
      %mul3A_666 = arith.constant 16 : i32
      %mul3A_667 = arith.muli %scan3A_529, %mul3A_666 : i32
      %add3A_668 = arith.constant 1 : i32
      %add3A_669 = arith.addi %mul3A_667, %add3A_668 : i32
      %get3A_670 = arith.index_cast %add3A_669 : i32 to index
      %get3A_671 = arith.constant 16 : index
      %get3A_672 = tpu.vector_load %arg14[%get3A_670, %get3A_671] {strides = array<i32>} : memref<288x128xf32, #tpu.memory_space<vmem>>, vector<16xf32>,
      %add3A_673 = arith.addf %get3A_665, %get3A_672 : vector<16xf32>
      %mul3A_674 = arith.constant 16 : i32
      %mul3A_675 = arith.muli %scan3A_529, %mul3A_674 : i32
      %add3A_676 = arith.constant 2 : i32
      %add3A_677 = arith.addi %mul3A_675, %add3A_676 : i32
      %get3A_678 = arith.index_cast %add3A_677 : i32 to index
      %get3A_679 = arith.constant 16 : index
      %get3A_680 = tpu.vector_load %arg14[%get3A_678, %get3A_679] {strides = array<i32>} : memref<288x128xf32, #tpu.memory_space<vmem>>, vector<16xf32>,
      %add3A_681 = arith.addf %add3A_673, %get3A_680 : vector<16xf32>
      %mul3A_682 = arith.constant 16 : i32
      %mul3A_683 = arith.muli %scan3A_529, %mul3A_682 : i32
      %add3A_684 = arith.constant 3 : i32
      %add3A_685 = arith.addi %mul3A_683, %add3A_684 : i32
      %get3A_686 = arith.index_cast %add3A_685 : i32 to index
      %get3A_687 = arith.constant 16 : index
      %get3A_688 = tpu.vector_load %arg14[%get3A_686, %get3A_687] {strides = array<i32>} : memref<288x128xf32, #tpu.memory_space<vmem>>, vector<16xf32>,
      %add3A_689 = arith.addf %add3A_681, %get3A_688 : vector<16xf32>
      %mul3A_690 = arith.constant 16 : i32
      %mul3A_691 = arith.muli %scan3A_529, %mul3A_690 : i32
      %add3A_692 = arith.constant 4 : i32
      %add3A_693 = arith.addi %mul3A_691, %add3A_692 : i32
      %get3A_694 = arith.index_cast %add3A_693 : i32 to index
      %get3A_695 = arith.constant 16 : index
      %get3A_696 = tpu.vector_load %arg14[%get3A_694, %get3A_695] {strides = array<i32>} : memref<288x128xf32, #tpu.memory_space<vmem>>, vector<16xf32>,
      %add3A_697 = arith.addf %add3A_689, %get3A_696 : vector<16xf32>
      %mul3A_698 = arith.constant 16 : i32
      %mul3A_699 = arith.muli %scan3A_529, %mul3A_698 : i32
      %add3A_700 = arith.constant 5 : i32
      %add3A_701 = arith.addi %mul3A_699, %add3A_700 : i32
      %get3A_702 = arith.index_cast %add3A_701 : i32 to index
      %get3A_703 = arith.constant 16 : index
      %get3A_704 = tpu.vector_load %arg14[%get3A_702, %get3A_703] {strides = array<i32>} : memref<288x128xf32, #tpu.memory_space<vmem>>, vector<16xf32>,
      %add3A_705 = arith.addf %add3A_697, %get3A_704 : vector<16xf32>
      %mul3A_706 = arith.constant 16 : i32
      %mul3A_707 = arith.muli %scan3A_529, %mul3A_706 : i32
      %add3A_708 = arith.constant 6 : i32
      %add3A_709 = arith.addi %mul3A_707, %add3A_708 : i32
      %get3A_710 = arith.index_cast %add3A_709 : i32 to index
      %get3A_711 = arith.constant 16 : index
      %get3A_712 = tpu.vector_load %arg14[%get3A_710, %get3A_711] {strides = array<i32>} : memref<288x128xf32, #tpu.memory_space<vmem>>, vector<16xf32>,
      %add3A_713 = arith.addf %add3A_705, %get3A_712 : vector<16xf32>
      %mul3A_714 = arith.constant 16 : i32
      %mul3A_715 = arith.muli %scan3A_529, %mul3A_714 : i32
      %add3A_716 = arith.constant 7 : i32
      %add3A_717 = arith.addi %mul3A_715, %add3A_716 : i32
      %get3A_718 = arith.index_cast %add3A_717 : i32 to index
      %get3A_719 = arith.constant 16 : index
      %get3A_720 = tpu.vector_load %arg14[%get3A_718, %get3A_719] {strides = array<i32>} : memref<288x128xf32, #tpu.memory_space<vmem>>, vector<16xf32>,
      %add3A_721 = arith.addf %add3A_713, %get3A_720 : vector<16xf32>
      %mul3A_722 = arith.constant 16 : i32
      %mul3A_723 = arith.muli %scan3A_529, %mul3A_722 : i32
      %add3A_724 = arith.constant 8 : i32
      %add3A_725 = arith.addi %mul3A_723, %add3A_724 : i32
      %get3A_726 = arith.index_cast %add3A_725 : i32 to index
      %get3A_727 = arith.constant 16 : index
      %get3A_728 = tpu.vector_load %arg14[%get3A_726, %get3A_727] {strides = array<i32>} : memref<288x128xf32, #tpu.memory_space<vmem>>, vector<16xf32>,
      %add3A_729 = arith.addf %add3A_721, %get3A_728 : vector<16xf32>
      %mul3A_730 = arith.constant 16 : i32
      %mul3A_731 = arith.muli %scan3A_529, %mul3A_730 : i32
      %add3A_732 = arith.constant 9 : i32
      %add3A_733 = arith.addi %mul3A_731, %add3A_732 : i32
      %get3A_734 = arith.index_cast %add3A_733 : i32 to index
      %get3A_735 = arith.constant 16 : index
      %get3A_736 = tpu.vector_load %arg14[%get3A_734, %get3A_735] {strides = array<i32>} : memref<288x128xf32, #tpu.memory_space<vmem>>, vector<16xf32>,
      %add3A_737 = arith.addf %add3A_729, %get3A_736 : vector<16xf32>
      %mul3A_738 = arith.constant 16 : i32
      %mul3A_739 = arith.muli %scan3A_529, %mul3A_738 : i32
      %add3A_740 = arith.constant 10 : i32
      %add3A_741 = arith.addi %mul3A_739, %add3A_740 : i32
      %get3A_742 = arith.index_cast %add3A_741 : i32 to index
      %get3A_743 = arith.constant 16 : index
      %get3A_744 = tpu.vector_load %arg14[%get3A_742, %get3A_743] {strides = array<i32>} : memref<288x128xf32, #tpu.memory_space<vmem>>, vector<16xf32>,
      %add3A_745 = arith.addf %add3A_737, %get3A_744 : vector<16xf32>
      %mul3A_746 = arith.constant 16 : i32
      %mul3A_747 = arith.muli %scan3A_529, %mul3A_746 : i32
      %add3A_748 = arith.constant 11 : i32
      %add3A_749 = arith.addi %mul3A_747, %add3A_748 : i32
      %get3A_750 = arith.index_cast %add3A_749 : i32 to index
      %get3A_751 = arith.constant 16 : index
      %get3A_752 = tpu.vector_load %arg14[%get3A_750, %get3A_751] {strides = array<i32>} : memref<288x128xf32, #tpu.memory_space<vmem>>, vector<16xf32>,
      %add3A_753 = arith.addf %add3A_745, %get3A_752 : vector<16xf32>
      %mul3A_754 = arith.constant 16 : i32
      %mul3A_755 = arith.muli %scan3A_529, %mul3A_754 : i32
      %add3A_756 = arith.constant 12 : i32
      %add3A_757 = arith.addi %mul3A_755, %add3A_756 : i32
      %get3A_758 = arith.index_cast %add3A_757 : i32 to index
      %get3A_759 = arith.constant 16 : index
      %get3A_760 = tpu.vector_load %arg14[%get3A_758, %get3A_759] {strides = array<i32>} : memref<288x128xf32, #tpu.memory_space<vmem>>, vector<16xf32>,
      %add3A_761 = arith.addf %add3A_753, %get3A_760 : vector<16xf32>
      %mul3A_762 = arith.constant 16 : i32
      %mul3A_763 = arith.muli %scan3A_529, %mul3A_762 : i32
      %add3A_764 = arith.constant 13 : i32
      %add3A_765 = arith.addi %mul3A_763, %add3A_764 : i32
      %get3A_766 = arith.index_cast %add3A_765 : i32 to index
      %get3A_767 = arith.constant 16 : index
      %get3A_768 = tpu.vector_load %arg14[%get3A_766, %get3A_767] {strides = array<i32>} : memref<288x128xf32, #tpu.memory_space<vmem>>, vector<16xf32>,
      %add3A_769 = arith.addf %add3A_761, %get3A_768 : vector<16xf32>
      %mul3A_770 = arith.constant 16 : i32
      %mul3A_771 = arith.muli %scan3A_529, %mul3A_770 : i32
      %add3A_772 = arith.constant 14 : i32
      %add3A_773 = arith.addi %mul3A_771, %add3A_772 : i32
      %get3A_774 = arith.index_cast %add3A_773 : i32 to index
      %get3A_775 = arith.constant 16 : index
      %get3A_776 = tpu.vector_load %arg14[%get3A_774, %get3A_775] {strides = array<i32>} : memref<288x128xf32, #tpu.memory_space<vmem>>, vector<16xf32>,
      %add3A_777 = arith.addf %add3A_769, %get3A_776 : vector<16xf32>
      %mul3A_778 = arith.constant 16 : i32
      %mul3A_779 = arith.muli %scan3A_529, %mul3A_778 : i32
      %add3A_780 = arith.constant 15 : i32
      %add3A_781 = arith.addi %mul3A_779, %add3A_780 : i32
      %get3A_782 = arith.index_cast %add3A_781 : i32 to index
      %get3A_783 = arith.constant 16 : index
      %get3A_784 = tpu.vector_load %arg14[%get3A_782, %get3A_783] {strides = array<i32>} : memref<288x128xf32, #tpu.memory_space<vmem>>, vector<16xf32>,
      %add3A_785 = arith.addf %add3A_777, %get3A_784 : vector<16xf32>
      %add3A_786 = arith.constant 18 : i32
      %add3A_787 = arith.addi %add3A_786, %scan3A_529 : i32
      %swap3A_788 = arith.index_cast %add3A_787 : i32 to index
      %swap3A_789 = arith.constant 16 : index
      %swap3A_790 = tpu.vector_load %arg16[%swap3A_788, %swap3A_789] {strides = array<i32>} : memref<72x128xf32, #tpu.memory_space<vmem>>, vector<16xf32>,
      tpu.vector_store %arg16[%swap3A_788, %swap3A_789], %add3A_785 {strides = array<i32>} : memref<72x128xf32, #tpu.memory_space<vmem>>, vector<16xf32>,
      %mul3A_791 = arith.constant 16 : i32
      %mul3A_792 = arith.muli %scan3A_529, %mul3A_791 : i32
      %get3A_793 = arith.index_cast %mul3A_792 : i32 to index
      %get3A_794 = arith.constant 32 : index
      %get3A_795 = tpu.vector_load %arg14[%get3A_793, %get3A_794] {strides = array<i32>} : memref<288x128xf32, #tpu.memory_space<vmem>>, vector<16xf32>,
      %mul3A_796 = arith.constant 16 : i32
      %mul3A_797 = arith.muli %scan3A_529, %mul3A_796 : i32
      %add3A_798 = arith.constant 1 : i32
      %add3A_799 = arith.addi %mul3A_797, %add3A_798 : i32
      %get3A_800 = arith.index_cast %add3A_799 : i32 to index
      %get3A_801 = arith.constant 32 : index
      %get3A_802 = tpu.vector_load %arg14[%get3A_800, %get3A_801] {strides = array<i32>} : memref<288x128xf32, #tpu.memory_space<vmem>>, vector<16xf32>,
      %add3A_803 = arith.addf %get3A_795, %get3A_802 : vector<16xf32>
      %mul3A_804 = arith.constant 16 : i32
      %mul3A_805 = arith.muli %scan3A_529, %mul3A_804 : i32
      %add3A_806 = arith.constant 2 : i32
      %add3A_807 = arith.addi %mul3A_805, %add3A_806 : i32
      %get3A_808 = arith.index_cast %add3A_807 : i32 to index
      %get3A_809 = arith.constant 32 : index
      %get3A_810 = tpu.vector_load %arg14[%get3A_808, %get3A_809] {strides = array<i32>} : memref<288x128xf32, #tpu.memory_space<vmem>>, vector<16xf32>,
      %add3A_811 = arith.addf %add3A_803, %get3A_810 : vector<16xf32>
      %mul3A_812 = arith.constant 16 : i32
      %mul3A_813 = arith.muli %scan3A_529, %mul3A_812 : i32
      %add3A_814 = arith.constant 3 : i32
      %add3A_815 = arith.addi %mul3A_813, %add3A_814 : i32
      %get3A_816 = arith.index_cast %add3A_815 : i32 to index
      %get3A_817 = arith.constant 32 : index
      %get3A_818 = tpu.vector_load %arg14[%get3A_816, %get3A_817] {strides = array<i32>} : memref<288x128xf32, #tpu.memory_space<vmem>>, vector<16xf32>,
      %add3A_819 = arith.addf %add3A_811, %get3A_818 : vector<16xf32>
      %mul3A_820 = arith.constant 16 : i32
      %mul3A_821 = arith.muli %scan3A_529, %mul3A_820 : i32
      %add3A_822 = arith.constant 4 : i32
      %add3A_823 = arith.addi %mul3A_821, %add3A_822 : i32
      %get3A_824 = arith.index_cast %add3A_823 : i32 to index
      %get3A_825 = arith.constant 32 : index
      %get3A_826 = tpu.vector_load %arg14[%get3A_824, %get3A_825] {strides = array<i32>} : memref<288x128xf32, #tpu.memory_space<vmem>>, vector<16xf32>,
      %add3A_827 = arith.addf %add3A_819, %get3A_826 : vector<16xf32>
      %mul3A_828 = arith.constant 16 : i32
      %mul3A_829 = arith.muli %scan3A_529, %mul3A_828 : i32
      %add3A_830 = arith.constant 5 : i32
      %add3A_831 = arith.addi %mul3A_829, %add3A_830 : i32
      %get3A_832 = arith.index_cast %add3A_831 : i32 to index
      %get3A_833 = arith.constant 32 : index
      %get3A_834 = tpu.vector_load %arg14[%get3A_832, %get3A_833] {strides = array<i32>} : memref<288x128xf32, #tpu.memory_space<vmem>>, vector<16xf32>,
      %add3A_835 = arith.addf %add3A_827, %get3A_834 : vector<16xf32>
      %mul3A_836 = arith.constant 16 : i32
      %mul3A_837 = arith.muli %scan3A_529, %mul3A_836 : i32
      %add3A_838 = arith.constant 6 : i32
      %add3A_839 = arith.addi %mul3A_837, %add3A_838 : i32
      %get3A_840 = arith.index_cast %add3A_839 : i32 to index
      %get3A_841 = arith.constant 32 : index
      %get3A_842 = tpu.vector_load %arg14[%get3A_840, %get3A_841] {strides = array<i32>} : memref<288x128xf32, #tpu.memory_space<vmem>>, vector<16xf32>,
      %add3A_843 = arith.addf %add3A_835, %get3A_842 : vector<16xf32>
      %mul3A_844 = arith.constant 16 : i32
      %mul3A_845 = arith.muli %scan3A_529, %mul3A_844 : i32
      %add3A_846 = arith.constant 7 : i32
      %add3A_847 = arith.addi %mul3A_845, %add3A_846 : i32
      %get3A_848 = arith.index_cast %add3A_847 : i32 to index
      %get3A_849 = arith.constant 32 : index
      %get3A_850 = tpu.vector_load %arg14[%get3A_848, %get3A_849] {strides = array<i32>} : memref<288x128xf32, #tpu.memory_space<vmem>>, vector<16xf32>,
      %add3A_851 = arith.addf %add3A_843, %get3A_850 : vector<16xf32>
      %mul3A_852 = arith.constant 16 : i32
      %mul3A_853 = arith.muli %scan3A_529, %mul3A_852 : i32
      %add3A_854 = arith.constant 8 : i32
      %add3A_855 = arith.addi %mul3A_853, %add3A_854 : i32
      %get3A_856 = arith.index_cast %add3A_855 : i32 to index
      %get3A_857 = arith.constant 32 : index
      %get3A_858 = tpu.vector_load %arg14[%get3A_856, %get3A_857] {strides = array<i32>} : memref<288x128xf32, #tpu.memory_space<vmem>>, vector<16xf32>,
      %add3A_859 = arith.addf %add3A_851, %get3A_858 : vector<16xf32>
      %mul3A_860 = arith.constant 16 : i32
      %mul3A_861 = arith.muli %scan3A_529, %mul3A_860 : i32
      %add3A_862 = arith.constant 9 : i32
      %add3A_863 = arith.addi %mul3A_861, %add3A_862 : i32
      %get3A_864 = arith.index_cast %add3A_863 : i32 to index
      %get3A_865 = arith.constant 32 : index
      %get3A_866 = tpu.vector_load %arg14[%get3A_864, %get3A_865] {strides = array<i32>} : memref<288x128xf32, #tpu.memory_space<vmem>>, vector<16xf32>,
      %add3A_867 = arith.addf %add3A_859, %get3A_866 : vector<16xf32>
      %mul3A_868 = arith.constant 16 : i32
      %mul3A_869 = arith.muli %scan3A_529, %mul3A_868 : i32
      %add3A_870 = arith.constant 10 : i32
      %add3A_871 = arith.addi %mul3A_869, %add3A_870 : i32
      %get3A_872 = arith.index_cast %add3A_871 : i32 to index
      %get3A_873 = arith.constant 32 : index
      %get3A_874 = tpu.vector_load %arg14[%get3A_872, %get3A_873] {strides = array<i32>} : memref<288x128xf32, #tpu.memory_space<vmem>>, vector<16xf32>,
      %add3A_875 = arith.addf %add3A_867, %get3A_874 : vector<16xf32>
      %mul3A_876 = arith.constant 16 : i32
      %mul3A_877 = arith.muli %scan3A_529, %mul3A_876 : i32
      %add3A_878 = arith.constant 11 : i32
      %add3A_879 = arith.addi %mul3A_877, %add3A_878 : i32
      %get3A_880 = arith.index_cast %add3A_879 : i32 to index
      %get3A_881 = arith.constant 32 : index
      %get3A_882 = tpu.vector_load %arg14[%get3A_880, %get3A_881] {strides = array<i32>} : memref<288x128xf32, #tpu.memory_space<vmem>>, vector<16xf32>,
      %add3A_883 = arith.addf %add3A_875, %get3A_882 : vector<16xf32>
      %mul3A_884 = arith.constant 16 : i32
      %mul3A_885 = arith.muli %scan3A_529, %mul3A_884 : i32
      %add3A_886 = arith.constant 12 : i32
      %add3A_887 = arith.addi %mul3A_885, %add3A_886 : i32
      %get3A_888 = arith.index_cast %add3A_887 : i32 to index
      %get3A_889 = arith.constant 32 : index
      %get3A_890 = tpu.vector_load %arg14[%get3A_888, %get3A_889] {strides = array<i32>} : memref<288x128xf32, #tpu.memory_space<vmem>>, vector<16xf32>,
      %add3A_891 = arith.addf %add3A_883, %get3A_890 : vector<16xf32>
      %mul3A_892 = arith.constant 16 : i32
      %mul3A_893 = arith.muli %scan3A_529, %mul3A_892 : i32
      %add3A_894 = arith.constant 13 : i32
      %add3A_895 = arith.addi %mul3A_893, %add3A_894 : i32
      %get3A_896 = arith.index_cast %add3A_895 : i32 to index
      %get3A_897 = arith.constant 32 : index
      %get3A_898 = tpu.vector_load %arg14[%get3A_896, %get3A_897] {strides = array<i32>} : memref<288x128xf32, #tpu.memory_space<vmem>>, vector<16xf32>,
      %add3A_899 = arith.addf %add3A_891, %get3A_898 : vector<16xf32>
      %mul3A_900 = arith.constant 16 : i32
      %mul3A_901 = arith.muli %scan3A_529, %mul3A_900 : i32
      %add3A_902 = arith.constant 14 : i32
      %add3A_903 = arith.addi %mul3A_901, %add3A_902 : i32
      %get3A_904 = arith.index_cast %add3A_903 : i32 to index
      %get3A_905 = arith.constant 32 : index
      %get3A_906 = tpu.vector_load %arg14[%get3A_904, %get3A_905] {strides = array<i32>} : memref<288x128xf32, #tpu.memory_space<vmem>>, vector<16xf32>,
      %add3A_907 = arith.addf %add3A_899, %get3A_906 : vector<16xf32>
      %mul3A_908 = arith.constant 16 : i32
      %mul3A_909 = arith.muli %scan3A_529, %mul3A_908 : i32
      %add3A_910 = arith.constant 15 : i32
      %add3A_911 = arith.addi %mul3A_909, %add3A_910 : i32
      %get3A_912 = arith.index_cast %add3A_911 : i32 to index
      %get3A_913 = arith.constant 32 : index
      %get3A_914 = tpu.vector_load %arg14[%get3A_912, %get3A_913] {strides = array<i32>} : memref<288x128xf32, #tpu.memory_space<vmem>>, vector<16xf32>,
      %add3A_915 = arith.addf %add3A_907, %get3A_914 : vector<16xf32>
      %add3A_916 = arith.constant 18 : i32
      %add3A_917 = arith.addi %add3A_916, %scan3A_529 : i32
      %swap3A_918 = arith.index_cast %add3A_917 : i32 to index
      %swap3A_919 = arith.constant 32 : index
      %swap3A_920 = tpu.vector_load %arg16[%swap3A_918, %swap3A_919] {strides = array<i32>} : memref<72x128xf32, #tpu.memory_space<vmem>>, vector<16xf32>,
      tpu.vector_store %arg16[%swap3A_918, %swap3A_919], %add3A_915 {strides = array<i32>} : memref<72x128xf32, #tpu.memory_space<vmem>>, vector<16xf32>,
      %mul3A_921 = arith.constant 16 : i32
      %mul3A_922 = arith.muli %scan3A_529, %mul3A_921 : i32
      %get3A_923 = arith.index_cast %mul3A_922 : i32 to index
      %get3A_924 = arith.constant 48 : index
      %get3A_925 = tpu.vector_load %arg14[%get3A_923, %get3A_924] {strides = array<i32>} : memref<288x128xf32, #tpu.memory_space<vmem>>, vector<16xf32>,
      %mul3A_926 = arith.constant 16 : i32
      %mul3A_927 = arith.muli %scan3A_529, %mul3A_926 : i32
      %add3A_928 = arith.constant 1 : i32
      %add3A_929 = arith.addi %mul3A_927, %add3A_928 : i32
      %get3A_930 = arith.index_cast %add3A_929 : i32 to index
      %get3A_931 = arith.constant 48 : index
      %get3A_932 = tpu.vector_load %arg14[%get3A_930, %get3A_931] {strides = array<i32>} : memref<288x128xf32, #tpu.memory_space<vmem>>, vector<16xf32>,
      %add3A_933 = arith.addf %get3A_925, %get3A_932 : vector<16xf32>
      %mul3A_934 = arith.constant 16 : i32
      %mul3A_935 = arith.muli %scan3A_529, %mul3A_934 : i32
      %add3A_936 = arith.constant 2 : i32
      %add3A_937 = arith.addi %mul3A_935, %add3A_936 : i32
      %get3A_938 = arith.index_cast %add3A_937 : i32 to index
      %get3A_939 = arith.constant 48 : index
      %get3A_940 = tpu.vector_load %arg14[%get3A_938, %get3A_939] {strides = array<i32>} : memref<288x128xf32, #tpu.memory_space<vmem>>, vector<16xf32>,
      %add3A_941 = arith.addf %add3A_933, %get3A_940 : vector<16xf32>
      %mul3A_942 = arith.constant 16 : i32
      %mul3A_943 = arith.muli %scan3A_529, %mul3A_942 : i32
      %add3A_944 = arith.constant 3 : i32
      %add3A_945 = arith.addi %mul3A_943, %add3A_944 : i32
      %get3A_946 = arith.index_cast %add3A_945 : i32 to index
      %get3A_947 = arith.constant 48 : index
      %get3A_948 = tpu.vector_load %arg14[%get3A_946, %get3A_947] {strides = array<i32>} : memref<288x128xf32, #tpu.memory_space<vmem>>, vector<16xf32>,
      %add3A_949 = arith.addf %add3A_941, %get3A_948 : vector<16xf32>
      %mul3A_950 = arith.constant 16 : i32
      %mul3A_951 = arith.muli %scan3A_529, %mul3A_950 : i32
      %add3A_952 = arith.constant 4 : i32
      %add3A_953 = arith.addi %mul3A_951, %add3A_952 : i32
      %get3A_954 = arith.index_cast %add3A_953 : i32 to index
      %get3A_955 = arith.constant 48 : index
      %get3A_956 = tpu.vector_load %arg14[%get3A_954, %get3A_955] {strides = array<i32>} : memref<288x128xf32, #tpu.memory_space<vmem>>, vector<16xf32>,
      %add3A_957 = arith.addf %add3A_949, %get3A_956 : vector<16xf32>
      %mul3A_958 = arith.constant 16 : i32
      %mul3A_959 = arith.muli %scan3A_529, %mul3A_958 : i32
      %add3A_960 = arith.constant 5 : i32
      %add3A_961 = arith.addi %mul3A_959, %add3A_960 : i32
      %get3A_962 = arith.index_cast %add3A_961 : i32 to index
      %get3A_963 = arith.constant 48 : index
      %get3A_964 = tpu.vector_load %arg14[%get3A_962, %get3A_963] {strides = array<i32>} : memref<288x128xf32, #tpu.memory_space<vmem>>, vector<16xf32>,
      %add3A_965 = arith.addf %add3A_957, %get3A_964 : vector<16xf32>
      %mul3A_966 = arith.constant 16 : i32
      %mul3A_967 = arith.muli %scan3A_529, %mul3A_966 : i32
      %add3A_968 = arith.constant 6 : i32
      %add3A_969 = arith.addi %mul3A_967, %add3A_968 : i32
      %get3A_970 = arith.index_cast %add3A_969 : i32 to index
      %get3A_971 = arith.constant 48 : index
      %get3A_972 = tpu.vector_load %arg14[%get3A_970, %get3A_971] {strides = array<i32>} : memref<288x128xf32, #tpu.memory_space<vmem>>, vector<16xf32>,
      %add3A_973 = arith.addf %add3A_965, %get3A_972 : vector<16xf32>
      %mul3A_974 = arith.constant 16 : i32
      %mul3A_975 = arith.muli %scan3A_529, %mul3A_974 : i32
      %add3A_976 = arith.constant 7 : i32
      %add3A_977 = arith.addi %mul3A_975, %add3A_976 : i32
      %get3A_978 = arith.index_cast %add3A_977 : i32 to index
      %get3A_979 = arith.constant 48 : index
      %get3A_980 = tpu.vector_load %arg14[%get3A_978, %get3A_979] {strides = array<i32>} : memref<288x128xf32, #tpu.memory_space<vmem>>, vector<16xf32>,
      %add3A_981 = arith.addf %add3A_973, %get3A_980 : vector<16xf32>
      %mul3A_982 = arith.constant 16 : i32
      %mul3A_983 = arith.muli %scan3A_529, %mul3A_982 : i32
      %add3A_984 = arith.constant 8 : i32
      %add3A_985 = arith.addi %mul3A_983, %add3A_984 : i32
      %get3A_986 = arith.index_cast %add3A_985 : i32 to index
      %get3A_987 = arith.constant 48 : index
      %get3A_988 = tpu.vector_load %arg14[%get3A_986, %get3A_987] {strides = array<i32>} : memref<288x128xf32, #tpu.memory_space<vmem>>, vector<16xf32>,
      %add3A_989 = arith.addf %add3A_981, %get3A_988 : vector<16xf32>
      %mul3A_990 = arith.constant 16 : i32
      %mul3A_991 = arith.muli %scan3A_529, %mul3A_990 : i32
      %add3A_992 = arith.constant 9 : i32
      %add3A_993 = arith.addi %mul3A_991, %add3A_992 : i32
      %get3A_994 = arith.index_cast %add3A_993 : i32 to index
      %get3A_995 = arith.constant 48 : index
      %get3A_996 = tpu.vector_load %arg14[%get3A_994, %get3A_995] {strides = array<i32>} : memref<288x128xf32, #tpu.memory_space<vmem>>, vector<16xf32>,
      %add3A_997 = arith.addf %add3A_989, %get3A_996 : vector<16xf32>
      %mul3A_998 = arith.constant 16 : i32
      %mul3A_999 = arith.muli %scan3A_529, %mul3A_998 : i32
      %add3A_1000 = arith.constant 10 : i32
      %add3A_1001 = arith.addi %mul3A_999, %add3A_1000 : i32
      %get3A_1002 = arith.index_cast %add3A_1001 : i32 to index
      %get3A_1003 = arith.constant 48 : index
      %get3A_1004 = tpu.vector_load %arg14[%get3A_1002, %get3A_1003] {strides = array<i32>} : memref<288x128xf32, #tpu.memory_space<vmem>>, vector<16xf32>,
      %add3A_1005 = arith.addf %add3A_997, %get3A_1004 : vector<16xf32>
      %mul3A_1006 = arith.constant 16 : i32
      %mul3A_1007 = arith.muli %scan3A_529, %mul3A_1006 : i32
      %add3A_1008 = arith.constant 11 : i32
      %add3A_1009 = arith.addi %mul3A_1007, %add3A_1008 : i32
      %get3A_1010 = arith.index_cast %add3A_1009 : i32 to index
      %get3A_1011 = arith.constant 48 : index
      %get3A_1012 = tpu.vector_load %arg14[%get3A_1010, %get3A_1011] {strides = array<i32>} : memref<288x128xf32, #tpu.memory_space<vmem>>, vector<16xf32>,
      %add3A_1013 = arith.addf %add3A_1005, %get3A_1012 : vector<16xf32>
      %mul3A_1014 = arith.constant 16 : i32
      %mul3A_1015 = arith.muli %scan3A_529, %mul3A_1014 : i32
      %add3A_1016 = arith.constant 12 : i32
      %add3A_1017 = arith.addi %mul3A_1015, %add3A_1016 : i32
      %get3A_1018 = arith.index_cast %add3A_1017 : i32 to index
      %get3A_1019 = arith.constant 48 : index
      %get3A_1020 = tpu.vector_load %arg14[%get3A_1018, %get3A_1019] {strides = array<i32>} : memref<288x128xf32, #tpu.memory_space<vmem>>, vector<16xf32>,
      %add3A_1021 = arith.addf %add3A_1013, %get3A_1020 : vector<16xf32>
      %mul3A_1022 = arith.constant 16 : i32
      %mul3A_1023 = arith.muli %scan3A_529, %mul3A_1022 : i32
      %add3A_1024 = arith.constant 13 : i32
      %add3A_1025 = arith.addi %mul3A_1023, %add3A_1024 : i32
      %get3A_1026 = arith.index_cast %add3A_1025 : i32 to index
      %get3A_1027 = arith.constant 48 : index
      %get3A_1028 = tpu.vector_load %arg14[%get3A_1026, %get3A_1027] {strides = array<i32>} : memref<288x128xf32, #tpu.memory_space<vmem>>, vector<16xf32>,
      %add3A_1029 = arith.addf %add3A_1021, %get3A_1028 : vector<16xf32>
      %mul3A_1030 = arith.constant 16 : i32
      %mul3A_1031 = arith.muli %scan3A_529, %mul3A_1030 : i32
      %add3A_1032 = arith.constant 14 : i32
      %add3A_1033 = arith.addi %mul3A_1031, %add3A_1032 : i32
      %get3A_1034 = arith.index_cast %add3A_1033 : i32 to index
      %get3A_1035 = arith.constant 48 : index
      %get3A_1036 = tpu.vector_load %arg14[%get3A_1034, %get3A_1035] {strides = array<i32>} : memref<288x128xf32, #tpu.memory_space<vmem>>, vector<16xf32>,
      %add3A_1037 = arith.addf %add3A_1029, %get3A_1036 : vector<16xf32>
      %mul3A_1038 = arith.constant 16 : i32
      %mul3A_1039 = arith.muli %scan3A_529, %mul3A_1038 : i32
      %add3A_1040 = arith.constant 15 : i32
      %add3A_1041 = arith.addi %mul3A_1039, %add3A_1040 : i32
      %get3A_1042 = arith.index_cast %add3A_1041 : i32 to index
      %get3A_1043 = arith.constant 48 : index
      %get3A_1044 = tpu.vector_load %arg14[%get3A_1042, %get3A_1043] {strides = array<i32>} : memref<288x128xf32, #tpu.memory_space<vmem>>, vector<16xf32>,
      %add3A_1045 = arith.addf %add3A_1037, %get3A_1044 : vector<16xf32>
      %add3A_1046 = arith.constant 18 : i32
      %add3A_1047 = arith.addi %add3A_1046, %scan3A_529 : i32
      %swap3A_1048 = arith.index_cast %add3A_1047 : i32 to index
      %swap3A_1049 = arith.constant 48 : index
      %swap3A_1050 = tpu.vector_load %arg16[%swap3A_1048, %swap3A_1049] {strides = array<i32>} : memref<72x128xf32, #tpu.memory_space<vmem>>, vector<16xf32>,
      tpu.vector_store %arg16[%swap3A_1048, %swap3A_1049], %add3A_1045 {strides = array<i32>} : memref<72x128xf32, #tpu.memory_space<vmem>>, vector<16xf32>,
      %mul3A_1051 = arith.constant 16 : i32
      %mul3A_1052 = arith.muli %scan3A_529, %mul3A_1051 : i32
      %get3A_1053 = arith.index_cast %mul3A_1052 : i32 to index
      %get3A_1054 = arith.constant 64 : index
      %get3A_1055 = tpu.vector_load %arg14[%get3A_1053, %get3A_1054] {strides = array<i32>} : memref<288x128xf32, #tpu.memory_space<vmem>>, vector<16xf32>,
      %mul3A_1056 = arith.constant 16 : i32
      %mul3A_1057 = arith.muli %scan3A_529, %mul3A_1056 : i32
      %add3A_1058 = arith.constant 1 : i32
      %add3A_1059 = arith.addi %mul3A_1057, %add3A_1058 : i32
      %get3A_1060 = arith.index_cast %add3A_1059 : i32 to index
      %get3A_1061 = arith.constant 64 : index
      %get3A_1062 = tpu.vector_load %arg14[%get3A_1060, %get3A_1061] {strides = array<i32>} : memref<288x128xf32, #tpu.memory_space<vmem>>, vector<16xf32>,
      %add3A_1063 = arith.addf %get3A_1055, %get3A_1062 : vector<16xf32>
      %mul3A_1064 = arith.constant 16 : i32
      %mul3A_1065 = arith.muli %scan3A_529, %mul3A_1064 : i32
      %add3A_1066 = arith.constant 2 : i32
      %add3A_1067 = arith.addi %mul3A_1065, %add3A_1066 : i32
      %get3A_1068 = arith.index_cast %add3A_1067 : i32 to index
      %get3A_1069 = arith.constant 64 : index
      %get3A_1070 = tpu.vector_load %arg14[%get3A_1068, %get3A_1069] {strides = array<i32>} : memref<288x128xf32, #tpu.memory_space<vmem>>, vector<16xf32>,
      %add3A_1071 = arith.addf %add3A_1063, %get3A_1070 : vector<16xf32>
      %mul3A_1072 = arith.constant 16 : i32
      %mul3A_1073 = arith.muli %scan3A_529, %mul3A_1072 : i32
      %add3A_1074 = arith.constant 3 : i32
      %add3A_1075 = arith.addi %mul3A_1073, %add3A_1074 : i32
      %get3A_1076 = arith.index_cast %add3A_1075 : i32 to index
      %get3A_1077 = arith.constant 64 : index
      %get3A_1078 = tpu.vector_load %arg14[%get3A_1076, %get3A_1077] {strides = array<i32>} : memref<288x128xf32, #tpu.memory_space<vmem>>, vector<16xf32>,
      %add3A_1079 = arith.addf %add3A_1071, %get3A_1078 : vector<16xf32>
      %mul3A_1080 = arith.constant 16 : i32
      %mul3A_1081 = arith.muli %scan3A_529, %mul3A_1080 : i32
      %add3A_1082 = arith.constant 4 : i32
      %add3A_1083 = arith.addi %mul3A_1081, %add3A_1082 : i32
      %get3A_1084 = arith.index_cast %add3A_1083 : i32 to index
      %get3A_1085 = arith.constant 64 : index
      %get3A_1086 = tpu.vector_load %arg14[%get3A_1084, %get3A_1085] {strides = array<i32>} : memref<288x128xf32, #tpu.memory_space<vmem>>, vector<16xf32>,
      %add3A_1087 = arith.addf %add3A_1079, %get3A_1086 : vector<16xf32>
      %mul3A_1088 = arith.constant 16 : i32
      %mul3A_1089 = arith.muli %scan3A_529, %mul3A_1088 : i32
      %add3A_1090 = arith.constant 5 : i32
      %add3A_1091 = arith.addi %mul3A_1089, %add3A_1090 : i32
      %get3A_1092 = arith.index_cast %add3A_1091 : i32 to index
      %get3A_1093 = arith.constant 64 : index
      %get3A_1094 = tpu.vector_load %arg14[%get3A_1092, %get3A_1093] {strides = array<i32>} : memref<288x128xf32, #tpu.memory_space<vmem>>, vector<16xf32>,
      %add3A_1095 = arith.addf %add3A_1087, %get3A_1094 : vector<16xf32>
      %mul3A_1096 = arith.constant 16 : i32
      %mul3A_1097 = arith.muli %scan3A_529, %mul3A_1096 : i32
      %add3A_1098 = arith.constant 6 : i32
      %add3A_1099 = arith.addi %mul3A_1097, %add3A_1098 : i32
      %get3A_1100 = arith.index_cast %add3A_1099 : i32 to index
      %get3A_1101 = arith.constant 64 : index
      %get3A_1102 = tpu.vector_load %arg14[%get3A_1100, %get3A_1101] {strides = array<i32>} : memref<288x128xf32, #tpu.memory_space<vmem>>, vector<16xf32>,
      %add3A_1103 = arith.addf %add3A_1095, %get3A_1102 : vector<16xf32>
      %mul3A_1104 = arith.constant 16 : i32
      %mul3A_1105 = arith.muli %scan3A_529, %mul3A_1104 : i32
      %add3A_1106 = arith.constant 7 : i32
      %add3A_1107 = arith.addi %mul3A_1105, %add3A_1106 : i32
      %get3A_1108 = arith.index_cast %add3A_1107 : i32 to index
      %get3A_1109 = arith.constant 64 : index
      %get3A_1110 = tpu.vector_load %arg14[%get3A_1108, %get3A_1109] {strides = array<i32>} : memref<288x128xf32, #tpu.memory_space<vmem>>, vector<16xf32>,
      %add3A_1111 = arith.addf %add3A_1103, %get3A_1110 : vector<16xf32>
      %mul3A_1112 = arith.constant 16 : i32
      %mul3A_1113 = arith.muli %scan3A_529, %mul3A_1112 : i32
      %add3A_1114 = arith.constant 8 : i32
      %add3A_1115 = arith.addi %mul3A_1113, %add3A_1114 : i32
      %get3A_1116 = arith.index_cast %add3A_1115 : i32 to index
      %get3A_1117 = arith.constant 64 : index
      %get3A_1118 = tpu.vector_load %arg14[%get3A_1116, %get3A_1117] {strides = array<i32>} : memref<288x128xf32, #tpu.memory_space<vmem>>, vector<16xf32>,
      %add3A_1119 = arith.addf %add3A_1111, %get3A_1118 : vector<16xf32>
      %mul3A_1120 = arith.constant 16 : i32
      %mul3A_1121 = arith.muli %scan3A_529, %mul3A_1120 : i32
      %add3A_1122 = arith.constant 9 : i32
      %add3A_1123 = arith.addi %mul3A_1121, %add3A_1122 : i32
      %get3A_1124 = arith.index_cast %add3A_1123 : i32 to index
      %get3A_1125 = arith.constant 64 : index
      %get3A_1126 = tpu.vector_load %arg14[%get3A_1124, %get3A_1125] {strides = array<i32>} : memref<288x128xf32, #tpu.memory_space<vmem>>, vector<16xf32>,
      %add3A_1127 = arith.addf %add3A_1119, %get3A_1126 : vector<16xf32>
      %mul3A_1128 = arith.constant 16 : i32
      %mul3A_1129 = arith.muli %scan3A_529, %mul3A_1128 : i32
      %add3A_1130 = arith.constant 10 : i32
      %add3A_1131 = arith.addi %mul3A_1129, %add3A_1130 : i32
      %get3A_1132 = arith.index_cast %add3A_1131 : i32 to index
      %get3A_1133 = arith.constant 64 : index
      %get3A_1134 = tpu.vector_load %arg14[%get3A_1132, %get3A_1133] {strides = array<i32>} : memref<288x128xf32, #tpu.memory_space<vmem>>, vector<16xf32>,
      %add3A_1135 = arith.addf %add3A_1127, %get3A_1134 : vector<16xf32>
      %mul3A_1136 = arith.constant 16 : i32
      %mul3A_1137 = arith.muli %scan3A_529, %mul3A_1136 : i32
      %add3A_1138 = arith.constant 11 : i32
      %add3A_1139 = arith.addi %mul3A_1137, %add3A_1138 : i32
      %get3A_1140 = arith.index_cast %add3A_1139 : i32 to index
      %get3A_1141 = arith.constant 64 : index
      %get3A_1142 = tpu.vector_load %arg14[%get3A_1140, %get3A_1141] {strides = array<i32>} : memref<288x128xf32, #tpu.memory_space<vmem>>, vector<16xf32>,
      %add3A_1143 = arith.addf %add3A_1135, %get3A_1142 : vector<16xf32>
      %mul3A_1144 = arith.constant 16 : i32
      %mul3A_1145 = arith.muli %scan3A_529, %mul3A_1144 : i32
      %add3A_1146 = arith.constant 12 : i32
      %add3A_1147 = arith.addi %mul3A_1145, %add3A_1146 : i32
      %get3A_1148 = arith.index_cast %add3A_1147 : i32 to index
      %get3A_1149 = arith.constant 64 : index
      %get3A_1150 = tpu.vector_load %arg14[%get3A_1148, %get3A_1149] {strides = array<i32>} : memref<288x128xf32, #tpu.memory_space<vmem>>, vector<16xf32>,
      %add3A_1151 = arith.addf %add3A_1143, %get3A_1150 : vector<16xf32>
      %mul3A_1152 = arith.constant 16 : i32
      %mul3A_1153 = arith.muli %scan3A_529, %mul3A_1152 : i32
      %add3A_1154 = arith.constant 13 : i32
      %add3A_1155 = arith.addi %mul3A_1153, %add3A_1154 : i32
      %get3A_1156 = arith.index_cast %add3A_1155 : i32 to index
      %get3A_1157 = arith.constant 64 : index
      %get3A_1158 = tpu.vector_load %arg14[%get3A_1156, %get3A_1157] {strides = array<i32>} : memref<288x128xf32, #tpu.memory_space<vmem>>, vector<16xf32>,
      %add3A_1159 = arith.addf %add3A_1151, %get3A_1158 : vector<16xf32>
      %mul3A_1160 = arith.constant 16 : i32
      %mul3A_1161 = arith.muli %scan3A_529, %mul3A_1160 : i32
      %add3A_1162 = arith.constant 14 : i32
      %add3A_1163 = arith.addi %mul3A_1161, %add3A_1162 : i32
      %get3A_1164 = arith.index_cast %add3A_1163 : i32 to index
      %get3A_1165 = arith.constant 64 : index
      %get3A_1166 = tpu.vector_load %arg14[%get3A_1164, %get3A_1165] {strides = array<i32>} : memref<288x128xf32, #tpu.memory_space<vmem>>, vector<16xf32>,
      %add3A_1167 = arith.addf %add3A_1159, %get3A_1166 : vector<16xf32>
      %mul3A_1168 = arith.constant 16 : i32
      %mul3A_1169 = arith.muli %scan3A_529, %mul3A_1168 : i32
      %add3A_1170 = arith.constant 15 : i32
      %add3A_1171 = arith.addi %mul3A_1169, %add3A_1170 : i32
      %get3A_1172 = arith.index_cast %add3A_1171 : i32 to index
      %get3A_1173 = arith.constant 64 : index
      %get3A_1174 = tpu.vector_load %arg14[%get3A_1172, %get3A_1173] {strides = array<i32>} : memref<288x128xf32, #tpu.memory_space<vmem>>, vector<16xf32>,
      %add3A_1175 = arith.addf %add3A_1167, %get3A_1174 : vector<16xf32>
      %add3A_1176 = arith.constant 18 : i32
      %add3A_1177 = arith.addi %add3A_1176, %scan3A_529 : i32
      %swap3A_1178 = arith.index_cast %add3A_1177 : i32 to index
      %swap3A_1179 = arith.constant 64 : index
      %swap3A_1180 = tpu.vector_load %arg16[%swap3A_1178, %swap3A_1179] {strides = array<i32>} : memref<72x128xf32, #tpu.memory_space<vmem>>, vector<16xf32>,
      tpu.vector_store %arg16[%swap3A_1178, %swap3A_1179], %add3A_1175 {strides = array<i32>} : memref<72x128xf32, #tpu.memory_space<vmem>>, vector<16xf32>,
      %mul3A_1181 = arith.constant 16 : i32
      %mul3A_1182 = arith.muli %scan3A_529, %mul3A_1181 : i32
      %get3A_1183 = arith.index_cast %mul3A_1182 : i32 to index
      %get3A_1184 = arith.constant 80 : index
      %get3A_1185 = tpu.vector_load %arg14[%get3A_1183, %get3A_1184] {strides = array<i32>} : memref<288x128xf32, #tpu.memory_space<vmem>>, vector<16xf32>,
      %mul3A_1186 = arith.constant 16 : i32
      %mul3A_1187 = arith.muli %scan3A_529, %mul3A_1186 : i32
      %add3A_1188 = arith.constant 1 : i32
      %add3A_1189 = arith.addi %mul3A_1187, %add3A_1188 : i32
      %get3A_1190 = arith.index_cast %add3A_1189 : i32 to index
      %get3A_1191 = arith.constant 80 : index
      %get3A_1192 = tpu.vector_load %arg14[%get3A_1190, %get3A_1191] {strides = array<i32>} : memref<288x128xf32, #tpu.memory_space<vmem>>, vector<16xf32>,
      %add3A_1193 = arith.addf %get3A_1185, %get3A_1192 : vector<16xf32>
      %mul3A_1194 = arith.constant 16 : i32
      %mul3A_1195 = arith.muli %scan3A_529, %mul3A_1194 : i32
      %add3A_1196 = arith.constant 2 : i32
      %add3A_1197 = arith.addi %mul3A_1195, %add3A_1196 : i32
      %get3A_1198 = arith.index_cast %add3A_1197 : i32 to index
      %get3A_1199 = arith.constant 80 : index
      %get3A_1200 = tpu.vector_load %arg14[%get3A_1198, %get3A_1199] {strides = array<i32>} : memref<288x128xf32, #tpu.memory_space<vmem>>, vector<16xf32>,
      %add3A_1201 = arith.addf %add3A_1193, %get3A_1200 : vector<16xf32>
      %mul3A_1202 = arith.constant 16 : i32
      %mul3A_1203 = arith.muli %scan3A_529, %mul3A_1202 : i32
      %add3A_1204 = arith.constant 3 : i32
      %add3A_1205 = arith.addi %mul3A_1203, %add3A_1204 : i32
      %get3A_1206 = arith.index_cast %add3A_1205 : i32 to index
      %get3A_1207 = arith.constant 80 : index
      %get3A_1208 = tpu.vector_load %arg14[%get3A_1206, %get3A_1207] {strides = array<i32>} : memref<288x128xf32, #tpu.memory_space<vmem>>, vector<16xf32>,
      %add3A_1209 = arith.addf %add3A_1201, %get3A_1208 : vector<16xf32>
      %mul3A_1210 = arith.constant 16 : i32
      %mul3A_1211 = arith.muli %scan3A_529, %mul3A_1210 : i32
      %add3A_1212 = arith.constant 4 : i32
      %add3A_1213 = arith.addi %mul3A_1211, %add3A_1212 : i32
      %get3A_1214 = arith.index_cast %add3A_1213 : i32 to index
      %get3A_1215 = arith.constant 80 : index
      %get3A_1216 = tpu.vector_load %arg14[%get3A_1214, %get3A_1215] {strides = array<i32>} : memref<288x128xf32, #tpu.memory_space<vmem>>, vector<16xf32>,
      %add3A_1217 = arith.addf %add3A_1209, %get3A_1216 : vector<16xf32>
      %mul3A_1218 = arith.constant 16 : i32
      %mul3A_1219 = arith.muli %scan3A_529, %mul3A_1218 : i32
      %add3A_1220 = arith.constant 5 : i32
      %add3A_1221 = arith.addi %mul3A_1219, %add3A_1220 : i32
      %get3A_1222 = arith.index_cast %add3A_1221 : i32 to index
      %get3A_1223 = arith.constant 80 : index
      %get3A_1224 = tpu.vector_load %arg14[%get3A_1222, %get3A_1223] {strides = array<i32>} : memref<288x128xf32, #tpu.memory_space<vmem>>, vector<16xf32>,
      %add3A_1225 = arith.addf %add3A_1217, %get3A_1224 : vector<16xf32>
      %mul3A_1226 = arith.constant 16 : i32
      %mul3A_1227 = arith.muli %scan3A_529, %mul3A_1226 : i32
      %add3A_1228 = arith.constant 6 : i32
      %add3A_1229 = arith.addi %mul3A_1227, %add3A_1228 : i32
      %get3A_1230 = arith.index_cast %add3A_1229 : i32 to index
      %get3A_1231 = arith.constant 80 : index
      %get3A_1232 = tpu.vector_load %arg14[%get3A_1230, %get3A_1231] {strides = array<i32>} : memref<288x128xf32, #tpu.memory_space<vmem>>, vector<16xf32>,
      %add3A_1233 = arith.addf %add3A_1225, %get3A_1232 : vector<16xf32>
      %mul3A_1234 = arith.constant 16 : i32
      %mul3A_1235 = arith.muli %scan3A_529, %mul3A_1234 : i32
      %add3A_1236 = arith.constant 7 : i32
      %add3A_1237 = arith.addi %mul3A_1235, %add3A_1236 : i32
      %get3A_1238 = arith.index_cast %add3A_1237 : i32 to index
      %get3A_1239 = arith.constant 80 : index
      %get3A_1240 = tpu.vector_load %arg14[%get3A_1238, %get3A_1239] {strides = array<i32>} : memref<288x128xf32, #tpu.memory_space<vmem>>, vector<16xf32>,
      %add3A_1241 = arith.addf %add3A_1233, %get3A_1240 : vector<16xf32>
      %mul3A_1242 = arith.constant 16 : i32
      %mul3A_1243 = arith.muli %scan3A_529, %mul3A_1242 : i32
      %add3A_1244 = arith.constant 8 : i32
      %add3A_1245 = arith.addi %mul3A_1243, %add3A_1244 : i32
      %get3A_1246 = arith.index_cast %add3A_1245 : i32 to index
      %get3A_1247 = arith.constant 80 : index
      %get3A_1248 = tpu.vector_load %arg14[%get3A_1246, %get3A_1247] {strides = array<i32>} : memref<288x128xf32, #tpu.memory_space<vmem>>, vector<16xf32>,
      %add3A_1249 = arith.addf %add3A_1241, %get3A_1248 : vector<16xf32>
      %mul3A_1250 = arith.constant 16 : i32
      %mul3A_1251 = arith.muli %scan3A_529, %mul3A_1250 : i32
      %add3A_1252 = arith.constant 9 : i32
      %add3A_1253 = arith.addi %mul3A_1251, %add3A_1252 : i32
      %get3A_1254 = arith.index_cast %add3A_1253 : i32 to index
      %get3A_1255 = arith.constant 80 : index
      %get3A_1256 = tpu.vector_load %arg14[%get3A_1254, %get3A_1255] {strides = array<i32>} : memref<288x128xf32, #tpu.memory_space<vmem>>, vector<16xf32>,
      %add3A_1257 = arith.addf %add3A_1249, %get3A_1256 : vector<16xf32>
      %mul3A_1258 = arith.constant 16 : i32
      %mul3A_1259 = arith.muli %scan3A_529, %mul3A_1258 : i32
      %add3A_1260 = arith.constant 10 : i32
      %add3A_1261 = arith.addi %mul3A_1259, %add3A_1260 : i32
      %get3A_1262 = arith.index_cast %add3A_1261 : i32 to index
      %get3A_1263 = arith.constant 80 : index
      %get3A_1264 = tpu.vector_load %arg14[%get3A_1262, %get3A_1263] {strides = array<i32>} : memref<288x128xf32, #tpu.memory_space<vmem>>, vector<16xf32>,
      %add3A_1265 = arith.addf %add3A_1257, %get3A_1264 : vector<16xf32>
      %mul3A_1266 = arith.constant 16 : i32
      %mul3A_1267 = arith.muli %scan3A_529, %mul3A_1266 : i32
      %add3A_1268 = arith.constant 11 : i32
      %add3A_1269 = arith.addi %mul3A_1267, %add3A_1268 : i32
      %get3A_1270 = arith.index_cast %add3A_1269 : i32 to index
      %get3A_1271 = arith.constant 80 : index
      %get3A_1272 = tpu.vector_load %arg14[%get3A_1270, %get3A_1271] {strides = array<i32>} : memref<288x128xf32, #tpu.memory_space<vmem>>, vector<16xf32>,
      %add3A_1273 = arith.addf %add3A_1265, %get3A_1272 : vector<16xf32>
      %mul3A_1274 = arith.constant 16 : i32
      %mul3A_1275 = arith.muli %scan3A_529, %mul3A_1274 : i32
      %add3A_1276 = arith.constant 12 : i32
      %add3A_1277 = arith.addi %mul3A_1275, %add3A_1276 : i32
      %get3A_1278 = arith.index_cast %add3A_1277 : i32 to index
      %get3A_1279 = arith.constant 80 : index
      %get3A_1280 = tpu.vector_load %arg14[%get3A_1278, %get3A_1279] {strides = array<i32>} : memref<288x128xf32, #tpu.memory_space<vmem>>, vector<16xf32>,
      %add3A_1281 = arith.addf %add3A_1273, %get3A_1280 : vector<16xf32>
      %mul3A_1282 = arith.constant 16 : i32
      %mul3A_1283 = arith.muli %scan3A_529, %mul3A_1282 : i32
      %add3A_1284 = arith.constant 13 : i32
      %add3A_1285 = arith.addi %mul3A_1283, %add3A_1284 : i32
      %get3A_1286 = arith.index_cast %add3A_1285 : i32 to index
      %get3A_1287 = arith.constant 80 : index
      %get3A_1288 = tpu.vector_load %arg14[%get3A_1286, %get3A_1287] {strides = array<i32>} : memref<288x128xf32, #tpu.memory_space<vmem>>, vector<16xf32>,
      %add3A_1289 = arith.addf %add3A_1281, %get3A_1288 : vector<16xf32>
      %mul3A_1290 = arith.constant 16 : i32
      %mul3A_1291 = arith.muli %scan3A_529, %mul3A_1290 : i32
      %add3A_1292 = arith.constant 14 : i32
      %add3A_1293 = arith.addi %mul3A_1291, %add3A_1292 : i32
      %get3A_1294 = arith.index_cast %add3A_1293 : i32 to index
      %get3A_1295 = arith.constant 80 : index
      %get3A_1296 = tpu.vector_load %arg14[%get3A_1294, %get3A_1295] {strides = array<i32>} : memref<288x128xf32, #tpu.memory_space<vmem>>, vector<16xf32>,
      %add3A_1297 = arith.addf %add3A_1289, %get3A_1296 : vector<16xf32>
      %mul3A_1298 = arith.constant 16 : i32
      %mul3A_1299 = arith.muli %scan3A_529, %mul3A_1298 : i32
      %add3A_1300 = arith.constant 15 : i32
      %add3A_1301 = arith.addi %mul3A_1299, %add3A_1300 : i32
      %get3A_1302 = arith.index_cast %add3A_1301 : i32 to index
      %get3A_1303 = arith.constant 80 : index
      %get3A_1304 = tpu.vector_load %arg14[%get3A_1302, %get3A_1303] {strides = array<i32>} : memref<288x128xf32, #tpu.memory_space<vmem>>, vector<16xf32>,
      %add3A_1305 = arith.addf %add3A_1297, %get3A_1304 : vector<16xf32>
      %add3A_1306 = arith.constant 18 : i32
      %add3A_1307 = arith.addi %add3A_1306, %scan3A_529 : i32
      %swap3A_1308 = arith.index_cast %add3A_1307 : i32 to index
      %swap3A_1309 = arith.constant 80 : index
      %swap3A_1310 = tpu.vector_load %arg16[%swap3A_1308, %swap3A_1309] {strides = array<i32>} : memref<72x128xf32, #tpu.memory_space<vmem>>, vector<16xf32>,
      tpu.vector_store %arg16[%swap3A_1308, %swap3A_1309], %add3A_1305 {strides = array<i32>} : memref<72x128xf32, #tpu.memory_space<vmem>>, vector<16xf32>,
      %mul3A_1311 = arith.constant 16 : i32
      %mul3A_1312 = arith.muli %scan3A_529, %mul3A_1311 : i32
      %get3A_1313 = arith.index_cast %mul3A_1312 : i32 to index
      %get3A_1314 = arith.constant 96 : index
      %get3A_1315 = tpu.vector_load %arg14[%get3A_1313, %get3A_1314] {strides = array<i32>} : memref<288x128xf32, #tpu.memory_space<vmem>>, vector<16xf32>,
      %mul3A_1316 = arith.constant 16 : i32
      %mul3A_1317 = arith.muli %scan3A_529, %mul3A_1316 : i32
      %add3A_1318 = arith.constant 1 : i32
      %add3A_1319 = arith.addi %mul3A_1317, %add3A_1318 : i32
      %get3A_1320 = arith.index_cast %add3A_1319 : i32 to index
      %get3A_1321 = arith.constant 96 : index
      %get3A_1322 = tpu.vector_load %arg14[%get3A_1320, %get3A_1321] {strides = array<i32>} : memref<288x128xf32, #tpu.memory_space<vmem>>, vector<16xf32>,
      %add3A_1323 = arith.addf %get3A_1315, %get3A_1322 : vector<16xf32>
      %mul3A_1324 = arith.constant 16 : i32
      %mul3A_1325 = arith.muli %scan3A_529, %mul3A_1324 : i32
      %add3A_1326 = arith.constant 2 : i32
      %add3A_1327 = arith.addi %mul3A_1325, %add3A_1326 : i32
      %get3A_1328 = arith.index_cast %add3A_1327 : i32 to index
      %get3A_1329 = arith.constant 96 : index
      %get3A_1330 = tpu.vector_load %arg14[%get3A_1328, %get3A_1329] {strides = array<i32>} : memref<288x128xf32, #tpu.memory_space<vmem>>, vector<16xf32>,
      %add3A_1331 = arith.addf %add3A_1323, %get3A_1330 : vector<16xf32>
      %mul3A_1332 = arith.constant 16 : i32
      %mul3A_1333 = arith.muli %scan3A_529, %mul3A_1332 : i32
      %add3A_1334 = arith.constant 3 : i32
      %add3A_1335 = arith.addi %mul3A_1333, %add3A_1334 : i32
      %get3A_1336 = arith.index_cast %add3A_1335 : i32 to index
      %get3A_1337 = arith.constant 96 : index
      %get3A_1338 = tpu.vector_load %arg14[%get3A_1336, %get3A_1337] {strides = array<i32>} : memref<288x128xf32, #tpu.memory_space<vmem>>, vector<16xf32>,
      %add3A_1339 = arith.addf %add3A_1331, %get3A_1338 : vector<16xf32>
      %mul3A_1340 = arith.constant 16 : i32
      %mul3A_1341 = arith.muli %scan3A_529, %mul3A_1340 : i32
      %add3A_1342 = arith.constant 4 : i32
      %add3A_1343 = arith.addi %mul3A_1341, %add3A_1342 : i32
      %get3A_1344 = arith.index_cast %add3A_1343 : i32 to index
      %get3A_1345 = arith.constant 96 : index
      %get3A_1346 = tpu.vector_load %arg14[%get3A_1344, %get3A_1345] {strides = array<i32>} : memref<288x128xf32, #tpu.memory_space<vmem>>, vector<16xf32>,
      %add3A_1347 = arith.addf %add3A_1339, %get3A_1346 : vector<16xf32>
      %mul3A_1348 = arith.constant 16 : i32
      %mul3A_1349 = arith.muli %scan3A_529, %mul3A_1348 : i32
      %add3A_1350 = arith.constant 5 : i32
      %add3A_1351 = arith.addi %mul3A_1349, %add3A_1350 : i32
      %get3A_1352 = arith.index_cast %add3A_1351 : i32 to index
      %get3A_1353 = arith.constant 96 : index
      %get3A_1354 = tpu.vector_load %arg14[%get3A_1352, %get3A_1353] {strides = array<i32>} : memref<288x128xf32, #tpu.memory_space<vmem>>, vector<16xf32>,
      %add3A_1355 = arith.addf %add3A_1347, %get3A_1354 : vector<16xf32>
      %mul3A_1356 = arith.constant 16 : i32
      %mul3A_1357 = arith.muli %scan3A_529, %mul3A_1356 : i32
      %add3A_1358 = arith.constant 6 : i32
      %add3A_1359 = arith.addi %mul3A_1357, %add3A_1358 : i32
      %get3A_1360 = arith.index_cast %add3A_1359 : i32 to index
      %get3A_1361 = arith.constant 96 : index
      %get3A_1362 = tpu.vector_load %arg14[%get3A_1360, %get3A_1361] {strides = array<i32>} : memref<288x128xf32, #tpu.memory_space<vmem>>, vector<16xf32>,
      %add3A_1363 = arith.addf %add3A_1355, %get3A_1362 : vector<16xf32>
      %mul3A_1364 = arith.constant 16 : i32
      %mul3A_1365 = arith.muli %scan3A_529, %mul3A_1364 : i32
      %add3A_1366 = arith.constant 7 : i32
      %add3A_1367 = arith.addi %mul3A_1365, %add3A_1366 : i32
      %get3A_1368 = arith.index_cast %add3A_1367 : i32 to index
      %get3A_1369 = arith.constant 96 : index
      %get3A_1370 = tpu.vector_load %arg14[%get3A_1368, %get3A_1369] {strides = array<i32>} : memref<288x128xf32, #tpu.memory_space<vmem>>, vector<16xf32>,
      %add3A_1371 = arith.addf %add3A_1363, %get3A_1370 : vector<16xf32>
      %mul3A_1372 = arith.constant 16 : i32
      %mul3A_1373 = arith.muli %scan3A_529, %mul3A_1372 : i32
      %add3A_1374 = arith.constant 8 : i32
      %add3A_1375 = arith.addi %mul3A_1373, %add3A_1374 : i32
      %get3A_1376 = arith.index_cast %add3A_1375 : i32 to index
      %get3A_1377 = arith.constant 96 : index
      %get3A_1378 = tpu.vector_load %arg14[%get3A_1376, %get3A_1377] {strides = array<i32>} : memref<288x128xf32, #tpu.memory_space<vmem>>, vector<16xf32>,
      %add3A_1379 = arith.addf %add3A_1371, %get3A_1378 : vector<16xf32>
      %mul3A_1380 = arith.constant 16 : i32
      %mul3A_1381 = arith.muli %scan3A_529, %mul3A_1380 : i32
      %add3A_1382 = arith.constant 9 : i32
      %add3A_1383 = arith.addi %mul3A_1381, %add3A_1382 : i32
      %get3A_1384 = arith.index_cast %add3A_1383 : i32 to index
      %get3A_1385 = arith.constant 96 : index
      %get3A_1386 = tpu.vector_load %arg14[%get3A_1384, %get3A_1385] {strides = array<i32>} : memref<288x128xf32, #tpu.memory_space<vmem>>, vector<16xf32>,
      %add3A_1387 = arith.addf %add3A_1379, %get3A_1386 : vector<16xf32>
      %mul3A_1388 = arith.constant 16 : i32
      %mul3A_1389 = arith.muli %scan3A_529, %mul3A_1388 : i32
      %add3A_1390 = arith.constant 10 : i32
      %add3A_1391 = arith.addi %mul3A_1389, %add3A_1390 : i32
      %get3A_1392 = arith.index_cast %add3A_1391 : i32 to index
      %get3A_1393 = arith.constant 96 : index
      %get3A_1394 = tpu.vector_load %arg14[%get3A_1392, %get3A_1393] {strides = array<i32>} : memref<288x128xf32, #tpu.memory_space<vmem>>, vector<16xf32>,
      %add3A_1395 = arith.addf %add3A_1387, %get3A_1394 : vector<16xf32>
      %mul3A_1396 = arith.constant 16 : i32
      %mul3A_1397 = arith.muli %scan3A_529, %mul3A_1396 : i32
      %add3A_1398 = arith.constant 11 : i32
      %add3A_1399 = arith.addi %mul3A_1397, %add3A_1398 : i32
      %get3A_1400 = arith.index_cast %add3A_1399 : i32 to index
      %get3A_1401 = arith.constant 96 : index
      %get3A_1402 = tpu.vector_load %arg14[%get3A_1400, %get3A_1401] {strides = array<i32>} : memref<288x128xf32, #tpu.memory_space<vmem>>, vector<16xf32>,
      %add3A_1403 = arith.addf %add3A_1395, %get3A_1402 : vector<16xf32>
      %mul3A_1404 = arith.constant 16 : i32
      %mul3A_1405 = arith.muli %scan3A_529, %mul3A_1404 : i32
      %add3A_1406 = arith.constant 12 : i32
      %add3A_1407 = arith.addi %mul3A_1405, %add3A_1406 : i32
      %get3A_1408 = arith.index_cast %add3A_1407 : i32 to index
      %get3A_1409 = arith.constant 96 : index
      %get3A_1410 = tpu.vector_load %arg14[%get3A_1408, %get3A_1409] {strides = array<i32>} : memref<288x128xf32, #tpu.memory_space<vmem>>, vector<16xf32>,
      %add3A_1411 = arith.addf %add3A_1403, %get3A_1410 : vector<16xf32>
      %mul3A_1412 = arith.constant 16 : i32
      %mul3A_1413 = arith.muli %scan3A_529, %mul3A_1412 : i32
      %add3A_1414 = arith.constant 13 : i32
      %add3A_1415 = arith.addi %mul3A_1413, %add3A_1414 : i32
      %get3A_1416 = arith.index_cast %add3A_1415 : i32 to index
      %get3A_1417 = arith.constant 96 : index
      %get3A_1418 = tpu.vector_load %arg14[%get3A_1416, %get3A_1417] {strides = array<i32>} : memref<288x128xf32, #tpu.memory_space<vmem>>, vector<16xf32>,
      %add3A_1419 = arith.addf %add3A_1411, %get3A_1418 : vector<16xf32>
      %mul3A_1420 = arith.constant 16 : i32
      %mul3A_1421 = arith.muli %scan3A_529, %mul3A_1420 : i32
      %add3A_1422 = arith.constant 14 : i32
      %add3A_1423 = arith.addi %mul3A_1421, %add3A_1422 : i32
      %get3A_1424 = arith.index_cast %add3A_1423 : i32 to index
      %get3A_1425 = arith.constant 96 : index
      %get3A_1426 = tpu.vector_load %arg14[%get3A_1424, %get3A_1425] {strides = array<i32>} : memref<288x128xf32, #tpu.memory_space<vmem>>, vector<16xf32>,
      %add3A_1427 = arith.addf %add3A_1419, %get3A_1426 : vector<16xf32>
      %mul3A_1428 = arith.constant 16 : i32
      %mul3A_1429 = arith.muli %scan3A_529, %mul3A_1428 : i32
      %add3A_1430 = arith.constant 15 : i32
      %add3A_1431 = arith.addi %mul3A_1429, %add3A_1430 : i32
      %get3A_1432 = arith.index_cast %add3A_1431 : i32 to index
      %get3A_1433 = arith.constant 96 : index
      %get3A_1434 = tpu.vector_load %arg14[%get3A_1432, %get3A_1433] {strides = array<i32>} : memref<288x128xf32, #tpu.memory_space<vmem>>, vector<16xf32>,
      %add3A_1435 = arith.addf %add3A_1427, %get3A_1434 : vector<16xf32>
      %add3A_1436 = arith.constant 18 : i32
      %add3A_1437 = arith.addi %add3A_1436, %scan3A_529 : i32
      %swap3A_1438 = arith.index_cast %add3A_1437 : i32 to index
      %swap3A_1439 = arith.constant 96 : index
      %swap3A_1440 = tpu.vector_load %arg16[%swap3A_1438, %swap3A_1439] {strides = array<i32>} : memref<72x128xf32, #tpu.memory_space<vmem>>, vector<16xf32>,
      tpu.vector_store %arg16[%swap3A_1438, %swap3A_1439], %add3A_1435 {strides = array<i32>} : memref<72x128xf32, #tpu.memory_space<vmem>>, vector<16xf32>,
      %mul3A_1441 = arith.constant 16 : i32
      %mul3A_1442 = arith.muli %scan3A_529, %mul3A_1441 : i32
      %get3A_1443 = arith.index_cast %mul3A_1442 : i32 to index
      %get3A_1444 = arith.constant 112 : index
      %get3A_1445 = tpu.vector_load %arg14[%get3A_1443, %get3A_1444] {strides = array<i32>} : memref<288x128xf32, #tpu.memory_space<vmem>>, vector<16xf32>,
      %mul3A_1446 = arith.constant 16 : i32
      %mul3A_1447 = arith.muli %scan3A_529, %mul3A_1446 : i32
      %add3A_1448 = arith.constant 1 : i32
      %add3A_1449 = arith.addi %mul3A_1447, %add3A_1448 : i32
      %get3A_1450 = arith.index_cast %add3A_1449 : i32 to index
      %get3A_1451 = arith.constant 112 : index
      %get3A_1452 = tpu.vector_load %arg14[%get3A_1450, %get3A_1451] {strides = array<i32>} : memref<288x128xf32, #tpu.memory_space<vmem>>, vector<16xf32>,
      %add3A_1453 = arith.addf %get3A_1445, %get3A_1452 : vector<16xf32>
      %mul3A_1454 = arith.constant 16 : i32
      %mul3A_1455 = arith.muli %scan3A_529, %mul3A_1454 : i32
      %add3A_1456 = arith.constant 2 : i32
      %add3A_1457 = arith.addi %mul3A_1455, %add3A_1456 : i32
      %get3A_1458 = arith.index_cast %add3A_1457 : i32 to index
      %get3A_1459 = arith.constant 112 : index
      %get3A_1460 = tpu.vector_load %arg14[%get3A_1458, %get3A_1459] {strides = array<i32>} : memref<288x128xf32, #tpu.memory_space<vmem>>, vector<16xf32>,
      %add3A_1461 = arith.addf %add3A_1453, %get3A_1460 : vector<16xf32>
      %mul3A_1462 = arith.constant 16 : i32
      %mul3A_1463 = arith.muli %scan3A_529, %mul3A_1462 : i32
      %add3A_1464 = arith.constant 3 : i32
      %add3A_1465 = arith.addi %mul3A_1463, %add3A_1464 : i32
      %get3A_1466 = arith.index_cast %add3A_1465 : i32 to index
      %get3A_1467 = arith.constant 112 : index
      %get3A_1468 = tpu.vector_load %arg14[%get3A_1466, %get3A_1467] {strides = array<i32>} : memref<288x128xf32, #tpu.memory_space<vmem>>, vector<16xf32>,
      %add3A_1469 = arith.addf %add3A_1461, %get3A_1468 : vector<16xf32>
      %mul3A_1470 = arith.constant 16 : i32
      %mul3A_1471 = arith.muli %scan3A_529, %mul3A_1470 : i32
      %add3A_1472 = arith.constant 4 : i32
      %add3A_1473 = arith.addi %mul3A_1471, %add3A_1472 : i32
      %get3A_1474 = arith.index_cast %add3A_1473 : i32 to index
      %get3A_1475 = arith.constant 112 : index
      %get3A_1476 = tpu.vector_load %arg14[%get3A_1474, %get3A_1475] {strides = array<i32>} : memref<288x128xf32, #tpu.memory_space<vmem>>, vector<16xf32>,
      %add3A_1477 = arith.addf %add3A_1469, %get3A_1476 : vector<16xf32>
      %mul3A_1478 = arith.constant 16 : i32
      %mul3A_1479 = arith.muli %scan3A_529, %mul3A_1478 : i32
      %add3A_1480 = arith.constant 5 : i32
      %add3A_1481 = arith.addi %mul3A_1479, %add3A_1480 : i32
      %get3A_1482 = arith.index_cast %add3A_1481 : i32 to index
      %get3A_1483 = arith.constant 112 : index
      %get3A_1484 = tpu.vector_load %arg14[%get3A_1482, %get3A_1483] {strides = array<i32>} : memref<288x128xf32, #tpu.memory_space<vmem>>, vector<16xf32>,
      %add3A_1485 = arith.addf %add3A_1477, %get3A_1484 : vector<16xf32>
      %mul3A_1486 = arith.constant 16 : i32
      %mul3A_1487 = arith.muli %scan3A_529, %mul3A_1486 : i32
      %add3A_1488 = arith.constant 6 : i32
      %add3A_1489 = arith.addi %mul3A_1487, %add3A_1488 : i32
      %get3A_1490 = arith.index_cast %add3A_1489 : i32 to index
      %get3A_1491 = arith.constant 112 : index
      %get3A_1492 = tpu.vector_load %arg14[%get3A_1490, %get3A_1491] {strides = array<i32>} : memref<288x128xf32, #tpu.memory_space<vmem>>, vector<16xf32>,
      %add3A_1493 = arith.addf %add3A_1485, %get3A_1492 : vector<16xf32>
      %mul3A_1494 = arith.constant 16 : i32
      %mul3A_1495 = arith.muli %scan3A_529, %mul3A_1494 : i32
      %add3A_1496 = arith.constant 7 : i32
      %add3A_1497 = arith.addi %mul3A_1495, %add3A_1496 : i32
      %get3A_1498 = arith.index_cast %add3A_1497 : i32 to index
      %get3A_1499 = arith.constant 112 : index
      %get3A_1500 = tpu.vector_load %arg14[%get3A_1498, %get3A_1499] {strides = array<i32>} : memref<288x128xf32, #tpu.memory_space<vmem>>, vector<16xf32>,
      %add3A_1501 = arith.addf %add3A_1493, %get3A_1500 : vector<16xf32>
      %mul3A_1502 = arith.constant 16 : i32
      %mul3A_1503 = arith.muli %scan3A_529, %mul3A_1502 : i32
      %add3A_1504 = arith.constant 8 : i32
      %add3A_1505 = arith.addi %mul3A_1503, %add3A_1504 : i32
      %get3A_1506 = arith.index_cast %add3A_1505 : i32 to index
      %get3A_1507 = arith.constant 112 : index
      %get3A_1508 = tpu.vector_load %arg14[%get3A_1506, %get3A_1507] {strides = array<i32>} : memref<288x128xf32, #tpu.memory_space<vmem>>, vector<16xf32>,
      %add3A_1509 = arith.addf %add3A_1501, %get3A_1508 : vector<16xf32>
      %mul3A_1510 = arith.constant 16 : i32
      %mul3A_1511 = arith.muli %scan3A_529, %mul3A_1510 : i32
      %add3A_1512 = arith.constant 9 : i32
      %add3A_1513 = arith.addi %mul3A_1511, %add3A_1512 : i32
      %get3A_1514 = arith.index_cast %add3A_1513 : i32 to index
      %get3A_1515 = arith.constant 112 : index
      %get3A_1516 = tpu.vector_load %arg14[%get3A_1514, %get3A_1515] {strides = array<i32>} : memref<288x128xf32, #tpu.memory_space<vmem>>, vector<16xf32>,
      %add3A_1517 = arith.addf %add3A_1509, %get3A_1516 : vector<16xf32>
      %mul3A_1518 = arith.constant 16 : i32
      %mul3A_1519 = arith.muli %scan3A_529, %mul3A_1518 : i32
      %add3A_1520 = arith.constant 10 : i32
      %add3A_1521 = arith.addi %mul3A_1519, %add3A_1520 : i32
      %get3A_1522 = arith.index_cast %add3A_1521 : i32 to index
      %get3A_1523 = arith.constant 112 : index
      %get3A_1524 = tpu.vector_load %arg14[%get3A_1522, %get3A_1523] {strides = array<i32>} : memref<288x128xf32, #tpu.memory_space<vmem>>, vector<16xf32>,
      %add3A_1525 = arith.addf %add3A_1517, %get3A_1524 : vector<16xf32>
      %mul3A_1526 = arith.constant 16 : i32
      %mul3A_1527 = arith.muli %scan3A_529, %mul3A_1526 : i32
      %add3A_1528 = arith.constant 11 : i32
      %add3A_1529 = arith.addi %mul3A_1527, %add3A_1528 : i32
      %get3A_1530 = arith.index_cast %add3A_1529 : i32 to index
      %get3A_1531 = arith.constant 112 : index
      %get3A_1532 = tpu.vector_load %arg14[%get3A_1530, %get3A_1531] {strides = array<i32>} : memref<288x128xf32, #tpu.memory_space<vmem>>, vector<16xf32>,
      %add3A_1533 = arith.addf %add3A_1525, %get3A_1532 : vector<16xf32>
      %mul3A_1534 = arith.constant 16 : i32
      %mul3A_1535 = arith.muli %scan3A_529, %mul3A_1534 : i32
      %add3A_1536 = arith.constant 12 : i32
      %add3A_1537 = arith.addi %mul3A_1535, %add3A_1536 : i32
      %get3A_1538 = arith.index_cast %add3A_1537 : i32 to index
      %get3A_1539 = arith.constant 112 : index
      %get3A_1540 = tpu.vector_load %arg14[%get3A_1538, %get3A_1539] {strides = array<i32>} : memref<288x128xf32, #tpu.memory_space<vmem>>, vector<16xf32>,
      %add3A_1541 = arith.addf %add3A_1533, %get3A_1540 : vector<16xf32>
      %mul3A_1542 = arith.constant 16 : i32
      %mul3A_1543 = arith.muli %scan3A_529, %mul3A_1542 : i32
      %add3A_1544 = arith.constant 13 : i32
      %add3A_1545 = arith.addi %mul3A_1543, %add3A_1544 : i32
      %get3A_1546 = arith.index_cast %add3A_1545 : i32 to index
      %get3A_1547 = arith.constant 112 : index
      %get3A_1548 = tpu.vector_load %arg14[%get3A_1546, %get3A_1547] {strides = array<i32>} : memref<288x128xf32, #tpu.memory_space<vmem>>, vector<16xf32>,
      %add3A_1549 = arith.addf %add3A_1541, %get3A_1548 : vector<16xf32>
      %mul3A_1550 = arith.constant 16 : i32
      %mul3A_1551 = arith.muli %scan3A_529, %mul3A_1550 : i32
      %add3A_1552 = arith.constant 14 : i32
      %add3A_1553 = arith.addi %mul3A_1551, %add3A_1552 : i32
      %get3A_1554 = arith.index_cast %add3A_1553 : i32 to index
      %get3A_1555 = arith.constant 112 : index
      %get3A_1556 = tpu.vector_load %arg14[%get3A_1554, %get3A_1555] {strides = array<i32>} : memref<288x128xf32, #tpu.memory_space<vmem>>, vector<16xf32>,
      %add3A_1557 = arith.addf %add3A_1549, %get3A_1556 : vector<16xf32>
      %mul3A_1558 = arith.constant 16 : i32
      %mul3A_1559 = arith.muli %scan3A_529, %mul3A_1558 : i32
      %add3A_1560 = arith.constant 15 : i32
      %add3A_1561 = arith.addi %mul3A_1559, %add3A_1560 : i32
      %get3A_1562 = arith.index_cast %add3A_1561 : i32 to index
      %get3A_1563 = arith.constant 112 : index
      %get3A_1564 = tpu.vector_load %arg14[%get3A_1562, %get3A_1563] {strides = array<i32>} : memref<288x128xf32, #tpu.memory_space<vmem>>, vector<16xf32>,
      %add3A_1565 = arith.addf %add3A_1557, %get3A_1564 : vector<16xf32>
      %add3A_1566 = arith.constant 18 : i32
      %add3A_1567 = arith.addi %add3A_1566, %scan3A_529 : i32
      %swap3A_1568 = arith.index_cast %add3A_1567 : i32 to index
      %swap3A_1569 = arith.constant 112 : index
      %swap3A_1570 = tpu.vector_load %arg16[%swap3A_1568, %swap3A_1569] {strides = array<i32>} : memref<72x128xf32, #tpu.memory_space<vmem>>, vector<16xf32>,
      tpu.vector_store %arg16[%swap3A_1568, %swap3A_1569], %add3A_1565 {strides = array<i32>} : memref<72x128xf32, #tpu.memory_space<vmem>>, vector<16xf32>,
      %scan3A_1571 = arith.constant 0 : i32
      scf.yield %scan3A_1571 : i32
    }
    %scan3A_488 = arith.constant 18 : i32
    %dma_start3A_489 = arith.constant 864 : i32
    %dma_start3A_490 = tpu.memref_slice %arg11[%dma_start3A_489] : memref<1152xi32, #tpu.memory_space<vmem>> -> memref<288xi32, #tpu.memory_space<vmem>>
    %dma_start3A_491 = arith.constant 0 : i32
    %dma_start3A_492 = arith.constant 0 : i32
    %dma_start3A_493 = tpu.memref_slice %arg4[%dma_start3A_491, %dma_start3A_492] : memref<100000x128xf32, #tpu.memory_space<hbm>> -> memref<100000x128xf32, #tpu.memory_space<hbm>>
    tpu.enqueue_indirect_dma source(%dma_start3A_493 : memref<100000x128xf32, #tpu.memory_space<hbm>>) target(%arg14 : memref<288x128xf32, #tpu.memory_space<vmem>>) offsets(%dma_start3A_490 : memref<288xi32, #tpu.memory_space<vmem>>) semaphore(%arg20 : memref<!tpu.dma_semaphore, #tpu.memory_space<semaphore_mem>>)
    %dma_wait3A_494 = arith.constant 576 : i32
    %dma_wait3A_495 = tpu.memref_slice %arg11[%dma_wait3A_494] : memref<1152xi32, #tpu.memory_space<vmem>> -> memref<288xi32, #tpu.memory_space<vmem>>
    %dma_wait3A_496 = arith.constant 0 : i32
    %dma_wait3A_497 = arith.constant 0 : i32
    %dma_wait3A_498 = tpu.memref_slice %arg4[%dma_wait3A_496, %dma_wait3A_497] : memref<100000x128xf32, #tpu.memory_space<hbm>> -> memref<100000x128xf32, #tpu.memory_space<hbm>>
    tpu.wait_indirect_dma semaphore(%arg19 : memref<!tpu.dma_semaphore, #tpu.memory_space<semaphore_mem>>) src(%dma_wait3A_498 : memref<100000x128xf32, #tpu.memory_space<hbm>>) dst(%arg13 : memref<288x128xf32, #tpu.memory_space<vmem>>)
    %scan3A_499 = arith.constant 0 : i32
    %scan3A_500 = arith.constant 0 : i32
    %scan3A_501 = arith.constant 18 : i32
    %scan3A_502 = arith.addi %scan3A_500, %scan3A_501 : i32
    %scan3A_503 = arith.constant 1 : i32
    %scan3A_504 = scf.for %scan3A_529 = %scan3A_500 to %scan3A_502 step %scan3A_503 iter_args(%scan3A_530 = %scan3A_499) -> (i32)  : i32 {
      %mul3A_531 = arith.constant 16 : i32
      %mul3A_532 = arith.muli %scan3A_529, %mul3A_531 : i32
      %get3A_533 = arith.index_cast %mul3A_532 : i32 to index
      %get3A_534 = arith.constant 0 : index
      %get3A_535 = tpu.vector_load %arg13[%get3A_533, %get3A_534] {strides = array<i32>} : memref<288x128xf32, #tpu.memory_space<vmem>>, vector<16xf32>,
      %mul3A_536 = arith.constant 16 : i32
      %mul3A_537 = arith.muli %scan3A_529, %mul3A_536 : i32
      %add3A_538 = arith.constant 1 : i32
      %add3A_539 = arith.addi %mul3A_537, %add3A_538 : i32
      %get3A_540 = arith.index_cast %add3A_539 : i32 to index
      %get3A_541 = arith.constant 0 : index
      %get3A_542 = tpu.vector_load %arg13[%get3A_540, %get3A_541] {strides = array<i32>} : memref<288x128xf32, #tpu.memory_space<vmem>>, vector<16xf32>,
      %add3A_543 = arith.addf %get3A_535, %get3A_542 : vector<16xf32>
      %mul3A_544 = arith.constant 16 : i32
      %mul3A_545 = arith.muli %scan3A_529, %mul3A_544 : i32
      %add3A_546 = arith.constant 2 : i32
      %add3A_547 = arith.addi %mul3A_545, %add3A_546 : i32
      %get3A_548 = arith.index_cast %add3A_547 : i32 to index
      %get3A_549 = arith.constant 0 : index
      %get3A_550 = tpu.vector_load %arg13[%get3A_548, %get3A_549] {strides = array<i32>} : memref<288x128xf32, #tpu.memory_space<vmem>>, vector<16xf32>,
      %add3A_551 = arith.addf %add3A_543, %get3A_550 : vector<16xf32>
      %mul3A_552 = arith.constant 16 : i32
      %mul3A_553 = arith.muli %scan3A_529, %mul3A_552 : i32
      %add3A_554 = arith.constant 3 : i32
      %add3A_555 = arith.addi %mul3A_553, %add3A_554 : i32
      %get3A_556 = arith.index_cast %add3A_555 : i32 to index
      %get3A_557 = arith.constant 0 : index
      %get3A_558 = tpu.vector_load %arg13[%get3A_556, %get3A_557] {strides = array<i32>} : memref<288x128xf32, #tpu.memory_space<vmem>>, vector<16xf32>,
      %add3A_559 = arith.addf %add3A_551, %get3A_558 : vector<16xf32>
      %mul3A_560 = arith.constant 16 : i32
      %mul3A_561 = arith.muli %scan3A_529, %mul3A_560 : i32
      %add3A_562 = arith.constant 4 : i32
      %add3A_563 = arith.addi %mul3A_561, %add3A_562 : i32
      %get3A_564 = arith.index_cast %add3A_563 : i32 to index
      %get3A_565 = arith.constant 0 : index
      %get3A_566 = tpu.vector_load %arg13[%get3A_564, %get3A_565] {strides = array<i32>} : memref<288x128xf32, #tpu.memory_space<vmem>>, vector<16xf32>,
      %add3A_567 = arith.addf %add3A_559, %get3A_566 : vector<16xf32>
      %mul3A_568 = arith.constant 16 : i32
      %mul3A_569 = arith.muli %scan3A_529, %mul3A_568 : i32
      %add3A_570 = arith.constant 5 : i32
      %add3A_571 = arith.addi %mul3A_569, %add3A_570 : i32
      %get3A_572 = arith.index_cast %add3A_571 : i32 to index
      %get3A_573 = arith.constant 0 : index
      %get3A_574 = tpu.vector_load %arg13[%get3A_572, %get3A_573] {strides = array<i32>} : memref<288x128xf32, #tpu.memory_space<vmem>>, vector<16xf32>,
      %add3A_575 = arith.addf %add3A_567, %get3A_574 : vector<16xf32>
      %mul3A_576 = arith.constant 16 : i32
      %mul3A_577 = arith.muli %scan3A_529, %mul3A_576 : i32
      %add3A_578 = arith.constant 6 : i32
      %add3A_579 = arith.addi %mul3A_577, %add3A_578 : i32
      %get3A_580 = arith.index_cast %add3A_579 : i32 to index
      %get3A_581 = arith.constant 0 : index
      %get3A_582 = tpu.vector_load %arg13[%get3A_580, %get3A_581] {strides = array<i32>} : memref<288x128xf32, #tpu.memory_space<vmem>>, vector<16xf32>,
      %add3A_583 = arith.addf %add3A_575, %get3A_582 : vector<16xf32>
      %mul3A_584 = arith.constant 16 : i32
      %mul3A_585 = arith.muli %scan3A_529, %mul3A_584 : i32
      %add3A_586 = arith.constant 7 : i32
      %add3A_587 = arith.addi %mul3A_585, %add3A_586 : i32
      %get3A_588 = arith.index_cast %add3A_587 : i32 to index
      %get3A_589 = arith.constant 0 : index
      %get3A_590 = tpu.vector_load %arg13[%get3A_588, %get3A_589] {strides = array<i32>} : memref<288x128xf32, #tpu.memory_space<vmem>>, vector<16xf32>,
      %add3A_591 = arith.addf %add3A_583, %get3A_590 : vector<16xf32>
      %mul3A_592 = arith.constant 16 : i32
      %mul3A_593 = arith.muli %scan3A_529, %mul3A_592 : i32
      %add3A_594 = arith.constant 8 : i32
      %add3A_595 = arith.addi %mul3A_593, %add3A_594 : i32
      %get3A_596 = arith.index_cast %add3A_595 : i32 to index
      %get3A_597 = arith.constant 0 : index
      %get3A_598 = tpu.vector_load %arg13[%get3A_596, %get3A_597] {strides = array<i32>} : memref<288x128xf32, #tpu.memory_space<vmem>>, vector<16xf32>,
      %add3A_599 = arith.addf %add3A_591, %get3A_598 : vector<16xf32>
      %mul3A_600 = arith.constant 16 : i32
      %mul3A_601 = arith.muli %scan3A_529, %mul3A_600 : i32
      %add3A_602 = arith.constant 9 : i32
      %add3A_603 = arith.addi %mul3A_601, %add3A_602 : i32
      %get3A_604 = arith.index_cast %add3A_603 : i32 to index
      %get3A_605 = arith.constant 0 : index
      %get3A_606 = tpu.vector_load %arg13[%get3A_604, %get3A_605] {strides = array<i32>} : memref<288x128xf32, #tpu.memory_space<vmem>>, vector<16xf32>,
      %add3A_607 = arith.addf %add3A_599, %get3A_606 : vector<16xf32>
      %mul3A_608 = arith.constant 16 : i32
      %mul3A_609 = arith.muli %scan3A_529, %mul3A_608 : i32
      %add3A_610 = arith.constant 10 : i32
      %add3A_611 = arith.addi %mul3A_609, %add3A_610 : i32
      %get3A_612 = arith.index_cast %add3A_611 : i32 to index
      %get3A_613 = arith.constant 0 : index
      %get3A_614 = tpu.vector_load %arg13[%get3A_612, %get3A_613] {strides = array<i32>} : memref<288x128xf32, #tpu.memory_space<vmem>>, vector<16xf32>,
      %add3A_615 = arith.addf %add3A_607, %get3A_614 : vector<16xf32>
      %mul3A_616 = arith.constant 16 : i32
      %mul3A_617 = arith.muli %scan3A_529, %mul3A_616 : i32
      %add3A_618 = arith.constant 11 : i32
      %add3A_619 = arith.addi %mul3A_617, %add3A_618 : i32
      %get3A_620 = arith.index_cast %add3A_619 : i32 to index
      %get3A_621 = arith.constant 0 : index
      %get3A_622 = tpu.vector_load %arg13[%get3A_620, %get3A_621] {strides = array<i32>} : memref<288x128xf32, #tpu.memory_space<vmem>>, vector<16xf32>,
      %add3A_623 = arith.addf %add3A_615, %get3A_622 : vector<16xf32>
      %mul3A_624 = arith.constant 16 : i32
      %mul3A_625 = arith.muli %scan3A_529, %mul3A_624 : i32
      %add3A_626 = arith.constant 12 : i32
      %add3A_627 = arith.addi %mul3A_625, %add3A_626 : i32
      %get3A_628 = arith.index_cast %add3A_627 : i32 to index
      %get3A_629 = arith.constant 0 : index
      %get3A_630 = tpu.vector_load %arg13[%get3A_628, %get3A_629] {strides = array<i32>} : memref<288x128xf32, #tpu.memory_space<vmem>>, vector<16xf32>,
      %add3A_631 = arith.addf %add3A_623, %get3A_630 : vector<16xf32>
      %mul3A_632 = arith.constant 16 : i32
      %mul3A_633 = arith.muli %scan3A_529, %mul3A_632 : i32
      %add3A_634 = arith.constant 13 : i32
      %add3A_635 = arith.addi %mul3A_633, %add3A_634 : i32
      %get3A_636 = arith.index_cast %add3A_635 : i32 to index
      %get3A_637 = arith.constant 0 : index
      %get3A_638 = tpu.vector_load %arg13[%get3A_636, %get3A_637] {strides = array<i32>} : memref<288x128xf32, #tpu.memory_space<vmem>>, vector<16xf32>,
      %add3A_639 = arith.addf %add3A_631, %get3A_638 : vector<16xf32>
      %mul3A_640 = arith.constant 16 : i32
      %mul3A_641 = arith.muli %scan3A_529, %mul3A_640 : i32
      %add3A_642 = arith.constant 14 : i32
      %add3A_643 = arith.addi %mul3A_641, %add3A_642 : i32
      %get3A_644 = arith.index_cast %add3A_643 : i32 to index
      %get3A_645 = arith.constant 0 : index
      %get3A_646 = tpu.vector_load %arg13[%get3A_644, %get3A_645] {strides = array<i32>} : memref<288x128xf32, #tpu.memory_space<vmem>>, vector<16xf32>,
      %add3A_647 = arith.addf %add3A_639, %get3A_646 : vector<16xf32>
      %mul3A_648 = arith.constant 16 : i32
      %mul3A_649 = arith.muli %scan3A_529, %mul3A_648 : i32
      %add3A_650 = arith.constant 15 : i32
      %add3A_651 = arith.addi %mul3A_649, %add3A_650 : i32
      %get3A_652 = arith.index_cast %add3A_651 : i32 to index
      %get3A_653 = arith.constant 0 : index
      %get3A_654 = tpu.vector_load %arg13[%get3A_652, %get3A_653] {strides = array<i32>} : memref<288x128xf32, #tpu.memory_space<vmem>>, vector<16xf32>,
      %add3A_655 = arith.addf %add3A_647, %get3A_654 : vector<16xf32>
      %add3A_656 = arith.constant 36 : i32
      %add3A_657 = arith.addi %add3A_656, %scan3A_529 : i32
      %swap3A_658 = arith.index_cast %add3A_657 : i32 to index
      %swap3A_659 = arith.constant 0 : index
      %swap3A_660 = tpu.vector_load %arg16[%swap3A_658, %swap3A_659] {strides = array<i32>} : memref<72x128xf32, #tpu.memory_space<vmem>>, vector<16xf32>,
      tpu.vector_store %arg16[%swap3A_658, %swap3A_659], %add3A_655 {strides = array<i32>} : memref<72x128xf32, #tpu.memory_space<vmem>>, vector<16xf32>,
      %mul3A_661 = arith.constant 16 : i32
      %mul3A_662 = arith.muli %scan3A_529, %mul3A_661 : i32
      %get3A_663 = arith.index_cast %mul3A_662 : i32 to index
      %get3A_664 = arith.constant 16 : index
      %get3A_665 = tpu.vector_load %arg13[%get3A_663, %get3A_664] {strides = array<i32>} : memref<288x128xf32, #tpu.memory_space<vmem>>, vector<16xf32>,
      %mul3A_666 = arith.constant 16 : i32
      %mul3A_667 = arith.muli %scan3A_529, %mul3A_666 : i32
      %add3A_668 = arith.constant 1 : i32
      %add3A_669 = arith.addi %mul3A_667, %add3A_668 : i32
      %get3A_670 = arith.index_cast %add3A_669 : i32 to index
      %get3A_671 = arith.constant 16 : index
      %get3A_672 = tpu.vector_load %arg13[%get3A_670, %get3A_671] {strides = array<i32>} : memref<288x128xf32, #tpu.memory_space<vmem>>, vector<16xf32>,
      %add3A_673 = arith.addf %get3A_665, %get3A_672 : vector<16xf32>
      %mul3A_674 = arith.constant 16 : i32
      %mul3A_675 = arith.muli %scan3A_529, %mul3A_674 : i32
      %add3A_676 = arith.constant 2 : i32
      %add3A_677 = arith.addi %mul3A_675, %add3A_676 : i32
      %get3A_678 = arith.index_cast %add3A_677 : i32 to index
      %get3A_679 = arith.constant 16 : index
      %get3A_680 = tpu.vector_load %arg13[%get3A_678, %get3A_679] {strides = array<i32>} : memref<288x128xf32, #tpu.memory_space<vmem>>, vector<16xf32>,
      %add3A_681 = arith.addf %add3A_673, %get3A_680 : vector<16xf32>
      %mul3A_682 = arith.constant 16 : i32
      %mul3A_683 = arith.muli %scan3A_529, %mul3A_682 : i32
      %add3A_684 = arith.constant 3 : i32
      %add3A_685 = arith.addi %mul3A_683, %add3A_684 : i32
      %get3A_686 = arith.index_cast %add3A_685 : i32 to index
      %get3A_687 = arith.constant 16 : index
      %get3A_688 = tpu.vector_load %arg13[%get3A_686, %get3A_687] {strides = array<i32>} : memref<288x128xf32, #tpu.memory_space<vmem>>, vector<16xf32>,
      %add3A_689 = arith.addf %add3A_681, %get3A_688 : vector<16xf32>
      %mul3A_690 = arith.constant 16 : i32
      %mul3A_691 = arith.muli %scan3A_529, %mul3A_690 : i32
      %add3A_692 = arith.constant 4 : i32
      %add3A_693 = arith.addi %mul3A_691, %add3A_692 : i32
      %get3A_694 = arith.index_cast %add3A_693 : i32 to index
      %get3A_695 = arith.constant 16 : index
      %get3A_696 = tpu.vector_load %arg13[%get3A_694, %get3A_695] {strides = array<i32>} : memref<288x128xf32, #tpu.memory_space<vmem>>, vector<16xf32>,
      %add3A_697 = arith.addf %add3A_689, %get3A_696 : vector<16xf32>
      %mul3A_698 = arith.constant 16 : i32
      %mul3A_699 = arith.muli %scan3A_529, %mul3A_698 : i32
      %add3A_700 = arith.constant 5 : i32
      %add3A_701 = arith.addi %mul3A_699, %add3A_700 : i32
      %get3A_702 = arith.index_cast %add3A_701 : i32 to index
      %get3A_703 = arith.constant 16 : index
      %get3A_704 = tpu.vector_load %arg13[%get3A_702, %get3A_703] {strides = array<i32>} : memref<288x128xf32, #tpu.memory_space<vmem>>, vector<16xf32>,
      %add3A_705 = arith.addf %add3A_697, %get3A_704 : vector<16xf32>
      %mul3A_706 = arith.constant 16 : i32
      %mul3A_707 = arith.muli %scan3A_529, %mul3A_706 : i32
      %add3A_708 = arith.constant 6 : i32
      %add3A_709 = arith.addi %mul3A_707, %add3A_708 : i32
      %get3A_710 = arith.index_cast %add3A_709 : i32 to index
      %get3A_711 = arith.constant 16 : index
      %get3A_712 = tpu.vector_load %arg13[%get3A_710, %get3A_711] {strides = array<i32>} : memref<288x128xf32, #tpu.memory_space<vmem>>, vector<16xf32>,
      %add3A_713 = arith.addf %add3A_705, %get3A_712 : vector<16xf32>
      %mul3A_714 = arith.constant 16 : i32
      %mul3A_715 = arith.muli %scan3A_529, %mul3A_714 : i32
      %add3A_716 = arith.constant 7 : i32
      %add3A_717 = arith.addi %mul3A_715, %add3A_716 : i32
      %get3A_718 = arith.index_cast %add3A_717 : i32 to index
      %get3A_719 = arith.constant 16 : index
      %get3A_720 = tpu.vector_load %arg13[%get3A_718, %get3A_719] {strides = array<i32>} : memref<288x128xf32, #tpu.memory_space<vmem>>, vector<16xf32>,
      %add3A_721 = arith.addf %add3A_713, %get3A_720 : vector<16xf32>
      %mul3A_722 = arith.constant 16 : i32
      %mul3A_723 = arith.muli %scan3A_529, %mul3A_722 : i32
      %add3A_724 = arith.constant 8 : i32
      %add3A_725 = arith.addi %mul3A_723, %add3A_724 : i32
      %get3A_726 = arith.index_cast %add3A_725 : i32 to index
      %get3A_727 = arith.constant 16 : index
      %get3A_728 = tpu.vector_load %arg13[%get3A_726, %get3A_727] {strides = array<i32>} : memref<288x128xf32, #tpu.memory_space<vmem>>, vector<16xf32>,
      %add3A_729 = arith.addf %add3A_721, %get3A_728 : vector<16xf32>
      %mul3A_730 = arith.constant 16 : i32
      %mul3A_731 = arith.muli %scan3A_529, %mul3A_730 : i32
      %add3A_732 = arith.constant 9 : i32
      %add3A_733 = arith.addi %mul3A_731, %add3A_732 : i32
      %get3A_734 = arith.index_cast %add3A_733 : i32 to index
      %get3A_735 = arith.constant 16 : index
      %get3A_736 = tpu.vector_load %arg13[%get3A_734, %get3A_735] {strides = array<i32>} : memref<288x128xf32, #tpu.memory_space<vmem>>, vector<16xf32>,
      %add3A_737 = arith.addf %add3A_729, %get3A_736 : vector<16xf32>
      %mul3A_738 = arith.constant 16 : i32
      %mul3A_739 = arith.muli %scan3A_529, %mul3A_738 : i32
      %add3A_740 = arith.constant 10 : i32
      %add3A_741 = arith.addi %mul3A_739, %add3A_740 : i32
      %get3A_742 = arith.index_cast %add3A_741 : i32 to index
      %get3A_743 = arith.constant 16 : index
      %get3A_744 = tpu.vector_load %arg13[%get3A_742, %get3A_743] {strides = array<i32>} : memref<288x128xf32, #tpu.memory_space<vmem>>, vector<16xf32>,
      %add3A_745 = arith.addf %add3A_737, %get3A_744 : vector<16xf32>
      %mul3A_746 = arith.constant 16 : i32
      %mul3A_747 = arith.muli %scan3A_529, %mul3A_746 : i32
      %add3A_748 = arith.constant 11 : i32
      %add3A_749 = arith.addi %mul3A_747, %add3A_748 : i32
      %get3A_750 = arith.index_cast %add3A_749 : i32 to index
      %get3A_751 = arith.constant 16 : index
      %get3A_752 = tpu.vector_load %arg13[%get3A_750, %get3A_751] {strides = array<i32>} : memref<288x128xf32, #tpu.memory_space<vmem>>, vector<16xf32>,
      %add3A_753 = arith.addf %add3A_745, %get3A_752 : vector<16xf32>
      %mul3A_754 = arith.constant 16 : i32
      %mul3A_755 = arith.muli %scan3A_529, %mul3A_754 : i32
      %add3A_756 = arith.constant 12 : i32
      %add3A_757 = arith.addi %mul3A_755, %add3A_756 : i32
      %get3A_758 = arith.index_cast %add3A_757 : i32 to index
      %get3A_759 = arith.constant 16 : index
      %get3A_760 = tpu.vector_load %arg13[%get3A_758, %get3A_759] {strides = array<i32>} : memref<288x128xf32, #tpu.memory_space<vmem>>, vector<16xf32>,
      %add3A_761 = arith.addf %add3A_753, %get3A_760 : vector<16xf32>
      %mul3A_762 = arith.constant 16 : i32
      %mul3A_763 = arith.muli %scan3A_529, %mul3A_762 : i32
      %add3A_764 = arith.constant 13 : i32
      %add3A_765 = arith.addi %mul3A_763, %add3A_764 : i32
      %get3A_766 = arith.index_cast %add3A_765 : i32 to index
      %get3A_767 = arith.constant 16 : index
      %get3A_768 = tpu.vector_load %arg13[%get3A_766, %get3A_767] {strides = array<i32>} : memref<288x128xf32, #tpu.memory_space<vmem>>, vector<16xf32>,
      %add3A_769 = arith.addf %add3A_761, %get3A_768 : vector<16xf32>
      %mul3A_770 = arith.constant 16 : i32
      %mul3A_771 = arith.muli %scan3A_529, %mul3A_770 : i32
      %add3A_772 = arith.constant 14 : i32
      %add3A_773 = arith.addi %mul3A_771, %add3A_772 : i32
      %get3A_774 = arith.index_cast %add3A_773 : i32 to index
      %get3A_775 = arith.constant 16 : index
      %get3A_776 = tpu.vector_load %arg13[%get3A_774, %get3A_775] {strides = array<i32>} : memref<288x128xf32, #tpu.memory_space<vmem>>, vector<16xf32>,
      %add3A_777 = arith.addf %add3A_769, %get3A_776 : vector<16xf32>
      %mul3A_778 = arith.constant 16 : i32
      %mul3A_779 = arith.muli %scan3A_529, %mul3A_778 : i32
      %add3A_780 = arith.constant 15 : i32
      %add3A_781 = arith.addi %mul3A_779, %add3A_780 : i32
      %get3A_782 = arith.index_cast %add3A_781 : i32 to index
      %get3A_783 = arith.constant 16 : index
      %get3A_784 = tpu.vector_load %arg13[%get3A_782, %get3A_783] {strides = array<i32>} : memref<288x128xf32, #tpu.memory_space<vmem>>, vector<16xf32>,
      %add3A_785 = arith.addf %add3A_777, %get3A_784 : vector<16xf32>
      %add3A_786 = arith.constant 36 : i32
      %add3A_787 = arith.addi %add3A_786, %scan3A_529 : i32
      %swap3A_788 = arith.index_cast %add3A_787 : i32 to index
      %swap3A_789 = arith.constant 16 : index
      %swap3A_790 = tpu.vector_load %arg16[%swap3A_788, %swap3A_789] {strides = array<i32>} : memref<72x128xf32, #tpu.memory_space<vmem>>, vector<16xf32>,
      tpu.vector_store %arg16[%swap3A_788, %swap3A_789], %add3A_785 {strides = array<i32>} : memref<72x128xf32, #tpu.memory_space<vmem>>, vector<16xf32>,
      %mul3A_791 = arith.constant 16 : i32
      %mul3A_792 = arith.muli %scan3A_529, %mul3A_791 : i32
      %get3A_793 = arith.index_cast %mul3A_792 : i32 to index
      %get3A_794 = arith.constant 32 : index
      %get3A_795 = tpu.vector_load %arg13[%get3A_793, %get3A_794] {strides = array<i32>} : memref<288x128xf32, #tpu.memory_space<vmem>>, vector<16xf32>,
      %mul3A_796 = arith.constant 16 : i32
      %mul3A_797 = arith.muli %scan3A_529, %mul3A_796 : i32
      %add3A_798 = arith.constant 1 : i32
      %add3A_799 = arith.addi %mul3A_797, %add3A_798 : i32
      %get3A_800 = arith.index_cast %add3A_799 : i32 to index
      %get3A_801 = arith.constant 32 : index
      %get3A_802 = tpu.vector_load %arg13[%get3A_800, %get3A_801] {strides = array<i32>} : memref<288x128xf32, #tpu.memory_space<vmem>>, vector<16xf32>,
      %add3A_803 = arith.addf %get3A_795, %get3A_802 : vector<16xf32>
      %mul3A_804 = arith.constant 16 : i32
      %mul3A_805 = arith.muli %scan3A_529, %mul3A_804 : i32
      %add3A_806 = arith.constant 2 : i32
      %add3A_807 = arith.addi %mul3A_805, %add3A_806 : i32
      %get3A_808 = arith.index_cast %add3A_807 : i32 to index
      %get3A_809 = arith.constant 32 : index
      %get3A_810 = tpu.vector_load %arg13[%get3A_808, %get3A_809] {strides = array<i32>} : memref<288x128xf32, #tpu.memory_space<vmem>>, vector<16xf32>,
      %add3A_811 = arith.addf %add3A_803, %get3A_810 : vector<16xf32>
      %mul3A_812 = arith.constant 16 : i32
      %mul3A_813 = arith.muli %scan3A_529, %mul3A_812 : i32
      %add3A_814 = arith.constant 3 : i32
      %add3A_815 = arith.addi %mul3A_813, %add3A_814 : i32
      %get3A_816 = arith.index_cast %add3A_815 : i32 to index
      %get3A_817 = arith.constant 32 : index
      %get3A_818 = tpu.vector_load %arg13[%get3A_816, %get3A_817] {strides = array<i32>} : memref<288x128xf32, #tpu.memory_space<vmem>>, vector<16xf32>,
      %add3A_819 = arith.addf %add3A_811, %get3A_818 : vector<16xf32>
      %mul3A_820 = arith.constant 16 : i32
      %mul3A_821 = arith.muli %scan3A_529, %mul3A_820 : i32
      %add3A_822 = arith.constant 4 : i32
      %add3A_823 = arith.addi %mul3A_821, %add3A_822 : i32
      %get3A_824 = arith.index_cast %add3A_823 : i32 to index
      %get3A_825 = arith.constant 32 : index
      %get3A_826 = tpu.vector_load %arg13[%get3A_824, %get3A_825] {strides = array<i32>} : memref<288x128xf32, #tpu.memory_space<vmem>>, vector<16xf32>,
      %add3A_827 = arith.addf %add3A_819, %get3A_826 : vector<16xf32>
      %mul3A_828 = arith.constant 16 : i32
      %mul3A_829 = arith.muli %scan3A_529, %mul3A_828 : i32
      %add3A_830 = arith.constant 5 : i32
      %add3A_831 = arith.addi %mul3A_829, %add3A_830 : i32
      %get3A_832 = arith.index_cast %add3A_831 : i32 to index
      %get3A_833 = arith.constant 32 : index
      %get3A_834 = tpu.vector_load %arg13[%get3A_832, %get3A_833] {strides = array<i32>} : memref<288x128xf32, #tpu.memory_space<vmem>>, vector<16xf32>,
      %add3A_835 = arith.addf %add3A_827, %get3A_834 : vector<16xf32>
      %mul3A_836 = arith.constant 16 : i32
      %mul3A_837 = arith.muli %scan3A_529, %mul3A_836 : i32
      %add3A_838 = arith.constant 6 : i32
      %add3A_839 = arith.addi %mul3A_837, %add3A_838 : i32
      %get3A_840 = arith.index_cast %add3A_839 : i32 to index
      %get3A_841 = arith.constant 32 : index
      %get3A_842 = tpu.vector_load %arg13[%get3A_840, %get3A_841] {strides = array<i32>} : memref<288x128xf32, #tpu.memory_space<vmem>>, vector<16xf32>,
      %add3A_843 = arith.addf %add3A_835, %get3A_842 : vector<16xf32>
      %mul3A_844 = arith.constant 16 : i32
      %mul3A_845 = arith.muli %scan3A_529, %mul3A_844 : i32
      %add3A_846 = arith.constant 7 : i32
      %add3A_847 = arith.addi %mul3A_845, %add3A_846 : i32
      %get3A_848 = arith.index_cast %add3A_847 : i32 to index
      %get3A_849 = arith.constant 32 : index
      %get3A_850 = tpu.vector_load %arg13[%get3A_848, %get3A_849] {strides = array<i32>} : memref<288x128xf32, #tpu.memory_space<vmem>>, vector<16xf32>,
      %add3A_851 = arith.addf %add3A_843, %get3A_850 : vector<16xf32>
      %mul3A_852 = arith.constant 16 : i32
      %mul3A_853 = arith.muli %scan3A_529, %mul3A_852 : i32
      %add3A_854 = arith.constant 8 : i32
      %add3A_855 = arith.addi %mul3A_853, %add3A_854 : i32
      %get3A_856 = arith.index_cast %add3A_855 : i32 to index
      %get3A_857 = arith.constant 32 : index
      %get3A_858 = tpu.vector_load %arg13[%get3A_856, %get3A_857] {strides = array<i32>} : memref<288x128xf32, #tpu.memory_space<vmem>>, vector<16xf32>,
      %add3A_859 = arith.addf %add3A_851, %get3A_858 : vector<16xf32>
      %mul3A_860 = arith.constant 16 : i32
      %mul3A_861 = arith.muli %scan3A_529, %mul3A_860 : i32
      %add3A_862 = arith.constant 9 : i32
      %add3A_863 = arith.addi %mul3A_861, %add3A_862 : i32
      %get3A_864 = arith.index_cast %add3A_863 : i32 to index
      %get3A_865 = arith.constant 32 : index
      %get3A_866 = tpu.vector_load %arg13[%get3A_864, %get3A_865] {strides = array<i32>} : memref<288x128xf32, #tpu.memory_space<vmem>>, vector<16xf32>,
      %add3A_867 = arith.addf %add3A_859, %get3A_866 : vector<16xf32>
      %mul3A_868 = arith.constant 16 : i32
      %mul3A_869 = arith.muli %scan3A_529, %mul3A_868 : i32
      %add3A_870 = arith.constant 10 : i32
      %add3A_871 = arith.addi %mul3A_869, %add3A_870 : i32
      %get3A_872 = arith.index_cast %add3A_871 : i32 to index
      %get3A_873 = arith.constant 32 : index
      %get3A_874 = tpu.vector_load %arg13[%get3A_872, %get3A_873] {strides = array<i32>} : memref<288x128xf32, #tpu.memory_space<vmem>>, vector<16xf32>,
      %add3A_875 = arith.addf %add3A_867, %get3A_874 : vector<16xf32>
      %mul3A_876 = arith.constant 16 : i32
      %mul3A_877 = arith.muli %scan3A_529, %mul3A_876 : i32
      %add3A_878 = arith.constant 11 : i32
      %add3A_879 = arith.addi %mul3A_877, %add3A_878 : i32
      %get3A_880 = arith.index_cast %add3A_879 : i32 to index
      %get3A_881 = arith.constant 32 : index
      %get3A_882 = tpu.vector_load %arg13[%get3A_880, %get3A_881] {strides = array<i32>} : memref<288x128xf32, #tpu.memory_space<vmem>>, vector<16xf32>,
      %add3A_883 = arith.addf %add3A_875, %get3A_882 : vector<16xf32>
      %mul3A_884 = arith.constant 16 : i32
      %mul3A_885 = arith.muli %scan3A_529, %mul3A_884 : i32
      %add3A_886 = arith.constant 12 : i32
      %add3A_887 = arith.addi %mul3A_885, %add3A_886 : i32
      %get3A_888 = arith.index_cast %add3A_887 : i32 to index
      %get3A_889 = arith.constant 32 : index
      %get3A_890 = tpu.vector_load %arg13[%get3A_888, %get3A_889] {strides = array<i32>} : memref<288x128xf32, #tpu.memory_space<vmem>>, vector<16xf32>,
      %add3A_891 = arith.addf %add3A_883, %get3A_890 : vector<16xf32>
      %mul3A_892 = arith.constant 16 : i32
      %mul3A_893 = arith.muli %scan3A_529, %mul3A_892 : i32
      %add3A_894 = arith.constant 13 : i32
      %add3A_895 = arith.addi %mul3A_893, %add3A_894 : i32
      %get3A_896 = arith.index_cast %add3A_895 : i32 to index
      %get3A_897 = arith.constant 32 : index
      %get3A_898 = tpu.vector_load %arg13[%get3A_896, %get3A_897] {strides = array<i32>} : memref<288x128xf32, #tpu.memory_space<vmem>>, vector<16xf32>,
      %add3A_899 = arith.addf %add3A_891, %get3A_898 : vector<16xf32>
      %mul3A_900 = arith.constant 16 : i32
      %mul3A_901 = arith.muli %scan3A_529, %mul3A_900 : i32
      %add3A_902 = arith.constant 14 : i32
      %add3A_903 = arith.addi %mul3A_901, %add3A_902 : i32
      %get3A_904 = arith.index_cast %add3A_903 : i32 to index
      %get3A_905 = arith.constant 32 : index
      %get3A_906 = tpu.vector_load %arg13[%get3A_904, %get3A_905] {strides = array<i32>} : memref<288x128xf32, #tpu.memory_space<vmem>>, vector<16xf32>,
      %add3A_907 = arith.addf %add3A_899, %get3A_906 : vector<16xf32>
      %mul3A_908 = arith.constant 16 : i32
      %mul3A_909 = arith.muli %scan3A_529, %mul3A_908 : i32
      %add3A_910 = arith.constant 15 : i32
      %add3A_911 = arith.addi %mul3A_909, %add3A_910 : i32
      %get3A_912 = arith.index_cast %add3A_911 : i32 to index
      %get3A_913 = arith.constant 32 : index
      %get3A_914 = tpu.vector_load %arg13[%get3A_912, %get3A_913] {strides = array<i32>} : memref<288x128xf32, #tpu.memory_space<vmem>>, vector<16xf32>,
      %add3A_915 = arith.addf %add3A_907, %get3A_914 : vector<16xf32>
      %add3A_916 = arith.constant 36 : i32
      %add3A_917 = arith.addi %add3A_916, %scan3A_529 : i32
      %swap3A_918 = arith.index_cast %add3A_917 : i32 to index
      %swap3A_919 = arith.constant 32 : index
      %swap3A_920 = tpu.vector_load %arg16[%swap3A_918, %swap3A_919] {strides = array<i32>} : memref<72x128xf32, #tpu.memory_space<vmem>>, vector<16xf32>,
      tpu.vector_store %arg16[%swap3A_918, %swap3A_919], %add3A_915 {strides = array<i32>} : memref<72x128xf32, #tpu.memory_space<vmem>>, vector<16xf32>,
      %mul3A_921 = arith.constant 16 : i32
      %mul3A_922 = arith.muli %scan3A_529, %mul3A_921 : i32
      %get3A_923 = arith.index_cast %mul3A_922 : i32 to index
      %get3A_924 = arith.constant 48 : index
      %get3A_925 = tpu.vector_load %arg13[%get3A_923, %get3A_924] {strides = array<i32>} : memref<288x128xf32, #tpu.memory_space<vmem>>, vector<16xf32>,
      %mul3A_926 = arith.constant 16 : i32
      %mul3A_927 = arith.muli %scan3A_529, %mul3A_926 : i32
      %add3A_928 = arith.constant 1 : i32
      %add3A_929 = arith.addi %mul3A_927, %add3A_928 : i32
      %get3A_930 = arith.index_cast %add3A_929 : i32 to index
      %get3A_931 = arith.constant 48 : index
      %get3A_932 = tpu.vector_load %arg13[%get3A_930, %get3A_931] {strides = array<i32>} : memref<288x128xf32, #tpu.memory_space<vmem>>, vector<16xf32>,
      %add3A_933 = arith.addf %get3A_925, %get3A_932 : vector<16xf32>
      %mul3A_934 = arith.constant 16 : i32
      %mul3A_935 = arith.muli %scan3A_529, %mul3A_934 : i32
      %add3A_936 = arith.constant 2 : i32
      %add3A_937 = arith.addi %mul3A_935, %add3A_936 : i32
      %get3A_938 = arith.index_cast %add3A_937 : i32 to index
      %get3A_939 = arith.constant 48 : index
      %get3A_940 = tpu.vector_load %arg13[%get3A_938, %get3A_939] {strides = array<i32>} : memref<288x128xf32, #tpu.memory_space<vmem>>, vector<16xf32>,
      %add3A_941 = arith.addf %add3A_933, %get3A_940 : vector<16xf32>
      %mul3A_942 = arith.constant 16 : i32
      %mul3A_943 = arith.muli %scan3A_529, %mul3A_942 : i32
      %add3A_944 = arith.constant 3 : i32
      %add3A_945 = arith.addi %mul3A_943, %add3A_944 : i32
      %get3A_946 = arith.index_cast %add3A_945 : i32 to index
      %get3A_947 = arith.constant 48 : index
      %get3A_948 = tpu.vector_load %arg13[%get3A_946, %get3A_947] {strides = array<i32>} : memref<288x128xf32, #tpu.memory_space<vmem>>, vector<16xf32>,
      %add3A_949 = arith.addf %add3A_941, %get3A_948 : vector<16xf32>
      %mul3A_950 = arith.constant 16 : i32
      %mul3A_951 = arith.muli %scan3A_529, %mul3A_950 : i32
      %add3A_952 = arith.constant 4 : i32
      %add3A_953 = arith.addi %mul3A_951, %add3A_952 : i32
      %get3A_954 = arith.index_cast %add3A_953 : i32 to index
      %get3A_955 = arith.constant 48 : index
      %get3A_956 = tpu.vector_load %arg13[%get3A_954, %get3A_955] {strides = array<i32>} : memref<288x128xf32, #tpu.memory_space<vmem>>, vector<16xf32>,
      %add3A_957 = arith.addf %add3A_949, %get3A_956 : vector<16xf32>
      %mul3A_958 = arith.constant 16 : i32
      %mul3A_959 = arith.muli %scan3A_529, %mul3A_958 : i32
      %add3A_960 = arith.constant 5 : i32
      %add3A_961 = arith.addi %mul3A_959, %add3A_960 : i32
      %get3A_962 = arith.index_cast %add3A_961 : i32 to index
      %get3A_963 = arith.constant 48 : index
      %get3A_964 = tpu.vector_load %arg13[%get3A_962, %get3A_963] {strides = array<i32>} : memref<288x128xf32, #tpu.memory_space<vmem>>, vector<16xf32>,
      %add3A_965 = arith.addf %add3A_957, %get3A_964 : vector<16xf32>
      %mul3A_966 = arith.constant 16 : i32
      %mul3A_967 = arith.muli %scan3A_529, %mul3A_966 : i32
      %add3A_968 = arith.constant 6 : i32
      %add3A_969 = arith.addi %mul3A_967, %add3A_968 : i32
      %get3A_970 = arith.index_cast %add3A_969 : i32 to index
      %get3A_971 = arith.constant 48 : index
      %get3A_972 = tpu.vector_load %arg13[%get3A_970, %get3A_971] {strides = array<i32>} : memref<288x128xf32, #tpu.memory_space<vmem>>, vector<16xf32>,
      %add3A_973 = arith.addf %add3A_965, %get3A_972 : vector<16xf32>
      %mul3A_974 = arith.constant 16 : i32
      %mul3A_975 = arith.muli %scan3A_529, %mul3A_974 : i32
      %add3A_976 = arith.constant 7 : i32
      %add3A_977 = arith.addi %mul3A_975, %add3A_976 : i32
      %get3A_978 = arith.index_cast %add3A_977 : i32 to index
      %get3A_979 = arith.constant 48 : index
      %get3A_980 = tpu.vector_load %arg13[%get3A_978, %get3A_979] {strides = array<i32>} : memref<288x128xf32, #tpu.memory_space<vmem>>, vector<16xf32>,
      %add3A_981 = arith.addf %add3A_973, %get3A_980 : vector<16xf32>
      %mul3A_982 = arith.constant 16 : i32
      %mul3A_983 = arith.muli %scan3A_529, %mul3A_982 : i32
      %add3A_984 = arith.constant 8 : i32
      %add3A_985 = arith.addi %mul3A_983, %add3A_984 : i32
      %get3A_986 = arith.index_cast %add3A_985 : i32 to index
      %get3A_987 = arith.constant 48 : index
      %get3A_988 = tpu.vector_load %arg13[%get3A_986, %get3A_987] {strides = array<i32>} : memref<288x128xf32, #tpu.memory_space<vmem>>, vector<16xf32>,
      %add3A_989 = arith.addf %add3A_981, %get3A_988 : vector<16xf32>
      %mul3A_990 = arith.constant 16 : i32
      %mul3A_991 = arith.muli %scan3A_529, %mul3A_990 : i32
      %add3A_992 = arith.constant 9 : i32
      %add3A_993 = arith.addi %mul3A_991, %add3A_992 : i32
      %get3A_994 = arith.index_cast %add3A_993 : i32 to index
      %get3A_995 = arith.constant 48 : index
      %get3A_996 = tpu.vector_load %arg13[%get3A_994, %get3A_995] {strides = array<i32>} : memref<288x128xf32, #tpu.memory_space<vmem>>, vector<16xf32>,
      %add3A_997 = arith.addf %add3A_989, %get3A_996 : vector<16xf32>
      %mul3A_998 = arith.constant 16 : i32
      %mul3A_999 = arith.muli %scan3A_529, %mul3A_998 : i32
      %add3A_1000 = arith.constant 10 : i32
      %add3A_1001 = arith.addi %mul3A_999, %add3A_1000 : i32
      %get3A_1002 = arith.index_cast %add3A_1001 : i32 to index
      %get3A_1003 = arith.constant 48 : index
      %get3A_1004 = tpu.vector_load %arg13[%get3A_1002, %get3A_1003] {strides = array<i32>} : memref<288x128xf32, #tpu.memory_space<vmem>>, vector<16xf32>,
      %add3A_1005 = arith.addf %add3A_997, %get3A_1004 : vector<16xf32>
      %mul3A_1006 = arith.constant 16 : i32
      %mul3A_1007 = arith.muli %scan3A_529, %mul3A_1006 : i32
      %add3A_1008 = arith.constant 11 : i32
      %add3A_1009 = arith.addi %mul3A_1007, %add3A_1008 : i32
      %get3A_1010 = arith.index_cast %add3A_1009 : i32 to index
      %get3A_1011 = arith.constant 48 : index
      %get3A_1012 = tpu.vector_load %arg13[%get3A_1010, %get3A_1011] {strides = array<i32>} : memref<288x128xf32, #tpu.memory_space<vmem>>, vector<16xf32>,
      %add3A_1013 = arith.addf %add3A_1005, %get3A_1012 : vector<16xf32>
      %mul3A_1014 = arith.constant 16 : i32
      %mul3A_1015 = arith.muli %scan3A_529, %mul3A_1014 : i32
      %add3A_1016 = arith.constant 12 : i32
      %add3A_1017 = arith.addi %mul3A_1015, %add3A_1016 : i32
      %get3A_1018 = arith.index_cast %add3A_1017 : i32 to index
      %get3A_1019 = arith.constant 48 : index
      %get3A_1020 = tpu.vector_load %arg13[%get3A_1018, %get3A_1019] {strides = array<i32>} : memref<288x128xf32, #tpu.memory_space<vmem>>, vector<16xf32>,
      %add3A_1021 = arith.addf %add3A_1013, %get3A_1020 : vector<16xf32>
      %mul3A_1022 = arith.constant 16 : i32
      %mul3A_1023 = arith.muli %scan3A_529, %mul3A_1022 : i32
      %add3A_1024 = arith.constant 13 : i32
      %add3A_1025 = arith.addi %mul3A_1023, %add3A_1024 : i32
      %get3A_1026 = arith.index_cast %add3A_1025 : i32 to index
      %get3A_1027 = arith.constant 48 : index
      %get3A_1028 = tpu.vector_load %arg13[%get3A_1026, %get3A_1027] {strides = array<i32>} : memref<288x128xf32, #tpu.memory_space<vmem>>, vector<16xf32>,
      %add3A_1029 = arith.addf %add3A_1021, %get3A_1028 : vector<16xf32>
      %mul3A_1030 = arith.constant 16 : i32
      %mul3A_1031 = arith.muli %scan3A_529, %mul3A_1030 : i32
      %add3A_1032 = arith.constant 14 : i32
      %add3A_1033 = arith.addi %mul3A_1031, %add3A_1032 : i32
      %get3A_1034 = arith.index_cast %add3A_1033 : i32 to index
      %get3A_1035 = arith.constant 48 : index
      %get3A_1036 = tpu.vector_load %arg13[%get3A_1034, %get3A_1035] {strides = array<i32>} : memref<288x128xf32, #tpu.memory_space<vmem>>, vector<16xf32>,
      %add3A_1037 = arith.addf %add3A_1029, %get3A_1036 : vector<16xf32>
      %mul3A_1038 = arith.constant 16 : i32
      %mul3A_1039 = arith.muli %scan3A_529, %mul3A_1038 : i32
      %add3A_1040 = arith.constant 15 : i32
      %add3A_1041 = arith.addi %mul3A_1039, %add3A_1040 : i32
      %get3A_1042 = arith.index_cast %add3A_1041 : i32 to index
      %get3A_1043 = arith.constant 48 : index
      %get3A_1044 = tpu.vector_load %arg13[%get3A_1042, %get3A_1043] {strides = array<i32>} : memref<288x128xf32, #tpu.memory_space<vmem>>, vector<16xf32>,
      %add3A_1045 = arith.addf %add3A_1037, %get3A_1044 : vector<16xf32>
      %add3A_1046 = arith.constant 36 : i32
      %add3A_1047 = arith.addi %add3A_1046, %scan3A_529 : i32
      %swap3A_1048 = arith.index_cast %add3A_1047 : i32 to index
      %swap3A_1049 = arith.constant 48 : index
      %swap3A_1050 = tpu.vector_load %arg16[%swap3A_1048, %swap3A_1049] {strides = array<i32>} : memref<72x128xf32, #tpu.memory_space<vmem>>, vector<16xf32>,
      tpu.vector_store %arg16[%swap3A_1048, %swap3A_1049], %add3A_1045 {strides = array<i32>} : memref<72x128xf32, #tpu.memory_space<vmem>>, vector<16xf32>,
      %mul3A_1051 = arith.constant 16 : i32
      %mul3A_1052 = arith.muli %scan3A_529, %mul3A_1051 : i32
      %get3A_1053 = arith.index_cast %mul3A_1052 : i32 to index
      %get3A_1054 = arith.constant 64 : index
      %get3A_1055 = tpu.vector_load %arg13[%get3A_1053, %get3A_1054] {strides = array<i32>} : memref<288x128xf32, #tpu.memory_space<vmem>>, vector<16xf32>,
      %mul3A_1056 = arith.constant 16 : i32
      %mul3A_1057 = arith.muli %scan3A_529, %mul3A_1056 : i32
      %add3A_1058 = arith.constant 1 : i32
      %add3A_1059 = arith.addi %mul3A_1057, %add3A_1058 : i32
      %get3A_1060 = arith.index_cast %add3A_1059 : i32 to index
      %get3A_1061 = arith.constant 64 : index
      %get3A_1062 = tpu.vector_load %arg13[%get3A_1060, %get3A_1061] {strides = array<i32>} : memref<288x128xf32, #tpu.memory_space<vmem>>, vector<16xf32>,
      %add3A_1063 = arith.addf %get3A_1055, %get3A_1062 : vector<16xf32>
      %mul3A_1064 = arith.constant 16 : i32
      %mul3A_1065 = arith.muli %scan3A_529, %mul3A_1064 : i32
      %add3A_1066 = arith.constant 2 : i32
      %add3A_1067 = arith.addi %mul3A_1065, %add3A_1066 : i32
      %get3A_1068 = arith.index_cast %add3A_1067 : i32 to index
      %get3A_1069 = arith.constant 64 : index
      %get3A_1070 = tpu.vector_load %arg13[%get3A_1068, %get3A_1069] {strides = array<i32>} : memref<288x128xf32, #tpu.memory_space<vmem>>, vector<16xf32>,
      %add3A_1071 = arith.addf %add3A_1063, %get3A_1070 : vector<16xf32>
      %mul3A_1072 = arith.constant 16 : i32
      %mul3A_1073 = arith.muli %scan3A_529, %mul3A_1072 : i32
      %add3A_1074 = arith.constant 3 : i32
      %add3A_1075 = arith.addi %mul3A_1073, %add3A_1074 : i32
      %get3A_1076 = arith.index_cast %add3A_1075 : i32 to index
      %get3A_1077 = arith.constant 64 : index
      %get3A_1078 = tpu.vector_load %arg13[%get3A_1076, %get3A_1077] {strides = array<i32>} : memref<288x128xf32, #tpu.memory_space<vmem>>, vector<16xf32>,
      %add3A_1079 = arith.addf %add3A_1071, %get3A_1078 : vector<16xf32>
      %mul3A_1080 = arith.constant 16 : i32
      %mul3A_1081 = arith.muli %scan3A_529, %mul3A_1080 : i32
      %add3A_1082 = arith.constant 4 : i32
      %add3A_1083 = arith.addi %mul3A_1081, %add3A_1082 : i32
      %get3A_1084 = arith.index_cast %add3A_1083 : i32 to index
      %get3A_1085 = arith.constant 64 : index
      %get3A_1086 = tpu.vector_load %arg13[%get3A_1084, %get3A_1085] {strides = array<i32>} : memref<288x128xf32, #tpu.memory_space<vmem>>, vector<16xf32>,
      %add3A_1087 = arith.addf %add3A_1079, %get3A_1086 : vector<16xf32>
      %mul3A_1088 = arith.constant 16 : i32
      %mul3A_1089 = arith.muli %scan3A_529, %mul3A_1088 : i32
      %add3A_1090 = arith.constant 5 : i32
      %add3A_1091 = arith.addi %mul3A_1089, %add3A_1090 : i32
      %get3A_1092 = arith.index_cast %add3A_1091 : i32 to index
      %get3A_1093 = arith.constant 64 : index
      %get3A_1094 = tpu.vector_load %arg13[%get3A_1092, %get3A_1093] {strides = array<i32>} : memref<288x128xf32, #tpu.memory_space<vmem>>, vector<16xf32>,
      %add3A_1095 = arith.addf %add3A_1087, %get3A_1094 : vector<16xf32>
      %mul3A_1096 = arith.constant 16 : i32
      %mul3A_1097 = arith.muli %scan3A_529, %mul3A_1096 : i32
      %add3A_1098 = arith.constant 6 : i32
      %add3A_1099 = arith.addi %mul3A_1097, %add3A_1098 : i32
      %get3A_1100 = arith.index_cast %add3A_1099 : i32 to index
      %get3A_1101 = arith.constant 64 : index
      %get3A_1102 = tpu.vector_load %arg13[%get3A_1100, %get3A_1101] {strides = array<i32>} : memref<288x128xf32, #tpu.memory_space<vmem>>, vector<16xf32>,
      %add3A_1103 = arith.addf %add3A_1095, %get3A_1102 : vector<16xf32>
      %mul3A_1104 = arith.constant 16 : i32
      %mul3A_1105 = arith.muli %scan3A_529, %mul3A_1104 : i32
      %add3A_1106 = arith.constant 7 : i32
      %add3A_1107 = arith.addi %mul3A_1105, %add3A_1106 : i32
      %get3A_1108 = arith.index_cast %add3A_1107 : i32 to index
      %get3A_1109 = arith.constant 64 : index
      %get3A_1110 = tpu.vector_load %arg13[%get3A_1108, %get3A_1109] {strides = array<i32>} : memref<288x128xf32, #tpu.memory_space<vmem>>, vector<16xf32>,
      %add3A_1111 = arith.addf %add3A_1103, %get3A_1110 : vector<16xf32>
      %mul3A_1112 = arith.constant 16 : i32
      %mul3A_1113 = arith.muli %scan3A_529, %mul3A_1112 : i32
      %add3A_1114 = arith.constant 8 : i32
      %add3A_1115 = arith.addi %mul3A_1113, %add3A_1114 : i32
      %get3A_1116 = arith.index_cast %add3A_1115 : i32 to index
      %get3A_1117 = arith.constant 64 : index
      %get3A_1118 = tpu.vector_load %arg13[%get3A_1116, %get3A_1117] {strides = array<i32>} : memref<288x128xf32, #tpu.memory_space<vmem>>, vector<16xf32>,
      %add3A_1119 = arith.addf %add3A_1111, %get3A_1118 : vector<16xf32>
      %mul3A_1120 = arith.constant 16 : i32
      %mul3A_1121 = arith.muli %scan3A_529, %mul3A_1120 : i32
      %add3A_1122 = arith.constant 9 : i32
      %add3A_1123 = arith.addi %mul3A_1121, %add3A_1122 : i32
      %get3A_1124 = arith.index_cast %add3A_1123 : i32 to index
      %get3A_1125 = arith.constant 64 : index
      %get3A_1126 = tpu.vector_load %arg13[%get3A_1124, %get3A_1125] {strides = array<i32>} : memref<288x128xf32, #tpu.memory_space<vmem>>, vector<16xf32>,
      %add3A_1127 = arith.addf %add3A_1119, %get3A_1126 : vector<16xf32>
      %mul3A_1128 = arith.constant 16 : i32
      %mul3A_1129 = arith.muli %scan3A_529, %mul3A_1128 : i32
      %add3A_1130 = arith.constant 10 : i32
      %add3A_1131 = arith.addi %mul3A_1129, %add3A_1130 : i32
      %get3A_1132 = arith.index_cast %add3A_1131 : i32 to index
      %get3A_1133 = arith.constant 64 : index
      %get3A_1134 = tpu.vector_load %arg13[%get3A_1132, %get3A_1133] {strides = array<i32>} : memref<288x128xf32, #tpu.memory_space<vmem>>, vector<16xf32>,
      %add3A_1135 = arith.addf %add3A_1127, %get3A_1134 : vector<16xf32>
      %mul3A_1136 = arith.constant 16 : i32
      %mul3A_1137 = arith.muli %scan3A_529, %mul3A_1136 : i32
      %add3A_1138 = arith.constant 11 : i32
      %add3A_1139 = arith.addi %mul3A_1137, %add3A_1138 : i32
      %get3A_1140 = arith.index_cast %add3A_1139 : i32 to index
      %get3A_1141 = arith.constant 64 : index
      %get3A_1142 = tpu.vector_load %arg13[%get3A_1140, %get3A_1141] {strides = array<i32>} : memref<288x128xf32, #tpu.memory_space<vmem>>, vector<16xf32>,
      %add3A_1143 = arith.addf %add3A_1135, %get3A_1142 : vector<16xf32>
      %mul3A_1144 = arith.constant 16 : i32
      %mul3A_1145 = arith.muli %scan3A_529, %mul3A_1144 : i32
      %add3A_1146 = arith.constant 12 : i32
      %add3A_1147 = arith.addi %mul3A_1145, %add3A_1146 : i32
      %get3A_1148 = arith.index_cast %add3A_1147 : i32 to index
      %get3A_1149 = arith.constant 64 : index
      %get3A_1150 = tpu.vector_load %arg13[%get3A_1148, %get3A_1149] {strides = array<i32>} : memref<288x128xf32, #tpu.memory_space<vmem>>, vector<16xf32>,
      %add3A_1151 = arith.addf %add3A_1143, %get3A_1150 : vector<16xf32>
      %mul3A_1152 = arith.constant 16 : i32
      %mul3A_1153 = arith.muli %scan3A_529, %mul3A_1152 : i32
      %add3A_1154 = arith.constant 13 : i32
      %add3A_1155 = arith.addi %mul3A_1153, %add3A_1154 : i32
      %get3A_1156 = arith.index_cast %add3A_1155 : i32 to index
      %get3A_1157 = arith.constant 64 : index
      %get3A_1158 = tpu.vector_load %arg13[%get3A_1156, %get3A_1157] {strides = array<i32>} : memref<288x128xf32, #tpu.memory_space<vmem>>, vector<16xf32>,
      %add3A_1159 = arith.addf %add3A_1151, %get3A_1158 : vector<16xf32>
      %mul3A_1160 = arith.constant 16 : i32
      %mul3A_1161 = arith.muli %scan3A_529, %mul3A_1160 : i32
      %add3A_1162 = arith.constant 14 : i32
      %add3A_1163 = arith.addi %mul3A_1161, %add3A_1162 : i32
      %get3A_1164 = arith.index_cast %add3A_1163 : i32 to index
      %get3A_1165 = arith.constant 64 : index
      %get3A_1166 = tpu.vector_load %arg13[%get3A_1164, %get3A_1165] {strides = array<i32>} : memref<288x128xf32, #tpu.memory_space<vmem>>, vector<16xf32>,
      %add3A_1167 = arith.addf %add3A_1159, %get3A_1166 : vector<16xf32>
      %mul3A_1168 = arith.constant 16 : i32
      %mul3A_1169 = arith.muli %scan3A_529, %mul3A_1168 : i32
      %add3A_1170 = arith.constant 15 : i32
      %add3A_1171 = arith.addi %mul3A_1169, %add3A_1170 : i32
      %get3A_1172 = arith.index_cast %add3A_1171 : i32 to index
      %get3A_1173 = arith.constant 64 : index
      %get3A_1174 = tpu.vector_load %arg13[%get3A_1172, %get3A_1173] {strides = array<i32>} : memref<288x128xf32, #tpu.memory_space<vmem>>, vector<16xf32>,
      %add3A_1175 = arith.addf %add3A_1167, %get3A_1174 : vector<16xf32>
      %add3A_1176 = arith.constant 36 : i32
      %add3A_1177 = arith.addi %add3A_1176, %scan3A_529 : i32
      %swap3A_1178 = arith.index_cast %add3A_1177 : i32 to index
      %swap3A_1179 = arith.constant 64 : index
      %swap3A_1180 = tpu.vector_load %arg16[%swap3A_1178, %swap3A_1179] {strides = array<i32>} : memref<72x128xf32, #tpu.memory_space<vmem>>, vector<16xf32>,
      tpu.vector_store %arg16[%swap3A_1178, %swap3A_1179], %add3A_1175 {strides = array<i32>} : memref<72x128xf32, #tpu.memory_space<vmem>>, vector<16xf32>,
      %mul3A_1181 = arith.constant 16 : i32
      %mul3A_1182 = arith.muli %scan3A_529, %mul3A_1181 : i32
      %get3A_1183 = arith.index_cast %mul3A_1182 : i32 to index
      %get3A_1184 = arith.constant 80 : index
      %get3A_1185 = tpu.vector_load %arg13[%get3A_1183, %get3A_1184] {strides = array<i32>} : memref<288x128xf32, #tpu.memory_space<vmem>>, vector<16xf32>,
      %mul3A_1186 = arith.constant 16 : i32
      %mul3A_1187 = arith.muli %scan3A_529, %mul3A_1186 : i32
      %add3A_1188 = arith.constant 1 : i32
      %add3A_1189 = arith.addi %mul3A_1187, %add3A_1188 : i32
      %get3A_1190 = arith.index_cast %add3A_1189 : i32 to index
      %get3A_1191 = arith.constant 80 : index
      %get3A_1192 = tpu.vector_load %arg13[%get3A_1190, %get3A_1191] {strides = array<i32>} : memref<288x128xf32, #tpu.memory_space<vmem>>, vector<16xf32>,
      %add3A_1193 = arith.addf %get3A_1185, %get3A_1192 : vector<16xf32>
      %mul3A_1194 = arith.constant 16 : i32
      %mul3A_1195 = arith.muli %scan3A_529, %mul3A_1194 : i32
      %add3A_1196 = arith.constant 2 : i32
      %add3A_1197 = arith.addi %mul3A_1195, %add3A_1196 : i32
      %get3A_1198 = arith.index_cast %add3A_1197 : i32 to index
      %get3A_1199 = arith.constant 80 : index
      %get3A_1200 = tpu.vector_load %arg13[%get3A_1198, %get3A_1199] {strides = array<i32>} : memref<288x128xf32, #tpu.memory_space<vmem>>, vector<16xf32>,
      %add3A_1201 = arith.addf %add3A_1193, %get3A_1200 : vector<16xf32>
      %mul3A_1202 = arith.constant 16 : i32
      %mul3A_1203 = arith.muli %scan3A_529, %mul3A_1202 : i32
      %add3A_1204 = arith.constant 3 : i32
      %add3A_1205 = arith.addi %mul3A_1203, %add3A_1204 : i32
      %get3A_1206 = arith.index_cast %add3A_1205 : i32 to index
      %get3A_1207 = arith.constant 80 : index
      %get3A_1208 = tpu.vector_load %arg13[%get3A_1206, %get3A_1207] {strides = array<i32>} : memref<288x128xf32, #tpu.memory_space<vmem>>, vector<16xf32>,
      %add3A_1209 = arith.addf %add3A_1201, %get3A_1208 : vector<16xf32>
      %mul3A_1210 = arith.constant 16 : i32
      %mul3A_1211 = arith.muli %scan3A_529, %mul3A_1210 : i32
      %add3A_1212 = arith.constant 4 : i32
      %add3A_1213 = arith.addi %mul3A_1211, %add3A_1212 : i32
      %get3A_1214 = arith.index_cast %add3A_1213 : i32 to index
      %get3A_1215 = arith.constant 80 : index
      %get3A_1216 = tpu.vector_load %arg13[%get3A_1214, %get3A_1215] {strides = array<i32>} : memref<288x128xf32, #tpu.memory_space<vmem>>, vector<16xf32>,
      %add3A_1217 = arith.addf %add3A_1209, %get3A_1216 : vector<16xf32>
      %mul3A_1218 = arith.constant 16 : i32
      %mul3A_1219 = arith.muli %scan3A_529, %mul3A_1218 : i32
      %add3A_1220 = arith.constant 5 : i32
      %add3A_1221 = arith.addi %mul3A_1219, %add3A_1220 : i32
      %get3A_1222 = arith.index_cast %add3A_1221 : i32 to index
      %get3A_1223 = arith.constant 80 : index
      %get3A_1224 = tpu.vector_load %arg13[%get3A_1222, %get3A_1223] {strides = array<i32>} : memref<288x128xf32, #tpu.memory_space<vmem>>, vector<16xf32>,
      %add3A_1225 = arith.addf %add3A_1217, %get3A_1224 : vector<16xf32>
      %mul3A_1226 = arith.constant 16 : i32
      %mul3A_1227 = arith.muli %scan3A_529, %mul3A_1226 : i32
      %add3A_1228 = arith.constant 6 : i32
      %add3A_1229 = arith.addi %mul3A_1227, %add3A_1228 : i32
      %get3A_1230 = arith.index_cast %add3A_1229 : i32 to index
      %get3A_1231 = arith.constant 80 : index
      %get3A_1232 = tpu.vector_load %arg13[%get3A_1230, %get3A_1231] {strides = array<i32>} : memref<288x128xf32, #tpu.memory_space<vmem>>, vector<16xf32>,
      %add3A_1233 = arith.addf %add3A_1225, %get3A_1232 : vector<16xf32>
      %mul3A_1234 = arith.constant 16 : i32
      %mul3A_1235 = arith.muli %scan3A_529, %mul3A_1234 : i32
      %add3A_1236 = arith.constant 7 : i32
      %add3A_1237 = arith.addi %mul3A_1235, %add3A_1236 : i32
      %get3A_1238 = arith.index_cast %add3A_1237 : i32 to index
      %get3A_1239 = arith.constant 80 : index
      %get3A_1240 = tpu.vector_load %arg13[%get3A_1238, %get3A_1239] {strides = array<i32>} : memref<288x128xf32, #tpu.memory_space<vmem>>, vector<16xf32>,
      %add3A_1241 = arith.addf %add3A_1233, %get3A_1240 : vector<16xf32>
      %mul3A_1242 = arith.constant 16 : i32
      %mul3A_1243 = arith.muli %scan3A_529, %mul3A_1242 : i32
      %add3A_1244 = arith.constant 8 : i32
      %add3A_1245 = arith.addi %mul3A_1243, %add3A_1244 : i32
      %get3A_1246 = arith.index_cast %add3A_1245 : i32 to index
      %get3A_1247 = arith.constant 80 : index
      %get3A_1248 = tpu.vector_load %arg13[%get3A_1246, %get3A_1247] {strides = array<i32>} : memref<288x128xf32, #tpu.memory_space<vmem>>, vector<16xf32>,
      %add3A_1249 = arith.addf %add3A_1241, %get3A_1248 : vector<16xf32>
      %mul3A_1250 = arith.constant 16 : i32
      %mul3A_1251 = arith.muli %scan3A_529, %mul3A_1250 : i32
      %add3A_1252 = arith.constant 9 : i32
      %add3A_1253 = arith.addi %mul3A_1251, %add3A_1252 : i32
      %get3A_1254 = arith.index_cast %add3A_1253 : i32 to index
      %get3A_1255 = arith.constant 80 : index
      %get3A_1256 = tpu.vector_load %arg13[%get3A_1254, %get3A_1255] {strides = array<i32>} : memref<288x128xf32, #tpu.memory_space<vmem>>, vector<16xf32>,
      %add3A_1257 = arith.addf %add3A_1249, %get3A_1256 : vector<16xf32>
      %mul3A_1258 = arith.constant 16 : i32
      %mul3A_1259 = arith.muli %scan3A_529, %mul3A_1258 : i32
      %add3A_1260 = arith.constant 10 : i32
      %add3A_1261 = arith.addi %mul3A_1259, %add3A_1260 : i32
      %get3A_1262 = arith.index_cast %add3A_1261 : i32 to index
      %get3A_1263 = arith.constant 80 : index
      %get3A_1264 = tpu.vector_load %arg13[%get3A_1262, %get3A_1263] {strides = array<i32>} : memref<288x128xf32, #tpu.memory_space<vmem>>, vector<16xf32>,
      %add3A_1265 = arith.addf %add3A_1257, %get3A_1264 : vector<16xf32>
      %mul3A_1266 = arith.constant 16 : i32
      %mul3A_1267 = arith.muli %scan3A_529, %mul3A_1266 : i32
      %add3A_1268 = arith.constant 11 : i32
      %add3A_1269 = arith.addi %mul3A_1267, %add3A_1268 : i32
      %get3A_1270 = arith.index_cast %add3A_1269 : i32 to index
      %get3A_1271 = arith.constant 80 : index
      %get3A_1272 = tpu.vector_load %arg13[%get3A_1270, %get3A_1271] {strides = array<i32>} : memref<288x128xf32, #tpu.memory_space<vmem>>, vector<16xf32>,
      %add3A_1273 = arith.addf %add3A_1265, %get3A_1272 : vector<16xf32>
      %mul3A_1274 = arith.constant 16 : i32
      %mul3A_1275 = arith.muli %scan3A_529, %mul3A_1274 : i32
      %add3A_1276 = arith.constant 12 : i32
      %add3A_1277 = arith.addi %mul3A_1275, %add3A_1276 : i32
      %get3A_1278 = arith.index_cast %add3A_1277 : i32 to index
      %get3A_1279 = arith.constant 80 : index
      %get3A_1280 = tpu.vector_load %arg13[%get3A_1278, %get3A_1279] {strides = array<i32>} : memref<288x128xf32, #tpu.memory_space<vmem>>, vector<16xf32>,
      %add3A_1281 = arith.addf %add3A_1273, %get3A_1280 : vector<16xf32>
      %mul3A_1282 = arith.constant 16 : i32
      %mul3A_1283 = arith.muli %scan3A_529, %mul3A_1282 : i32
      %add3A_1284 = arith.constant 13 : i32
      %add3A_1285 = arith.addi %mul3A_1283, %add3A_1284 : i32
      %get3A_1286 = arith.index_cast %add3A_1285 : i32 to index
      %get3A_1287 = arith.constant 80 : index
      %get3A_1288 = tpu.vector_load %arg13[%get3A_1286, %get3A_1287] {strides = array<i32>} : memref<288x128xf32, #tpu.memory_space<vmem>>, vector<16xf32>,
      %add3A_1289 = arith.addf %add3A_1281, %get3A_1288 : vector<16xf32>
      %mul3A_1290 = arith.constant 16 : i32
      %mul3A_1291 = arith.muli %scan3A_529, %mul3A_1290 : i32
      %add3A_1292 = arith.constant 14 : i32
      %add3A_1293 = arith.addi %mul3A_1291, %add3A_1292 : i32
      %get3A_1294 = arith.index_cast %add3A_1293 : i32 to index
      %get3A_1295 = arith.constant 80 : index
      %get3A_1296 = tpu.vector_load %arg13[%get3A_1294, %get3A_1295] {strides = array<i32>} : memref<288x128xf32, #tpu.memory_space<vmem>>, vector<16xf32>,
      %add3A_1297 = arith.addf %add3A_1289, %get3A_1296 : vector<16xf32>
      %mul3A_1298 = arith.constant 16 : i32
      %mul3A_1299 = arith.muli %scan3A_529, %mul3A_1298 : i32
      %add3A_1300 = arith.constant 15 : i32
      %add3A_1301 = arith.addi %mul3A_1299, %add3A_1300 : i32
      %get3A_1302 = arith.index_cast %add3A_1301 : i32 to index
      %get3A_1303 = arith.constant 80 : index
      %get3A_1304 = tpu.vector_load %arg13[%get3A_1302, %get3A_1303] {strides = array<i32>} : memref<288x128xf32, #tpu.memory_space<vmem>>, vector<16xf32>,
      %add3A_1305 = arith.addf %add3A_1297, %get3A_1304 : vector<16xf32>
      %add3A_1306 = arith.constant 36 : i32
      %add3A_1307 = arith.addi %add3A_1306, %scan3A_529 : i32
      %swap3A_1308 = arith.index_cast %add3A_1307 : i32 to index
      %swap3A_1309 = arith.constant 80 : index
      %swap3A_1310 = tpu.vector_load %arg16[%swap3A_1308, %swap3A_1309] {strides = array<i32>} : memref<72x128xf32, #tpu.memory_space<vmem>>, vector<16xf32>,
      tpu.vector_store %arg16[%swap3A_1308, %swap3A_1309], %add3A_1305 {strides = array<i32>} : memref<72x128xf32, #tpu.memory_space<vmem>>, vector<16xf32>,
      %mul3A_1311 = arith.constant 16 : i32
      %mul3A_1312 = arith.muli %scan3A_529, %mul3A_1311 : i32
      %get3A_1313 = arith.index_cast %mul3A_1312 : i32 to index
      %get3A_1314 = arith.constant 96 : index
      %get3A_1315 = tpu.vector_load %arg13[%get3A_1313, %get3A_1314] {strides = array<i32>} : memref<288x128xf32, #tpu.memory_space<vmem>>, vector<16xf32>,
      %mul3A_1316 = arith.constant 16 : i32
      %mul3A_1317 = arith.muli %scan3A_529, %mul3A_1316 : i32
      %add3A_1318 = arith.constant 1 : i32
      %add3A_1319 = arith.addi %mul3A_1317, %add3A_1318 : i32
      %get3A_1320 = arith.index_cast %add3A_1319 : i32 to index
      %get3A_1321 = arith.constant 96 : index
      %get3A_1322 = tpu.vector_load %arg13[%get3A_1320, %get3A_1321] {strides = array<i32>} : memref<288x128xf32, #tpu.memory_space<vmem>>, vector<16xf32>,
      %add3A_1323 = arith.addf %get3A_1315, %get3A_1322 : vector<16xf32>
      %mul3A_1324 = arith.constant 16 : i32
      %mul3A_1325 = arith.muli %scan3A_529, %mul3A_1324 : i32
      %add3A_1326 = arith.constant 2 : i32
      %add3A_1327 = arith.addi %mul3A_1325, %add3A_1326 : i32
      %get3A_1328 = arith.index_cast %add3A_1327 : i32 to index
      %get3A_1329 = arith.constant 96 : index
      %get3A_1330 = tpu.vector_load %arg13[%get3A_1328, %get3A_1329] {strides = array<i32>} : memref<288x128xf32, #tpu.memory_space<vmem>>, vector<16xf32>,
      %add3A_1331 = arith.addf %add3A_1323, %get3A_1330 : vector<16xf32>
      %mul3A_1332 = arith.constant 16 : i32
      %mul3A_1333 = arith.muli %scan3A_529, %mul3A_1332 : i32
      %add3A_1334 = arith.constant 3 : i32
      %add3A_1335 = arith.addi %mul3A_1333, %add3A_1334 : i32
      %get3A_1336 = arith.index_cast %add3A_1335 : i32 to index
      %get3A_1337 = arith.constant 96 : index
      %get3A_1338 = tpu.vector_load %arg13[%get3A_1336, %get3A_1337] {strides = array<i32>} : memref<288x128xf32, #tpu.memory_space<vmem>>, vector<16xf32>,
      %add3A_1339 = arith.addf %add3A_1331, %get3A_1338 : vector<16xf32>
      %mul3A_1340 = arith.constant 16 : i32
      %mul3A_1341 = arith.muli %scan3A_529, %mul3A_1340 : i32
      %add3A_1342 = arith.constant 4 : i32
      %add3A_1343 = arith.addi %mul3A_1341, %add3A_1342 : i32
      %get3A_1344 = arith.index_cast %add3A_1343 : i32 to index
      %get3A_1345 = arith.constant 96 : index
      %get3A_1346 = tpu.vector_load %arg13[%get3A_1344, %get3A_1345] {strides = array<i32>} : memref<288x128xf32, #tpu.memory_space<vmem>>, vector<16xf32>,
      %add3A_1347 = arith.addf %add3A_1339, %get3A_1346 : vector<16xf32>
      %mul3A_1348 = arith.constant 16 : i32
      %mul3A_1349 = arith.muli %scan3A_529, %mul3A_1348 : i32
      %add3A_1350 = arith.constant 5 : i32
      %add3A_1351 = arith.addi %mul3A_1349, %add3A_1350 : i32
      %get3A_1352 = arith.index_cast %add3A_1351 : i32 to index
      %get3A_1353 = arith.constant 96 : index
      %get3A_1354 = tpu.vector_load %arg13[%get3A_1352, %get3A_1353] {strides = array<i32>} : memref<288x128xf32, #tpu.memory_space<vmem>>, vector<16xf32>,
      %add3A_1355 = arith.addf %add3A_1347, %get3A_1354 : vector<16xf32>
      %mul3A_1356 = arith.constant 16 : i32
      %mul3A_1357 = arith.muli %scan3A_529, %mul3A_1356 : i32
      %add3A_1358 = arith.constant 6 : i32
      %add3A_1359 = arith.addi %mul3A_1357, %add3A_1358 : i32
      %get3A_1360 = arith.index_cast %add3A_1359 : i32 to index
      %get3A_1361 = arith.constant 96 : index
      %get3A_1362 = tpu.vector_load %arg13[%get3A_1360, %get3A_1361] {strides = array<i32>} : memref<288x128xf32, #tpu.memory_space<vmem>>, vector<16xf32>,
      %add3A_1363 = arith.addf %add3A_1355, %get3A_1362 : vector<16xf32>
      %mul3A_1364 = arith.constant 16 : i32
      %mul3A_1365 = arith.muli %scan3A_529, %mul3A_1364 : i32
      %add3A_1366 = arith.constant 7 : i32
      %add3A_1367 = arith.addi %mul3A_1365, %add3A_1366 : i32
      %get3A_1368 = arith.index_cast %add3A_1367 : i32 to index
      %get3A_1369 = arith.constant 96 : index
      %get3A_1370 = tpu.vector_load %arg13[%get3A_1368, %get3A_1369] {strides = array<i32>} : memref<288x128xf32, #tpu.memory_space<vmem>>, vector<16xf32>,
      %add3A_1371 = arith.addf %add3A_1363, %get3A_1370 : vector<16xf32>
      %mul3A_1372 = arith.constant 16 : i32
      %mul3A_1373 = arith.muli %scan3A_529, %mul3A_1372 : i32
      %add3A_1374 = arith.constant 8 : i32
      %add3A_1375 = arith.addi %mul3A_1373, %add3A_1374 : i32
      %get3A_1376 = arith.index_cast %add3A_1375 : i32 to index
      %get3A_1377 = arith.constant 96 : index
      %get3A_1378 = tpu.vector_load %arg13[%get3A_1376, %get3A_1377] {strides = array<i32>} : memref<288x128xf32, #tpu.memory_space<vmem>>, vector<16xf32>,
      %add3A_1379 = arith.addf %add3A_1371, %get3A_1378 : vector<16xf32>
      %mul3A_1380 = arith.constant 16 : i32
      %mul3A_1381 = arith.muli %scan3A_529, %mul3A_1380 : i32
      %add3A_1382 = arith.constant 9 : i32
      %add3A_1383 = arith.addi %mul3A_1381, %add3A_1382 : i32
      %get3A_1384 = arith.index_cast %add3A_1383 : i32 to index
      %get3A_1385 = arith.constant 96 : index
      %get3A_1386 = tpu.vector_load %arg13[%get3A_1384, %get3A_1385] {strides = array<i32>} : memref<288x128xf32, #tpu.memory_space<vmem>>, vector<16xf32>,
      %add3A_1387 = arith.addf %add3A_1379, %get3A_1386 : vector<16xf32>
      %mul3A_1388 = arith.constant 16 : i32
      %mul3A_1389 = arith.muli %scan3A_529, %mul3A_1388 : i32
      %add3A_1390 = arith.constant 10 : i32
      %add3A_1391 = arith.addi %mul3A_1389, %add3A_1390 : i32
      %get3A_1392 = arith.index_cast %add3A_1391 : i32 to index
      %get3A_1393 = arith.constant 96 : index
      %get3A_1394 = tpu.vector_load %arg13[%get3A_1392, %get3A_1393] {strides = array<i32>} : memref<288x128xf32, #tpu.memory_space<vmem>>, vector<16xf32>,
      %add3A_1395 = arith.addf %add3A_1387, %get3A_1394 : vector<16xf32>
      %mul3A_1396 = arith.constant 16 : i32
      %mul3A_1397 = arith.muli %scan3A_529, %mul3A_1396 : i32
      %add3A_1398 = arith.constant 11 : i32
      %add3A_1399 = arith.addi %mul3A_1397, %add3A_1398 : i32
      %get3A_1400 = arith.index_cast %add3A_1399 : i32 to index
      %get3A_1401 = arith.constant 96 : index
      %get3A_1402 = tpu.vector_load %arg13[%get3A_1400, %get3A_1401] {strides = array<i32>} : memref<288x128xf32, #tpu.memory_space<vmem>>, vector<16xf32>,
      %add3A_1403 = arith.addf %add3A_1395, %get3A_1402 : vector<16xf32>
      %mul3A_1404 = arith.constant 16 : i32
      %mul3A_1405 = arith.muli %scan3A_529, %mul3A_1404 : i32
      %add3A_1406 = arith.constant 12 : i32
      %add3A_1407 = arith.addi %mul3A_1405, %add3A_1406 : i32
      %get3A_1408 = arith.index_cast %add3A_1407 : i32 to index
      %get3A_1409 = arith.constant 96 : index
      %get3A_1410 = tpu.vector_load %arg13[%get3A_1408, %get3A_1409] {strides = array<i32>} : memref<288x128xf32, #tpu.memory_space<vmem>>, vector<16xf32>,
      %add3A_1411 = arith.addf %add3A_1403, %get3A_1410 : vector<16xf32>
      %mul3A_1412 = arith.constant 16 : i32
      %mul3A_1413 = arith.muli %scan3A_529, %mul3A_1412 : i32
      %add3A_1414 = arith.constant 13 : i32
      %add3A_1415 = arith.addi %mul3A_1413, %add3A_1414 : i32
      %get3A_1416 = arith.index_cast %add3A_1415 : i32 to index
      %get3A_1417 = arith.constant 96 : index
      %get3A_1418 = tpu.vector_load %arg13[%get3A_1416, %get3A_1417] {strides = array<i32>} : memref<288x128xf32, #tpu.memory_space<vmem>>, vector<16xf32>,
      %add3A_1419 = arith.addf %add3A_1411, %get3A_1418 : vector<16xf32>
      %mul3A_1420 = arith.constant 16 : i32
      %mul3A_1421 = arith.muli %scan3A_529, %mul3A_1420 : i32
      %add3A_1422 = arith.constant 14 : i32
      %add3A_1423 = arith.addi %mul3A_1421, %add3A_1422 : i32
      %get3A_1424 = arith.index_cast %add3A_1423 : i32 to index
      %get3A_1425 = arith.constant 96 : index
      %get3A_1426 = tpu.vector_load %arg13[%get3A_1424, %get3A_1425] {strides = array<i32>} : memref<288x128xf32, #tpu.memory_space<vmem>>, vector<16xf32>,
      %add3A_1427 = arith.addf %add3A_1419, %get3A_1426 : vector<16xf32>
      %mul3A_1428 = arith.constant 16 : i32
      %mul3A_1429 = arith.muli %scan3A_529, %mul3A_1428 : i32
      %add3A_1430 = arith.constant 15 : i32
      %add3A_1431 = arith.addi %mul3A_1429, %add3A_1430 : i32
      %get3A_1432 = arith.index_cast %add3A_1431 : i32 to index
      %get3A_1433 = arith.constant 96 : index
      %get3A_1434 = tpu.vector_load %arg13[%get3A_1432, %get3A_1433] {strides = array<i32>} : memref<288x128xf32, #tpu.memory_space<vmem>>, vector<16xf32>,
      %add3A_1435 = arith.addf %add3A_1427, %get3A_1434 : vector<16xf32>
      %add3A_1436 = arith.constant 36 : i32
      %add3A_1437 = arith.addi %add3A_1436, %scan3A_529 : i32
      %swap3A_1438 = arith.index_cast %add3A_1437 : i32 to index
      %swap3A_1439 = arith.constant 96 : index
      %swap3A_1440 = tpu.vector_load %arg16[%swap3A_1438, %swap3A_1439] {strides = array<i32>} : memref<72x128xf32, #tpu.memory_space<vmem>>, vector<16xf32>,
      tpu.vector_store %arg16[%swap3A_1438, %swap3A_1439], %add3A_1435 {strides = array<i32>} : memref<72x128xf32, #tpu.memory_space<vmem>>, vector<16xf32>,
      %mul3A_1441 = arith.constant 16 : i32
      %mul3A_1442 = arith.muli %scan3A_529, %mul3A_1441 : i32
      %get3A_1443 = arith.index_cast %mul3A_1442 : i32 to index
      %get3A_1444 = arith.constant 112 : index
      %get3A_1445 = tpu.vector_load %arg13[%get3A_1443, %get3A_1444] {strides = array<i32>} : memref<288x128xf32, #tpu.memory_space<vmem>>, vector<16xf32>,
      %mul3A_1446 = arith.constant 16 : i32
      %mul3A_1447 = arith.muli %scan3A_529, %mul3A_1446 : i32
      %add3A_1448 = arith.constant 1 : i32
      %add3A_1449 = arith.addi %mul3A_1447, %add3A_1448 : i32
      %get3A_1450 = arith.index_cast %add3A_1449 : i32 to index
      %get3A_1451 = arith.constant 112 : index
      %get3A_1452 = tpu.vector_load %arg13[%get3A_1450, %get3A_1451] {strides = array<i32>} : memref<288x128xf32, #tpu.memory_space<vmem>>, vector<16xf32>,
      %add3A_1453 = arith.addf %get3A_1445, %get3A_1452 : vector<16xf32>
      %mul3A_1454 = arith.constant 16 : i32
      %mul3A_1455 = arith.muli %scan3A_529, %mul3A_1454 : i32
      %add3A_1456 = arith.constant 2 : i32
      %add3A_1457 = arith.addi %mul3A_1455, %add3A_1456 : i32
      %get3A_1458 = arith.index_cast %add3A_1457 : i32 to index
      %get3A_1459 = arith.constant 112 : index
      %get3A_1460 = tpu.vector_load %arg13[%get3A_1458, %get3A_1459] {strides = array<i32>} : memref<288x128xf32, #tpu.memory_space<vmem>>, vector<16xf32>,
      %add3A_1461 = arith.addf %add3A_1453, %get3A_1460 : vector<16xf32>
      %mul3A_1462 = arith.constant 16 : i32
      %mul3A_1463 = arith.muli %scan3A_529, %mul3A_1462 : i32
      %add3A_1464 = arith.constant 3 : i32
      %add3A_1465 = arith.addi %mul3A_1463, %add3A_1464 : i32
      %get3A_1466 = arith.index_cast %add3A_1465 : i32 to index
      %get3A_1467 = arith.constant 112 : index
      %get3A_1468 = tpu.vector_load %arg13[%get3A_1466, %get3A_1467] {strides = array<i32>} : memref<288x128xf32, #tpu.memory_space<vmem>>, vector<16xf32>,
      %add3A_1469 = arith.addf %add3A_1461, %get3A_1468 : vector<16xf32>
      %mul3A_1470 = arith.constant 16 : i32
      %mul3A_1471 = arith.muli %scan3A_529, %mul3A_1470 : i32
      %add3A_1472 = arith.constant 4 : i32
      %add3A_1473 = arith.addi %mul3A_1471, %add3A_1472 : i32
      %get3A_1474 = arith.index_cast %add3A_1473 : i32 to index
      %get3A_1475 = arith.constant 112 : index
      %get3A_1476 = tpu.vector_load %arg13[%get3A_1474, %get3A_1475] {strides = array<i32>} : memref<288x128xf32, #tpu.memory_space<vmem>>, vector<16xf32>,
      %add3A_1477 = arith.addf %add3A_1469, %get3A_1476 : vector<16xf32>
      %mul3A_1478 = arith.constant 16 : i32
      %mul3A_1479 = arith.muli %scan3A_529, %mul3A_1478 : i32
      %add3A_1480 = arith.constant 5 : i32
      %add3A_1481 = arith.addi %mul3A_1479, %add3A_1480 : i32
      %get3A_1482 = arith.index_cast %add3A_1481 : i32 to index
      %get3A_1483 = arith.constant 112 : index
      %get3A_1484 = tpu.vector_load %arg13[%get3A_1482, %get3A_1483] {strides = array<i32>} : memref<288x128xf32, #tpu.memory_space<vmem>>, vector<16xf32>,
      %add3A_1485 = arith.addf %add3A_1477, %get3A_1484 : vector<16xf32>
      %mul3A_1486 = arith.constant 16 : i32
      %mul3A_1487 = arith.muli %scan3A_529, %mul3A_1486 : i32
      %add3A_1488 = arith.constant 6 : i32
      %add3A_1489 = arith.addi %mul3A_1487, %add3A_1488 : i32
      %get3A_1490 = arith.index_cast %add3A_1489 : i32 to index
      %get3A_1491 = arith.constant 112 : index
      %get3A_1492 = tpu.vector_load %arg13[%get3A_1490, %get3A_1491] {strides = array<i32>} : memref<288x128xf32, #tpu.memory_space<vmem>>, vector<16xf32>,
      %add3A_1493 = arith.addf %add3A_1485, %get3A_1492 : vector<16xf32>
      %mul3A_1494 = arith.constant 16 : i32
      %mul3A_1495 = arith.muli %scan3A_529, %mul3A_1494 : i32
      %add3A_1496 = arith.constant 7 : i32
      %add3A_1497 = arith.addi %mul3A_1495, %add3A_1496 : i32
      %get3A_1498 = arith.index_cast %add3A_1497 : i32 to index
      %get3A_1499 = arith.constant 112 : index
      %get3A_1500 = tpu.vector_load %arg13[%get3A_1498, %get3A_1499] {strides = array<i32>} : memref<288x128xf32, #tpu.memory_space<vmem>>, vector<16xf32>,
      %add3A_1501 = arith.addf %add3A_1493, %get3A_1500 : vector<16xf32>
      %mul3A_1502 = arith.constant 16 : i32
      %mul3A_1503 = arith.muli %scan3A_529, %mul3A_1502 : i32
      %add3A_1504 = arith.constant 8 : i32
      %add3A_1505 = arith.addi %mul3A_1503, %add3A_1504 : i32
      %get3A_1506 = arith.index_cast %add3A_1505 : i32 to index
      %get3A_1507 = arith.constant 112 : index
      %get3A_1508 = tpu.vector_load %arg13[%get3A_1506, %get3A_1507] {strides = array<i32>} : memref<288x128xf32, #tpu.memory_space<vmem>>, vector<16xf32>,
      %add3A_1509 = arith.addf %add3A_1501, %get3A_1508 : vector<16xf32>
      %mul3A_1510 = arith.constant 16 : i32
      %mul3A_1511 = arith.muli %scan3A_529, %mul3A_1510 : i32
      %add3A_1512 = arith.constant 9 : i32
      %add3A_1513 = arith.addi %mul3A_1511, %add3A_1512 : i32
      %get3A_1514 = arith.index_cast %add3A_1513 : i32 to index
      %get3A_1515 = arith.constant 112 : index
      %get3A_1516 = tpu.vector_load %arg13[%get3A_1514, %get3A_1515] {strides = array<i32>} : memref<288x128xf32, #tpu.memory_space<vmem>>, vector<16xf32>,
      %add3A_1517 = arith.addf %add3A_1509, %get3A_1516 : vector<16xf32>
      %mul3A_1518 = arith.constant 16 : i32
      %mul3A_1519 = arith.muli %scan3A_529, %mul3A_1518 : i32
      %add3A_1520 = arith.constant 10 : i32
      %add3A_1521 = arith.addi %mul3A_1519, %add3A_1520 : i32
      %get3A_1522 = arith.index_cast %add3A_1521 : i32 to index
      %get3A_1523 = arith.constant 112 : index
      %get3A_1524 = tpu.vector_load %arg13[%get3A_1522, %get3A_1523] {strides = array<i32>} : memref<288x128xf32, #tpu.memory_space<vmem>>, vector<16xf32>,
      %add3A_1525 = arith.addf %add3A_1517, %get3A_1524 : vector<16xf32>
      %mul3A_1526 = arith.constant 16 : i32
      %mul3A_1527 = arith.muli %scan3A_529, %mul3A_1526 : i32
      %add3A_1528 = arith.constant 11 : i32
      %add3A_1529 = arith.addi %mul3A_1527, %add3A_1528 : i32
      %get3A_1530 = arith.index_cast %add3A_1529 : i32 to index
      %get3A_1531 = arith.constant 112 : index
      %get3A_1532 = tpu.vector_load %arg13[%get3A_1530, %get3A_1531] {strides = array<i32>} : memref<288x128xf32, #tpu.memory_space<vmem>>, vector<16xf32>,
      %add3A_1533 = arith.addf %add3A_1525, %get3A_1532 : vector<16xf32>
      %mul3A_1534 = arith.constant 16 : i32
      %mul3A_1535 = arith.muli %scan3A_529, %mul3A_1534 : i32
      %add3A_1536 = arith.constant 12 : i32
      %add3A_1537 = arith.addi %mul3A_1535, %add3A_1536 : i32
      %get3A_1538 = arith.index_cast %add3A_1537 : i32 to index
      %get3A_1539 = arith.constant 112 : index
      %get3A_1540 = tpu.vector_load %arg13[%get3A_1538, %get3A_1539] {strides = array<i32>} : memref<288x128xf32, #tpu.memory_space<vmem>>, vector<16xf32>,
      %add3A_1541 = arith.addf %add3A_1533, %get3A_1540 : vector<16xf32>
      %mul3A_1542 = arith.constant 16 : i32
      %mul3A_1543 = arith.muli %scan3A_529, %mul3A_1542 : i32
      %add3A_1544 = arith.constant 13 : i32
      %add3A_1545 = arith.addi %mul3A_1543, %add3A_1544 : i32
      %get3A_1546 = arith.index_cast %add3A_1545 : i32 to index
      %get3A_1547 = arith.constant 112 : index
      %get3A_1548 = tpu.vector_load %arg13[%get3A_1546, %get3A_1547] {strides = array<i32>} : memref<288x128xf32, #tpu.memory_space<vmem>>, vector<16xf32>,
      %add3A_1549 = arith.addf %add3A_1541, %get3A_1548 : vector<16xf32>
      %mul3A_1550 = arith.constant 16 : i32
      %mul3A_1551 = arith.muli %scan3A_529, %mul3A_1550 : i32
      %add3A_1552 = arith.constant 14 : i32
      %add3A_1553 = arith.addi %mul3A_1551, %add3A_1552 : i32
      %get3A_1554 = arith.index_cast %add3A_1553 : i32 to index
      %get3A_1555 = arith.constant 112 : index
      %get3A_1556 = tpu.vector_load %arg13[%get3A_1554, %get3A_1555] {strides = array<i32>} : memref<288x128xf32, #tpu.memory_space<vmem>>, vector<16xf32>,
      %add3A_1557 = arith.addf %add3A_1549, %get3A_1556 : vector<16xf32>
      %mul3A_1558 = arith.constant 16 : i32
      %mul3A_1559 = arith.muli %scan3A_529, %mul3A_1558 : i32
      %add3A_1560 = arith.constant 15 : i32
      %add3A_1561 = arith.addi %mul3A_1559, %add3A_1560 : i32
      %get3A_1562 = arith.index_cast %add3A_1561 : i32 to index
      %get3A_1563 = arith.constant 112 : index
      %get3A_1564 = tpu.vector_load %arg13[%get3A_1562, %get3A_1563] {strides = array<i32>} : memref<288x128xf32, #tpu.memory_space<vmem>>, vector<16xf32>,
      %add3A_1565 = arith.addf %add3A_1557, %get3A_1564 : vector<16xf32>
      %add3A_1566 = arith.constant 36 : i32
      %add3A_1567 = arith.addi %add3A_1566, %scan3A_529 : i32
      %swap3A_1568 = arith.index_cast %add3A_1567 : i32 to index
      %swap3A_1569 = arith.constant 112 : index
      %swap3A_1570 = tpu.vector_load %arg16[%swap3A_1568, %swap3A_1569] {strides = array<i32>} : memref<72x128xf32, #tpu.memory_space<vmem>>, vector<16xf32>,
      tpu.vector_store %arg16[%swap3A_1568, %swap3A_1569], %add3A_1565 {strides = array<i32>} : memref<72x128xf32, #tpu.memory_space<vmem>>, vector<16xf32>,
      %scan3A_1571 = arith.constant 0 : i32
      scf.yield %scan3A_1571 : i32
    }
    %scan3A_505 = arith.constant 18 : i32
    %dma_wait3A_506 = arith.constant 864 : i32
    %dma_wait3A_507 = tpu.memref_slice %arg11[%dma_wait3A_506] : memref<1152xi32, #tpu.memory_space<vmem>> -> memref<288xi32, #tpu.memory_space<vmem>>
    %dma_wait3A_508 = arith.constant 0 : i32
    %dma_wait3A_509 = arith.constant 0 : i32
    %dma_wait3A_510 = tpu.memref_slice %arg4[%dma_wait3A_508, %dma_wait3A_509] : memref<100000x128xf32, #tpu.memory_space<hbm>> -> memref<100000x128xf32, #tpu.memory_space<hbm>>
    tpu.wait_indirect_dma semaphore(%arg20 : memref<!tpu.dma_semaphore, #tpu.memory_space<semaphore_mem>>) src(%dma_wait3A_510 : memref<100000x128xf32, #tpu.memory_space<hbm>>) dst(%arg14 : memref<288x128xf32, #tpu.memory_space<vmem>>)
    %scan3A_511 = arith.constant 0 : i32
    %scan3A_512 = arith.constant 0 : i32
    %scan3A_513 = arith.constant 18 : i32
    %scan3A_514 = arith.addi %scan3A_512, %scan3A_513 : i32
    %scan3A_515 = arith.constant 1 : i32
    %scan3A_516 = scf.for %scan3A_529 = %scan3A_512 to %scan3A_514 step %scan3A_515 iter_args(%scan3A_530 = %scan3A_511) -> (i32)  : i32 {
      %mul3A_531 = arith.constant 16 : i32
      %mul3A_532 = arith.muli %scan3A_529, %mul3A_531 : i32
      %get3A_533 = arith.index_cast %mul3A_532 : i32 to index
      %get3A_534 = arith.constant 0 : index
      %get3A_535 = tpu.vector_load %arg14[%get3A_533, %get3A_534] {strides = array<i32>} : memref<288x128xf32, #tpu.memory_space<vmem>>, vector<16xf32>,
      %mul3A_536 = arith.constant 16 : i32
      %mul3A_537 = arith.muli %scan3A_529, %mul3A_536 : i32
      %add3A_538 = arith.constant 1 : i32
      %add3A_539 = arith.addi %mul3A_537, %add3A_538 : i32
      %get3A_540 = arith.index_cast %add3A_539 : i32 to index
      %get3A_541 = arith.constant 0 : index
      %get3A_542 = tpu.vector_load %arg14[%get3A_540, %get3A_541] {strides = array<i32>} : memref<288x128xf32, #tpu.memory_space<vmem>>, vector<16xf32>,
      %add3A_543 = arith.addf %get3A_535, %get3A_542 : vector<16xf32>
      %mul3A_544 = arith.constant 16 : i32
      %mul3A_545 = arith.muli %scan3A_529, %mul3A_544 : i32
      %add3A_546 = arith.constant 2 : i32
      %add3A_547 = arith.addi %mul3A_545, %add3A_546 : i32
      %get3A_548 = arith.index_cast %add3A_547 : i32 to index
      %get3A_549 = arith.constant 0 : index
      %get3A_550 = tpu.vector_load %arg14[%get3A_548, %get3A_549] {strides = array<i32>} : memref<288x128xf32, #tpu.memory_space<vmem>>, vector<16xf32>,
      %add3A_551 = arith.addf %add3A_543, %get3A_550 : vector<16xf32>
      %mul3A_552 = arith.constant 16 : i32
      %mul3A_553 = arith.muli %scan3A_529, %mul3A_552 : i32
      %add3A_554 = arith.constant 3 : i32
      %add3A_555 = arith.addi %mul3A_553, %add3A_554 : i32
      %get3A_556 = arith.index_cast %add3A_555 : i32 to index
      %get3A_557 = arith.constant 0 : index
      %get3A_558 = tpu.vector_load %arg14[%get3A_556, %get3A_557] {strides = array<i32>} : memref<288x128xf32, #tpu.memory_space<vmem>>, vector<16xf32>,
      %add3A_559 = arith.addf %add3A_551, %get3A_558 : vector<16xf32>
      %mul3A_560 = arith.constant 16 : i32
      %mul3A_561 = arith.muli %scan3A_529, %mul3A_560 : i32
      %add3A_562 = arith.constant 4 : i32
      %add3A_563 = arith.addi %mul3A_561, %add3A_562 : i32
      %get3A_564 = arith.index_cast %add3A_563 : i32 to index
      %get3A_565 = arith.constant 0 : index
      %get3A_566 = tpu.vector_load %arg14[%get3A_564, %get3A_565] {strides = array<i32>} : memref<288x128xf32, #tpu.memory_space<vmem>>, vector<16xf32>,
      %add3A_567 = arith.addf %add3A_559, %get3A_566 : vector<16xf32>
      %mul3A_568 = arith.constant 16 : i32
      %mul3A_569 = arith.muli %scan3A_529, %mul3A_568 : i32
      %add3A_570 = arith.constant 5 : i32
      %add3A_571 = arith.addi %mul3A_569, %add3A_570 : i32
      %get3A_572 = arith.index_cast %add3A_571 : i32 to index
      %get3A_573 = arith.constant 0 : index
      %get3A_574 = tpu.vector_load %arg14[%get3A_572, %get3A_573] {strides = array<i32>} : memref<288x128xf32, #tpu.memory_space<vmem>>, vector<16xf32>,
      %add3A_575 = arith.addf %add3A_567, %get3A_574 : vector<16xf32>
      %mul3A_576 = arith.constant 16 : i32
      %mul3A_577 = arith.muli %scan3A_529, %mul3A_576 : i32
      %add3A_578 = arith.constant 6 : i32
      %add3A_579 = arith.addi %mul3A_577, %add3A_578 : i32
      %get3A_580 = arith.index_cast %add3A_579 : i32 to index
      %get3A_581 = arith.constant 0 : index
      %get3A_582 = tpu.vector_load %arg14[%get3A_580, %get3A_581] {strides = array<i32>} : memref<288x128xf32, #tpu.memory_space<vmem>>, vector<16xf32>,
      %add3A_583 = arith.addf %add3A_575, %get3A_582 : vector<16xf32>
      %mul3A_584 = arith.constant 16 : i32
      %mul3A_585 = arith.muli %scan3A_529, %mul3A_584 : i32
      %add3A_586 = arith.constant 7 : i32
      %add3A_587 = arith.addi %mul3A_585, %add3A_586 : i32
      %get3A_588 = arith.index_cast %add3A_587 : i32 to index
      %get3A_589 = arith.constant 0 : index
      %get3A_590 = tpu.vector_load %arg14[%get3A_588, %get3A_589] {strides = array<i32>} : memref<288x128xf32, #tpu.memory_space<vmem>>, vector<16xf32>,
      %add3A_591 = arith.addf %add3A_583, %get3A_590 : vector<16xf32>
      %mul3A_592 = arith.constant 16 : i32
      %mul3A_593 = arith.muli %scan3A_529, %mul3A_592 : i32
      %add3A_594 = arith.constant 8 : i32
      %add3A_595 = arith.addi %mul3A_593, %add3A_594 : i32
      %get3A_596 = arith.index_cast %add3A_595 : i32 to index
      %get3A_597 = arith.constant 0 : index
      %get3A_598 = tpu.vector_load %arg14[%get3A_596, %get3A_597] {strides = array<i32>} : memref<288x128xf32, #tpu.memory_space<vmem>>, vector<16xf32>,
      %add3A_599 = arith.addf %add3A_591, %get3A_598 : vector<16xf32>
      %mul3A_600 = arith.constant 16 : i32
      %mul3A_601 = arith.muli %scan3A_529, %mul3A_600 : i32
      %add3A_602 = arith.constant 9 : i32
      %add3A_603 = arith.addi %mul3A_601, %add3A_602 : i32
      %get3A_604 = arith.index_cast %add3A_603 : i32 to index
      %get3A_605 = arith.constant 0 : index
      %get3A_606 = tpu.vector_load %arg14[%get3A_604, %get3A_605] {strides = array<i32>} : memref<288x128xf32, #tpu.memory_space<vmem>>, vector<16xf32>,
      %add3A_607 = arith.addf %add3A_599, %get3A_606 : vector<16xf32>
      %mul3A_608 = arith.constant 16 : i32
      %mul3A_609 = arith.muli %scan3A_529, %mul3A_608 : i32
      %add3A_610 = arith.constant 10 : i32
      %add3A_611 = arith.addi %mul3A_609, %add3A_610 : i32
      %get3A_612 = arith.index_cast %add3A_611 : i32 to index
      %get3A_613 = arith.constant 0 : index
      %get3A_614 = tpu.vector_load %arg14[%get3A_612, %get3A_613] {strides = array<i32>} : memref<288x128xf32, #tpu.memory_space<vmem>>, vector<16xf32>,
      %add3A_615 = arith.addf %add3A_607, %get3A_614 : vector<16xf32>
      %mul3A_616 = arith.constant 16 : i32
      %mul3A_617 = arith.muli %scan3A_529, %mul3A_616 : i32
      %add3A_618 = arith.constant 11 : i32
      %add3A_619 = arith.addi %mul3A_617, %add3A_618 : i32
      %get3A_620 = arith.index_cast %add3A_619 : i32 to index
      %get3A_621 = arith.constant 0 : index
      %get3A_622 = tpu.vector_load %arg14[%get3A_620, %get3A_621] {strides = array<i32>} : memref<288x128xf32, #tpu.memory_space<vmem>>, vector<16xf32>,
      %add3A_623 = arith.addf %add3A_615, %get3A_622 : vector<16xf32>
      %mul3A_624 = arith.constant 16 : i32
      %mul3A_625 = arith.muli %scan3A_529, %mul3A_624 : i32
      %add3A_626 = arith.constant 12 : i32
      %add3A_627 = arith.addi %mul3A_625, %add3A_626 : i32
      %get3A_628 = arith.index_cast %add3A_627 : i32 to index
      %get3A_629 = arith.constant 0 : index
      %get3A_630 = tpu.vector_load %arg14[%get3A_628, %get3A_629] {strides = array<i32>} : memref<288x128xf32, #tpu.memory_space<vmem>>, vector<16xf32>,
      %add3A_631 = arith.addf %add3A_623, %get3A_630 : vector<16xf32>
      %mul3A_632 = arith.constant 16 : i32
      %mul3A_633 = arith.muli %scan3A_529, %mul3A_632 : i32
      %add3A_634 = arith.constant 13 : i32
      %add3A_635 = arith.addi %mul3A_633, %add3A_634 : i32
      %get3A_636 = arith.index_cast %add3A_635 : i32 to index
      %get3A_637 = arith.constant 0 : index
      %get3A_638 = tpu.vector_load %arg14[%get3A_636, %get3A_637] {strides = array<i32>} : memref<288x128xf32, #tpu.memory_space<vmem>>, vector<16xf32>,
      %add3A_639 = arith.addf %add3A_631, %get3A_638 : vector<16xf32>
      %mul3A_640 = arith.constant 16 : i32
      %mul3A_641 = arith.muli %scan3A_529, %mul3A_640 : i32
      %add3A_642 = arith.constant 14 : i32
      %add3A_643 = arith.addi %mul3A_641, %add3A_642 : i32
      %get3A_644 = arith.index_cast %add3A_643 : i32 to index
      %get3A_645 = arith.constant 0 : index
      %get3A_646 = tpu.vector_load %arg14[%get3A_644, %get3A_645] {strides = array<i32>} : memref<288x128xf32, #tpu.memory_space<vmem>>, vector<16xf32>,
      %add3A_647 = arith.addf %add3A_639, %get3A_646 : vector<16xf32>
      %mul3A_648 = arith.constant 16 : i32
      %mul3A_649 = arith.muli %scan3A_529, %mul3A_648 : i32
      %add3A_650 = arith.constant 15 : i32
      %add3A_651 = arith.addi %mul3A_649, %add3A_650 : i32
      %get3A_652 = arith.index_cast %add3A_651 : i32 to index
      %get3A_653 = arith.constant 0 : index
      %get3A_654 = tpu.vector_load %arg14[%get3A_652, %get3A_653] {strides = array<i32>} : memref<288x128xf32, #tpu.memory_space<vmem>>, vector<16xf32>,
      %add3A_655 = arith.addf %add3A_647, %get3A_654 : vector<16xf32>
      %add3A_656 = arith.constant 54 : i32
      %add3A_657 = arith.addi %add3A_656, %scan3A_529 : i32
      %swap3A_658 = arith.index_cast %add3A_657 : i32 to index
      %swap3A_659 = arith.constant 0 : index
      %swap3A_660 = tpu.vector_load %arg16[%swap3A_658, %swap3A_659] {strides = array<i32>} : memref<72x128xf32, #tpu.memory_space<vmem>>, vector<16xf32>,
      tpu.vector_store %arg16[%swap3A_658, %swap3A_659], %add3A_655 {strides = array<i32>} : memref<72x128xf32, #tpu.memory_space<vmem>>, vector<16xf32>,
      %mul3A_661 = arith.constant 16 : i32
      %mul3A_662 = arith.muli %scan3A_529, %mul3A_661 : i32
      %get3A_663 = arith.index_cast %mul3A_662 : i32 to index
      %get3A_664 = arith.constant 16 : index
      %get3A_665 = tpu.vector_load %arg14[%get3A_663, %get3A_664] {strides = array<i32>} : memref<288x128xf32, #tpu.memory_space<vmem>>, vector<16xf32>,
      %mul3A_666 = arith.constant 16 : i32
      %mul3A_667 = arith.muli %scan3A_529, %mul3A_666 : i32
      %add3A_668 = arith.constant 1 : i32
      %add3A_669 = arith.addi %mul3A_667, %add3A_668 : i32
      %get3A_670 = arith.index_cast %add3A_669 : i32 to index
      %get3A_671 = arith.constant 16 : index
      %get3A_672 = tpu.vector_load %arg14[%get3A_670, %get3A_671] {strides = array<i32>} : memref<288x128xf32, #tpu.memory_space<vmem>>, vector<16xf32>,
      %add3A_673 = arith.addf %get3A_665, %get3A_672 : vector<16xf32>
      %mul3A_674 = arith.constant 16 : i32
      %mul3A_675 = arith.muli %scan3A_529, %mul3A_674 : i32
      %add3A_676 = arith.constant 2 : i32
      %add3A_677 = arith.addi %mul3A_675, %add3A_676 : i32
      %get3A_678 = arith.index_cast %add3A_677 : i32 to index
      %get3A_679 = arith.constant 16 : index
      %get3A_680 = tpu.vector_load %arg14[%get3A_678, %get3A_679] {strides = array<i32>} : memref<288x128xf32, #tpu.memory_space<vmem>>, vector<16xf32>,
      %add3A_681 = arith.addf %add3A_673, %get3A_680 : vector<16xf32>
      %mul3A_682 = arith.constant 16 : i32
      %mul3A_683 = arith.muli %scan3A_529, %mul3A_682 : i32
      %add3A_684 = arith.constant 3 : i32
      %add3A_685 = arith.addi %mul3A_683, %add3A_684 : i32
      %get3A_686 = arith.index_cast %add3A_685 : i32 to index
      %get3A_687 = arith.constant 16 : index
      %get3A_688 = tpu.vector_load %arg14[%get3A_686, %get3A_687] {strides = array<i32>} : memref<288x128xf32, #tpu.memory_space<vmem>>, vector<16xf32>,
      %add3A_689 = arith.addf %add3A_681, %get3A_688 : vector<16xf32>
      %mul3A_690 = arith.constant 16 : i32
      %mul3A_691 = arith.muli %scan3A_529, %mul3A_690 : i32
      %add3A_692 = arith.constant 4 : i32
      %add3A_693 = arith.addi %mul3A_691, %add3A_692 : i32
      %get3A_694 = arith.index_cast %add3A_693 : i32 to index
      %get3A_695 = arith.constant 16 : index
      %get3A_696 = tpu.vector_load %arg14[%get3A_694, %get3A_695] {strides = array<i32>} : memref<288x128xf32, #tpu.memory_space<vmem>>, vector<16xf32>,
      %add3A_697 = arith.addf %add3A_689, %get3A_696 : vector<16xf32>
      %mul3A_698 = arith.constant 16 : i32
      %mul3A_699 = arith.muli %scan3A_529, %mul3A_698 : i32
      %add3A_700 = arith.constant 5 : i32
      %add3A_701 = arith.addi %mul3A_699, %add3A_700 : i32
      %get3A_702 = arith.index_cast %add3A_701 : i32 to index
      %get3A_703 = arith.constant 16 : index
      %get3A_704 = tpu.vector_load %arg14[%get3A_702, %get3A_703] {strides = array<i32>} : memref<288x128xf32, #tpu.memory_space<vmem>>, vector<16xf32>,
      %add3A_705 = arith.addf %add3A_697, %get3A_704 : vector<16xf32>
      %mul3A_706 = arith.constant 16 : i32
      %mul3A_707 = arith.muli %scan3A_529, %mul3A_706 : i32
      %add3A_708 = arith.constant 6 : i32
      %add3A_709 = arith.addi %mul3A_707, %add3A_708 : i32
      %get3A_710 = arith.index_cast %add3A_709 : i32 to index
      %get3A_711 = arith.constant 16 : index
      %get3A_712 = tpu.vector_load %arg14[%get3A_710, %get3A_711] {strides = array<i32>} : memref<288x128xf32, #tpu.memory_space<vmem>>, vector<16xf32>,
      %add3A_713 = arith.addf %add3A_705, %get3A_712 : vector<16xf32>
      %mul3A_714 = arith.constant 16 : i32
      %mul3A_715 = arith.muli %scan3A_529, %mul3A_714 : i32
      %add3A_716 = arith.constant 7 : i32
      %add3A_717 = arith.addi %mul3A_715, %add3A_716 : i32
      %get3A_718 = arith.index_cast %add3A_717 : i32 to index
      %get3A_719 = arith.constant 16 : index
      %get3A_720 = tpu.vector_load %arg14[%get3A_718, %get3A_719] {strides = array<i32>} : memref<288x128xf32, #tpu.memory_space<vmem>>, vector<16xf32>,
      %add3A_721 = arith.addf %add3A_713, %get3A_720 : vector<16xf32>
      %mul3A_722 = arith.constant 16 : i32
      %mul3A_723 = arith.muli %scan3A_529, %mul3A_722 : i32
      %add3A_724 = arith.constant 8 : i32
      %add3A_725 = arith.addi %mul3A_723, %add3A_724 : i32
      %get3A_726 = arith.index_cast %add3A_725 : i32 to index
      %get3A_727 = arith.constant 16 : index
      %get3A_728 = tpu.vector_load %arg14[%get3A_726, %get3A_727] {strides = array<i32>} : memref<288x128xf32, #tpu.memory_space<vmem>>, vector<16xf32>,
      %add3A_729 = arith.addf %add3A_721, %get3A_728 : vector<16xf32>
      %mul3A_730 = arith.constant 16 : i32
      %mul3A_731 = arith.muli %scan3A_529, %mul3A_730 : i32
      %add3A_732 = arith.constant 9 : i32
      %add3A_733 = arith.addi %mul3A_731, %add3A_732 : i32
      %get3A_734 = arith.index_cast %add3A_733 : i32 to index
      %get3A_735 = arith.constant 16 : index
      %get3A_736 = tpu.vector_load %arg14[%get3A_734, %get3A_735] {strides = array<i32>} : memref<288x128xf32, #tpu.memory_space<vmem>>, vector<16xf32>,
      %add3A_737 = arith.addf %add3A_729, %get3A_736 : vector<16xf32>
      %mul3A_738 = arith.constant 16 : i32
      %mul3A_739 = arith.muli %scan3A_529, %mul3A_738 : i32
      %add3A_740 = arith.constant 10 : i32
      %add3A_741 = arith.addi %mul3A_739, %add3A_740 : i32
      %get3A_742 = arith.index_cast %add3A_741 : i32 to index
      %get3A_743 = arith.constant 16 : index
      %get3A_744 = tpu.vector_load %arg14[%get3A_742, %get3A_743] {strides = array<i32>} : memref<288x128xf32, #tpu.memory_space<vmem>>, vector<16xf32>,
      %add3A_745 = arith.addf %add3A_737, %get3A_744 : vector<16xf32>
      %mul3A_746 = arith.constant 16 : i32
      %mul3A_747 = arith.muli %scan3A_529, %mul3A_746 : i32
      %add3A_748 = arith.constant 11 : i32
      %add3A_749 = arith.addi %mul3A_747, %add3A_748 : i32
      %get3A_750 = arith.index_cast %add3A_749 : i32 to index
      %get3A_751 = arith.constant 16 : index
      %get3A_752 = tpu.vector_load %arg14[%get3A_750, %get3A_751] {strides = array<i32>} : memref<288x128xf32, #tpu.memory_space<vmem>>, vector<16xf32>,
      %add3A_753 = arith.addf %add3A_745, %get3A_752 : vector<16xf32>
      %mul3A_754 = arith.constant 16 : i32
      %mul3A_755 = arith.muli %scan3A_529, %mul3A_754 : i32
      %add3A_756 = arith.constant 12 : i32
      %add3A_757 = arith.addi %mul3A_755, %add3A_756 : i32
      %get3A_758 = arith.index_cast %add3A_757 : i32 to index
      %get3A_759 = arith.constant 16 : index
      %get3A_760 = tpu.vector_load %arg14[%get3A_758, %get3A_759] {strides = array<i32>} : memref<288x128xf32, #tpu.memory_space<vmem>>, vector<16xf32>,
      %add3A_761 = arith.addf %add3A_753, %get3A_760 : vector<16xf32>
      %mul3A_762 = arith.constant 16 : i32
      %mul3A_763 = arith.muli %scan3A_529, %mul3A_762 : i32
      %add3A_764 = arith.constant 13 : i32
      %add3A_765 = arith.addi %mul3A_763, %add3A_764 : i32
      %get3A_766 = arith.index_cast %add3A_765 : i32 to index
      %get3A_767 = arith.constant 16 : index
      %get3A_768 = tpu.vector_load %arg14[%get3A_766, %get3A_767] {strides = array<i32>} : memref<288x128xf32, #tpu.memory_space<vmem>>, vector<16xf32>,
      %add3A_769 = arith.addf %add3A_761, %get3A_768 : vector<16xf32>
      %mul3A_770 = arith.constant 16 : i32
      %mul3A_771 = arith.muli %scan3A_529, %mul3A_770 : i32
      %add3A_772 = arith.constant 14 : i32
      %add3A_773 = arith.addi %mul3A_771, %add3A_772 : i32
      %get3A_774 = arith.index_cast %add3A_773 : i32 to index
      %get3A_775 = arith.constant 16 : index
      %get3A_776 = tpu.vector_load %arg14[%get3A_774, %get3A_775] {strides = array<i32>} : memref<288x128xf32, #tpu.memory_space<vmem>>, vector<16xf32>,
      %add3A_777 = arith.addf %add3A_769, %get3A_776 : vector<16xf32>
      %mul3A_778 = arith.constant 16 : i32
      %mul3A_779 = arith.muli %scan3A_529, %mul3A_778 : i32
      %add3A_780 = arith.constant 15 : i32
      %add3A_781 = arith.addi %mul3A_779, %add3A_780 : i32
      %get3A_782 = arith.index_cast %add3A_781 : i32 to index
      %get3A_783 = arith.constant 16 : index
      %get3A_784 = tpu.vector_load %arg14[%get3A_782, %get3A_783] {strides = array<i32>} : memref<288x128xf32, #tpu.memory_space<vmem>>, vector<16xf32>,
      %add3A_785 = arith.addf %add3A_777, %get3A_784 : vector<16xf32>
      %add3A_786 = arith.constant 54 : i32
      %add3A_787 = arith.addi %add3A_786, %scan3A_529 : i32
      %swap3A_788 = arith.index_cast %add3A_787 : i32 to index
      %swap3A_789 = arith.constant 16 : index
      %swap3A_790 = tpu.vector_load %arg16[%swap3A_788, %swap3A_789] {strides = array<i32>} : memref<72x128xf32, #tpu.memory_space<vmem>>, vector<16xf32>,
      tpu.vector_store %arg16[%swap3A_788, %swap3A_789], %add3A_785 {strides = array<i32>} : memref<72x128xf32, #tpu.memory_space<vmem>>, vector<16xf32>,
      %mul3A_791 = arith.constant 16 : i32
      %mul3A_792 = arith.muli %scan3A_529, %mul3A_791 : i32
      %get3A_793 = arith.index_cast %mul3A_792 : i32 to index
      %get3A_794 = arith.constant 32 : index
      %get3A_795 = tpu.vector_load %arg14[%get3A_793, %get3A_794] {strides = array<i32>} : memref<288x128xf32, #tpu.memory_space<vmem>>, vector<16xf32>,
      %mul3A_796 = arith.constant 16 : i32
      %mul3A_797 = arith.muli %scan3A_529, %mul3A_796 : i32
      %add3A_798 = arith.constant 1 : i32
      %add3A_799 = arith.addi %mul3A_797, %add3A_798 : i32
      %get3A_800 = arith.index_cast %add3A_799 : i32 to index
      %get3A_801 = arith.constant 32 : index
      %get3A_802 = tpu.vector_load %arg14[%get3A_800, %get3A_801] {strides = array<i32>} : memref<288x128xf32, #tpu.memory_space<vmem>>, vector<16xf32>,
      %add3A_803 = arith.addf %get3A_795, %get3A_802 : vector<16xf32>
      %mul3A_804 = arith.constant 16 : i32
      %mul3A_805 = arith.muli %scan3A_529, %mul3A_804 : i32
      %add3A_806 = arith.constant 2 : i32
      %add3A_807 = arith.addi %mul3A_805, %add3A_806 : i32
      %get3A_808 = arith.index_cast %add3A_807 : i32 to index
      %get3A_809 = arith.constant 32 : index
      %get3A_810 = tpu.vector_load %arg14[%get3A_808, %get3A_809] {strides = array<i32>} : memref<288x128xf32, #tpu.memory_space<vmem>>, vector<16xf32>,
      %add3A_811 = arith.addf %add3A_803, %get3A_810 : vector<16xf32>
      %mul3A_812 = arith.constant 16 : i32
      %mul3A_813 = arith.muli %scan3A_529, %mul3A_812 : i32
      %add3A_814 = arith.constant 3 : i32
      %add3A_815 = arith.addi %mul3A_813, %add3A_814 : i32
      %get3A_816 = arith.index_cast %add3A_815 : i32 to index
      %get3A_817 = arith.constant 32 : index
      %get3A_818 = tpu.vector_load %arg14[%get3A_816, %get3A_817] {strides = array<i32>} : memref<288x128xf32, #tpu.memory_space<vmem>>, vector<16xf32>,
      %add3A_819 = arith.addf %add3A_811, %get3A_818 : vector<16xf32>
      %mul3A_820 = arith.constant 16 : i32
      %mul3A_821 = arith.muli %scan3A_529, %mul3A_820 : i32
      %add3A_822 = arith.constant 4 : i32
      %add3A_823 = arith.addi %mul3A_821, %add3A_822 : i32
      %get3A_824 = arith.index_cast %add3A_823 : i32 to index
      %get3A_825 = arith.constant 32 : index
      %get3A_826 = tpu.vector_load %arg14[%get3A_824, %get3A_825] {strides = array<i32>} : memref<288x128xf32, #tpu.memory_space<vmem>>, vector<16xf32>,
      %add3A_827 = arith.addf %add3A_819, %get3A_826 : vector<16xf32>
      %mul3A_828 = arith.constant 16 : i32
      %mul3A_829 = arith.muli %scan3A_529, %mul3A_828 : i32
      %add3A_830 = arith.constant 5 : i32
      %add3A_831 = arith.addi %mul3A_829, %add3A_830 : i32
      %get3A_832 = arith.index_cast %add3A_831 : i32 to index
      %get3A_833 = arith.constant 32 : index
      %get3A_834 = tpu.vector_load %arg14[%get3A_832, %get3A_833] {strides = array<i32>} : memref<288x128xf32, #tpu.memory_space<vmem>>, vector<16xf32>,
      %add3A_835 = arith.addf %add3A_827, %get3A_834 : vector<16xf32>
      %mul3A_836 = arith.constant 16 : i32
      %mul3A_837 = arith.muli %scan3A_529, %mul3A_836 : i32
      %add3A_838 = arith.constant 6 : i32
      %add3A_839 = arith.addi %mul3A_837, %add3A_838 : i32
      %get3A_840 = arith.index_cast %add3A_839 : i32 to index
      %get3A_841 = arith.constant 32 : index
      %get3A_842 = tpu.vector_load %arg14[%get3A_840, %get3A_841] {strides = array<i32>} : memref<288x128xf32, #tpu.memory_space<vmem>>, vector<16xf32>,
      %add3A_843 = arith.addf %add3A_835, %get3A_842 : vector<16xf32>
      %mul3A_844 = arith.constant 16 : i32
      %mul3A_845 = arith.muli %scan3A_529, %mul3A_844 : i32
      %add3A_846 = arith.constant 7 : i32
      %add3A_847 = arith.addi %mul3A_845, %add3A_846 : i32
      %get3A_848 = arith.index_cast %add3A_847 : i32 to index
      %get3A_849 = arith.constant 32 : index
      %get3A_850 = tpu.vector_load %arg14[%get3A_848, %get3A_849] {strides = array<i32>} : memref<288x128xf32, #tpu.memory_space<vmem>>, vector<16xf32>,
      %add3A_851 = arith.addf %add3A_843, %get3A_850 : vector<16xf32>
      %mul3A_852 = arith.constant 16 : i32
      %mul3A_853 = arith.muli %scan3A_529, %mul3A_852 : i32
      %add3A_854 = arith.constant 8 : i32
      %add3A_855 = arith.addi %mul3A_853, %add3A_854 : i32
      %get3A_856 = arith.index_cast %add3A_855 : i32 to index
      %get3A_857 = arith.constant 32 : index
      %get3A_858 = tpu.vector_load %arg14[%get3A_856, %get3A_857] {strides = array<i32>} : memref<288x128xf32, #tpu.memory_space<vmem>>, vector<16xf32>,
      %add3A_859 = arith.addf %add3A_851, %get3A_858 : vector<16xf32>
      %mul3A_860 = arith.constant 16 : i32
      %mul3A_861 = arith.muli %scan3A_529, %mul3A_860 : i32
      %add3A_862 = arith.constant 9 : i32
      %add3A_863 = arith.addi %mul3A_861, %add3A_862 : i32
      %get3A_864 = arith.index_cast %add3A_863 : i32 to index
      %get3A_865 = arith.constant 32 : index
      %get3A_866 = tpu.vector_load %arg14[%get3A_864, %get3A_865] {strides = array<i32>} : memref<288x128xf32, #tpu.memory_space<vmem>>, vector<16xf32>,
      %add3A_867 = arith.addf %add3A_859, %get3A_866 : vector<16xf32>
      %mul3A_868 = arith.constant 16 : i32
      %mul3A_869 = arith.muli %scan3A_529, %mul3A_868 : i32
      %add3A_870 = arith.constant 10 : i32
      %add3A_871 = arith.addi %mul3A_869, %add3A_870 : i32
      %get3A_872 = arith.index_cast %add3A_871 : i32 to index
      %get3A_873 = arith.constant 32 : index
      %get3A_874 = tpu.vector_load %arg14[%get3A_872, %get3A_873] {strides = array<i32>} : memref<288x128xf32, #tpu.memory_space<vmem>>, vector<16xf32>,
      %add3A_875 = arith.addf %add3A_867, %get3A_874 : vector<16xf32>
      %mul3A_876 = arith.constant 16 : i32
      %mul3A_877 = arith.muli %scan3A_529, %mul3A_876 : i32
      %add3A_878 = arith.constant 11 : i32
      %add3A_879 = arith.addi %mul3A_877, %add3A_878 : i32
      %get3A_880 = arith.index_cast %add3A_879 : i32 to index
      %get3A_881 = arith.constant 32 : index
      %get3A_882 = tpu.vector_load %arg14[%get3A_880, %get3A_881] {strides = array<i32>} : memref<288x128xf32, #tpu.memory_space<vmem>>, vector<16xf32>,
      %add3A_883 = arith.addf %add3A_875, %get3A_882 : vector<16xf32>
      %mul3A_884 = arith.constant 16 : i32
      %mul3A_885 = arith.muli %scan3A_529, %mul3A_884 : i32
      %add3A_886 = arith.constant 12 : i32
      %add3A_887 = arith.addi %mul3A_885, %add3A_886 : i32
      %get3A_888 = arith.index_cast %add3A_887 : i32 to index
      %get3A_889 = arith.constant 32 : index
      %get3A_890 = tpu.vector_load %arg14[%get3A_888, %get3A_889] {strides = array<i32>} : memref<288x128xf32, #tpu.memory_space<vmem>>, vector<16xf32>,
      %add3A_891 = arith.addf %add3A_883, %get3A_890 : vector<16xf32>
      %mul3A_892 = arith.constant 16 : i32
      %mul3A_893 = arith.muli %scan3A_529, %mul3A_892 : i32
      %add3A_894 = arith.constant 13 : i32
      %add3A_895 = arith.addi %mul3A_893, %add3A_894 : i32
      %get3A_896 = arith.index_cast %add3A_895 : i32 to index
      %get3A_897 = arith.constant 32 : index
      %get3A_898 = tpu.vector_load %arg14[%get3A_896, %get3A_897] {strides = array<i32>} : memref<288x128xf32, #tpu.memory_space<vmem>>, vector<16xf32>,
      %add3A_899 = arith.addf %add3A_891, %get3A_898 : vector<16xf32>
      %mul3A_900 = arith.constant 16 : i32
      %mul3A_901 = arith.muli %scan3A_529, %mul3A_900 : i32
      %add3A_902 = arith.constant 14 : i32
      %add3A_903 = arith.addi %mul3A_901, %add3A_902 : i32
      %get3A_904 = arith.index_cast %add3A_903 : i32 to index
      %get3A_905 = arith.constant 32 : index
      %get3A_906 = tpu.vector_load %arg14[%get3A_904, %get3A_905] {strides = array<i32>} : memref<288x128xf32, #tpu.memory_space<vmem>>, vector<16xf32>,
      %add3A_907 = arith.addf %add3A_899, %get3A_906 : vector<16xf32>
      %mul3A_908 = arith.constant 16 : i32
      %mul3A_909 = arith.muli %scan3A_529, %mul3A_908 : i32
      %add3A_910 = arith.constant 15 : i32
      %add3A_911 = arith.addi %mul3A_909, %add3A_910 : i32
      %get3A_912 = arith.index_cast %add3A_911 : i32 to index
      %get3A_913 = arith.constant 32 : index
      %get3A_914 = tpu.vector_load %arg14[%get3A_912, %get3A_913] {strides = array<i32>} : memref<288x128xf32, #tpu.memory_space<vmem>>, vector<16xf32>,
      %add3A_915 = arith.addf %add3A_907, %get3A_914 : vector<16xf32>
      %add3A_916 = arith.constant 54 : i32
      %add3A_917 = arith.addi %add3A_916, %scan3A_529 : i32
      %swap3A_918 = arith.index_cast %add3A_917 : i32 to index
      %swap3A_919 = arith.constant 32 : index
      %swap3A_920 = tpu.vector_load %arg16[%swap3A_918, %swap3A_919] {strides = array<i32>} : memref<72x128xf32, #tpu.memory_space<vmem>>, vector<16xf32>,
      tpu.vector_store %arg16[%swap3A_918, %swap3A_919], %add3A_915 {strides = array<i32>} : memref<72x128xf32, #tpu.memory_space<vmem>>, vector<16xf32>,
      %mul3A_921 = arith.constant 16 : i32
      %mul3A_922 = arith.muli %scan3A_529, %mul3A_921 : i32
      %get3A_923 = arith.index_cast %mul3A_922 : i32 to index
      %get3A_924 = arith.constant 48 : index
      %get3A_925 = tpu.vector_load %arg14[%get3A_923, %get3A_924] {strides = array<i32>} : memref<288x128xf32, #tpu.memory_space<vmem>>, vector<16xf32>,
      %mul3A_926 = arith.constant 16 : i32
      %mul3A_927 = arith.muli %scan3A_529, %mul3A_926 : i32
      %add3A_928 = arith.constant 1 : i32
      %add3A_929 = arith.addi %mul3A_927, %add3A_928 : i32
      %get3A_930 = arith.index_cast %add3A_929 : i32 to index
      %get3A_931 = arith.constant 48 : index
      %get3A_932 = tpu.vector_load %arg14[%get3A_930, %get3A_931] {strides = array<i32>} : memref<288x128xf32, #tpu.memory_space<vmem>>, vector<16xf32>,
      %add3A_933 = arith.addf %get3A_925, %get3A_932 : vector<16xf32>
      %mul3A_934 = arith.constant 16 : i32
      %mul3A_935 = arith.muli %scan3A_529, %mul3A_934 : i32
      %add3A_936 = arith.constant 2 : i32
      %add3A_937 = arith.addi %mul3A_935, %add3A_936 : i32
      %get3A_938 = arith.index_cast %add3A_937 : i32 to index
      %get3A_939 = arith.constant 48 : index
      %get3A_940 = tpu.vector_load %arg14[%get3A_938, %get3A_939] {strides = array<i32>} : memref<288x128xf32, #tpu.memory_space<vmem>>, vector<16xf32>,
      %add3A_941 = arith.addf %add3A_933, %get3A_940 : vector<16xf32>
      %mul3A_942 = arith.constant 16 : i32
      %mul3A_943 = arith.muli %scan3A_529, %mul3A_942 : i32
      %add3A_944 = arith.constant 3 : i32
      %add3A_945 = arith.addi %mul3A_943, %add3A_944 : i32
      %get3A_946 = arith.index_cast %add3A_945 : i32 to index
      %get3A_947 = arith.constant 48 : index
      %get3A_948 = tpu.vector_load %arg14[%get3A_946, %get3A_947] {strides = array<i32>} : memref<288x128xf32, #tpu.memory_space<vmem>>, vector<16xf32>,
      %add3A_949 = arith.addf %add3A_941, %get3A_948 : vector<16xf32>
      %mul3A_950 = arith.constant 16 : i32
      %mul3A_951 = arith.muli %scan3A_529, %mul3A_950 : i32
      %add3A_952 = arith.constant 4 : i32
      %add3A_953 = arith.addi %mul3A_951, %add3A_952 : i32
      %get3A_954 = arith.index_cast %add3A_953 : i32 to index
      %get3A_955 = arith.constant 48 : index
      %get3A_956 = tpu.vector_load %arg14[%get3A_954, %get3A_955] {strides = array<i32>} : memref<288x128xf32, #tpu.memory_space<vmem>>, vector<16xf32>,
      %add3A_957 = arith.addf %add3A_949, %get3A_956 : vector<16xf32>
      %mul3A_958 = arith.constant 16 : i32
      %mul3A_959 = arith.muli %scan3A_529, %mul3A_958 : i32
      %add3A_960 = arith.constant 5 : i32
      %add3A_961 = arith.addi %mul3A_959, %add3A_960 : i32
      %get3A_962 = arith.index_cast %add3A_961 : i32 to index
      %get3A_963 = arith.constant 48 : index
      %get3A_964 = tpu.vector_load %arg14[%get3A_962, %get3A_963] {strides = array<i32>} : memref<288x128xf32, #tpu.memory_space<vmem>>, vector<16xf32>,
      %add3A_965 = arith.addf %add3A_957, %get3A_964 : vector<16xf32>
      %mul3A_966 = arith.constant 16 : i32
      %mul3A_967 = arith.muli %scan3A_529, %mul3A_966 : i32
      %add3A_968 = arith.constant 6 : i32
      %add3A_969 = arith.addi %mul3A_967, %add3A_968 : i32
      %get3A_970 = arith.index_cast %add3A_969 : i32 to index
      %get3A_971 = arith.constant 48 : index
      %get3A_972 = tpu.vector_load %arg14[%get3A_970, %get3A_971] {strides = array<i32>} : memref<288x128xf32, #tpu.memory_space<vmem>>, vector<16xf32>,
      %add3A_973 = arith.addf %add3A_965, %get3A_972 : vector<16xf32>
      %mul3A_974 = arith.constant 16 : i32
      %mul3A_975 = arith.muli %scan3A_529, %mul3A_974 : i32
      %add3A_976 = arith.constant 7 : i32
      %add3A_977 = arith.addi %mul3A_975, %add3A_976 : i32
      %get3A_978 = arith.index_cast %add3A_977 : i32 to index
      %get3A_979 = arith.constant 48 : index
      %get3A_980 = tpu.vector_load %arg14[%get3A_978, %get3A_979] {strides = array<i32>} : memref<288x128xf32, #tpu.memory_space<vmem>>, vector<16xf32>,
      %add3A_981 = arith.addf %add3A_973, %get3A_980 : vector<16xf32>
      %mul3A_982 = arith.constant 16 : i32
      %mul3A_983 = arith.muli %scan3A_529, %mul3A_982 : i32
      %add3A_984 = arith.constant 8 : i32
      %add3A_985 = arith.addi %mul3A_983, %add3A_984 : i32
      %get3A_986 = arith.index_cast %add3A_985 : i32 to index
      %get3A_987 = arith.constant 48 : index
      %get3A_988 = tpu.vector_load %arg14[%get3A_986, %get3A_987] {strides = array<i32>} : memref<288x128xf32, #tpu.memory_space<vmem>>, vector<16xf32>,
      %add3A_989 = arith.addf %add3A_981, %get3A_988 : vector<16xf32>
      %mul3A_990 = arith.constant 16 : i32
      %mul3A_991 = arith.muli %scan3A_529, %mul3A_990 : i32
      %add3A_992 = arith.constant 9 : i32
      %add3A_993 = arith.addi %mul3A_991, %add3A_992 : i32
      %get3A_994 = arith.index_cast %add3A_993 : i32 to index
      %get3A_995 = arith.constant 48 : index
      %get3A_996 = tpu.vector_load %arg14[%get3A_994, %get3A_995] {strides = array<i32>} : memref<288x128xf32, #tpu.memory_space<vmem>>, vector<16xf32>,
      %add3A_997 = arith.addf %add3A_989, %get3A_996 : vector<16xf32>
      %mul3A_998 = arith.constant 16 : i32
      %mul3A_999 = arith.muli %scan3A_529, %mul3A_998 : i32
      %add3A_1000 = arith.constant 10 : i32
      %add3A_1001 = arith.addi %mul3A_999, %add3A_1000 : i32
      %get3A_1002 = arith.index_cast %add3A_1001 : i32 to index
      %get3A_1003 = arith.constant 48 : index
      %get3A_1004 = tpu.vector_load %arg14[%get3A_1002, %get3A_1003] {strides = array<i32>} : memref<288x128xf32, #tpu.memory_space<vmem>>, vector<16xf32>,
      %add3A_1005 = arith.addf %add3A_997, %get3A_1004 : vector<16xf32>
      %mul3A_1006 = arith.constant 16 : i32
      %mul3A_1007 = arith.muli %scan3A_529, %mul3A_1006 : i32
      %add3A_1008 = arith.constant 11 : i32
      %add3A_1009 = arith.addi %mul3A_1007, %add3A_1008 : i32
      %get3A_1010 = arith.index_cast %add3A_1009 : i32 to index
      %get3A_1011 = arith.constant 48 : index
      %get3A_1012 = tpu.vector_load %arg14[%get3A_1010, %get3A_1011] {strides = array<i32>} : memref<288x128xf32, #tpu.memory_space<vmem>>, vector<16xf32>,
      %add3A_1013 = arith.addf %add3A_1005, %get3A_1012 : vector<16xf32>
      %mul3A_1014 = arith.constant 16 : i32
      %mul3A_1015 = arith.muli %scan3A_529, %mul3A_1014 : i32
      %add3A_1016 = arith.constant 12 : i32
      %add3A_1017 = arith.addi %mul3A_1015, %add3A_1016 : i32
      %get3A_1018 = arith.index_cast %add3A_1017 : i32 to index
      %get3A_1019 = arith.constant 48 : index
      %get3A_1020 = tpu.vector_load %arg14[%get3A_1018, %get3A_1019] {strides = array<i32>} : memref<288x128xf32, #tpu.memory_space<vmem>>, vector<16xf32>,
      %add3A_1021 = arith.addf %add3A_1013, %get3A_1020 : vector<16xf32>
      %mul3A_1022 = arith.constant 16 : i32
      %mul3A_1023 = arith.muli %scan3A_529, %mul3A_1022 : i32
      %add3A_1024 = arith.constant 13 : i32
      %add3A_1025 = arith.addi %mul3A_1023, %add3A_1024 : i32
      %get3A_1026 = arith.index_cast %add3A_1025 : i32 to index
      %get3A_1027 = arith.constant 48 : index
      %get3A_1028 = tpu.vector_load %arg14[%get3A_1026, %get3A_1027] {strides = array<i32>} : memref<288x128xf32, #tpu.memory_space<vmem>>, vector<16xf32>,
      %add3A_1029 = arith.addf %add3A_1021, %get3A_1028 : vector<16xf32>
      %mul3A_1030 = arith.constant 16 : i32
      %mul3A_1031 = arith.muli %scan3A_529, %mul3A_1030 : i32
      %add3A_1032 = arith.constant 14 : i32
      %add3A_1033 = arith.addi %mul3A_1031, %add3A_1032 : i32
      %get3A_1034 = arith.index_cast %add3A_1033 : i32 to index
      %get3A_1035 = arith.constant 48 : index
      %get3A_1036 = tpu.vector_load %arg14[%get3A_1034, %get3A_1035] {strides = array<i32>} : memref<288x128xf32, #tpu.memory_space<vmem>>, vector<16xf32>,
      %add3A_1037 = arith.addf %add3A_1029, %get3A_1036 : vector<16xf32>
      %mul3A_1038 = arith.constant 16 : i32
      %mul3A_1039 = arith.muli %scan3A_529, %mul3A_1038 : i32
      %add3A_1040 = arith.constant 15 : i32
      %add3A_1041 = arith.addi %mul3A_1039, %add3A_1040 : i32
      %get3A_1042 = arith.index_cast %add3A_1041 : i32 to index
      %get3A_1043 = arith.constant 48 : index
      %get3A_1044 = tpu.vector_load %arg14[%get3A_1042, %get3A_1043] {strides = array<i32>} : memref<288x128xf32, #tpu.memory_space<vmem>>, vector<16xf32>,
      %add3A_1045 = arith.addf %add3A_1037, %get3A_1044 : vector<16xf32>
      %add3A_1046 = arith.constant 54 : i32
      %add3A_1047 = arith.addi %add3A_1046, %scan3A_529 : i32
      %swap3A_1048 = arith.index_cast %add3A_1047 : i32 to index
      %swap3A_1049 = arith.constant 48 : index
      %swap3A_1050 = tpu.vector_load %arg16[%swap3A_1048, %swap3A_1049] {strides = array<i32>} : memref<72x128xf32, #tpu.memory_space<vmem>>, vector<16xf32>,
      tpu.vector_store %arg16[%swap3A_1048, %swap3A_1049], %add3A_1045 {strides = array<i32>} : memref<72x128xf32, #tpu.memory_space<vmem>>, vector<16xf32>,
      %mul3A_1051 = arith.constant 16 : i32
      %mul3A_1052 = arith.muli %scan3A_529, %mul3A_1051 : i32
      %get3A_1053 = arith.index_cast %mul3A_1052 : i32 to index
      %get3A_1054 = arith.constant 64 : index
      %get3A_1055 = tpu.vector_load %arg14[%get3A_1053, %get3A_1054] {strides = array<i32>} : memref<288x128xf32, #tpu.memory_space<vmem>>, vector<16xf32>,
      %mul3A_1056 = arith.constant 16 : i32
      %mul3A_1057 = arith.muli %scan3A_529, %mul3A_1056 : i32
      %add3A_1058 = arith.constant 1 : i32
      %add3A_1059 = arith.addi %mul3A_1057, %add3A_1058 : i32
      %get3A_1060 = arith.index_cast %add3A_1059 : i32 to index
      %get3A_1061 = arith.constant 64 : index
      %get3A_1062 = tpu.vector_load %arg14[%get3A_1060, %get3A_1061] {strides = array<i32>} : memref<288x128xf32, #tpu.memory_space<vmem>>, vector<16xf32>,
      %add3A_1063 = arith.addf %get3A_1055, %get3A_1062 : vector<16xf32>
      %mul3A_1064 = arith.constant 16 : i32
      %mul3A_1065 = arith.muli %scan3A_529, %mul3A_1064 : i32
      %add3A_1066 = arith.constant 2 : i32
      %add3A_1067 = arith.addi %mul3A_1065, %add3A_1066 : i32
      %get3A_1068 = arith.index_cast %add3A_1067 : i32 to index
      %get3A_1069 = arith.constant 64 : index
      %get3A_1070 = tpu.vector_load %arg14[%get3A_1068, %get3A_1069] {strides = array<i32>} : memref<288x128xf32, #tpu.memory_space<vmem>>, vector<16xf32>,
      %add3A_1071 = arith.addf %add3A_1063, %get3A_1070 : vector<16xf32>
      %mul3A_1072 = arith.constant 16 : i32
      %mul3A_1073 = arith.muli %scan3A_529, %mul3A_1072 : i32
      %add3A_1074 = arith.constant 3 : i32
      %add3A_1075 = arith.addi %mul3A_1073, %add3A_1074 : i32
      %get3A_1076 = arith.index_cast %add3A_1075 : i32 to index
      %get3A_1077 = arith.constant 64 : index
      %get3A_1078 = tpu.vector_load %arg14[%get3A_1076, %get3A_1077] {strides = array<i32>} : memref<288x128xf32, #tpu.memory_space<vmem>>, vector<16xf32>,
      %add3A_1079 = arith.addf %add3A_1071, %get3A_1078 : vector<16xf32>
      %mul3A_1080 = arith.constant 16 : i32
      %mul3A_1081 = arith.muli %scan3A_529, %mul3A_1080 : i32
      %add3A_1082 = arith.constant 4 : i32
      %add3A_1083 = arith.addi %mul3A_1081, %add3A_1082 : i32
      %get3A_1084 = arith.index_cast %add3A_1083 : i32 to index
      %get3A_1085 = arith.constant 64 : index
      %get3A_1086 = tpu.vector_load %arg14[%get3A_1084, %get3A_1085] {strides = array<i32>} : memref<288x128xf32, #tpu.memory_space<vmem>>, vector<16xf32>,
      %add3A_1087 = arith.addf %add3A_1079, %get3A_1086 : vector<16xf32>
      %mul3A_1088 = arith.constant 16 : i32
      %mul3A_1089 = arith.muli %scan3A_529, %mul3A_1088 : i32
      %add3A_1090 = arith.constant 5 : i32
      %add3A_1091 = arith.addi %mul3A_1089, %add3A_1090 : i32
      %get3A_1092 = arith.index_cast %add3A_1091 : i32 to index
      %get3A_1093 = arith.constant 64 : index
      %get3A_1094 = tpu.vector_load %arg14[%get3A_1092, %get3A_1093] {strides = array<i32>} : memref<288x128xf32, #tpu.memory_space<vmem>>, vector<16xf32>,
      %add3A_1095 = arith.addf %add3A_1087, %get3A_1094 : vector<16xf32>
      %mul3A_1096 = arith.constant 16 : i32
      %mul3A_1097 = arith.muli %scan3A_529, %mul3A_1096 : i32
      %add3A_1098 = arith.constant 6 : i32
      %add3A_1099 = arith.addi %mul3A_1097, %add3A_1098 : i32
      %get3A_1100 = arith.index_cast %add3A_1099 : i32 to index
      %get3A_1101 = arith.constant 64 : index
      %get3A_1102 = tpu.vector_load %arg14[%get3A_1100, %get3A_1101] {strides = array<i32>} : memref<288x128xf32, #tpu.memory_space<vmem>>, vector<16xf32>,
      %add3A_1103 = arith.addf %add3A_1095, %get3A_1102 : vector<16xf32>
      %mul3A_1104 = arith.constant 16 : i32
      %mul3A_1105 = arith.muli %scan3A_529, %mul3A_1104 : i32
      %add3A_1106 = arith.constant 7 : i32
      %add3A_1107 = arith.addi %mul3A_1105, %add3A_1106 : i32
      %get3A_1108 = arith.index_cast %add3A_1107 : i32 to index
      %get3A_1109 = arith.constant 64 : index
      %get3A_1110 = tpu.vector_load %arg14[%get3A_1108, %get3A_1109] {strides = array<i32>} : memref<288x128xf32, #tpu.memory_space<vmem>>, vector<16xf32>,
      %add3A_1111 = arith.addf %add3A_1103, %get3A_1110 : vector<16xf32>
      %mul3A_1112 = arith.constant 16 : i32
      %mul3A_1113 = arith.muli %scan3A_529, %mul3A_1112 : i32
      %add3A_1114 = arith.constant 8 : i32
      %add3A_1115 = arith.addi %mul3A_1113, %add3A_1114 : i32
      %get3A_1116 = arith.index_cast %add3A_1115 : i32 to index
      %get3A_1117 = arith.constant 64 : index
      %get3A_1118 = tpu.vector_load %arg14[%get3A_1116, %get3A_1117] {strides = array<i32>} : memref<288x128xf32, #tpu.memory_space<vmem>>, vector<16xf32>,
      %add3A_1119 = arith.addf %add3A_1111, %get3A_1118 : vector<16xf32>
      %mul3A_1120 = arith.constant 16 : i32
      %mul3A_1121 = arith.muli %scan3A_529, %mul3A_1120 : i32
      %add3A_1122 = arith.constant 9 : i32
      %add3A_1123 = arith.addi %mul3A_1121, %add3A_1122 : i32
      %get3A_1124 = arith.index_cast %add3A_1123 : i32 to index
      %get3A_1125 = arith.constant 64 : index
      %get3A_1126 = tpu.vector_load %arg14[%get3A_1124, %get3A_1125] {strides = array<i32>} : memref<288x128xf32, #tpu.memory_space<vmem>>, vector<16xf32>,
      %add3A_1127 = arith.addf %add3A_1119, %get3A_1126 : vector<16xf32>
      %mul3A_1128 = arith.constant 16 : i32
      %mul3A_1129 = arith.muli %scan3A_529, %mul3A_1128 : i32
      %add3A_1130 = arith.constant 10 : i32
      %add3A_1131 = arith.addi %mul3A_1129, %add3A_1130 : i32
      %get3A_1132 = arith.index_cast %add3A_1131 : i32 to index
      %get3A_1133 = arith.constant 64 : index
      %get3A_1134 = tpu.vector_load %arg14[%get3A_1132, %get3A_1133] {strides = array<i32>} : memref<288x128xf32, #tpu.memory_space<vmem>>, vector<16xf32>,
      %add3A_1135 = arith.addf %add3A_1127, %get3A_1134 : vector<16xf32>
      %mul3A_1136 = arith.constant 16 : i32
      %mul3A_1137 = arith.muli %scan3A_529, %mul3A_1136 : i32
      %add3A_1138 = arith.constant 11 : i32
      %add3A_1139 = arith.addi %mul3A_1137, %add3A_1138 : i32
      %get3A_1140 = arith.index_cast %add3A_1139 : i32 to index
      %get3A_1141 = arith.constant 64 : index
      %get3A_1142 = tpu.vector_load %arg14[%get3A_1140, %get3A_1141] {strides = array<i32>} : memref<288x128xf32, #tpu.memory_space<vmem>>, vector<16xf32>,
      %add3A_1143 = arith.addf %add3A_1135, %get3A_1142 : vector<16xf32>
      %mul3A_1144 = arith.constant 16 : i32
      %mul3A_1145 = arith.muli %scan3A_529, %mul3A_1144 : i32
      %add3A_1146 = arith.constant 12 : i32
      %add3A_1147 = arith.addi %mul3A_1145, %add3A_1146 : i32
      %get3A_1148 = arith.index_cast %add3A_1147 : i32 to index
      %get3A_1149 = arith.constant 64 : index
      %get3A_1150 = tpu.vector_load %arg14[%get3A_1148, %get3A_1149] {strides = array<i32>} : memref<288x128xf32, #tpu.memory_space<vmem>>, vector<16xf32>,
      %add3A_1151 = arith.addf %add3A_1143, %get3A_1150 : vector<16xf32>
      %mul3A_1152 = arith.constant 16 : i32
      %mul3A_1153 = arith.muli %scan3A_529, %mul3A_1152 : i32
      %add3A_1154 = arith.constant 13 : i32
      %add3A_1155 = arith.addi %mul3A_1153, %add3A_1154 : i32
      %get3A_1156 = arith.index_cast %add3A_1155 : i32 to index
      %get3A_1157 = arith.constant 64 : index
      %get3A_1158 = tpu.vector_load %arg14[%get3A_1156, %get3A_1157] {strides = array<i32>} : memref<288x128xf32, #tpu.memory_space<vmem>>, vector<16xf32>,
      %add3A_1159 = arith.addf %add3A_1151, %get3A_1158 : vector<16xf32>
      %mul3A_1160 = arith.constant 16 : i32
      %mul3A_1161 = arith.muli %scan3A_529, %mul3A_1160 : i32
      %add3A_1162 = arith.constant 14 : i32
      %add3A_1163 = arith.addi %mul3A_1161, %add3A_1162 : i32
      %get3A_1164 = arith.index_cast %add3A_1163 : i32 to index
      %get3A_1165 = arith.constant 64 : index
      %get3A_1166 = tpu.vector_load %arg14[%get3A_1164, %get3A_1165] {strides = array<i32>} : memref<288x128xf32, #tpu.memory_space<vmem>>, vector<16xf32>,
      %add3A_1167 = arith.addf %add3A_1159, %get3A_1166 : vector<16xf32>
      %mul3A_1168 = arith.constant 16 : i32
      %mul3A_1169 = arith.muli %scan3A_529, %mul3A_1168 : i32
      %add3A_1170 = arith.constant 15 : i32
      %add3A_1171 = arith.addi %mul3A_1169, %add3A_1170 : i32
      %get3A_1172 = arith.index_cast %add3A_1171 : i32 to index
      %get3A_1173 = arith.constant 64 : index
      %get3A_1174 = tpu.vector_load %arg14[%get3A_1172, %get3A_1173] {strides = array<i32>} : memref<288x128xf32, #tpu.memory_space<vmem>>, vector<16xf32>,
      %add3A_1175 = arith.addf %add3A_1167, %get3A_1174 : vector<16xf32>
      %add3A_1176 = arith.constant 54 : i32
      %add3A_1177 = arith.addi %add3A_1176, %scan3A_529 : i32
      %swap3A_1178 = arith.index_cast %add3A_1177 : i32 to index
      %swap3A_1179 = arith.constant 64 : index
      %swap3A_1180 = tpu.vector_load %arg16[%swap3A_1178, %swap3A_1179] {strides = array<i32>} : memref<72x128xf32, #tpu.memory_space<vmem>>, vector<16xf32>,
      tpu.vector_store %arg16[%swap3A_1178, %swap3A_1179], %add3A_1175 {strides = array<i32>} : memref<72x128xf32, #tpu.memory_space<vmem>>, vector<16xf32>,
      %mul3A_1181 = arith.constant 16 : i32
      %mul3A_1182 = arith.muli %scan3A_529, %mul3A_1181 : i32
      %get3A_1183 = arith.index_cast %mul3A_1182 : i32 to index
      %get3A_1184 = arith.constant 80 : index
      %get3A_1185 = tpu.vector_load %arg14[%get3A_1183, %get3A_1184] {strides = array<i32>} : memref<288x128xf32, #tpu.memory_space<vmem>>, vector<16xf32>,
      %mul3A_1186 = arith.constant 16 : i32
      %mul3A_1187 = arith.muli %scan3A_529, %mul3A_1186 : i32
      %add3A_1188 = arith.constant 1 : i32
      %add3A_1189 = arith.addi %mul3A_1187, %add3A_1188 : i32
      %get3A_1190 = arith.index_cast %add3A_1189 : i32 to index
      %get3A_1191 = arith.constant 80 : index
      %get3A_1192 = tpu.vector_load %arg14[%get3A_1190, %get3A_1191] {strides = array<i32>} : memref<288x128xf32, #tpu.memory_space<vmem>>, vector<16xf32>,
      %add3A_1193 = arith.addf %get3A_1185, %get3A_1192 : vector<16xf32>
      %mul3A_1194 = arith.constant 16 : i32
      %mul3A_1195 = arith.muli %scan3A_529, %mul3A_1194 : i32
      %add3A_1196 = arith.constant 2 : i32
      %add3A_1197 = arith.addi %mul3A_1195, %add3A_1196 : i32
      %get3A_1198 = arith.index_cast %add3A_1197 : i32 to index
      %get3A_1199 = arith.constant 80 : index
      %get3A_1200 = tpu.vector_load %arg14[%get3A_1198, %get3A_1199] {strides = array<i32>} : memref<288x128xf32, #tpu.memory_space<vmem>>, vector<16xf32>,
      %add3A_1201 = arith.addf %add3A_1193, %get3A_1200 : vector<16xf32>
      %mul3A_1202 = arith.constant 16 : i32
      %mul3A_1203 = arith.muli %scan3A_529, %mul3A_1202 : i32
      %add3A_1204 = arith.constant 3 : i32
      %add3A_1205 = arith.addi %mul3A_1203, %add3A_1204 : i32
      %get3A_1206 = arith.index_cast %add3A_1205 : i32 to index
      %get3A_1207 = arith.constant 80 : index
      %get3A_1208 = tpu.vector_load %arg14[%get3A_1206, %get3A_1207] {strides = array<i32>} : memref<288x128xf32, #tpu.memory_space<vmem>>, vector<16xf32>,
      %add3A_1209 = arith.addf %add3A_1201, %get3A_1208 : vector<16xf32>
      %mul3A_1210 = arith.constant 16 : i32
      %mul3A_1211 = arith.muli %scan3A_529, %mul3A_1210 : i32
      %add3A_1212 = arith.constant 4 : i32
      %add3A_1213 = arith.addi %mul3A_1211, %add3A_1212 : i32
      %get3A_1214 = arith.index_cast %add3A_1213 : i32 to index
      %get3A_1215 = arith.constant 80 : index
      %get3A_1216 = tpu.vector_load %arg14[%get3A_1214, %get3A_1215] {strides = array<i32>} : memref<288x128xf32, #tpu.memory_space<vmem>>, vector<16xf32>,
      %add3A_1217 = arith.addf %add3A_1209, %get3A_1216 : vector<16xf32>
      %mul3A_1218 = arith.constant 16 : i32
      %mul3A_1219 = arith.muli %scan3A_529, %mul3A_1218 : i32
      %add3A_1220 = arith.constant 5 : i32
      %add3A_1221 = arith.addi %mul3A_1219, %add3A_1220 : i32
      %get3A_1222 = arith.index_cast %add3A_1221 : i32 to index
      %get3A_1223 = arith.constant 80 : index
      %get3A_1224 = tpu.vector_load %arg14[%get3A_1222, %get3A_1223] {strides = array<i32>} : memref<288x128xf32, #tpu.memory_space<vmem>>, vector<16xf32>,
      %add3A_1225 = arith.addf %add3A_1217, %get3A_1224 : vector<16xf32>
      %mul3A_1226 = arith.constant 16 : i32
      %mul3A_1227 = arith.muli %scan3A_529, %mul3A_1226 : i32
      %add3A_1228 = arith.constant 6 : i32
      %add3A_1229 = arith.addi %mul3A_1227, %add3A_1228 : i32
      %get3A_1230 = arith.index_cast %add3A_1229 : i32 to index
      %get3A_1231 = arith.constant 80 : index
      %get3A_1232 = tpu.vector_load %arg14[%get3A_1230, %get3A_1231] {strides = array<i32>} : memref<288x128xf32, #tpu.memory_space<vmem>>, vector<16xf32>,
      %add3A_1233 = arith.addf %add3A_1225, %get3A_1232 : vector<16xf32>
      %mul3A_1234 = arith.constant 16 : i32
      %mul3A_1235 = arith.muli %scan3A_529, %mul3A_1234 : i32
      %add3A_1236 = arith.constant 7 : i32
      %add3A_1237 = arith.addi %mul3A_1235, %add3A_1236 : i32
      %get3A_1238 = arith.index_cast %add3A_1237 : i32 to index
      %get3A_1239 = arith.constant 80 : index
      %get3A_1240 = tpu.vector_load %arg14[%get3A_1238, %get3A_1239] {strides = array<i32>} : memref<288x128xf32, #tpu.memory_space<vmem>>, vector<16xf32>,
      %add3A_1241 = arith.addf %add3A_1233, %get3A_1240 : vector<16xf32>
      %mul3A_1242 = arith.constant 16 : i32
      %mul3A_1243 = arith.muli %scan3A_529, %mul3A_1242 : i32
      %add3A_1244 = arith.constant 8 : i32
      %add3A_1245 = arith.addi %mul3A_1243, %add3A_1244 : i32
      %get3A_1246 = arith.index_cast %add3A_1245 : i32 to index
      %get3A_1247 = arith.constant 80 : index
      %get3A_1248 = tpu.vector_load %arg14[%get3A_1246, %get3A_1247] {strides = array<i32>} : memref<288x128xf32, #tpu.memory_space<vmem>>, vector<16xf32>,
      %add3A_1249 = arith.addf %add3A_1241, %get3A_1248 : vector<16xf32>
      %mul3A_1250 = arith.constant 16 : i32
      %mul3A_1251 = arith.muli %scan3A_529, %mul3A_1250 : i32
      %add3A_1252 = arith.constant 9 : i32
      %add3A_1253 = arith.addi %mul3A_1251, %add3A_1252 : i32
      %get3A_1254 = arith.index_cast %add3A_1253 : i32 to index
      %get3A_1255 = arith.constant 80 : index
      %get3A_1256 = tpu.vector_load %arg14[%get3A_1254, %get3A_1255] {strides = array<i32>} : memref<288x128xf32, #tpu.memory_space<vmem>>, vector<16xf32>,
      %add3A_1257 = arith.addf %add3A_1249, %get3A_1256 : vector<16xf32>
      %mul3A_1258 = arith.constant 16 : i32
      %mul3A_1259 = arith.muli %scan3A_529, %mul3A_1258 : i32
      %add3A_1260 = arith.constant 10 : i32
      %add3A_1261 = arith.addi %mul3A_1259, %add3A_1260 : i32
      %get3A_1262 = arith.index_cast %add3A_1261 : i32 to index
      %get3A_1263 = arith.constant 80 : index
      %get3A_1264 = tpu.vector_load %arg14[%get3A_1262, %get3A_1263] {strides = array<i32>} : memref<288x128xf32, #tpu.memory_space<vmem>>, vector<16xf32>,
      %add3A_1265 = arith.addf %add3A_1257, %get3A_1264 : vector<16xf32>
      %mul3A_1266 = arith.constant 16 : i32
      %mul3A_1267 = arith.muli %scan3A_529, %mul3A_1266 : i32
      %add3A_1268 = arith.constant 11 : i32
      %add3A_1269 = arith.addi %mul3A_1267, %add3A_1268 : i32
      %get3A_1270 = arith.index_cast %add3A_1269 : i32 to index
      %get3A_1271 = arith.constant 80 : index
      %get3A_1272 = tpu.vector_load %arg14[%get3A_1270, %get3A_1271] {strides = array<i32>} : memref<288x128xf32, #tpu.memory_space<vmem>>, vector<16xf32>,
      %add3A_1273 = arith.addf %add3A_1265, %get3A_1272 : vector<16xf32>
      %mul3A_1274 = arith.constant 16 : i32
      %mul3A_1275 = arith.muli %scan3A_529, %mul3A_1274 : i32
      %add3A_1276 = arith.constant 12 : i32
      %add3A_1277 = arith.addi %mul3A_1275, %add3A_1276 : i32
      %get3A_1278 = arith.index_cast %add3A_1277 : i32 to index
      %get3A_1279 = arith.constant 80 : index
      %get3A_1280 = tpu.vector_load %arg14[%get3A_1278, %get3A_1279] {strides = array<i32>} : memref<288x128xf32, #tpu.memory_space<vmem>>, vector<16xf32>,
      %add3A_1281 = arith.addf %add3A_1273, %get3A_1280 : vector<16xf32>
      %mul3A_1282 = arith.constant 16 : i32
      %mul3A_1283 = arith.muli %scan3A_529, %mul3A_1282 : i32
      %add3A_1284 = arith.constant 13 : i32
      %add3A_1285 = arith.addi %mul3A_1283, %add3A_1284 : i32
      %get3A_1286 = arith.index_cast %add3A_1285 : i32 to index
      %get3A_1287 = arith.constant 80 : index
      %get3A_1288 = tpu.vector_load %arg14[%get3A_1286, %get3A_1287] {strides = array<i32>} : memref<288x128xf32, #tpu.memory_space<vmem>>, vector<16xf32>,
      %add3A_1289 = arith.addf %add3A_1281, %get3A_1288 : vector<16xf32>
      %mul3A_1290 = arith.constant 16 : i32
      %mul3A_1291 = arith.muli %scan3A_529, %mul3A_1290 : i32
      %add3A_1292 = arith.constant 14 : i32
      %add3A_1293 = arith.addi %mul3A_1291, %add3A_1292 : i32
      %get3A_1294 = arith.index_cast %add3A_1293 : i32 to index
      %get3A_1295 = arith.constant 80 : index
      %get3A_1296 = tpu.vector_load %arg14[%get3A_1294, %get3A_1295] {strides = array<i32>} : memref<288x128xf32, #tpu.memory_space<vmem>>, vector<16xf32>,
      %add3A_1297 = arith.addf %add3A_1289, %get3A_1296 : vector<16xf32>
      %mul3A_1298 = arith.constant 16 : i32
      %mul3A_1299 = arith.muli %scan3A_529, %mul3A_1298 : i32
      %add3A_1300 = arith.constant 15 : i32
      %add3A_1301 = arith.addi %mul3A_1299, %add3A_1300 : i32
      %get3A_1302 = arith.index_cast %add3A_1301 : i32 to index
      %get3A_1303 = arith.constant 80 : index
      %get3A_1304 = tpu.vector_load %arg14[%get3A_1302, %get3A_1303] {strides = array<i32>} : memref<288x128xf32, #tpu.memory_space<vmem>>, vector<16xf32>,
      %add3A_1305 = arith.addf %add3A_1297, %get3A_1304 : vector<16xf32>
      %add3A_1306 = arith.constant 54 : i32
      %add3A_1307 = arith.addi %add3A_1306, %scan3A_529 : i32
      %swap3A_1308 = arith.index_cast %add3A_1307 : i32 to index
      %swap3A_1309 = arith.constant 80 : index
      %swap3A_1310 = tpu.vector_load %arg16[%swap3A_1308, %swap3A_1309] {strides = array<i32>} : memref<72x128xf32, #tpu.memory_space<vmem>>, vector<16xf32>,
      tpu.vector_store %arg16[%swap3A_1308, %swap3A_1309], %add3A_1305 {strides = array<i32>} : memref<72x128xf32, #tpu.memory_space<vmem>>, vector<16xf32>,
      %mul3A_1311 = arith.constant 16 : i32
      %mul3A_1312 = arith.muli %scan3A_529, %mul3A_1311 : i32
      %get3A_1313 = arith.index_cast %mul3A_1312 : i32 to index
      %get3A_1314 = arith.constant 96 : index
      %get3A_1315 = tpu.vector_load %arg14[%get3A_1313, %get3A_1314] {strides = array<i32>} : memref<288x128xf32, #tpu.memory_space<vmem>>, vector<16xf32>,
      %mul3A_1316 = arith.constant 16 : i32
      %mul3A_1317 = arith.muli %scan3A_529, %mul3A_1316 : i32
      %add3A_1318 = arith.constant 1 : i32
      %add3A_1319 = arith.addi %mul3A_1317, %add3A_1318 : i32
      %get3A_1320 = arith.index_cast %add3A_1319 : i32 to index
      %get3A_1321 = arith.constant 96 : index
      %get3A_1322 = tpu.vector_load %arg14[%get3A_1320, %get3A_1321] {strides = array<i32>} : memref<288x128xf32, #tpu.memory_space<vmem>>, vector<16xf32>,
      %add3A_1323 = arith.addf %get3A_1315, %get3A_1322 : vector<16xf32>
      %mul3A_1324 = arith.constant 16 : i32
      %mul3A_1325 = arith.muli %scan3A_529, %mul3A_1324 : i32
      %add3A_1326 = arith.constant 2 : i32
      %add3A_1327 = arith.addi %mul3A_1325, %add3A_1326 : i32
      %get3A_1328 = arith.index_cast %add3A_1327 : i32 to index
      %get3A_1329 = arith.constant 96 : index
      %get3A_1330 = tpu.vector_load %arg14[%get3A_1328, %get3A_1329] {strides = array<i32>} : memref<288x128xf32, #tpu.memory_space<vmem>>, vector<16xf32>,
      %add3A_1331 = arith.addf %add3A_1323, %get3A_1330 : vector<16xf32>
      %mul3A_1332 = arith.constant 16 : i32
      %mul3A_1333 = arith.muli %scan3A_529, %mul3A_1332 : i32
      %add3A_1334 = arith.constant 3 : i32
      %add3A_1335 = arith.addi %mul3A_1333, %add3A_1334 : i32
      %get3A_1336 = arith.index_cast %add3A_1335 : i32 to index
      %get3A_1337 = arith.constant 96 : index
      %get3A_1338 = tpu.vector_load %arg14[%get3A_1336, %get3A_1337] {strides = array<i32>} : memref<288x128xf32, #tpu.memory_space<vmem>>, vector<16xf32>,
      %add3A_1339 = arith.addf %add3A_1331, %get3A_1338 : vector<16xf32>
      %mul3A_1340 = arith.constant 16 : i32
      %mul3A_1341 = arith.muli %scan3A_529, %mul3A_1340 : i32
      %add3A_1342 = arith.constant 4 : i32
      %add3A_1343 = arith.addi %mul3A_1341, %add3A_1342 : i32
      %get3A_1344 = arith.index_cast %add3A_1343 : i32 to index
      %get3A_1345 = arith.constant 96 : index
      %get3A_1346 = tpu.vector_load %arg14[%get3A_1344, %get3A_1345] {strides = array<i32>} : memref<288x128xf32, #tpu.memory_space<vmem>>, vector<16xf32>,
      %add3A_1347 = arith.addf %add3A_1339, %get3A_1346 : vector<16xf32>
      %mul3A_1348 = arith.constant 16 : i32
      %mul3A_1349 = arith.muli %scan3A_529, %mul3A_1348 : i32
      %add3A_1350 = arith.constant 5 : i32
      %add3A_1351 = arith.addi %mul3A_1349, %add3A_1350 : i32
      %get3A_1352 = arith.index_cast %add3A_1351 : i32 to index
      %get3A_1353 = arith.constant 96 : index
      %get3A_1354 = tpu.vector_load %arg14[%get3A_1352, %get3A_1353] {strides = array<i32>} : memref<288x128xf32, #tpu.memory_space<vmem>>, vector<16xf32>,
      %add3A_1355 = arith.addf %add3A_1347, %get3A_1354 : vector<16xf32>
      %mul3A_1356 = arith.constant 16 : i32
      %mul3A_1357 = arith.muli %scan3A_529, %mul3A_1356 : i32
      %add3A_1358 = arith.constant 6 : i32
      %add3A_1359 = arith.addi %mul3A_1357, %add3A_1358 : i32
      %get3A_1360 = arith.index_cast %add3A_1359 : i32 to index
      %get3A_1361 = arith.constant 96 : index
      %get3A_1362 = tpu.vector_load %arg14[%get3A_1360, %get3A_1361] {strides = array<i32>} : memref<288x128xf32, #tpu.memory_space<vmem>>, vector<16xf32>,
      %add3A_1363 = arith.addf %add3A_1355, %get3A_1362 : vector<16xf32>
      %mul3A_1364 = arith.constant 16 : i32
      %mul3A_1365 = arith.muli %scan3A_529, %mul3A_1364 : i32
      %add3A_1366 = arith.constant 7 : i32
      %add3A_1367 = arith.addi %mul3A_1365, %add3A_1366 : i32
      %get3A_1368 = arith.index_cast %add3A_1367 : i32 to index
      %get3A_1369 = arith.constant 96 : index
      %get3A_1370 = tpu.vector_load %arg14[%get3A_1368, %get3A_1369] {strides = array<i32>} : memref<288x128xf32, #tpu.memory_space<vmem>>, vector<16xf32>,
      %add3A_1371 = arith.addf %add3A_1363, %get3A_1370 : vector<16xf32>
      %mul3A_1372 = arith.constant 16 : i32
      %mul3A_1373 = arith.muli %scan3A_529, %mul3A_1372 : i32
      %add3A_1374 = arith.constant 8 : i32
      %add3A_1375 = arith.addi %mul3A_1373, %add3A_1374 : i32
      %get3A_1376 = arith.index_cast %add3A_1375 : i32 to index
      %get3A_1377 = arith.constant 96 : index
      %get3A_1378 = tpu.vector_load %arg14[%get3A_1376, %get3A_1377] {strides = array<i32>} : memref<288x128xf32, #tpu.memory_space<vmem>>, vector<16xf32>,
      %add3A_1379 = arith.addf %add3A_1371, %get3A_1378 : vector<16xf32>
      %mul3A_1380 = arith.constant 16 : i32
      %mul3A_1381 = arith.muli %scan3A_529, %mul3A_1380 : i32
      %add3A_1382 = arith.constant 9 : i32
      %add3A_1383 = arith.addi %mul3A_1381, %add3A_1382 : i32
      %get3A_1384 = arith.index_cast %add3A_1383 : i32 to index
      %get3A_1385 = arith.constant 96 : index
      %get3A_1386 = tpu.vector_load %arg14[%get3A_1384, %get3A_1385] {strides = array<i32>} : memref<288x128xf32, #tpu.memory_space<vmem>>, vector<16xf32>,
      %add3A_1387 = arith.addf %add3A_1379, %get3A_1386 : vector<16xf32>
      %mul3A_1388 = arith.constant 16 : i32
      %mul3A_1389 = arith.muli %scan3A_529, %mul3A_1388 : i32
      %add3A_1390 = arith.constant 10 : i32
      %add3A_1391 = arith.addi %mul3A_1389, %add3A_1390 : i32
      %get3A_1392 = arith.index_cast %add3A_1391 : i32 to index
      %get3A_1393 = arith.constant 96 : index
      %get3A_1394 = tpu.vector_load %arg14[%get3A_1392, %get3A_1393] {strides = array<i32>} : memref<288x128xf32, #tpu.memory_space<vmem>>, vector<16xf32>,
      %add3A_1395 = arith.addf %add3A_1387, %get3A_1394 : vector<16xf32>
      %mul3A_1396 = arith.constant 16 : i32
      %mul3A_1397 = arith.muli %scan3A_529, %mul3A_1396 : i32
      %add3A_1398 = arith.constant 11 : i32
      %add3A_1399 = arith.addi %mul3A_1397, %add3A_1398 : i32
      %get3A_1400 = arith.index_cast %add3A_1399 : i32 to index
      %get3A_1401 = arith.constant 96 : index
      %get3A_1402 = tpu.vector_load %arg14[%get3A_1400, %get3A_1401] {strides = array<i32>} : memref<288x128xf32, #tpu.memory_space<vmem>>, vector<16xf32>,
      %add3A_1403 = arith.addf %add3A_1395, %get3A_1402 : vector<16xf32>
      %mul3A_1404 = arith.constant 16 : i32
      %mul3A_1405 = arith.muli %scan3A_529, %mul3A_1404 : i32
      %add3A_1406 = arith.constant 12 : i32
      %add3A_1407 = arith.addi %mul3A_1405, %add3A_1406 : i32
      %get3A_1408 = arith.index_cast %add3A_1407 : i32 to index
      %get3A_1409 = arith.constant 96 : index
      %get3A_1410 = tpu.vector_load %arg14[%get3A_1408, %get3A_1409] {strides = array<i32>} : memref<288x128xf32, #tpu.memory_space<vmem>>, vector<16xf32>,
      %add3A_1411 = arith.addf %add3A_1403, %get3A_1410 : vector<16xf32>
      %mul3A_1412 = arith.constant 16 : i32
      %mul3A_1413 = arith.muli %scan3A_529, %mul3A_1412 : i32
      %add3A_1414 = arith.constant 13 : i32
      %add3A_1415 = arith.addi %mul3A_1413, %add3A_1414 : i32
      %get3A_1416 = arith.index_cast %add3A_1415 : i32 to index
      %get3A_1417 = arith.constant 96 : index
      %get3A_1418 = tpu.vector_load %arg14[%get3A_1416, %get3A_1417] {strides = array<i32>} : memref<288x128xf32, #tpu.memory_space<vmem>>, vector<16xf32>,
      %add3A_1419 = arith.addf %add3A_1411, %get3A_1418 : vector<16xf32>
      %mul3A_1420 = arith.constant 16 : i32
      %mul3A_1421 = arith.muli %scan3A_529, %mul3A_1420 : i32
      %add3A_1422 = arith.constant 14 : i32
      %add3A_1423 = arith.addi %mul3A_1421, %add3A_1422 : i32
      %get3A_1424 = arith.index_cast %add3A_1423 : i32 to index
      %get3A_1425 = arith.constant 96 : index
      %get3A_1426 = tpu.vector_load %arg14[%get3A_1424, %get3A_1425] {strides = array<i32>} : memref<288x128xf32, #tpu.memory_space<vmem>>, vector<16xf32>,
      %add3A_1427 = arith.addf %add3A_1419, %get3A_1426 : vector<16xf32>
      %mul3A_1428 = arith.constant 16 : i32
      %mul3A_1429 = arith.muli %scan3A_529, %mul3A_1428 : i32
      %add3A_1430 = arith.constant 15 : i32
      %add3A_1431 = arith.addi %mul3A_1429, %add3A_1430 : i32
      %get3A_1432 = arith.index_cast %add3A_1431 : i32 to index
      %get3A_1433 = arith.constant 96 : index
      %get3A_1434 = tpu.vector_load %arg14[%get3A_1432, %get3A_1433] {strides = array<i32>} : memref<288x128xf32, #tpu.memory_space<vmem>>, vector<16xf32>,
      %add3A_1435 = arith.addf %add3A_1427, %get3A_1434 : vector<16xf32>
      %add3A_1436 = arith.constant 54 : i32
      %add3A_1437 = arith.addi %add3A_1436, %scan3A_529 : i32
      %swap3A_1438 = arith.index_cast %add3A_1437 : i32 to index
      %swap3A_1439 = arith.constant 96 : index
      %swap3A_1440 = tpu.vector_load %arg16[%swap3A_1438, %swap3A_1439] {strides = array<i32>} : memref<72x128xf32, #tpu.memory_space<vmem>>, vector<16xf32>,
      tpu.vector_store %arg16[%swap3A_1438, %swap3A_1439], %add3A_1435 {strides = array<i32>} : memref<72x128xf32, #tpu.memory_space<vmem>>, vector<16xf32>,
      %mul3A_1441 = arith.constant 16 : i32
      %mul3A_1442 = arith.muli %scan3A_529, %mul3A_1441 : i32
      %get3A_1443 = arith.index_cast %mul3A_1442 : i32 to index
      %get3A_1444 = arith.constant 112 : index
      %get3A_1445 = tpu.vector_load %arg14[%get3A_1443, %get3A_1444] {strides = array<i32>} : memref<288x128xf32, #tpu.memory_space<vmem>>, vector<16xf32>,
      %mul3A_1446 = arith.constant 16 : i32
      %mul3A_1447 = arith.muli %scan3A_529, %mul3A_1446 : i32
      %add3A_1448 = arith.constant 1 : i32
      %add3A_1449 = arith.addi %mul3A_1447, %add3A_1448 : i32
      %get3A_1450 = arith.index_cast %add3A_1449 : i32 to index
      %get3A_1451 = arith.constant 112 : index
      %get3A_1452 = tpu.vector_load %arg14[%get3A_1450, %get3A_1451] {strides = array<i32>} : memref<288x128xf32, #tpu.memory_space<vmem>>, vector<16xf32>,
      %add3A_1453 = arith.addf %get3A_1445, %get3A_1452 : vector<16xf32>
      %mul3A_1454 = arith.constant 16 : i32
      %mul3A_1455 = arith.muli %scan3A_529, %mul3A_1454 : i32
      %add3A_1456 = arith.constant 2 : i32
      %add3A_1457 = arith.addi %mul3A_1455, %add3A_1456 : i32
      %get3A_1458 = arith.index_cast %add3A_1457 : i32 to index
      %get3A_1459 = arith.constant 112 : index
      %get3A_1460 = tpu.vector_load %arg14[%get3A_1458, %get3A_1459] {strides = array<i32>} : memref<288x128xf32, #tpu.memory_space<vmem>>, vector<16xf32>,
      %add3A_1461 = arith.addf %add3A_1453, %get3A_1460 : vector<16xf32>
      %mul3A_1462 = arith.constant 16 : i32
      %mul3A_1463 = arith.muli %scan3A_529, %mul3A_1462 : i32
      %add3A_1464 = arith.constant 3 : i32
      %add3A_1465 = arith.addi %mul3A_1463, %add3A_1464 : i32
      %get3A_1466 = arith.index_cast %add3A_1465 : i32 to index
      %get3A_1467 = arith.constant 112 : index
      %get3A_1468 = tpu.vector_load %arg14[%get3A_1466, %get3A_1467] {strides = array<i32>} : memref<288x128xf32, #tpu.memory_space<vmem>>, vector<16xf32>,
      %add3A_1469 = arith.addf %add3A_1461, %get3A_1468 : vector<16xf32>
      %mul3A_1470 = arith.constant 16 : i32
      %mul3A_1471 = arith.muli %scan3A_529, %mul3A_1470 : i32
      %add3A_1472 = arith.constant 4 : i32
      %add3A_1473 = arith.addi %mul3A_1471, %add3A_1472 : i32
      %get3A_1474 = arith.index_cast %add3A_1473 : i32 to index
      %get3A_1475 = arith.constant 112 : index
      %get3A_1476 = tpu.vector_load %arg14[%get3A_1474, %get3A_1475] {strides = array<i32>} : memref<288x128xf32, #tpu.memory_space<vmem>>, vector<16xf32>,
      %add3A_1477 = arith.addf %add3A_1469, %get3A_1476 : vector<16xf32>
      %mul3A_1478 = arith.constant 16 : i32
      %mul3A_1479 = arith.muli %scan3A_529, %mul3A_1478 : i32
      %add3A_1480 = arith.constant 5 : i32
      %add3A_1481 = arith.addi %mul3A_1479, %add3A_1480 : i32
      %get3A_1482 = arith.index_cast %add3A_1481 : i32 to index
      %get3A_1483 = arith.constant 112 : index
      %get3A_1484 = tpu.vector_load %arg14[%get3A_1482, %get3A_1483] {strides = array<i32>} : memref<288x128xf32, #tpu.memory_space<vmem>>, vector<16xf32>,
      %add3A_1485 = arith.addf %add3A_1477, %get3A_1484 : vector<16xf32>
      %mul3A_1486 = arith.constant 16 : i32
      %mul3A_1487 = arith.muli %scan3A_529, %mul3A_1486 : i32
      %add3A_1488 = arith.constant 6 : i32
      %add3A_1489 = arith.addi %mul3A_1487, %add3A_1488 : i32
      %get3A_1490 = arith.index_cast %add3A_1489 : i32 to index
      %get3A_1491 = arith.constant 112 : index
      %get3A_1492 = tpu.vector_load %arg14[%get3A_1490, %get3A_1491] {strides = array<i32>} : memref<288x128xf32, #tpu.memory_space<vmem>>, vector<16xf32>,
      %add3A_1493 = arith.addf %add3A_1485, %get3A_1492 : vector<16xf32>
      %mul3A_1494 = arith.constant 16 : i32
      %mul3A_1495 = arith.muli %scan3A_529, %mul3A_1494 : i32
      %add3A_1496 = arith.constant 7 : i32
      %add3A_1497 = arith.addi %mul3A_1495, %add3A_1496 : i32
      %get3A_1498 = arith.index_cast %add3A_1497 : i32 to index
      %get3A_1499 = arith.constant 112 : index
      %get3A_1500 = tpu.vector_load %arg14[%get3A_1498, %get3A_1499] {strides = array<i32>} : memref<288x128xf32, #tpu.memory_space<vmem>>, vector<16xf32>,
      %add3A_1501 = arith.addf %add3A_1493, %get3A_1500 : vector<16xf32>
      %mul3A_1502 = arith.constant 16 : i32
      %mul3A_1503 = arith.muli %scan3A_529, %mul3A_1502 : i32
      %add3A_1504 = arith.constant 8 : i32
      %add3A_1505 = arith.addi %mul3A_1503, %add3A_1504 : i32
      %get3A_1506 = arith.index_cast %add3A_1505 : i32 to index
      %get3A_1507 = arith.constant 112 : index
      %get3A_1508 = tpu.vector_load %arg14[%get3A_1506, %get3A_1507] {strides = array<i32>} : memref<288x128xf32, #tpu.memory_space<vmem>>, vector<16xf32>,
      %add3A_1509 = arith.addf %add3A_1501, %get3A_1508 : vector<16xf32>
      %mul3A_1510 = arith.constant 16 : i32
      %mul3A_1511 = arith.muli %scan3A_529, %mul3A_1510 : i32
      %add3A_1512 = arith.constant 9 : i32
      %add3A_1513 = arith.addi %mul3A_1511, %add3A_1512 : i32
      %get3A_1514 = arith.index_cast %add3A_1513 : i32 to index
      %get3A_1515 = arith.constant 112 : index
      %get3A_1516 = tpu.vector_load %arg14[%get3A_1514, %get3A_1515] {strides = array<i32>} : memref<288x128xf32, #tpu.memory_space<vmem>>, vector<16xf32>,
      %add3A_1517 = arith.addf %add3A_1509, %get3A_1516 : vector<16xf32>
      %mul3A_1518 = arith.constant 16 : i32
      %mul3A_1519 = arith.muli %scan3A_529, %mul3A_1518 : i32
      %add3A_1520 = arith.constant 10 : i32
      %add3A_1521 = arith.addi %mul3A_1519, %add3A_1520 : i32
      %get3A_1522 = arith.index_cast %add3A_1521 : i32 to index
      %get3A_1523 = arith.constant 112 : index
      %get3A_1524 = tpu.vector_load %arg14[%get3A_1522, %get3A_1523] {strides = array<i32>} : memref<288x128xf32, #tpu.memory_space<vmem>>, vector<16xf32>,
      %add3A_1525 = arith.addf %add3A_1517, %get3A_1524 : vector<16xf32>
      %mul3A_1526 = arith.constant 16 : i32
      %mul3A_1527 = arith.muli %scan3A_529, %mul3A_1526 : i32
      %add3A_1528 = arith.constant 11 : i32
      %add3A_1529 = arith.addi %mul3A_1527, %add3A_1528 : i32
      %get3A_1530 = arith.index_cast %add3A_1529 : i32 to index
      %get3A_1531 = arith.constant 112 : index
      %get3A_1532 = tpu.vector_load %arg14[%get3A_1530, %get3A_1531] {strides = array<i32>} : memref<288x128xf32, #tpu.memory_space<vmem>>, vector<16xf32>,
      %add3A_1533 = arith.addf %add3A_1525, %get3A_1532 : vector<16xf32>
      %mul3A_1534 = arith.constant 16 : i32
      %mul3A_1535 = arith.muli %scan3A_529, %mul3A_1534 : i32
      %add3A_1536 = arith.constant 12 : i32
      %add3A_1537 = arith.addi %mul3A_1535, %add3A_1536 : i32
      %get3A_1538 = arith.index_cast %add3A_1537 : i32 to index
      %get3A_1539 = arith.constant 112 : index
      %get3A_1540 = tpu.vector_load %arg14[%get3A_1538, %get3A_1539] {strides = array<i32>} : memref<288x128xf32, #tpu.memory_space<vmem>>, vector<16xf32>,
      %add3A_1541 = arith.addf %add3A_1533, %get3A_1540 : vector<16xf32>
      %mul3A_1542 = arith.constant 16 : i32
      %mul3A_1543 = arith.muli %scan3A_529, %mul3A_1542 : i32
      %add3A_1544 = arith.constant 13 : i32
      %add3A_1545 = arith.addi %mul3A_1543, %add3A_1544 : i32
      %get3A_1546 = arith.index_cast %add3A_1545 : i32 to index
      %get3A_1547 = arith.constant 112 : index
      %get3A_1548 = tpu.vector_load %arg14[%get3A_1546, %get3A_1547] {strides = array<i32>} : memref<288x128xf32, #tpu.memory_space<vmem>>, vector<16xf32>,
      %add3A_1549 = arith.addf %add3A_1541, %get3A_1548 : vector<16xf32>
      %mul3A_1550 = arith.constant 16 : i32
      %mul3A_1551 = arith.muli %scan3A_529, %mul3A_1550 : i32
      %add3A_1552 = arith.constant 14 : i32
      %add3A_1553 = arith.addi %mul3A_1551, %add3A_1552 : i32
      %get3A_1554 = arith.index_cast %add3A_1553 : i32 to index
      %get3A_1555 = arith.constant 112 : index
      %get3A_1556 = tpu.vector_load %arg14[%get3A_1554, %get3A_1555] {strides = array<i32>} : memref<288x128xf32, #tpu.memory_space<vmem>>, vector<16xf32>,
      %add3A_1557 = arith.addf %add3A_1549, %get3A_1556 : vector<16xf32>
      %mul3A_1558 = arith.constant 16 : i32
      %mul3A_1559 = arith.muli %scan3A_529, %mul3A_1558 : i32
      %add3A_1560 = arith.constant 15 : i32
      %add3A_1561 = arith.addi %mul3A_1559, %add3A_1560 : i32
      %get3A_1562 = arith.index_cast %add3A_1561 : i32 to index
      %get3A_1563 = arith.constant 112 : index
      %get3A_1564 = tpu.vector_load %arg14[%get3A_1562, %get3A_1563] {strides = array<i32>} : memref<288x128xf32, #tpu.memory_space<vmem>>, vector<16xf32>,
      %add3A_1565 = arith.addf %add3A_1557, %get3A_1564 : vector<16xf32>
      %add3A_1566 = arith.constant 54 : i32
      %add3A_1567 = arith.addi %add3A_1566, %scan3A_529 : i32
      %swap3A_1568 = arith.index_cast %add3A_1567 : i32 to index
      %swap3A_1569 = arith.constant 112 : index
      %swap3A_1570 = tpu.vector_load %arg16[%swap3A_1568, %swap3A_1569] {strides = array<i32>} : memref<72x128xf32, #tpu.memory_space<vmem>>, vector<16xf32>,
      tpu.vector_store %arg16[%swap3A_1568, %swap3A_1569], %add3A_1565 {strides = array<i32>} : memref<72x128xf32, #tpu.memory_space<vmem>>, vector<16xf32>,
      %scan3A_1571 = arith.constant 0 : i32
      scf.yield %scan3A_1571 : i32
    }
    %scan3A_517 = arith.constant 18 : i32
    "tpu.region"() ({
      %run_scoped3A = tpu.sem_alloc : memref<!tpu.dma_semaphore, #tpu.memory_space<semaphore_mem>>
      %dma_start3A_529 = arith.constant 0 : i32
      %dma_start3A_530 = tpu.memref_slice %arg6[%mul3A_2, %dma_start3A_529] : memref<2304x128xf32, #tpu.memory_space<hbm>> -> memref<72x128xf32, #tpu.memory_space<hbm>>
      %dma_start3A_531 = arith.constant 0 : i32
      %dma_start3A_532 = tpu.memref_slice %arg6[%mul3A_2, %dma_start3A_531] : memref<2304x128xf32, #tpu.memory_space<hbm>> -> memref<72x128xf32, #tpu.memory_space<hbm>>
      tpu.enqueue_dma source(%arg16 : memref<72x128xf32, #tpu.memory_space<vmem>>) target(%dma_start3A_532 : memref<72x128xf32, #tpu.memory_space<hbm>>) target_semaphore(%run_scoped3A : memref<!tpu.dma_semaphore, #tpu.memory_space<semaphore_mem>>)
      %dma_wait3A_533 = arith.constant 0 : i32
      %dma_wait3A_534 = tpu.memref_slice %arg6[%mul3A_2, %dma_wait3A_533] : memref<2304x128xf32, #tpu.memory_space<hbm>> -> memref<72x128xf32, #tpu.memory_space<hbm>>
      %dma_wait3A_535 = arith.constant 0 : i32
      %dma_wait3A_536 = tpu.memref_slice %arg6[%mul3A_2, %dma_wait3A_535] : memref<2304x128xf32, #tpu.memory_space<hbm>> -> memref<72x128xf32, #tpu.memory_space<hbm>>
      tpu.wait_dma2 semaphore(%run_scoped3A : memref<!tpu.dma_semaphore, #tpu.memory_space<semaphore_mem>>) src(%arg16 : memref<72x128xf32, #tpu.memory_space<vmem>>) dst(%dma_wait3A_536 : memref<72x128xf32, #tpu.memory_space<hbm>>)
      tpu.yield
    }) : () -> ()
    %dma_wait3A_518 = arith.constant 0 : i32
    %dma_wait3A_519 = tpu.memref_slice %arg9[%dma_wait3A_518] : memref<80xi32, #tpu.memory_space<vmem>> -> memref<72xi32, #tpu.memory_space<vmem>>
    %dma_wait3A_520 = arith.constant 0 : i32
    %dma_wait3A_521 = arith.constant 0 : i32
    %dma_wait3A_522 = tpu.memref_slice %arg4[%dma_wait3A_520, %dma_wait3A_521] : memref<100000x128xf32, #tpu.memory_space<hbm>> -> memref<100000x128xf32, #tpu.memory_space<hbm>>
    tpu.wait_indirect_dma semaphore(%arg17 : memref<!tpu.dma_semaphore, #tpu.memory_space<semaphore_mem>>) src(%dma_wait3A_522 : memref<100000x128xf32, #tpu.memory_space<hbm>>) dst(%arg15 : memref<72x128xf32, #tpu.memory_space<vmem>>)
    "tpu.region"() ({
      %run_scoped3A = tpu.sem_alloc : memref<!tpu.dma_semaphore, #tpu.memory_space<semaphore_mem>>
      %dma_start3A_529 = arith.constant 0 : i32
      %dma_start3A_530 = tpu.memref_slice %arg8[%mul3A_2, %dma_start3A_529] : memref<2304x128xf32, #tpu.memory_space<hbm>> -> memref<72x128xf32, #tpu.memory_space<hbm>>
      %dma_start3A_531 = arith.constant 0 : i32
      %dma_start3A_532 = tpu.memref_slice %arg8[%mul3A_2, %dma_start3A_531] : memref<2304x128xf32, #tpu.memory_space<hbm>> -> memref<72x128xf32, #tpu.memory_space<hbm>>
      tpu.enqueue_dma source(%arg15 : memref<72x128xf32, #tpu.memory_space<vmem>>) target(%dma_start3A_532 : memref<72x128xf32, #tpu.memory_space<hbm>>) target_semaphore(%run_scoped3A : memref<!tpu.dma_semaphore, #tpu.memory_space<semaphore_mem>>)
      %dma_wait3A_533 = arith.constant 0 : i32
      %dma_wait3A_534 = tpu.memref_slice %arg8[%mul3A_2, %dma_wait3A_533] : memref<2304x128xf32, #tpu.memory_space<hbm>> -> memref<72x128xf32, #tpu.memory_space<hbm>>
      %dma_wait3A_535 = arith.constant 0 : i32
      %dma_wait3A_536 = tpu.memref_slice %arg8[%mul3A_2, %dma_wait3A_535] : memref<2304x128xf32, #tpu.memory_space<hbm>> -> memref<72x128xf32, #tpu.memory_space<hbm>>
      tpu.wait_dma2 semaphore(%run_scoped3A : memref<!tpu.dma_semaphore, #tpu.memory_space<semaphore_mem>>) src(%arg15 : memref<72x128xf32, #tpu.memory_space<vmem>>) dst(%dma_wait3A_536 : memref<72x128xf32, #tpu.memory_space<hbm>>)
      tpu.yield
    }) : () -> ()
    %dma_start3A_523 = arith.constant 0 : i32
    %dma_start3A_524 = tpu.memref_slice %arg5[%dma_start3A_523] : memref<100000xf32, #tpu.memory_space<hbm>> -> memref<100000xf32, #tpu.memory_space<hbm>>
    tpu.enqueue_indirect_dma source(%dma_start3A_524 : memref<100000xf32, #tpu.memory_space<hbm>>) target(%arg12 : memref<1152xf32, #tpu.memory_space<vmem>>) offsets(%arg11 : memref<1152xi32, #tpu.memory_space<vmem>>) semaphore(%arg18 : memref<!tpu.dma_semaphore, #tpu.memory_space<semaphore_mem>>)
    %dma_wait3A_525 = arith.constant 0 : i32
    %dma_wait3A_526 = tpu.memref_slice %arg5[%dma_wait3A_525] : memref<100000xf32, #tpu.memory_space<hbm>> -> memref<100000xf32, #tpu.memory_space<hbm>>
    tpu.wait_indirect_dma semaphore(%arg18 : memref<!tpu.dma_semaphore, #tpu.memory_space<semaphore_mem>>) src(%dma_wait3A_526 : memref<100000xf32, #tpu.memory_space<hbm>>) dst(%arg12 : memref<1152xf32, #tpu.memory_space<vmem>>)
    %mul3A_527 = arith.constant 16 : i32
    %mul3A_528 = arith.muli %mul3A_2, %mul3A_527 : i32
    "tpu.region"() ({
      %run_scoped3A = tpu.sem_alloc : memref<!tpu.dma_semaphore, #tpu.memory_space<semaphore_mem>>
      %dma_start3A_529 = tpu.memref_slice %arg7[%mul3A_528] : memref<36864xf32, #tpu.memory_space<hbm>> -> memref<1152xf32, #tpu.memory_space<hbm>>
      %dma_start3A_530 = tpu.memref_slice %arg7[%mul3A_528] : memref<36864xf32, #tpu.memory_space<hbm>> -> memref<1152xf32, #tpu.memory_space<hbm>>
      tpu.enqueue_dma source(%arg12 : memref<1152xf32, #tpu.memory_space<vmem>>) target(%dma_start3A_530 : memref<1152xf32, #tpu.memory_space<hbm>>) target_semaphore(%run_scoped3A : memref<!tpu.dma_semaphore, #tpu.memory_space<semaphore_mem>>)
      %dma_wait3A_531 = tpu.memref_slice %arg7[%mul3A_528] : memref<36864xf32, #tpu.memory_space<hbm>> -> memref<1152xf32, #tpu.memory_space<hbm>>
      %dma_wait3A_532 = tpu.memref_slice %arg7[%mul3A_528] : memref<36864xf32, #tpu.memory_space<hbm>> -> memref<1152xf32, #tpu.memory_space<hbm>>
      tpu.wait_dma2 semaphore(%run_scoped3A : memref<!tpu.dma_semaphore, #tpu.memory_space<semaphore_mem>>) src(%arg12 : memref<1152xf32, #tpu.memory_space<vmem>>) dst(%dma_wait3A_532 : memref<1152xf32, #tpu.memory_space<hbm>>)
      tpu.yield
    }) : () -> ()
    return
  }
}

module attributes {stable_mosaic.version = 14 : i64} {
  func.func @_tc_tail_kernel(%arg0: memref<2304x128xf32, #tpu.memory_space<vmem>>, %arg1: memref<2304x16xf32, #tpu.memory_space<vmem>>, %arg2: memref<2304x128xf32, #tpu.memory_space<vmem>>, %arg3: memref<128x256xf32, #tpu.memory_space<vmem>>, %arg4: memref<1x128xf32, #tpu.memory_space<vmem>>, %arg5: memref<128x256xf32, #tpu.memory_space<vmem>>, %arg6: memref<1x128xf32, #tpu.memory_space<vmem>>, %arg7: memref<1024x128xf32, #tpu.memory_space<vmem>>, %arg8: memref<1024x128xf32, #tpu.memory_space<vmem>>, %arg9: memref<256x128xf32, #tpu.memory_space<vmem>>) attributes {dimension_semantics = [], scalar_prefetch = 0 : i64, scratch_operands = 0 : i64, tpu.core_type = #tpu.core_type<tc>} {
    %get3A = arith.constant 0 : index
    %get3A_0 = arith.constant 0 : index
    %get3A_1 = vector.load %arg1[%get3A, %get3A_0] : memref<2304x16xf32, #tpu.memory_space<vmem>>, vector<2304x16xf32>
    %reduce_sum3A = arith.constant dense<0.000000e+00> : vector<2304xf32>
    %reduce_sum3A_2 = vector.multi_reduction <add>, %get3A_1, %reduce_sum3A [1] : vector<2304x16xf32> to vector<2304xf32>
    %broadcast_in_dim3A = vector.shape_cast %reduce_sum3A_2 : vector<2304xf32> to vector<2304x1xf32>
    %get3A_3 = arith.constant 0 : index
    %get3A_4 = arith.constant 128 : index
    %get3A_5 = vector.load %arg3[%get3A_3, %get3A_4] : memref<128x256xf32, #tpu.memory_space<vmem>>, vector<128x128xf32>
    %reduce_sum3A_6 = arith.constant dense<0.000000e+00> : vector<128xf32>
    %reduce_sum3A_7 = vector.multi_reduction <add>, %get3A_5, %reduce_sum3A_6 [1] : vector<128x128xf32> to vector<128xf32>
    %get3A_8 = arith.constant 0 : index
    %get3A_9 = arith.constant 0 : index
    %get3A_10 = vector.load %arg0[%get3A_8, %get3A_9] : memref<2304x128xf32, #tpu.memory_space<vmem>>, vector<2304x128xf32>
    %get3A_11 = arith.constant 0 : index
    %get3A_12 = arith.constant 0 : index
    %get3A_13 = vector.load %arg3[%get3A_11, %get3A_12] : memref<128x256xf32, #tpu.memory_space<vmem>>, vector<128x128xf32>
    %dot_general3A = arith.constant dense<0.000000e+00> : vector<2304x128xf32>
    %dot_general3A_14 = tpu.matmul %get3A_10, %get3A_13, %dot_general3A {dimension_numbers = #tpu.dot_dimension_numbers<[1], [1], [0], [0], [0, 0, 1, 0], [], []>, transpose_lhs_hint = false} : vector<2304x128xf32>, vector<128x128xf32>, vector<2304x128xf32> -> vector<2304x128xf32>
    %broadcast_in_dim3A_15 = vector.shape_cast %reduce_sum3A_7 : vector<128xf32> to vector<1x128xf32>
    %mul3A = vector.broadcast %broadcast_in_dim3A : vector<2304x1xf32> to vector<2304x128xf32>
    %mul3A_16 = vector.broadcast %broadcast_in_dim3A_15 : vector<1x128xf32> to vector<2304x128xf32>
    %mul3A_17 = arith.mulf %mul3A, %mul3A_16 : vector<2304x128xf32>
    %add3A = arith.addf %dot_general3A_14, %mul3A_17 : vector<2304x128xf32>
    %get3A_18 = arith.constant 0 : index
    %get3A_19 = arith.constant 0 : index
    %get3A_20 = vector.load %arg4[%get3A_18, %get3A_19] : memref<1x128xf32, #tpu.memory_space<vmem>>, vector<1x128xf32>
    %mul3A_21 = arith.constant 1.600000e+01 : f32
    %mul3A_22 = vector.broadcast %mul3A_21 : f32 to vector<1x128xf32>
    %mul3A_23 = arith.mulf %mul3A_22, %get3A_20 : vector<1x128xf32>
    %add3A_24 = vector.broadcast %mul3A_23 : vector<1x128xf32> to vector<2304x128xf32>
    %add3A_25 = arith.addf %add3A, %add3A_24 : vector<2304x128xf32>
    %get3A_26 = arith.constant 0 : index
    %get3A_27 = arith.constant 0 : index
    %get3A_28 = vector.load %arg2[%get3A_26, %get3A_27] : memref<2304x128xf32, #tpu.memory_space<vmem>>, vector<2304x128xf32>
    %get3A_29 = arith.constant 0 : index
    %get3A_30 = arith.constant 0 : index
    %get3A_31 = vector.load %arg5[%get3A_29, %get3A_30] : memref<128x256xf32, #tpu.memory_space<vmem>>, vector<128x128xf32>
    %dot_general3A_32 = arith.constant dense<0.000000e+00> : vector<2304x128xf32>
    %dot_general3A_33 = tpu.matmul %get3A_28, %get3A_31, %dot_general3A_32 {dimension_numbers = #tpu.dot_dimension_numbers<[1], [1], [0], [0], [0, 0, 1, 0], [], []>, transpose_lhs_hint = false} : vector<2304x128xf32>, vector<128x128xf32>, vector<2304x128xf32> -> vector<2304x128xf32>
    %get3A_34 = arith.constant 0 : index
    %get3A_35 = arith.constant 128 : index
    %get3A_36 = vector.load %arg5[%get3A_34, %get3A_35] : memref<128x256xf32, #tpu.memory_space<vmem>>, vector<128x128xf32>
    %dot_general3A_37 = arith.constant dense<0.000000e+00> : vector<2304x128xf32>
    %dot_general3A_38 = tpu.matmul %add3A_25, %get3A_36, %dot_general3A_37 {dimension_numbers = #tpu.dot_dimension_numbers<[1], [1], [0], [0], [0, 0, 1, 0], [], []>, transpose_lhs_hint = false} : vector<2304x128xf32>, vector<128x128xf32>, vector<2304x128xf32> -> vector<2304x128xf32>
    %add3A_39 = arith.addf %dot_general3A_33, %dot_general3A_38 : vector<2304x128xf32>
    %get3A_40 = arith.constant 0 : index
    %get3A_41 = arith.constant 0 : index
    %get3A_42 = vector.load %arg6[%get3A_40, %get3A_41] : memref<1x128xf32, #tpu.memory_space<vmem>>, vector<1x128xf32>
    %add3A_43 = vector.broadcast %get3A_42 : vector<1x128xf32> to vector<2304x128xf32>
    %add3A_44 = arith.addf %add3A_39, %add3A_43 : vector<2304x128xf32>
    %mul3A_45 = arith.mulf %add3A_44, %add3A_44 : vector<2304x128xf32>
    %reduce_sum3A_46 = arith.constant dense<0.000000e+00> : vector<2304xf32>
    %reduce_sum3A_47 = vector.multi_reduction <add>, %mul3A_45, %reduce_sum3A_46 [1] : vector<2304x128xf32> to vector<2304xf32>
    %broadcast_in_dim3A_48 = vector.shape_cast %reduce_sum3A_47 : vector<2304xf32> to vector<2304x1xf32>
    %sqrt3A = math.sqrt %broadcast_in_dim3A_48 : vector<2304x1xf32>
    %max3A = arith.constant 9.99999996E-13 : f32
    %max3A_49 = vector.broadcast %max3A : f32 to vector<2304x1xf32>
    %max3A_50 = arith.maximumf %sqrt3A, %max3A_49 : vector<2304x1xf32>
    %div3A = vector.broadcast %max3A_50 : vector<2304x1xf32> to vector<2304x128xf32>
    %div3A_51 = arith.divf %add3A_44, %div3A : vector<2304x128xf32>
    %slice3A = vector.extract_strided_slice %div3A_51 {offsets = [0, 0], sizes = [1024, 128], strides = [1, 1]} : vector<2304x128xf32> to vector<1024x128xf32>
    %swap3A = arith.constant 0 : index
    %swap3A_52 = arith.constant 0 : index
    %swap3A_53 = vector.load %arg7[%swap3A, %swap3A_52] : memref<1024x128xf32, #tpu.memory_space<vmem>>, vector<1024x128xf32>
    tpu.vector_store %arg7[%swap3A, %swap3A_52], %slice3A {strides = array<i32>} : memref<1024x128xf32, #tpu.memory_space<vmem>>, vector<1024x128xf32>,
    %slice3A_54 = vector.extract_strided_slice %div3A_51 {offsets = [1024, 0], sizes = [1024, 128], strides = [1, 1]} : vector<2304x128xf32> to vector<1024x128xf32>
    %swap3A_55 = arith.constant 0 : index
    %swap3A_56 = arith.constant 0 : index
    %swap3A_57 = vector.load %arg8[%swap3A_55, %swap3A_56] : memref<1024x128xf32, #tpu.memory_space<vmem>>, vector<1024x128xf32>
    tpu.vector_store %arg8[%swap3A_55, %swap3A_56], %slice3A_54 {strides = array<i32>} : memref<1024x128xf32, #tpu.memory_space<vmem>>, vector<1024x128xf32>,
    %slice3A_58 = vector.extract_strided_slice %div3A_51 {offsets = [2048, 0], sizes = [256, 128], strides = [1, 1]} : vector<2304x128xf32> to vector<256x128xf32>
    %swap3A_59 = arith.constant 0 : index
    %swap3A_60 = arith.constant 0 : index
    %swap3A_61 = vector.load %arg9[%swap3A_59, %swap3A_60] : memref<256x128xf32, #tpu.memory_space<vmem>>, vector<256x128xf32>
    tpu.vector_store %arg9[%swap3A_59, %swap3A_60], %slice3A_58 {strides = array<i32>} : memref<256x128xf32, #tpu.memory_space<vmem>>, vector<256x128xf32>,
    return
  }
}

</mosaic_0001>

<sc_bundles>
// kernel: kernel.4.cloned.1.call-start
scs
__scs_entry_jumppad:
0x0: {  	(pc) =	sbr.rel $0x88, $3  }
0x1: {  	(tag) =	ssettag $0x0;
	lr =	simm.s32 $0x1  }
0x2: {  	[smem:$0x3F97] =	sst lr;
	_ =	strace $0xD0000000  }
0x3: {  	_ = 	snop  }
0x4: {  	_ = 	snop  }
0x5: {  	_ = 	snop  }
0x6: {  	_ = 	snop  }
0x7: {  	_ = 	snop  }
__scs_overlays_trampoline_lowered:
0x8: {  	[smem:$0x3FA6] =	sst s0  }
0x9: {  	[smem:$0x3FA7] =	sst s1  }
0xa: {  	[smem:$0x3FA8] =	sst s2  }
0xb: {  	[smem:$0x3FA9] =	sst s3  }
0xc: {  	[smem:$0x3FAA] =	sst s4  }
0xd: {  	[smem:$0x3FAB] =	sst s5  }
0xe: {  	[smem:$0x3FAC] =	sst s6  }
0xf: {  	[smem:$0x3FAD] =	sst s7  }
0x10: {  	[smem:$0x3FAE] =	sst s8  }
0x11: {  	[smem:$0x3FAF] =	sst s9;
	s0 =	simm.s32 @!p0 $0x0  }
0x12: {  	s1 =	sld [smem:$0x3F95];
	s0 =	simm.s32 @p0 $0x1  }
0x13: {  	[smem:$0x3FB0] =	sst s0;
	s0 =	simm.s32 @!p1 $0x0  }
0x14: {  	s2 =	sld [smem:$0x3F94];
	s0 =	simm.s32 @p1 $0x1  }
0x15: {  	[smem:$0x3FB1] =	sst s0;
	s0 =	simm.s32 @!p2 $0x0  }
0x16: {  	s3 =	sld [smem:$0x3FDB];
	s0 =	simm.s32 @p2 $0x1  }
0x17: {  	s4 =	simm.s32 $0x1BF5;
	[smem:$0x3FB3] =	sst s0  }
0x18: {  	s0 =	sld [smem:$0x3F96];
	_ =	swait.ge [sflag:s4], $0x0  }
0x19: {  	s7 =	sld [smem:$0x3F97]  }
0x1a: {  	s8 =	sadd.s32 $0xFFFFE003, lr  }
0x1b: {  	s9 =	sadd.s32 $0xFFFFFEF7, lr;
	s5 =	simm.s32 $0xFFFFFFFF;
	p2 =	slt.u32 s8, $0xFFFFF086  }
0x1c: {  	p1 =	slt.u32 s9, $0xF7A;
	s5 =	simm.s32 @!p2 $0x0  }
0x1d: {  	s5 =	simm.s32 @p1 $0x1;
	p0 =	seq.s32 s7, s2  }
0x1e: {  	s7 =	smul.u32 @!p0 $0xF7A, s2;
	p2 =	seq.s32 @!p0 s5, $0x0  }
0x1f: {  	s9 =	smul.u32 $0xF7A, s1;
	s8 =	simm.s32 @!p0 $0x1BF5;
	p2 =	por !p2, p0  }
0x20: {  	[sflag:s8] =	ssyncset.s32 @!p0 $0xFFFFF086;
	s6 =	sadd.s32 @!p0 s3, s7;
	s7 =	simm.s32 @!p0 $0x108  }
0x21: {  	s3 =	sadd.s32 s3, s9;
	s6 =	sadd.s32 @!p0 $0x88, s6;
	s7 =	simm.s32 @p2 $0x1082  }
0x22: {  	[simem:s7], [sflag:s8] =	dma.local @!p0 [hbm:s6], $0xF7A  }
0x23: {  	s9 =	sor.u32 $0xD0000000, s2;
	s6 =	simm.s32 $0x108;
	_ =	swait.ge @!p0 [sflag:s8], $0x0  }
0x24: {  	s3 =	sadd.s32 $0x88, s3;
	s6 =	simm.s32 @!p1 $0x1082;
	[sflag:s4] =	ssyncset.s32 $0xFFFFF086  }
0x25: {  	[simem:s6], [sflag:s4] =	dma.local [hbm:s3], $0xF7A  }
0x26: {  	[smem:$0x3F97] =	sst s1;
	(tag) =	ssettag s2;
	_ =	strace s9  }
0x27: {  	s1 =	sld [smem:$0x3FA7]  }
0x28: {  	s2 =	sld [smem:$0x3FA8]  }
0x29: {  	s4 =	sld [smem:$0x3FAA]  }
0x2a: {  	p0 =	seq.s32 s5, $0x0;
	s5 =	sld [smem:$0x3FAB]  }
0x2b: {  	s6 =	sld [smem:$0x3FAC]  }
0x2c: {  	s7 =	sld [smem:$0x3FAD]  }
0x2d: {  	s3 =	simm.s32 $0x108;
	s8 =	sld [smem:$0x3FAE]  }
0x2e: {  	s3 =	simm.s32 @!p0 $0x1082;
	s9 =	sld [smem:$0x3FAF]  }
0x2f: {  	lr =	sadd.s32 s0, s3;
	s0 =	sld [smem:$0x3FA6]  }
0x30: {  	s3 =	sld [smem:$0x3FA9]  }
0x31: {  	[smem:$0x3FB2] =	sst s10  }
0x32: {  	s10 =	sld [smem:$0x3FB0];
	_ =	sdelay $0x3  }
0x33: {  	p0 =	seq.s32 s10, $0x1;
	s10 =	sld [smem:$0x3FB2];
	_ =	sdelay $0x3  }
0x34: {  	[smem:$0x3FB2] =	sst s10  }
0x35: {  	s10 =	sld [smem:$0x3FB1];
	_ =	sdelay $0x3  }
0x36: {  	p1 =	seq.s32 s10, $0x1;
	s10 =	sld [smem:$0x3FB2];
	_ =	sdelay $0x3  }
0x37: {  	[smem:$0x3FB2] =	sst s10  }
0x38: {  	s10 =	sld [smem:$0x3FB3]  }
0x39: {  	_ = 	snop;
	(pc) =	sbr.ind lr, $3  }
0x3a: {  	_ = 	snop  }
0x3b: {  	_ = 	snop  }
0x3c: {  	p2 =	seq.s32 s10, $0x1;
	s10 =	sld [smem:$0x3FB2]  }
0x3d: {  	_ =	shalt  }
0x3e: {  	_ =	shalt  }
0x3f: {  	_ =	shalt  }
0x40: {  	_ =	shalt  }
0x41: {  	_ =	shalt  }
0x42: {  	_ =	shalt  }
0x43: {  	_ =	shalt  }
0x44: {  	_ =	shalt  }
0x45: {  	_ =	shalt  }
0x46: {  	_ =	shalt  }
0x47: {  	_ =	shalt  }
0x48: {  	_ =	shalt  }
0x49: {  	_ =	shalt  }
0x4a: {  	_ =	shalt  }
0x4b: {  	_ =	shalt  }
0x4c: {  	_ =	shalt  }
0x4d: {  	_ =	shalt  }
0x4e: {  	_ =	shalt  }
0x4f: {  	_ =	shalt  }
0x50: {  	_ =	shalt  }
0x51: {  	_ =	shalt  }
0x52: {  	_ =	shalt  }
0x53: {  	_ =	shalt  }
0x54: {  	_ =	shalt  }
0x55: {  	_ =	shalt  }
0x56: {  	_ =	shalt  }
0x57: {  	_ =	shalt  }
0x58: {  	_ =	shalt  }
0x59: {  	_ =	shalt  }
0x5a: {  	_ =	shalt  }
0x5b: {  	_ =	shalt  }
0x5c: {  	_ =	shalt  }
0x5d: {  	_ =	shalt  }
0x5e: {  	_ =	shalt  }
0x5f: {  	_ =	shalt  }
0x60: {  	_ =	shalt  }
0x61: {  	_ =	shalt  }
0x62: {  	_ =	shalt  }
0x63: {  	_ =	shalt  }
0x64: {  	_ =	shalt  }
0x65: {  	_ =	shalt  }
0x66: {  	_ =	shalt  }
0x67: {  	_ =	shalt  }
0x68: {  	_ =	shalt  }
0x69: {  	_ =	shalt  }
0x6a: {  	_ =	shalt  }
0x6b: {  	_ =	shalt  }
0x6c: {  	_ =	shalt  }
0x6d: {  	_ =	shalt  }
0x6e: {  	_ =	shalt  }
0x6f: {  	_ =	shalt  }
0x70: {  	_ =	shalt  }
0x71: {  	_ =	shalt  }
0x72: {  	_ =	shalt  }
0x73: {  	_ =	shalt  }
0x74: {  	_ =	shalt  }
0x75: {  	_ =	shalt  }
0x76: {  	_ =	shalt  }
0x77: {  	_ =	shalt  }
0x78: {  	_ =	shalt  }
0x79: {  	_ =	shalt  }
0x7a: {  	_ =	shalt  }
0x7b: {  	_ =	shalt  }
0x7c: {  	_ =	shalt  }
0x7d: {  	_ =	shalt  }
0x7e: {  	_ =	shalt  }
0x7f: {  	_ =	shalt  }
0x80: {  	_ =	shalt  }
0x81: {  	_ =	shalt  }
0x82: {  	_ =	shalt  }
0x83: {  	_ =	shalt  }
0x84: {  	_ =	shalt  }
0x85: {  	_ =	shalt  }
0x86: {  	_ =	shalt  }
0x87: {  	_ =	shalt  }
.Lfunc_end0:
.L_simem_size_0:
called_computation_lowered:
.L_overlay_start_0:
0x88: {  	s2 =	sld [smem:$0x3FD9]  }
0x89: {  	s3 =	sld [smem:$0x3FFE];
	_ =	sdelay $0x1  }
0x8a: {  	s1 =	srdreg.scid  }
0x8b: {  	s0 =	sand.u32 $0x1, s1  }
0x8c: {  	s14 =	sshll.u32 s0, $0xA;
	s2 =	sadd.s32 s3, s2  }
0x8d: {  	s2 =	sadd.s32 s2, s14  }
0x8e: {  	[smem:$0x3FBE] =	sst s2  }
0x8f: {  	_ = 	snop  }
0x90: {  	s2 =	sld [smem:$0x3FD0];
	_ =	sdelay $0x1  }
0x91: {  	s15 =	sld [smem:$0x3FC5]  }
0x92: {  	s5 =	simm.s32 $0xA;
	s6 =	simm.s32 $0x10;
	s4 =	sld [smem:$0x3FC4]  }
0x93: {  	[smem:s6], [sflag:s5] =	dma.local [hbm:s2], $0x1  }
0x94: {  	_ =	swait.eq [sflag:s5], $0x1  }
0x95: {  	[sflag:s5] =	ssyncset.done $0x0  }
0x96: {  	s16 =	sld [smem:$0x10];
	[sflag:s5] =	ssyncadd.s32 $0xFFFFFFFF  }
0x97: {  	s17 =	sld [smem:$0x11];
	(tm) =	ssettm $0x1  }
0x98: {  	s18 =	sld [smem:$0x3FFB];
	_ =	sdelay $0x3  }
0x99: {  	_ =	strace s18  }
0x9a: {  	s6 =	sld [smem:$0x3FFC];
	_ =	sdelay $0x3  }
0x9b: {  	_ =	strace s6  }
0x9c: {  	s6 =	sld [smem:$0x3FFD];
	_ =	sdelay $0x3  }
0x9d: {  	_ =	strace s6  }
0x9e: {  	_ =	strace $0x8FFFFFFF  }
0x9f: {  	s19 =	sld [smem:$0x3FDB];
	_ =	sdelay $0x1  }
0xa0: {  	s7 =	simm.s32 $_scs_section_size  }
0xa1: {  	s8 =	simm.s32 $_size__tile_overlayer_lowered;
	s9 =	simm.s32 $_tile_overlayer_lowered  }
0xa2: {  	s22 =	simm.s32 $0x1BFF;
	s21 =	sshll.u32 s9, $0x1;
	s6 =	sadd.s32 s7, s19  }
0xa3: {  	s10 =	simm.s32 $0x0;
	s20 =	sshll.u32 s8, $0x1;
	s8 =	sadd.s32 s21, s6  }
0xa4: {  	[timem:s10], [sflag:s22] =	dma.local [hbm:s8], s20  }
0xa5: {  	_ =	swait.ge [sflag:s22], s20  }
0xa6: {  	s7 =	ssub.s32 $0x0, s20;
	[sflag:s22] =	ssyncset.done $0x0  }
0xa7: {  	[sflag:s22] =	ssyncadd.s32 s7;
	_ =	sdelay $0x1  }
0xa8: {  	s23 =	simm.s32 $0x1B8B  }
0xa9: {  	_ =	swait.ge [sflag:s23], $0x1  }
0xaa: {  	[sflag:s23] =	ssyncset.done $0x0  }
0xab: {  	s25 =	simm.s32 $0x1B8E;
	s24 =	sld [smem:$0x3FFE];
	[sflag:s23] =	ssyncadd.s32 $0xFFFFFFFF  }
0xac: {  	s26 =	simm.s32 $execute0_lowered;
	[smem:$0x3FD2] =	sst s25  }
0xad: {  	s8 =	sshll.u32 s26, $0x1;
	_ =	strace $0x80000046;
	[dreg:$0x1] =	wrdreg $0xFFFFFFFF  }
0xae: {  	s28 =	simm.s32 $_size_execute0_lowered;
	s6 =	sadd.s32 s6, s8;
	[dreg:$0x0] =	wrdreg $0x0  }
0xaf: {  	s8 =	sshll.u32 s28, $0x1;
	[dreg:$0x2] =	wrdreg s6  }
0xb0: {  	[dreg:$0x3] =	wrdreg s8  }
0xb1: {  	[dreg:$0x4] =	wrdreg $0xC0  }
0xb2: {  	_ =	task [dreg:s10], $0x5FFFF  }
0xb3: {  	[dreg:$0x1] =	wrdreg $0xFFFFFFFF  }
0xb4: {  	[dreg:$0x0] =	wrdreg $0x60  }
0xb5: {  	[dreg:$0x2] =	wrdreg s16  }
0xb6: {  	[dreg:$0x3] =	wrdreg s24  }
0xb7: {  	[dreg:$0x4] =	wrdreg s15  }
0xb8: {  	[dreg:$0x5] =	wrdreg s4  }
0xb9: {  	[dreg:$0x6] =	wrdreg s17  }
0xba: {  	[dreg:$0x7] =	wrdreg $0x9  }
0xbb: {  	_ =	task.clear_ibuf [dreg:s10], $0x8FFFF;
	_ =	strace $0x90000046  }
0xbc: {  	s29 =	simm.s32 $0x9;
	_ =	strace $0x80000048  }
0xbd: {  	_ =	swait.ge [sflag:s29], $0x1  }
0xbe: {  	[sflag:s29] =	ssyncadd.s32 $0xFFFFFFFF  }
0xbf: {  	_ =	strace $0x90000048  }
0xc0: {  	_ =	sfence  }
0xc1: {  	s30 =	sld [smem:$0x0];
	_ =	sdelay $0x2  }
0xc2: {  	s31 =	sshll.u32 s1, $0xD;
	s1 =	sshrl.u32 s1, $0x2  }
0xc3: {  	s3 =	sand.u32 $0x4000, s31;
	s1 =	sadd.s32 s1, s30  }
0xc4: {  	s0 =	sor.u32 s3, s0;
	s1 =	sshll.u32 s1, $0x11  }
0xc5: {  	s0 =	sor.u32 s1, s0  }
0xc6: {  	s0 =	sadd.s32 $0x8F2B, s0  }
0xc7: {  	[sflag:s0] =	ssyncadd.remote.s32 $0x1  }
0xc8: {  	_ =	sfence.sel $0xFFFF  }
0xc9: {  	[dreg:$0x0] =	wrdreg $0xFFFFFFFF;
	(pc) =	sbr.abs _section_cstart, $3  }
0xca: {  	[dreg:$0x1] =	wrdreg $0xFFFFFFFF  }
0xcb: {  	_ =	task.clear_ibuf [dreg:s10], $0x2FFFF;
	_ =	strace $0x9FFFFFFF  }
0xcc: {  	(tm) =	ssettm $0x7FFFFFFF  }
0xcd: {  	_ =	shalt  }
tec
execute0_lowered:
.L_overlay_start_1:
0x0: {  	(tag) =	ssettag $0x1  }
0x1: {  	s0 =	rddreg [dreg:$0x0]  }
0x2: {  	s2 =	rddreg [dreg:$0x1]  }
0x3: {  	s1 =	rddreg [dreg:$0x2]  }
0x4: {  	s3 =	rddreg [dreg:$0x4];
	s5 =	srdreg.scid  }
0x5: {  	s6 =	stileid.u32;
	s4 =	simm.s32 $0x0;
	s12 =	simm.s32 $0x480  }
0x6: {  	s13 =	simm.s32 $0x80;
	s14 =	simm.s32 $0x500;
	s15 =	simm.s32 $0x3  }
0x7: {  	s16 =	simm.s32 $0x120;
	s17 =	simm.s32 $0xE00;
	s18 =	simm.s32 $0x48  }
0x8: {  	s19 =	simm.s32 $0x12E00;
	s20 =	simm.s32 $0x620;
	s21 =	simm.s32 $0x9E00  }
0x9: {  	s22 =	simm.s32 $0x740;
	s23 =	simm.s32 $0x4;
	s24 =	simm.s32 $0x860  }
0xa: {  	s25 =	simm.s32 $0x15200;
	s5 =	sand.u32 $0x1, s5;
	s6 =	sshll.u32 s6, $0x1  }
0xb: {  	s26 =	simm.s32 $0x1;
	s28 =	simm.s32 $0x980;
	s6 =	sor.u32 s5, s6  }
0xc: {  	s29 =	simm.s32 $0x2;
	s30 =	simm.s32 $0x0;
	s7 =	smul.u32 $0x480, s6  }
0xd: {  	[smem:$0x7FF] =	sst s4;
	s8 =	ssub.s32 $0x2, s5;
	s10 =	smul.u32 $0x9, s6  }
0xe: {  	_ =	strace $0x80000047;
	s9 =	sshrl.u32 s8, $0x1;
	s31 =	smul.u32 $0x90, s6  }
0xf: {  	s5 =	sadd.s32 $0x1C00, s2;
	s11 =	ssub.s32 s8, s9;
	s2 =	sadd.s32 s7, s2  }
0x10: {  	v0 =	vlaneseq.u32;
	s6 =	sadd.s32 s0, s10;
	s9 =	sadd.s32 s3, s31;
	s10 =	smax.u32 s11, $0x1  }
0x11: {  	v0 =	vmul.u32 $0x186A0, v0;
	s11 =	simm.s32 $0x5;
	s7 =	sadd.s32 $0x32A00, s2;
	s8 =	sadd.s32 $0x3BA00, s2  }
.LBB2_1:
0x12: {  	[tilespmem:s4], [sflag:$0x5] =	stream.linear.gather [hbm4b:s6+s4], $0x48, $0x38;
	[tilespmem:$0x17600] =	vst v63  }
0x13: {  	_ =	swait.ge [sflag:s11], $0x48  }
0x14: {  	[sflag:s11] =	ssyncset.done $0x0  }
0x15: {  	[sflag:s11] =	ssyncadd.s32 $0xFFFFFFB8  }
0x16: {  	v1 =	vld [tilespmem:$0x0];
	_ =	sdelay $0x4  }
0x17: {  	v2 =	vbroadcast v1, $0x0  }
0x18: {  	v3 =	vbroadcast v1, $0x1  }
0x19: {  	v4 =	vbroadcast v1, $0x2;
	v2 =	vadd.s32 v0, v2  }
0x1a: {  	[tilespmem:$0x80] =	vst v2;
	v2 =	vadd.s32 v0, v3;
	v3 =	vbroadcast v1, $0x3  }
0x1b: {  	[tilespmem:$0x90] =	vst v2;
	v2 =	vadd.s32 v0, v4;
	v4 =	vbroadcast v1, $0x4  }
0x1c: {  	[tilespmem:$0xA0] =	vst v2;
	v2 =	vadd.s32 v0, v3;
	v3 =	vbroadcast v1, $0x5  }
0x1d: {  	[tilespmem:$0xB0] =	vst v2;
	v2 =	vadd.s32 v0, v4;
	v4 =	vbroadcast v1, $0x6  }
0x1e: {  	[tilespmem:$0xC0] =	vst v2;
	v2 =	vadd.s32 v0, v3;
	v3 =	vbroadcast v1, $0x7  }
0x1f: {  	[tilespmem:$0xD0] =	vst v2;
	v2 =	vadd.s32 v0, v4;
	v4 =	vbroadcast v1, $0x8  }
0x20: {  	[tilespmem:$0xE0] =	vst v2;
	v2 =	vadd.s32 v0, v3;
	v3 =	vbroadcast v1, $0x9  }
0x21: {  	[tilespmem:$0xF0] =	vst v2;
	v2 =	vadd.s32 v0, v4;
	v4 =	vbroadcast v1, $0xA  }
0x22: {  	v5 =	vld [tilespmem:$0x10];
	[tilespmem:$0x100] =	vst v2;
	v2 =	vadd.s32 v0, v3;
	v3 =	vbroadcast v1, $0xB  }
0x23: {  	[tilespmem:$0x110] =	vst v2;
	v2 =	vadd.s32 v0, v4;
	v4 =	vbroadcast v1, $0xC  }
0x24: {  	[tilespmem:$0x120] =	vst v2;
	v2 =	vadd.s32 v0, v3;
	v3 =	vbroadcast v1, $0xD  }
0x25: {  	[tilespmem:$0x130] =	vst v2;
	v2 =	vadd.s32 v0, v4;
	v4 =	vbroadcast v1, $0xE  }
0x26: {  	v1 =	vbroadcast v1, $0xF;
	[tilespmem:$0x140] =	vst v2;
	v2 =	vadd.s32 v0, v3  }
0x27: {  	v3 =	vbroadcast v5, $0x0;
	[tilespmem:$0x150] =	vst v2;
	v2 =	vadd.s32 v0, v4  }
0x28: {  	v1 =	vadd.s32 v0, v1;
	[tilespmem:$0x160] =	vst v2;
	v2 =	vbroadcast v5, $0x1  }
0x29: {  	[tilespmem:$0x170] =	vst v1;
	v1 =	vadd.s32 v0, v3;
	v3 =	vbroadcast v5, $0x2  }
0x2a: {  	[tilespmem:$0x180] =	vst v1;
	v1 =	vadd.s32 v0, v2;
	v2 =	vbroadcast v5, $0x3  }
0x2b: {  	[tilespmem:$0x190] =	vst v1;
	v1 =	vadd.s32 v0, v3;
	v3 =	vbroadcast v5, $0x4  }
0x2c: {  	[tilespmem:$0x1A0] =	vst v1;
	v1 =	vadd.s32 v0, v2;
	v2 =	vbroadcast v5, $0x5  }
0x2d: {  	[tilespmem:$0x1B0] =	vst v1;
	v1 =	vadd.s32 v0, v3;
	v3 =	vbroadcast v5, $0x6  }
0x2e: {  	[tilespmem:$0x1C0] =	vst v1;
	v1 =	vadd.s32 v0, v2;
	v2 =	vbroadcast v5, $0x7  }
0x2f: {  	[tilespmem:$0x1D0] =	vst v1;
	v1 =	vadd.s32 v0, v3;
	v3 =	vbroadcast v5, $0x8  }
0x30: {  	[tilespmem:$0x1E0] =	vst v1;
	v1 =	vadd.s32 v0, v2;
	v2 =	vbroadcast v5, $0x9  }
0x31: {  	[tilespmem:$0x1F0] =	vst v1;
	v1 =	vadd.s32 v0, v3;
	v3 =	vbroadcast v5, $0xA  }
0x32: {  	v4 =	vld [tilespmem:$0x20];
	[tilespmem:$0x200] =	vst v1;
	v1 =	vadd.s32 v0, v2;
	v2 =	vbroadcast v5, $0xB  }
0x33: {  	[tilespmem:$0x210] =	vst v1;
	v1 =	vadd.s32 v0, v3;
	v3 =	vbroadcast v5, $0xC  }
0x34: {  	[tilespmem:$0x220] =	vst v1;
	v1 =	vadd.s32 v0, v2;
	v2 =	vbroadcast v5, $0xD  }
0x35: {  	[tilespmem:$0x230] =	vst v1;
	v1 =	vadd.s32 v0, v3;
	v3 =	vbroadcast v5, $0xE  }
0x36: {  	[tilespmem:$0x240] =	vst v1;
	v1 =	vadd.s32 v0, v2;
	v2 =	vbroadcast v5, $0xF  }
0x37: {  	[tilespmem:$0x250] =	vst v1;
	v1 =	vadd.s32 v0, v3;
	v3 =	vbroadcast v4, $0x0  }
0x38: {  	[tilespmem:$0x260] =	vst v1;
	v1 =	vadd.s32 v0, v2;
	v2 =	vbroadcast v4, $0x1  }
0x39: {  	[tilespmem:$0x270] =	vst v1;
	v1 =	vadd.s32 v0, v3;
	v3 =	vbroadcast v4, $0x2  }
0x3a: {  	[tilespmem:$0x280] =	vst v1;
	v1 =	vadd.s32 v0, v2;
	v2 =	vbroadcast v4, $0x3  }
0x3b: {  	[tilespmem:$0x290] =	vst v1;
	v1 =	vadd.s32 v0, v3;
	v3 =	vbroadcast v4, $0x4  }
0x3c: {  	[tilespmem:$0x2A0] =	vst v1;
	v1 =	vadd.s32 v0, v2;
	v2 =	vbroadcast v4, $0x5  }
0x3d: {  	[tilespmem:$0x2B0] =	vst v1;
	v1 =	vadd.s32 v0, v3;
	v3 =	vbroadcast v4, $0x6  }
0x3e: {  	[tilespmem:$0x2C0] =	vst v1;
	v1 =	vadd.s32 v0, v2;
	v2 =	vbroadcast v4, $0x7  }
0x3f: {  	[tilespmem:$0x2D0] =	vst v1;
	v1 =	vadd.s32 v0, v3;
	v3 =	vbroadcast v4, $0x8  }
0x40: {  	[tilespmem:$0x2E0] =	vst v1;
	v1 =	vadd.s32 v0, v2;
	v2 =	vbroadcast v4, $0x9  }
0x41: {  	[tilespmem:$0x2F0] =	vst v1;
	v1 =	vadd.s32 v0, v3;
	v3 =	vbroadcast v4, $0xA  }
0x42: {  	v5 =	vld [tilespmem:$0x30];
	[tilespmem:$0x300] =	vst v1;
	v1 =	vadd.s32 v0, v2;
	v2 =	vbroadcast v4, $0xB  }
0x43: {  	[tilespmem:$0x310] =	vst v1;
	v1 =	vadd.s32 v0, v3;
	v3 =	vbroadcast v4, $0xC  }
0x44: {  	[tilespmem:$0x320] =	vst v1;
	v1 =	vadd.s32 v0, v2;
	v2 =	vbroadcast v4, $0xD  }
0x45: {  	[tilespmem:$0x330] =	vst v1;
	v1 =	vadd.s32 v0, v3;
	v3 =	vbroadcast v4, $0xE  }
0x46: {  	[tilespmem:$0x340] =	vst v1;
	v1 =	vadd.s32 v0, v2;
	v2 =	vbroadcast v4, $0xF  }
0x47: {  	[tilespmem:$0x350] =	vst v1;
	v1 =	vadd.s32 v0, v3;
	v3 =	vbroadcast v5, $0x0  }
0x48: {  	[tilespmem:$0x360] =	vst v1;
	v1 =	vadd.s32 v0, v2;
	v2 =	vbroadcast v5, $0x1  }
0x49: {  	[tilespmem:$0x370] =	vst v1;
	v1 =	vadd.s32 v0, v3;
	v3 =	vbroadcast v5, $0x2  }
0x4a: {  	[tilespmem:$0x380] =	vst v1;
	v1 =	vadd.s32 v0, v2;
	v2 =	vbroadcast v5, $0x3  }
0x4b: {  	[tilespmem:$0x390] =	vst v1;
	v1 =	vadd.s32 v0, v3;
	v3 =	vbroadcast v5, $0x4  }
0x4c: {  	[tilespmem:$0x3A0] =	vst v1;
	v1 =	vadd.s32 v0, v2;
	v2 =	vbroadcast v5, $0x5  }
0x4d: {  	[tilespmem:$0x3B0] =	vst v1;
	v1 =	vadd.s32 v0, v3;
	v3 =	vbroadcast v5, $0x6  }
0x4e: {  	[tilespmem:$0x3C0] =	vst v1;
	v1 =	vadd.s32 v0, v2;
	v2 =	vbroadcast v5, $0x7  }
0x4f: {  	[tilespmem:$0x3D0] =	vst v1;
	v1 =	vadd.s32 v0, v3;
	v3 =	vbroadcast v5, $0x8  }
0x50: {  	[tilespmem:$0x3E0] =	vst v1;
	v1 =	vadd.s32 v0, v2;
	v2 =	vbroadcast v5, $0x9  }
0x51: {  	[tilespmem:$0x3F0] =	vst v1;
	v1 =	vadd.s32 v0, v3;
	v3 =	vbroadcast v5, $0xA  }
0x52: {  	v4 =	vld [tilespmem:$0x40];
	[tilespmem:$0x400] =	vst v1;
	v1 =	vadd.s32 v0, v2;
	v2 =	vbroadcast v5, $0xB  }
0x53: {  	[tilespmem:$0x410] =	vst v1;
	v1 =	vadd.s32 v0, v3;
	v3 =	vbroadcast v5, $0xC  }
0x54: {  	[tilespmem:$0x420] =	vst v1;
	v1 =	vadd.s32 v0, v2;
	v2 =	vbroadcast v5, $0xD  }
0x55: {  	[tilespmem:$0x430] =	vst v1;
	v1 =	vadd.s32 v0, v3;
	v3 =	vbroadcast v5, $0xE  }
0x56: {  	[tilespmem:$0x440] =	vst v1;
	v1 =	vadd.s32 v0, v2;
	v2 =	vbroadcast v5, $0xF  }
0x57: {  	[tilespmem:$0x450] =	vst v1;
	v1 =	vadd.s32 v0, v3;
	v3 =	vbroadcast v4, $0x0  }
0x58: {  	[tilespmem:$0x460] =	vst v1;
	v1 =	vadd.s32 v0, v2;
	v2 =	vbroadcast v4, $0x1  }
0x59: {  	[tilespmem:$0x470] =	vst v1;
	v1 =	vadd.s32 v0, v3;
	v3 =	vbroadcast v4, $0x2  }
0x5a: {  	[tilespmem:$0x480] =	vst v1;
	v1 =	vadd.s32 v0, v2;
	v2 =	vbroadcast v4, $0x3  }
0x5b: {  	[tilespmem:$0x490] =	vst v1;
	v1 =	vadd.s32 v0, v3;
	v3 =	vbroadcast v4, $0x4  }
0x5c: {  	[tilespmem:$0x4A0] =	vst v1;
	v1 =	vadd.s32 v0, v2;
	v2 =	vbroadcast v4, $0x5  }
0x5d: {  	[tilespmem:$0x4B0] =	vst v1;
	v1 =	vadd.s32 v0, v3;
	v3 =	vbroadcast v4, $0x6  }
0x5e: {  	[tilespmem:$0x4C0] =	vst v1;
	v1 =	vadd.s32 v0, v2;
	v2 =	vbroadcast v4, $0x7  }
0x5f: {  	[tilespmem:$0x4D0] =	vst v1;
	v1 =	vadd.s32 v0, v3  }
0x60: {  	[tilespmem:$0x4E0] =	vst v1;
	v1 =	vadd.s32 v0, v2  }
0x61: {  	[tilespmem:$0x4F0] =	vst v1  }
0x62: {  	[tilespmem:s14], [sflag:$0x3] =	stream.indirect.gather [hbm4b:s5+s12], $0x1, s13, s12, $0xb8;
	[tilespmem:$0x17600] =	vst v63  }
0x63: {  	_ =	swait.ge [sflag:s15], $0x480  }
0x64: {  	[sflag:s15] =	ssyncset.done $0x0  }
0x65: {  	[sflag:s15] =	ssyncadd.s32 $0xFFFFFB80  }
0x66: {  	[tilespmem:s17], [sflag:$0x3] =	stream.indirect.gather [hbm4b:s1+s16], $0x80, s14, s16, $0xb8;
	[tilespmem:$0x17600] =	vst v63  }
0x67: {  	_ = 	snop  }
0x68: {  	[tilespmem:s19], [sflag:$0x1] =	stream.indirect.gather [hbm4b:s1+s18], $0x80, s4, s18, $0xb8;
	[tilespmem:$0x17600] =	vst v63  }
0x69: {  	_ = 	snop  }
0x6a: {  	[tilespmem:s21], [sflag:$0x4] =	stream.indirect.gather [hbm4b:s1+s16], $0x80, s20, s16, $0xb8;
	[tilespmem:$0x17600] =	vst v63  }
0x6b: {  	_ =	swait.ge [sflag:s15], $0x9000  }
0x6c: {  	[sflag:s15] =	ssyncset.done $0x0  }
0x6d: {  	s31 =	simm.s32 $0x1200;
	[sflag:s15] =	ssyncadd.s32 $0xFFFF7000  }
0x6e: {  	v1 =	vld [tilespmem:s31+$0xFFFFFC80]  }
0x6f: {  	v2 =	vld [tilespmem:s31+$0xFFFFFC00];
	_ =	sdelay $0x1  }
0x70: {  	v3 =	vld [tilespmem:s31+$0xFFFFFD00];
	_ =	sdelay $0x1  }
0x71: {  	v4 =	vld [tilespmem:s31+$0xFFFFFD80]  }
0x72: {  	v1 =	vadd.f32 v1, v2  }
0x73: {  	v2 =	vld [tilespmem:s31+$0xFFFFFE00]  }
0x74: {  	v1 =	vadd.f32 v3, v1  }
0x75: {  	v3 =	vld [tilespmem:s31+$0xFFFFFE80]  }
0x76: {  	v1 =	vadd.f32 v4, v1  }
0x77: {  	v4 =	vld [tilespmem:s31+$0xFFFFFF00]  }
0x78: {  	v1 =	vadd.f32 v2, v1  }
0x79: {  	v2 =	vld [tilespmem:s31+$0xFFFFFF80]  }
0x7a: {  	v1 =	vadd.f32 v3, v1  }
0x7b: {  	v3 =	vld [tilespmem:s31+$0x0]  }
0x7c: {  	v1 =	vadd.f32 v4, v1  }
0x7d: {  	v4 =	vld [tilespmem:s31+$0x80]  }
0x7e: {  	v1 =	vadd.f32 v2, v1  }
0x7f: {  	v2 =	vld [tilespmem:s31+$0x100]  }
0x80: {  	v1 =	vadd.f32 v3, v1  }
0x81: {  	v3 =	vld [tilespmem:s31+$0x180]  }
0x82: {  	v1 =	vadd.f32 v4, v1  }
0x83: {  	v4 =	vld [tilespmem:s31+$0x200]  }
0x84: {  	v1 =	vadd.f32 v2, v1  }
0x85: {  	v2 =	vld [tilespmem:s31+$0x280]  }
0x86: {  	v1 =	vadd.f32 v3, v1  }
0x87: {  	v3 =	vld [tilespmem:s31+$0x300]  }
0x88: {  	v1 =	vadd.f32 v4, v1  }
0x89: {  	v4 =	vld [tilespmem:s31+$0x380]  }
0x8a: {  	v1 =	vadd.f32 v2, v1;
	_ =	sdelay $0x1  }
0x8b: {  	v1 =	vadd.f32 v3, v1;
	_ =	sdelay $0x1  }
0x8c: {  	v1 =	vadd.f32 v4, v1  }
0x8d: {  	s0 =	simm.s32 $0x0  }
0x8e: {  	[tilespmem:s0+$0x15200] =	vst v1  }
0x8f: {  	v1 =	vld [tilespmem:s31+$0xFFFFFC10]  }
0x90: {  	v2 =	vld [tilespmem:s31+$0xFFFFFC90];
	_ =	sdelay $0x1  }
0x91: {  	v3 =	vld [tilespmem:s31+$0xFFFFFD10];
	_ =	sdelay $0x1  }
0x92: {  	v4 =	vld [tilespmem:s31+$0xFFFFFD90]  }
0x93: {  	v1 =	vadd.f32 v2, v1  }
0x94: {  	v2 =	vld [tilespmem:s31+$0xFFFFFE10]  }
0x95: {  	v1 =	vadd.f32 v3, v1  }
0x96: {  	v3 =	vld [tilespmem:s31+$0xFFFFFE90]  }
0x97: {  	v1 =	vadd.f32 v4, v1  }
0x98: {  	v4 =	vld [tilespmem:s31+$0xFFFFFF10]  }
0x99: {  	v1 =	vadd.f32 v2, v1  }
0x9a: {  	v2 =	vld [tilespmem:s31+$0xFFFFFF90]  }
0x9b: {  	v1 =	vadd.f32 v3, v1  }
0x9c: {  	v3 =	vld [tilespmem:s31+$0x10]  }
0x9d: {  	v1 =	vadd.f32 v4, v1  }
0x9e: {  	v4 =	vld [tilespmem:s31+$0x90]  }
0x9f: {  	v1 =	vadd.f32 v2, v1  }
0xa0: {  	v2 =	vld [tilespmem:s31+$0x110]  }
0xa1: {  	v1 =	vadd.f32 v3, v1  }
0xa2: {  	v3 =	vld [tilespmem:s31+$0x190]  }
0xa3: {  	v1 =	vadd.f32 v4, v1  }
0xa4: {  	v4 =	vld [tilespmem:s31+$0x210]  }
0xa5: {  	v1 =	vadd.f32 v2, v1  }
0xa6: {  	v2 =	vld [tilespmem:s31+$0x290]  }
0xa7: {  	v1 =	vadd.f32 v3, v1  }
0xa8: {  	v3 =	vld [tilespmem:s31+$0x310]  }
0xa9: {  	v1 =	vadd.f32 v4, v1  }
0xaa: {  	v4 =	vld [tilespmem:s31+$0x390]  }
0xab: {  	v1 =	vadd.f32 v2, v1;
	_ =	sdelay $0x1  }
0xac: {  	v1 =	vadd.f32 v3, v1;
	_ =	sdelay $0x1  }
0xad: {  	v1 =	vadd.f32 v4, v1;
	_ =	sdelay $0x1  }
0xae: {  	[tilespmem:s0+$0x15210] =	vst v1  }
0xaf: {  	v1 =	vld [tilespmem:s31+$0xFFFFFC20]  }
0xb0: {  	v2 =	vld [tilespmem:s31+$0xFFFFFCA0];
	_ =	sdelay $0x1  }
0xb1: {  	v3 =	vld [tilespmem:s31+$0xFFFFFD20];
	_ =	sdelay $0x1  }
0xb2: {  	v4 =	vld [tilespmem:s31+$0xFFFFFDA0]  }
0xb3: {  	v1 =	vadd.f32 v2, v1  }
0xb4: {  	v2 =	vld [tilespmem:s31+$0xFFFFFE20]  }
0xb5: {  	v1 =	vadd.f32 v3, v1  }
0xb6: {  	v3 =	vld [tilespmem:s31+$0xFFFFFEA0]  }
0xb7: {  	v1 =	vadd.f32 v4, v1  }
0xb8: {  	v4 =	vld [tilespmem:s31+$0xFFFFFF20]  }
0xb9: {  	v1 =	vadd.f32 v2, v1  }
0xba: {  	v2 =	vld [tilespmem:s31+$0xFFFFFFA0]  }
0xbb: {  	v1 =	vadd.f32 v3, v1  }
0xbc: {  	v3 =	vld [tilespmem:s31+$0x20]  }
0xbd: {  	v1 =	vadd.f32 v4, v1  }
0xbe: {  	v4 =	vld [tilespmem:s31+$0xA0]  }
0xbf: {  	v1 =	vadd.f32 v2, v1  }
0xc0: {  	v2 =	vld [tilespmem:s31+$0x120]  }
0xc1: {  	v1 =	vadd.f32 v3, v1  }
0xc2: {  	v3 =	vld [tilespmem:s31+$0x1A0]  }
0xc3: {  	v1 =	vadd.f32 v4, v1  }
0xc4: {  	v4 =	vld [tilespmem:s31+$0x220]  }
0xc5: {  	v1 =	vadd.f32 v2, v1  }
0xc6: {  	v2 =	vld [tilespmem:s31+$0x2A0]  }
0xc7: {  	v1 =	vadd.f32 v3, v1  }
0xc8: {  	v3 =	vld [tilespmem:s31+$0x320]  }
0xc9: {  	v1 =	vadd.f32 v4, v1  }
0xca: {  	v4 =	vld [tilespmem:s31+$0x3A0]  }
0xcb: {  	v1 =	vadd.f32 v2, v1;
	_ =	sdelay $0x1  }
0xcc: {  	v1 =	vadd.f32 v3, v1;
	_ =	sdelay $0x1  }
0xcd: {  	v1 =	vadd.f32 v4, v1;
	_ =	sdelay $0x1  }
0xce: {  	[tilespmem:s0+$0x15220] =	vst v1  }
0xcf: {  	v1 =	vld [tilespmem:s31+$0xFFFFFC30]  }
0xd0: {  	v2 =	vld [tilespmem:s31+$0xFFFFFCB0];
	_ =	sdelay $0x1  }
0xd1: {  	v3 =	vld [tilespmem:s31+$0xFFFFFD30];
	_ =	sdelay $0x1  }
0xd2: {  	v4 =	vld [tilespmem:s31+$0xFFFFFDB0]  }
0xd3: {  	v1 =	vadd.f32 v2, v1  }
0xd4: {  	v2 =	vld [tilespmem:s31+$0xFFFFFE30]  }
0xd5: {  	v1 =	vadd.f32 v3, v1  }
0xd6: {  	v3 =	vld [tilespmem:s31+$0xFFFFFEB0]  }
0xd7: {  	v1 =	vadd.f32 v4, v1  }
0xd8: {  	v4 =	vld [tilespmem:s31+$0xFFFFFF30]  }
0xd9: {  	v1 =	vadd.f32 v2, v1  }
0xda: {  	v2 =	vld [tilespmem:s31+$0xFFFFFFB0]  }
0xdb: {  	v1 =	vadd.f32 v3, v1  }
0xdc: {  	v3 =	vld [tilespmem:s31+$0x30]  }
0xdd: {  	v1 =	vadd.f32 v4, v1  }
0xde: {  	v4 =	vld [tilespmem:s31+$0xB0]  }
0xdf: {  	v1 =	vadd.f32 v2, v1  }
0xe0: {  	v2 =	vld [tilespmem:s31+$0x130]  }
0xe1: {  	v1 =	vadd.f32 v3, v1  }
0xe2: {  	v3 =	vld [tilespmem:s31+$0x1B0]  }
0xe3: {  	v1 =	vadd.f32 v4, v1  }
0xe4: {  	v4 =	vld [tilespmem:s31+$0x230]  }
0xe5: {  	v1 =	vadd.f32 v2, v1  }
0xe6: {  	v2 =	vld [tilespmem:s31+$0x2B0]  }
0xe7: {  	v1 =	vadd.f32 v3, v1  }
0xe8: {  	v3 =	vld [tilespmem:s31+$0x330]  }
0xe9: {  	v1 =	vadd.f32 v4, v1  }
0xea: {  	v4 =	vld [tilespmem:s31+$0x3B0]  }
0xeb: {  	v1 =	vadd.f32 v2, v1;
	_ =	sdelay $0x1  }
0xec: {  	v1 =	vadd.f32 v3, v1;
	_ =	sdelay $0x1  }
0xed: {  	v1 =	vadd.f32 v4, v1;
	_ =	sdelay $0x1  }
0xee: {  	[tilespmem:s0+$0x15230] =	vst v1  }
0xef: {  	v1 =	vld [tilespmem:s31+$0xFFFFFC40]  }
0xf0: {  	v2 =	vld [tilespmem:s31+$0xFFFFFCC0];
	_ =	sdelay $0x1  }
0xf1: {  	v3 =	vld [tilespmem:s31+$0xFFFFFD40];
	_ =	sdelay $0x1  }
0xf2: {  	v4 =	vld [tilespmem:s31+$0xFFFFFDC0]  }
0xf3: {  	v1 =	vadd.f32 v2, v1  }
0xf4: {  	v2 =	vld [tilespmem:s31+$0xFFFFFE40]  }
0xf5: {  	v1 =	vadd.f32 v3, v1  }
0xf6: {  	v3 =	vld [tilespmem:s31+$0xFFFFFEC0]  }
0xf7: {  	v1 =	vadd.f32 v4, v1  }
0xf8: {  	v4 =	vld [tilespmem:s31+$0xFFFFFF40]  }
0xf9: {  	v1 =	vadd.f32 v2, v1  }
0xfa: {  	v2 =	vld [tilespmem:s31+$0xFFFFFFC0]  }
0xfb: {  	v1 =	vadd.f32 v3, v1  }
0xfc: {  	v3 =	vld [tilespmem:s31+$0x40]  }
0xfd: {  	v1 =	vadd.f32 v4, v1  }
0xfe: {  	v4 =	vld [tilespmem:s31+$0xC0]  }
0xff: {  	v1 =	vadd.f32 v2, v1  }
0x100: {  	v2 =	vld [tilespmem:s31+$0x140]  }
0x101: {  	v1 =	vadd.f32 v3, v1  }
0x102: {  	v3 =	vld [tilespmem:s31+$0x1C0]  }
0x103: {  	v1 =	vadd.f32 v4, v1  }
0x104: {  	v4 =	vld [tilespmem:s31+$0x240]  }
0x105: {  	v1 =	vadd.f32 v2, v1  }
0x106: {  	v2 =	vld [tilespmem:s31+$0x2C0]  }
0x107: {  	v1 =	vadd.f32 v3, v1  }
0x108: {  	v3 =	vld [tilespmem:s31+$0x340]  }
0x109: {  	v1 =	vadd.f32 v4, v1  }
0x10a: {  	v4 =	vld [tilespmem:s31+$0x3C0]  }
0x10b: {  	v1 =	vadd.f32 v2, v1;
	_ =	sdelay $0x1  }
0x10c: {  	v1 =	vadd.f32 v3, v1;
	_ =	sdelay $0x1  }
0x10d: {  	v1 =	vadd.f32 v4, v1;
	_ =	sdelay $0x1  }
0x10e: {  	[tilespmem:s0+$0x15240] =	vst v1  }
0x10f: {  	v1 =	vld [tilespmem:s31+$0xFFFFFC50]  }
0x110: {  	v2 =	vld [tilespmem:s31+$0xFFFFFCD0];
	_ =	sdelay $0x1  }
0x111: {  	v3 =	vld [tilespmem:s31+$0xFFFFFD50];
	_ =	sdelay $0x1  }
0x112: {  	v4 =	vld [tilespmem:s31+$0xFFFFFDD0]  }
0x113: {  	v1 =	vadd.f32 v2, v1  }
0x114: {  	v2 =	vld [tilespmem:s31+$0xFFFFFE50]  }
0x115: {  	v1 =	vadd.f32 v3, v1  }
0x116: {  	v3 =	vld [tilespmem:s31+$0xFFFFFED0]  }
0x117: {  	v1 =	vadd.f32 v4, v1  }
0x118: {  	v4 =	vld [tilespmem:s31+$0xFFFFFF50]  }
0x119: {  	v1 =	vadd.f32 v2, v1  }
0x11a: {  	v2 =	vld [tilespmem:s31+$0xFFFFFFD0]  }
0x11b: {  	v1 =	vadd.f32 v3, v1  }
0x11c: {  	v3 =	vld [tilespmem:s31+$0x50]  }
0x11d: {  	v1 =	vadd.f32 v4, v1  }
0x11e: {  	v4 =	vld [tilespmem:s31+$0xD0]  }
0x11f: {  	v1 =	vadd.f32 v2, v1  }
0x120: {  	v2 =	vld [tilespmem:s31+$0x150]  }
0x121: {  	v1 =	vadd.f32 v3, v1  }
0x122: {  	v3 =	vld [tilespmem:s31+$0x1D0]  }
0x123: {  	v1 =	vadd.f32 v4, v1  }
0x124: {  	v4 =	vld [tilespmem:s31+$0x250]  }
0x125: {  	v1 =	vadd.f32 v2, v1  }
0x126: {  	v2 =	vld [tilespmem:s31+$0x2D0]  }
0x127: {  	v1 =	vadd.f32 v3, v1  }
0x128: {  	v3 =	vld [tilespmem:s31+$0x350]  }
0x129: {  	v1 =	vadd.f32 v4, v1  }
0x12a: {  	v4 =	vld [tilespmem:s31+$0x3D0]  }
0x12b: {  	v1 =	vadd.f32 v2, v1;
	_ =	sdelay $0x1  }
0x12c: {  	v1 =	vadd.f32 v3, v1;
	_ =	sdelay $0x1  }
0x12d: {  	v1 =	vadd.f32 v4, v1;
	_ =	sdelay $0x1  }
0x12e: {  	[tilespmem:s0+$0x15250] =	vst v1  }
0x12f: {  	v1 =	vld [tilespmem:s31+$0xFFFFFC60]  }
0x130: {  	v2 =	vld [tilespmem:s31+$0xFFFFFCE0];
	_ =	sdelay $0x1  }
0x131: {  	v3 =	vld [tilespmem:s31+$0xFFFFFD60];
	_ =	sdelay $0x1  }
0x132: {  	v4 =	vld [tilespmem:s31+$0xFFFFFDE0]  }
0x133: {  	v1 =	vadd.f32 v2, v1  }
0x134: {  	v2 =	vld [tilespmem:s31+$0xFFFFFE60]  }
0x135: {  	v1 =	vadd.f32 v3, v1  }
0x136: {  	v3 =	vld [tilespmem:s31+$0xFFFFFEE0]  }
0x137: {  	v1 =	vadd.f32 v4, v1  }
0x138: {  	v4 =	vld [tilespmem:s31+$0xFFFFFF60]  }
0x139: {  	v1 =	vadd.f32 v2, v1  }
0x13a: {  	v2 =	vld [tilespmem:s31+$0xFFFFFFE0]  }
0x13b: {  	v1 =	vadd.f32 v3, v1  }
0x13c: {  	v3 =	vld [tilespmem:s31+$0x60]  }
0x13d: {  	v1 =	vadd.f32 v4, v1  }
0x13e: {  	v4 =	vld [tilespmem:s31+$0xE0]  }
0x13f: {  	v1 =	vadd.f32 v2, v1  }
0x140: {  	v2 =	vld [tilespmem:s31+$0x160]  }
0x141: {  	v1 =	vadd.f32 v3, v1  }
0x142: {  	v3 =	vld [tilespmem:s31+$0x1E0]  }
0x143: {  	v1 =	vadd.f32 v4, v1  }
0x144: {  	v4 =	vld [tilespmem:s31+$0x260]  }
0x145: {  	v1 =	vadd.f32 v2, v1  }
0x146: {  	v2 =	vld [tilespmem:s31+$0x2E0]  }
0x147: {  	v1 =	vadd.f32 v3, v1  }
0x148: {  	v3 =	vld [tilespmem:s31+$0x360]  }
0x149: {  	v1 =	vadd.f32 v4, v1  }
0x14a: {  	v4 =	vld [tilespmem:s31+$0x3E0]  }
0x14b: {  	v1 =	vadd.f32 v2, v1;
	_ =	sdelay $0x1  }
0x14c: {  	v1 =	vadd.f32 v3, v1;
	_ =	sdelay $0x1  }
0x14d: {  	v1 =	vadd.f32 v4, v1;
	_ =	sdelay $0x1  }
0x14e: {  	[tilespmem:s0+$0x15260] =	vst v1  }
0x14f: {  	v1 =	vld [tilespmem:s31+$0xFFFFFC70]  }
0x150: {  	v2 =	vld [tilespmem:s31+$0xFFFFFCF0];
	_ =	sdelay $0x1  }
0x151: {  	v3 =	vld [tilespmem:s31+$0xFFFFFD70];
	_ =	sdelay $0x1  }
0x152: {  	v4 =	vld [tilespmem:s31+$0xFFFFFDF0]  }
0x153: {  	v1 =	vadd.f32 v2, v1  }
0x154: {  	v2 =	vld [tilespmem:s31+$0xFFFFFE70]  }
0x155: {  	v1 =	vadd.f32 v3, v1  }
0x156: {  	v3 =	vld [tilespmem:s31+$0xFFFFFEF0]  }
0x157: {  	v1 =	vadd.f32 v4, v1  }
0x158: {  	v4 =	vld [tilespmem:s31+$0xFFFFFF70]  }
0x159: {  	v1 =	vadd.f32 v2, v1  }
0x15a: {  	v2 =	vld [tilespmem:s31+$0xFFFFFFF0]  }
0x15b: {  	v1 =	vadd.f32 v3, v1  }
0x15c: {  	v3 =	vld [tilespmem:s31+$0x70]  }
0x15d: {  	v1 =	vadd.f32 v4, v1  }
0x15e: {  	v4 =	vld [tilespmem:s31+$0xF0]  }
0x15f: {  	v1 =	vadd.f32 v2, v1  }
0x160: {  	v2 =	vld [tilespmem:s31+$0x170]  }
0x161: {  	v1 =	vadd.f32 v3, v1  }
0x162: {  	v5 =	vld [tilespmem:s31+$0x1F0]  }
0x163: {  	v3 =	vadd.f32 v4, v1  }
0x164: {  	v4 =	vld [tilespmem:s31+$0x270]  }
0x165: {  	v1 =	vld [tilespmem:s31+$0x2F0];
	v6 =	vadd.f32 v2, v3  }
0x166: {  	v2 =	vld [tilespmem:s31+$0x370]  }
0x167: {  	s2 =	simm.s32 $0x200;
	v3 =	vld [tilespmem:s31+$0x3F0];
	v5 =	vadd.f32 v5, v6  }
.LBB2_2:
0x168: {  	p0 =	sne.s32 s2, $0x2200  }
0x169: {  	s31 =	sadd.s32 $0x800, s31;
	s3 =	smov.u32 s2;
	s2 =	sadd.s32 $0x200, s2;
	v4 =	vadd.f32 v4, v5  }
0x16a: {  	_ = 	snop  }
0x16b: {  	v1 =	vadd.f32 v1, v4;
	_ =	sdelay $0x1  }
0x16c: {  	v1 =	vadd.f32 v2, v1;
	_ =	sdelay $0x1  }
0x16d: {  	v1 =	vadd.f32 v3, v1;
	_ =	sdelay $0x1  }
0x16e: {  	[tilespmem:s0+$0x15270] =	vst v1  }
0x16f: {  	v1 =	vld [tilespmem:s31+$0xFFFFFC80]  }
0x170: {  	v2 =	vld [tilespmem:s31+$0xFFFFFC00]  }
0x171: {  	v3 =	vld [tilespmem:s31+$0xFFFFFD00];
	_ =	sdelay $0x2  }
0x172: {  	v4 =	vld [tilespmem:s31+$0xFFFFFD80]  }
0x173: {  	v1 =	vadd.f32 v1, v2  }
0x174: {  	v2 =	vld [tilespmem:s31+$0xFFFFFE00]  }
0x175: {  	v1 =	vadd.f32 v3, v1  }
0x176: {  	v3 =	vld [tilespmem:s31+$0xFFFFFE80]  }
0x177: {  	v1 =	vadd.f32 v4, v1  }
0x178: {  	v4 =	vld [tilespmem:s31+$0xFFFFFF00]  }
0x179: {  	v1 =	vadd.f32 v2, v1  }
0x17a: {  	v2 =	vld [tilespmem:s31+$0xFFFFFF80]  }
0x17b: {  	v1 =	vadd.f32 v3, v1  }
0x17c: {  	v3 =	vld [tilespmem:s31+$0x0]  }
0x17d: {  	v1 =	vadd.f32 v4, v1  }
0x17e: {  	v4 =	vld [tilespmem:s31+$0x80]  }
0x17f: {  	v1 =	vadd.f32 v2, v1  }
0x180: {  	v2 =	vld [tilespmem:s31+$0x100]  }
0x181: {  	v1 =	vadd.f32 v3, v1  }
0x182: {  	v3 =	vld [tilespmem:s31+$0x180]  }
0x183: {  	v1 =	vadd.f32 v4, v1  }
0x184: {  	v4 =	vld [tilespmem:s31+$0x200]  }
0x185: {  	v1 =	vadd.f32 v2, v1  }
0x186: {  	v2 =	vld [tilespmem:s31+$0x280]  }
0x187: {  	v1 =	vadd.f32 v3, v1  }
0x188: {  	v3 =	vld [tilespmem:s31+$0x300]  }
0x189: {  	v1 =	vadd.f32 v4, v1  }
0x18a: {  	v4 =	vld [tilespmem:s31+$0x380]  }
0x18b: {  	v1 =	vadd.f32 v2, v1;
	_ =	sdelay $0x1  }
0x18c: {  	v1 =	vadd.f32 v3, v1;
	_ =	sdelay $0x1  }
0x18d: {  	v1 =	vadd.f32 v4, v1  }
0x18e: {  	s0 =	sshra.s32 s3, $0x2  }
0x18f: {  	[tilespmem:s0+$0x15200] =	vst v1  }
0x190: {  	v1 =	vld [tilespmem:s31+$0xFFFFFC10]  }
0x191: {  	v2 =	vld [tilespmem:s31+$0xFFFFFC90];
	_ =	sdelay $0x1  }
0x192: {  	v3 =	vld [tilespmem:s31+$0xFFFFFD10];
	_ =	sdelay $0x1  }
0x193: {  	v4 =	vld [tilespmem:s31+$0xFFFFFD90]  }
0x194: {  	v1 =	vadd.f32 v2, v1  }
0x195: {  	v2 =	vld [tilespmem:s31+$0xFFFFFE10]  }
0x196: {  	v1 =	vadd.f32 v3, v1  }
0x197: {  	v3 =	vld [tilespmem:s31+$0xFFFFFE90]  }
0x198: {  	v1 =	vadd.f32 v4, v1  }
0x199: {  	v4 =	vld [tilespmem:s31+$0xFFFFFF10]  }
0x19a: {  	v1 =	vadd.f32 v2, v1  }
0x19b: {  	v2 =	vld [tilespmem:s31+$0xFFFFFF90]  }
0x19c: {  	v1 =	vadd.f32 v3, v1  }
0x19d: {  	v3 =	vld [tilespmem:s31+$0x10]  }
0x19e: {  	v1 =	vadd.f32 v4, v1  }
0x19f: {  	v4 =	vld [tilespmem:s31+$0x90]  }
0x1a0: {  	v1 =	vadd.f32 v2, v1  }
0x1a1: {  	v2 =	vld [tilespmem:s31+$0x110]  }
0x1a2: {  	v1 =	vadd.f32 v3, v1  }
0x1a3: {  	v3 =	vld [tilespmem:s31+$0x190]  }
0x1a4: {  	v1 =	vadd.f32 v4, v1  }
0x1a5: {  	v4 =	vld [tilespmem:s31+$0x210]  }
0x1a6: {  	v1 =	vadd.f32 v2, v1  }
0x1a7: {  	v2 =	vld [tilespmem:s31+$0x290]  }
0x1a8: {  	v1 =	vadd.f32 v3, v1  }
0x1a9: {  	v3 =	vld [tilespmem:s31+$0x310]  }
0x1aa: {  	v1 =	vadd.f32 v4, v1  }
0x1ab: {  	v4 =	vld [tilespmem:s31+$0x390]  }
0x1ac: {  	v1 =	vadd.f32 v2, v1;
	_ =	sdelay $0x1  }
0x1ad: {  	v1 =	vadd.f32 v3, v1;
	_ =	sdelay $0x1  }
0x1ae: {  	v1 =	vadd.f32 v4, v1;
	_ =	sdelay $0x1  }
0x1af: {  	[tilespmem:s0+$0x15210] =	vst v1  }
0x1b0: {  	v1 =	vld [tilespmem:s31+$0xFFFFFC20]  }
0x1b1: {  	v2 =	vld [tilespmem:s31+$0xFFFFFCA0];
	_ =	sdelay $0x1  }
0x1b2: {  	v3 =	vld [tilespmem:s31+$0xFFFFFD20];
	_ =	sdelay $0x1  }
0x1b3: {  	v4 =	vld [tilespmem:s31+$0xFFFFFDA0]  }
0x1b4: {  	v1 =	vadd.f32 v2, v1  }
0x1b5: {  	v2 =	vld [tilespmem:s31+$0xFFFFFE20]  }
0x1b6: {  	v1 =	vadd.f32 v3, v1  }
0x1b7: {  	v3 =	vld [tilespmem:s31+$0xFFFFFEA0]  }
0x1b8: {  	v1 =	vadd.f32 v4, v1  }
0x1b9: {  	v4 =	vld [tilespmem:s31+$0xFFFFFF20]  }
0x1ba: {  	v1 =	vadd.f32 v2, v1  }
0x1bb: {  	v2 =	vld [tilespmem:s31+$0xFFFFFFA0]  }
0x1bc: {  	v1 =	vadd.f32 v3, v1  }
0x1bd: {  	v3 =	vld [tilespmem:s31+$0x20]  }
0x1be: {  	v1 =	vadd.f32 v4, v1  }
0x1bf: {  	v4 =	vld [tilespmem:s31+$0xA0]  }
0x1c0: {  	v1 =	vadd.f32 v2, v1  }
0x1c1: {  	v2 =	vld [tilespmem:s31+$0x120]  }
0x1c2: {  	v1 =	vadd.f32 v3, v1  }
0x1c3: {  	v3 =	vld [tilespmem:s31+$0x1A0]  }
0x1c4: {  	v1 =	vadd.f32 v4, v1  }
0x1c5: {  	v4 =	vld [tilespmem:s31+$0x220]  }
0x1c6: {  	v1 =	vadd.f32 v2, v1  }
0x1c7: {  	v2 =	vld [tilespmem:s31+$0x2A0]  }
0x1c8: {  	v1 =	vadd.f32 v3, v1  }
0x1c9: {  	v3 =	vld [tilespmem:s31+$0x320]  }
0x1ca: {  	v1 =	vadd.f32 v4, v1  }
0x1cb: {  	v4 =	vld [tilespmem:s31+$0x3A0]  }
0x1cc: {  	v1 =	vadd.f32 v2, v1;
	_ =	sdelay $0x1  }
0x1cd: {  	v1 =	vadd.f32 v3, v1;
	_ =	sdelay $0x1  }
0x1ce: {  	v1 =	vadd.f32 v4, v1;
	_ =	sdelay $0x1  }
0x1cf: {  	[tilespmem:s0+$0x15220] =	vst v1  }
0x1d0: {  	v1 =	vld [tilespmem:s31+$0xFFFFFC30]  }
0x1d1: {  	v2 =	vld [tilespmem:s31+$0xFFFFFCB0]  }
0x1d2: {  	v3 =	vld [tilespmem:s31+$0xFFFFFD30];
	_ =	sdelay $0x2  }
0x1d3: {  	v4 =	vld [tilespmem:s31+$0xFFFFFDB0]  }
0x1d4: {  	v1 =	vadd.f32 v2, v1  }
0x1d5: {  	v2 =	vld [tilespmem:s31+$0xFFFFFE30]  }
0x1d6: {  	v1 =	vadd.f32 v3, v1  }
0x1d7: {  	v3 =	vld [tilespmem:s31+$0xFFFFFEB0]  }
0x1d8: {  	v1 =	vadd.f32 v4, v1  }
0x1d9: {  	v4 =	vld [tilespmem:s31+$0xFFFFFF30]  }
0x1da: {  	v1 =	vadd.f32 v2, v1  }
0x1db: {  	v2 =	vld [tilespmem:s31+$0xFFFFFFB0]  }
0x1dc: {  	v1 =	vadd.f32 v3, v1  }
0x1dd: {  	v3 =	vld [tilespmem:s31+$0x30]  }
0x1de: {  	v1 =	vadd.f32 v4, v1  }
0x1df: {  	v4 =	vld [tilespmem:s31+$0xB0]  }
0x1e0: {  	v1 =	vadd.f32 v2, v1  }
0x1e1: {  	v2 =	vld [tilespmem:s31+$0x130]  }
0x1e2: {  	v1 =	vadd.f32 v3, v1  }
0x1e3: {  	v3 =	vld [tilespmem:s31+$0x1B0]  }
0x1e4: {  	v1 =	vadd.f32 v4, v1  }
0x1e5: {  	v4 =	vld [tilespmem:s31+$0x230]  }
0x1e6: {  	v1 =	vadd.f32 v2, v1  }
0x1e7: {  	v2 =	vld [tilespmem:s31+$0x2B0]  }
0x1e8: {  	v1 =	vadd.f32 v3, v1  }
0x1e9: {  	v3 =	vld [tilespmem:s31+$0x330]  }
0x1ea: {  	v1 =	vadd.f32 v4, v1  }
0x1eb: {  	v4 =	vld [tilespmem:s31+$0x3B0]  }
0x1ec: {  	v1 =	vadd.f32 v2, v1;
	_ =	sdelay $0x1  }
0x1ed: {  	v1 =	vadd.f32 v3, v1;
	_ =	sdelay $0x1  }
0x1ee: {  	v1 =	vadd.f32 v4, v1;
	_ =	sdelay $0x1  }
0x1ef: {  	[tilespmem:s0+$0x15230] =	vst v1  }
0x1f0: {  	v1 =	vld [tilespmem:s31+$0xFFFFFC40]  }
0x1f1: {  	v2 =	vld [tilespmem:s31+$0xFFFFFCC0]  }
0x1f2: {  	v3 =	vld [tilespmem:s31+$0xFFFFFD40];
	_ =	sdelay $0x2  }
0x1f3: {  	v4 =	vld [tilespmem:s31+$0xFFFFFDC0]  }
0x1f4: {  	v1 =	vadd.f32 v2, v1  }
0x1f5: {  	v2 =	vld [tilespmem:s31+$0xFFFFFE40]  }
0x1f6: {  	v1 =	vadd.f32 v3, v1  }
0x1f7: {  	v3 =	vld [tilespmem:s31+$0xFFFFFEC0]  }
0x1f8: {  	v1 =	vadd.f32 v4, v1  }
0x1f9: {  	v4 =	vld [tilespmem:s31+$0xFFFFFF40]  }
0x1fa: {  	v1 =	vadd.f32 v2, v1  }
0x1fb: {  	v2 =	vld [tilespmem:s31+$0xFFFFFFC0]  }
0x1fc: {  	v1 =	vadd.f32 v3, v1  }
0x1fd: {  	v3 =	vld [tilespmem:s31+$0x40]  }
0x1fe: {  	v1 =	vadd.f32 v4, v1  }
0x1ff: {  	v4 =	vld [tilespmem:s31+$0xC0]  }
0x200: {  	v1 =	vadd.f32 v2, v1  }
0x201: {  	v2 =	vld [tilespmem:s31+$0x140]  }
0x202: {  	v1 =	vadd.f32 v3, v1  }
0x203: {  	v3 =	vld [tilespmem:s31+$0x1C0]  }
0x204: {  	v1 =	vadd.f32 v4, v1  }
0x205: {  	v4 =	vld [tilespmem:s31+$0x240]  }
0x206: {  	v1 =	vadd.f32 v2, v1  }
0x207: {  	v2 =	vld [tilespmem:s31+$0x2C0]  }
0x208: {  	v1 =	vadd.f32 v3, v1  }
0x209: {  	v3 =	vld [tilespmem:s31+$0x340]  }
0x20a: {  	v1 =	vadd.f32 v4, v1  }
0x20b: {  	v4 =	vld [tilespmem:s31+$0x3C0]  }
0x20c: {  	v1 =	vadd.f32 v2, v1;
	_ =	sdelay $0x1  }
0x20d: {  	v1 =	vadd.f32 v3, v1;
	_ =	sdelay $0x1  }
0x20e: {  	v1 =	vadd.f32 v4, v1;
	_ =	sdelay $0x1  }
0x20f: {  	[tilespmem:s0+$0x15240] =	vst v1  }
0x210: {  	v1 =	vld [tilespmem:s31+$0xFFFFFC50]  }
0x211: {  	v2 =	vld [tilespmem:s31+$0xFFFFFCD0]  }
0x212: {  	v3 =	vld [tilespmem:s31+$0xFFFFFD50]  }
0x213: {  	v4 =	vld [tilespmem:s31+$0xFFFFFDD0]  }
0x214: {  	v5 =	vld [tilespmem:s31+$0xFFFFFE50]  }
0x215: {  	v6 =	vld [tilespmem:s31+$0xFFFFFED0]  }
0x216: {  	v1 =	vadd.f32 v2, v1;
	v2 =	vld [tilespmem:s31+$0xFFFFFF50]  }
0x217: {  	v7 =	vld [tilespmem:s31+$0xFFFFFFD0]  }
0x218: {  	v1 =	vadd.f32 v3, v1;
	v3 =	vld [tilespmem:s31+$0x50]  }
0x219: {  	v8 =	vld [tilespmem:s31+$0xD0]  }
0x21a: {  	v1 =	vadd.f32 v4, v1;
	v4 =	vld [tilespmem:s31+$0x150]  }
0x21b: {  	v9 =	vld [tilespmem:s31+$0x1D0]  }
0x21c: {  	v1 =	vadd.f32 v5, v1;
	v5 =	vld [tilespmem:s31+$0x250]  }
0x21d: {  	v10 =	vld [tilespmem:s31+$0x2D0]  }
0x21e: {  	v1 =	vadd.f32 v6, v1;
	v6 =	vld [tilespmem:s31+$0x350]  }
0x21f: {  	v11 =	vld [tilespmem:s31+$0x3D0]  }
0x220: {  	v1 =	vadd.f32 v2, v1;
	_ =	sdelay $0x1  }
0x221: {  	v1 =	vadd.f32 v7, v1;
	_ =	sdelay $0x1  }
0x222: {  	v1 =	vadd.f32 v3, v1;
	_ =	sdelay $0x1  }
0x223: {  	v1 =	vadd.f32 v8, v1;
	_ =	sdelay $0x1  }
0x224: {  	v1 =	vadd.f32 v4, v1;
	_ =	sdelay $0x1  }
0x225: {  	v1 =	vadd.f32 v9, v1;
	_ =	sdelay $0x1  }
0x226: {  	v1 =	vadd.f32 v5, v1;
	_ =	sdelay $0x1  }
0x227: {  	v1 =	vadd.f32 v10, v1;
	_ =	sdelay $0x1  }
0x228: {  	v1 =	vadd.f32 v6, v1;
	_ =	sdelay $0x1  }
0x229: {  	v1 =	vadd.f32 v11, v1;
	_ =	sdelay $0x1  }
0x22a: {  	[tilespmem:s0+$0x15250] =	vst v1  }
0x22b: {  	v1 =	vld [tilespmem:s31+$0xFFFFFC60]  }
0x22c: {  	v2 =	vld [tilespmem:s31+$0xFFFFFCE0]  }
0x22d: {  	v3 =	vld [tilespmem:s31+$0xFFFFFD60]  }
0x22e: {  	v4 =	vld [tilespmem:s31+$0xFFFFFDE0]  }
0x22f: {  	v5 =	vld [tilespmem:s31+$0xFFFFFE60]  }
0x230: {  	v6 =	vld [tilespmem:s31+$0xFFFFFEE0]  }
0x231: {  	v1 =	vadd.f32 v2, v1;
	v2 =	vld [tilespmem:s31+$0xFFFFFF60]  }
0x232: {  	v7 =	vld [tilespmem:s31+$0xFFFFFFE0]  }
0x233: {  	v1 =	vadd.f32 v3, v1;
	v3 =	vld [tilespmem:s31+$0x60]  }
0x234: {  	v8 =	vld [tilespmem:s31+$0xE0]  }
0x235: {  	v1 =	vadd.f32 v4, v1;
	v4 =	vld [tilespmem:s31+$0x160]  }
0x236: {  	v9 =	vld [tilespmem:s31+$0x1E0]  }
0x237: {  	v1 =	vadd.f32 v5, v1;
	v5 =	vld [tilespmem:s31+$0x260]  }
0x238: {  	v10 =	vld [tilespmem:s31+$0x2E0]  }
0x239: {  	v1 =	vadd.f32 v6, v1;
	v6 =	vld [tilespmem:s31+$0x360]  }
0x23a: {  	v11 =	vld [tilespmem:s31+$0x3E0]  }
0x23b: {  	v1 =	vadd.f32 v2, v1;
	_ =	sdelay $0x1  }
0x23c: {  	v1 =	vadd.f32 v7, v1;
	_ =	sdelay $0x1  }
0x23d: {  	v1 =	vadd.f32 v3, v1;
	_ =	sdelay $0x1  }
0x23e: {  	v1 =	vadd.f32 v8, v1;
	_ =	sdelay $0x1  }
0x23f: {  	v1 =	vadd.f32 v4, v1;
	_ =	sdelay $0x1  }
0x240: {  	v1 =	vadd.f32 v9, v1;
	_ =	sdelay $0x1  }
0x241: {  	v1 =	vadd.f32 v5, v1;
	_ =	sdelay $0x1  }
0x242: {  	v1 =	vadd.f32 v10, v1;
	_ =	sdelay $0x1  }
0x243: {  	v1 =	vadd.f32 v6, v1;
	_ =	sdelay $0x1  }
0x244: {  	v1 =	vadd.f32 v11, v1;
	_ =	sdelay $0x1  }
0x245: {  	[tilespmem:s0+$0x15260] =	vst v1  }
0x246: {  	v1 =	vld [tilespmem:s31+$0xFFFFFC70]  }
0x247: {  	v2 =	vld [tilespmem:s31+$0xFFFFFCF0]  }
0x248: {  	v3 =	vld [tilespmem:s31+$0xFFFFFD70]  }
0x249: {  	v4 =	vld [tilespmem:s31+$0xFFFFFDF0]  }
0x24a: {  	v5 =	vld [tilespmem:s31+$0xFFFFFE70]  }
0x24b: {  	v6 =	vld [tilespmem:s31+$0xFFFFFEF0]  }
0x24c: {  	v1 =	vadd.f32 v2, v1;
	v7 =	vld [tilespmem:s31+$0xFFFFFF70]  }
0x24d: {  	v8 =	vld [tilespmem:s31+$0xFFFFFFF0]  }
0x24e: {  	v1 =	vadd.f32 v3, v1;
	v9 =	vld [tilespmem:s31+$0x70]  }
0x24f: {  	v10 =	vld [tilespmem:s31+$0xF0]  }
0x250: {  	v1 =	vadd.f32 v4, v1;
	v11 =	vld [tilespmem:s31+$0x170]  }
0x251: {  	v12 =	vld [tilespmem:s31+$0x1F0]  }
0x252: {  	v2 =	vadd.f32 v5, v1;
	v4 =	vld [tilespmem:s31+$0x270]  }
0x253: {  	v1 =	vld [tilespmem:s31+$0x2F0]  }
0x254: {  	v5 =	vadd.f32 v6, v2;
	v2 =	vld [tilespmem:s31+$0x370]  }
0x255: {  	v3 =	vld [tilespmem:s31+$0x3F0]  }
0x256: {  	v5 =	vadd.f32 v7, v5;
	_ =	sdelay $0x1  }
0x257: {  	v5 =	vadd.f32 v8, v5;
	_ =	sdelay $0x1  }
0x258: {  	v5 =	vadd.f32 v9, v5;
	_ =	sdelay $0x1  }
.Ltmp0:
0x259: {  	v5 =	vadd.f32 v10, v5;
	(pc) =	sbr.rel @p0 .LBB2_2-.Ltmp0, $3  }
0x25a: {  	_ = 	snop  }
0x25b: {  	v5 =	vadd.f32 v11, v5;
	_ =	sdelay $0x1  }
0x25c: {  	v5 =	vadd.f32 v12, v5  }
0x25d: {  	_ = 	snop  }
0x25e: {  	v4 =	vadd.f32 v4, v5;
	_ =	sdelay $0x1  }
0x25f: {  	v1 =	vadd.f32 v1, v4;
	_ =	sdelay $0x1  }
0x260: {  	v1 =	vadd.f32 v2, v1;
	_ =	sdelay $0x1  }
0x261: {  	v1 =	vadd.f32 v3, v1;
	_ =	sdelay $0x1  }
0x262: {  	[tilespmem:s0+$0x15270] =	vst v1  }
0x263: {  	[tilespmem:s17], [sflag:$0x3] =	stream.indirect.gather [hbm4b:s1+s16], $0x80, s22, s16, $0xb8;
	[tilespmem:$0x17600] =	vst v63  }
0x264: {  	_ =	swait.ge [sflag:s23], $0x9000  }
0x265: {  	[sflag:s23] =	ssyncset.done $0x0  }
0x266: {  	s31 =	simm.s32 $0xA200;
	[sflag:s23] =	ssyncadd.s32 $0xFFFF7000  }
0x267: {  	v1 =	vld [tilespmem:s31+$0xFFFFFC80]  }
0x268: {  	v2 =	vld [tilespmem:s31+$0xFFFFFC00];
	_ =	sdelay $0x1  }
0x269: {  	v3 =	vld [tilespmem:s31+$0xFFFFFD00];
	_ =	sdelay $0x1  }
0x26a: {  	v4 =	vld [tilespmem:s31+$0xFFFFFD80]  }
0x26b: {  	v1 =	vadd.f32 v1, v2  }
0x26c: {  	v2 =	vld [tilespmem:s31+$0xFFFFFE00]  }
0x26d: {  	v1 =	vadd.f32 v3, v1  }
0x26e: {  	v3 =	vld [tilespmem:s31+$0xFFFFFE80]  }
0x26f: {  	v1 =	vadd.f32 v4, v1  }
0x270: {  	v4 =	vld [tilespmem:s31+$0xFFFFFF00]  }
0x271: {  	v1 =	vadd.f32 v2, v1  }
0x272: {  	v2 =	vld [tilespmem:s31+$0xFFFFFF80]  }
0x273: {  	v1 =	vadd.f32 v3, v1  }
0x274: {  	v3 =	vld [tilespmem:s31+$0x0]  }
0x275: {  	v1 =	vadd.f32 v4, v1  }
0x276: {  	v4 =	vld [tilespmem:s31+$0x80]  }
0x277: {  	v1 =	vadd.f32 v2, v1  }
0x278: {  	v2 =	vld [tilespmem:s31+$0x100]  }
0x279: {  	v1 =	vadd.f32 v3, v1  }
0x27a: {  	v3 =	vld [tilespmem:s31+$0x180]  }
0x27b: {  	v1 =	vadd.f32 v4, v1  }
0x27c: {  	v4 =	vld [tilespmem:s31+$0x200]  }
0x27d: {  	v1 =	vadd.f32 v2, v1  }
0x27e: {  	v2 =	vld [tilespmem:s31+$0x280]  }
0x27f: {  	v1 =	vadd.f32 v3, v1  }
0x280: {  	v3 =	vld [tilespmem:s31+$0x300]  }
0x281: {  	v1 =	vadd.f32 v4, v1  }
0x282: {  	v4 =	vld [tilespmem:s31+$0x380]  }
0x283: {  	v1 =	vadd.f32 v2, v1;
	_ =	sdelay $0x1  }
0x284: {  	v1 =	vadd.f32 v3, v1;
	_ =	sdelay $0x1  }
0x285: {  	v1 =	vadd.f32 v4, v1  }
0x286: {  	s0 =	simm.s32 $0x0  }
0x287: {  	[tilespmem:s0+$0x15B00] =	vst v1  }
0x288: {  	v1 =	vld [tilespmem:s31+$0xFFFFFC10]  }
0x289: {  	v2 =	vld [tilespmem:s31+$0xFFFFFC90];
	_ =	sdelay $0x1  }
0x28a: {  	v3 =	vld [tilespmem:s31+$0xFFFFFD10];
	_ =	sdelay $0x1  }
0x28b: {  	v4 =	vld [tilespmem:s31+$0xFFFFFD90]  }
0x28c: {  	v1 =	vadd.f32 v2, v1  }
0x28d: {  	v2 =	vld [tilespmem:s31+$0xFFFFFE10]  }
0x28e: {  	v1 =	vadd.f32 v3, v1  }
0x28f: {  	v3 =	vld [tilespmem:s31+$0xFFFFFE90]  }
0x290: {  	v1 =	vadd.f32 v4, v1  }
0x291: {  	v4 =	vld [tilespmem:s31+$0xFFFFFF10]  }
0x292: {  	v1 =	vadd.f32 v2, v1  }
0x293: {  	v2 =	vld [tilespmem:s31+$0xFFFFFF90]  }
0x294: {  	v1 =	vadd.f32 v3, v1  }
0x295: {  	v3 =	vld [tilespmem:s31+$0x10]  }
0x296: {  	v1 =	vadd.f32 v4, v1  }
0x297: {  	v4 =	vld [tilespmem:s31+$0x90]  }
0x298: {  	v1 =	vadd.f32 v2, v1  }
0x299: {  	v2 =	vld [tilespmem:s31+$0x110]  }
0x29a: {  	v1 =	vadd.f32 v3, v1  }
0x29b: {  	v3 =	vld [tilespmem:s31+$0x190]  }
0x29c: {  	v1 =	vadd.f32 v4, v1  }
0x29d: {  	v4 =	vld [tilespmem:s31+$0x210]  }
0x29e: {  	v1 =	vadd.f32 v2, v1  }
0x29f: {  	v2 =	vld [tilespmem:s31+$0x290]  }
0x2a0: {  	v1 =	vadd.f32 v3, v1  }
0x2a1: {  	v3 =	vld [tilespmem:s31+$0x310]  }
0x2a2: {  	v1 =	vadd.f32 v4, v1  }
0x2a3: {  	v4 =	vld [tilespmem:s31+$0x390]  }
0x2a4: {  	v1 =	vadd.f32 v2, v1;
	_ =	sdelay $0x1  }
0x2a5: {  	v1 =	vadd.f32 v3, v1;
	_ =	sdelay $0x1  }
0x2a6: {  	v1 =	vadd.f32 v4, v1;
	_ =	sdelay $0x1  }
0x2a7: {  	[tilespmem:s0+$0x15B10] =	vst v1  }
0x2a8: {  	v1 =	vld [tilespmem:s31+$0xFFFFFC20]  }
0x2a9: {  	v2 =	vld [tilespmem:s31+$0xFFFFFCA0];
	_ =	sdelay $0x1  }
0x2aa: {  	v3 =	vld [tilespmem:s31+$0xFFFFFD20];
	_ =	sdelay $0x1  }
0x2ab: {  	v4 =	vld [tilespmem:s31+$0xFFFFFDA0]  }
0x2ac: {  	v1 =	vadd.f32 v2, v1  }
0x2ad: {  	v2 =	vld [tilespmem:s31+$0xFFFFFE20]  }
0x2ae: {  	v1 =	vadd.f32 v3, v1  }
0x2af: {  	v3 =	vld [tilespmem:s31+$0xFFFFFEA0]  }
0x2b0: {  	v1 =	vadd.f32 v4, v1  }
0x2b1: {  	v4 =	vld [tilespmem:s31+$0xFFFFFF20]  }
0x2b2: {  	v1 =	vadd.f32 v2, v1  }
0x2b3: {  	v2 =	vld [tilespmem:s31+$0xFFFFFFA0]  }
0x2b4: {  	v1 =	vadd.f32 v3, v1  }
0x2b5: {  	v3 =	vld [tilespmem:s31+$0x20]  }
0x2b6: {  	v1 =	vadd.f32 v4, v1  }
0x2b7: {  	v4 =	vld [tilespmem:s31+$0xA0]  }
0x2b8: {  	v1 =	vadd.f32 v2, v1  }
0x2b9: {  	v2 =	vld [tilespmem:s31+$0x120]  }
0x2ba: {  	v1 =	vadd.f32 v3, v1  }
0x2bb: {  	v3 =	vld [tilespmem:s31+$0x1A0]  }
0x2bc: {  	v1 =	vadd.f32 v4, v1  }
0x2bd: {  	v4 =	vld [tilespmem:s31+$0x220]  }
0x2be: {  	v1 =	vadd.f32 v2, v1  }
0x2bf: {  	v2 =	vld [tilespmem:s31+$0x2A0]  }
0x2c0: {  	v1 =	vadd.f32 v3, v1  }
0x2c1: {  	v3 =	vld [tilespmem:s31+$0x320]  }
0x2c2: {  	v1 =	vadd.f32 v4, v1  }
0x2c3: {  	v4 =	vld [tilespmem:s31+$0x3A0]  }
0x2c4: {  	v1 =	vadd.f32 v2, v1;
	_ =	sdelay $0x1  }
0x2c5: {  	v1 =	vadd.f32 v3, v1;
	_ =	sdelay $0x1  }
0x2c6: {  	v1 =	vadd.f32 v4, v1;
	_ =	sdelay $0x1  }
0x2c7: {  	[tilespmem:s0+$0x15B20] =	vst v1  }
0x2c8: {  	v1 =	vld [tilespmem:s31+$0xFFFFFC30]  }
0x2c9: {  	v2 =	vld [tilespmem:s31+$0xFFFFFCB0];
	_ =	sdelay $0x1  }
0x2ca: {  	v3 =	vld [tilespmem:s31+$0xFFFFFD30];
	_ =	sdelay $0x1  }
0x2cb: {  	v4 =	vld [tilespmem:s31+$0xFFFFFDB0]  }
0x2cc: {  	v1 =	vadd.f32 v2, v1  }
0x2cd: {  	v2 =	vld [tilespmem:s31+$0xFFFFFE30]  }
0x2ce: {  	v1 =	vadd.f32 v3, v1  }
0x2cf: {  	v3 =	vld [tilespmem:s31+$0xFFFFFEB0]  }
0x2d0: {  	v1 =	vadd.f32 v4, v1  }
0x2d1: {  	v4 =	vld [tilespmem:s31+$0xFFFFFF30]  }
0x2d2: {  	v1 =	vadd.f32 v2, v1  }
0x2d3: {  	v2 =	vld [tilespmem:s31+$0xFFFFFFB0]  }
0x2d4: {  	v1 =	vadd.f32 v3, v1  }
0x2d5: {  	v3 =	vld [tilespmem:s31+$0x30]  }
0x2d6: {  	v1 =	vadd.f32 v4, v1  }
0x2d7: {  	v4 =	vld [tilespmem:s31+$0xB0]  }
0x2d8: {  	v1 =	vadd.f32 v2, v1  }
0x2d9: {  	v2 =	vld [tilespmem:s31+$0x130]  }
0x2da: {  	v1 =	vadd.f32 v3, v1  }
0x2db: {  	v3 =	vld [tilespmem:s31+$0x1B0]  }
0x2dc: {  	v1 =	vadd.f32 v4, v1  }
0x2dd: {  	v4 =	vld [tilespmem:s31+$0x230]  }
0x2de: {  	v1 =	vadd.f32 v2, v1  }
0x2df: {  	v2 =	vld [tilespmem:s31+$0x2B0]  }
0x2e0: {  	v1 =	vadd.f32 v3, v1  }
0x2e1: {  	v3 =	vld [tilespmem:s31+$0x330]  }
0x2e2: {  	v1 =	vadd.f32 v4, v1  }
0x2e3: {  	v4 =	vld [tilespmem:s31+$0x3B0]  }
0x2e4: {  	v1 =	vadd.f32 v2, v1;
	_ =	sdelay $0x1  }
0x2e5: {  	v1 =	vadd.f32 v3, v1;
	_ =	sdelay $0x1  }
0x2e6: {  	v1 =	vadd.f32 v4, v1;
	_ =	sdelay $0x1  }
0x2e7: {  	[tilespmem:s0+$0x15B30] =	vst v1  }
0x2e8: {  	v1 =	vld [tilespmem:s31+$0xFFFFFC40]  }
0x2e9: {  	v2 =	vld [tilespmem:s31+$0xFFFFFCC0];
	_ =	sdelay $0x1  }
0x2ea: {  	v3 =	vld [tilespmem:s31+$0xFFFFFD40];
	_ =	sdelay $0x1  }
0x2eb: {  	v4 =	vld [tilespmem:s31+$0xFFFFFDC0]  }
0x2ec: {  	v1 =	vadd.f32 v2, v1  }
0x2ed: {  	v2 =	vld [tilespmem:s31+$0xFFFFFE40]  }
0x2ee: {  	v1 =	vadd.f32 v3, v1  }
0x2ef: {  	v3 =	vld [tilespmem:s31+$0xFFFFFEC0]  }
0x2f0: {  	v1 =	vadd.f32 v4, v1  }
0x2f1: {  	v4 =	vld [tilespmem:s31+$0xFFFFFF40]  }
0x2f2: {  	v1 =	vadd.f32 v2, v1  }
0x2f3: {  	v2 =	vld [tilespmem:s31+$0xFFFFFFC0]  }
0x2f4: {  	v1 =	vadd.f32 v3, v1  }
0x2f5: {  	v3 =	vld [tilespmem:s31+$0x40]  }
0x2f6: {  	v1 =	vadd.f32 v4, v1  }
0x2f7: {  	v4 =	vld [tilespmem:s31+$0xC0]  }
0x2f8: {  	v1 =	vadd.f32 v2, v1  }
0x2f9: {  	v2 =	vld [tilespmem:s31+$0x140]  }
0x2fa: {  	v1 =	vadd.f32 v3, v1  }
0x2fb: {  	v3 =	vld [tilespmem:s31+$0x1C0]  }
0x2fc: {  	v1 =	vadd.f32 v4, v1  }
0x2fd: {  	v4 =	vld [tilespmem:s31+$0x240]  }
0x2fe: {  	v1 =	vadd.f32 v2, v1  }
0x2ff: {  	v2 =	vld [tilespmem:s31+$0x2C0]  }
0x300: {  	v1 =	vadd.f32 v3, v1  }
0x301: {  	v3 =	vld [tilespmem:s31+$0x340]  }
0x302: {  	v1 =	vadd.f32 v4, v1  }
0x303: {  	v4 =	vld [tilespmem:s31+$0x3C0]  }
0x304: {  	v1 =	vadd.f32 v2, v1;
	_ =	sdelay $0x1  }
0x305: {  	v1 =	vadd.f32 v3, v1;
	_ =	sdelay $0x1  }
0x306: {  	v1 =	vadd.f32 v4, v1;
	_ =	sdelay $0x1  }
0x307: {  	[tilespmem:s0+$0x15B40] =	vst v1  }
0x308: {  	v1 =	vld [tilespmem:s31+$0xFFFFFC50]  }
0x309: {  	v2 =	vld [tilespmem:s31+$0xFFFFFCD0];
	_ =	sdelay $0x1  }
0x30a: {  	v3 =	vld [tilespmem:s31+$0xFFFFFD50];
	_ =	sdelay $0x1  }
0x30b: {  	v4 =	vld [tilespmem:s31+$0xFFFFFDD0]  }
0x30c: {  	v1 =	vadd.f32 v2, v1  }
0x30d: {  	v2 =	vld [tilespmem:s31+$0xFFFFFE50]  }
0x30e: {  	v1 =	vadd.f32 v3, v1  }
0x30f: {  	v3 =	vld [tilespmem:s31+$0xFFFFFED0]  }
0x310: {  	v1 =	vadd.f32 v4, v1  }
0x311: {  	v4 =	vld [tilespmem:s31+$0xFFFFFF50]  }
0x312: {  	v1 =	vadd.f32 v2, v1  }
0x313: {  	v2 =	vld [tilespmem:s31+$0xFFFFFFD0]  }
0x314: {  	v1 =	vadd.f32 v3, v1  }
0x315: {  	v3 =	vld [tilespmem:s31+$0x50]  }
0x316: {  	v1 =	vadd.f32 v4, v1  }
0x317: {  	v4 =	vld [tilespmem:s31+$0xD0]  }
0x318: {  	v1 =	vadd.f32 v2, v1  }
0x319: {  	v2 =	vld [tilespmem:s31+$0x150]  }
0x31a: {  	v1 =	vadd.f32 v3, v1  }
0x31b: {  	v3 =	vld [tilespmem:s31+$0x1D0]  }
0x31c: {  	v1 =	vadd.f32 v4, v1  }
0x31d: {  	v4 =	vld [tilespmem:s31+$0x250]  }
0x31e: {  	v1 =	vadd.f32 v2, v1  }
0x31f: {  	v2 =	vld [tilespmem:s31+$0x2D0]  }
0x320: {  	v1 =	vadd.f32 v3, v1  }
0x321: {  	v3 =	vld [tilespmem:s31+$0x350]  }
0x322: {  	v1 =	vadd.f32 v4, v1  }
0x323: {  	v4 =	vld [tilespmem:s31+$0x3D0]  }
0x324: {  	v1 =	vadd.f32 v2, v1;
	_ =	sdelay $0x1  }
0x325: {  	v1 =	vadd.f32 v3, v1;
	_ =	sdelay $0x1  }
0x326: {  	v1 =	vadd.f32 v4, v1;
	_ =	sdelay $0x1  }
0x327: {  	[tilespmem:s0+$0x15B50] =	vst v1  }
0x328: {  	v1 =	vld [tilespmem:s31+$0xFFFFFC60]  }
0x329: {  	v2 =	vld [tilespmem:s31+$0xFFFFFCE0];
	_ =	sdelay $0x1  }
0x32a: {  	v3 =	vld [tilespmem:s31+$0xFFFFFD60];
	_ =	sdelay $0x1  }
0x32b: {  	v4 =	vld [tilespmem:s31+$0xFFFFFDE0]  }
0x32c: {  	v1 =	vadd.f32 v2, v1  }
0x32d: {  	v2 =	vld [tilespmem:s31+$0xFFFFFE60]  }
0x32e: {  	v1 =	vadd.f32 v3, v1  }
0x32f: {  	v3 =	vld [tilespmem:s31+$0xFFFFFEE0]  }
0x330: {  	v1 =	vadd.f32 v4, v1  }
0x331: {  	v4 =	vld [tilespmem:s31+$0xFFFFFF60]  }
0x332: {  	v1 =	vadd.f32 v2, v1  }
0x333: {  	v2 =	vld [tilespmem:s31+$0xFFFFFFE0]  }
0x334: {  	v1 =	vadd.f32 v3, v1  }
0x335: {  	v3 =	vld [tilespmem:s31+$0x60]  }
0x336: {  	v1 =	vadd.f32 v4, v1  }
0x337: {  	v4 =	vld [tilespmem:s31+$0xE0]  }
0x338: {  	v1 =	vadd.f32 v2, v1  }
0x339: {  	v2 =	vld [tilespmem:s31+$0x160]  }
0x33a: {  	v1 =	vadd.f32 v3, v1  }
0x33b: {  	v3 =	vld [tilespmem:s31+$0x1E0]  }
0x33c: {  	v1 =	vadd.f32 v4, v1  }
0x33d: {  	v4 =	vld [tilespmem:s31+$0x260]  }
0x33e: {  	v1 =	vadd.f32 v2, v1  }
0x33f: {  	v2 =	vld [tilespmem:s31+$0x2E0]  }
0x340: {  	v1 =	vadd.f32 v3, v1  }
0x341: {  	v3 =	vld [tilespmem:s31+$0x360]  }
0x342: {  	v1 =	vadd.f32 v4, v1  }
0x343: {  	v4 =	vld [tilespmem:s31+$0x3E0]  }
0x344: {  	v1 =	vadd.f32 v2, v1;
	_ =	sdelay $0x1  }
0x345: {  	v1 =	vadd.f32 v3, v1;
	_ =	sdelay $0x1  }
0x346: {  	v1 =	vadd.f32 v4, v1;
	_ =	sdelay $0x1  }
0x347: {  	[tilespmem:s0+$0x15B60] =	vst v1  }
0x348: {  	v1 =	vld [tilespmem:s31+$0xFFFFFC70]  }
0x349: {  	v2 =	vld [tilespmem:s31+$0xFFFFFCF0];
	_ =	sdelay $0x1  }
0x34a: {  	v3 =	vld [tilespmem:s31+$0xFFFFFD70];
	_ =	sdelay $0x1  }
0x34b: {  	v4 =	vld [tilespmem:s31+$0xFFFFFDF0]  }
0x34c: {  	v1 =	vadd.f32 v2, v1  }
0x34d: {  	v2 =	vld [tilespmem:s31+$0xFFFFFE70]  }
0x34e: {  	v1 =	vadd.f32 v3, v1  }
0x34f: {  	v3 =	vld [tilespmem:s31+$0xFFFFFEF0]  }
0x350: {  	v1 =	vadd.f32 v4, v1  }
0x351: {  	v4 =	vld [tilespmem:s31+$0xFFFFFF70]  }
0x352: {  	v1 =	vadd.f32 v2, v1  }
0x353: {  	v2 =	vld [tilespmem:s31+$0xFFFFFFF0]  }
0x354: {  	v1 =	vadd.f32 v3, v1  }
0x355: {  	v3 =	vld [tilespmem:s31+$0x70]  }
0x356: {  	v1 =	vadd.f32 v4, v1  }
0x357: {  	v4 =	vld [tilespmem:s31+$0xF0]  }
0x358: {  	v1 =	vadd.f32 v2, v1  }
0x359: {  	v2 =	vld [tilespmem:s31+$0x170]  }
0x35a: {  	v1 =	vadd.f32 v3, v1  }
0x35b: {  	v5 =	vld [tilespmem:s31+$0x1F0]  }
0x35c: {  	v3 =	vadd.f32 v4, v1  }
0x35d: {  	v4 =	vld [tilespmem:s31+$0x270]  }
0x35e: {  	v1 =	vld [tilespmem:s31+$0x2F0];
	v6 =	vadd.f32 v2, v3  }
0x35f: {  	v2 =	vld [tilespmem:s31+$0x370]  }
0x360: {  	s2 =	simm.s32 $0x200;
	v3 =	vld [tilespmem:s31+$0x3F0];
	v5 =	vadd.f32 v5, v6  }
.LBB2_4:
0x361: {  	p0 =	sne.s32 s2, $0x2200  }
0x362: {  	s31 =	sadd.s32 $0x800, s31;
	s3 =	smov.u32 s2;
	s2 =	sadd.s32 $0x200, s2;
	v4 =	vadd.f32 v4, v5  }
0x363: {  	_ = 	snop  }
0x364: {  	v1 =	vadd.f32 v1, v4;
	_ =	sdelay $0x1  }
0x365: {  	v1 =	vadd.f32 v2, v1;
	_ =	sdelay $0x1  }
0x366: {  	v1 =	vadd.f32 v3, v1;
	_ =	sdelay $0x1  }
0x367: {  	[tilespmem:s0+$0x15B70] =	vst v1  }
0x368: {  	v1 =	vld [tilespmem:s31+$0xFFFFFC80]  }
0x369: {  	v2 =	vld [tilespmem:s31+$0xFFFFFC00]  }
0x36a: {  	v3 =	vld [tilespmem:s31+$0xFFFFFD00];
	_ =	sdelay $0x2  }
0x36b: {  	v4 =	vld [tilespmem:s31+$0xFFFFFD80]  }
0x36c: {  	v1 =	vadd.f32 v1, v2  }
0x36d: {  	v2 =	vld [tilespmem:s31+$0xFFFFFE00]  }
0x36e: {  	v1 =	vadd.f32 v3, v1  }
0x36f: {  	v3 =	vld [tilespmem:s31+$0xFFFFFE80]  }
0x370: {  	v1 =	vadd.f32 v4, v1  }
0x371: {  	v4 =	vld [tilespmem:s31+$0xFFFFFF00]  }
0x372: {  	v1 =	vadd.f32 v2, v1  }
0x373: {  	v2 =	vld [tilespmem:s31+$0xFFFFFF80]  }
0x374: {  	v1 =	vadd.f32 v3, v1  }
0x375: {  	v3 =	vld [tilespmem:s31+$0x0]  }
0x376: {  	v1 =	vadd.f32 v4, v1  }
0x377: {  	v4 =	vld [tilespmem:s31+$0x80]  }
0x378: {  	v1 =	vadd.f32 v2, v1  }
0x379: {  	v2 =	vld [tilespmem:s31+$0x100]  }
0x37a: {  	v1 =	vadd.f32 v3, v1  }
0x37b: {  	v3 =	vld [tilespmem:s31+$0x180]  }
0x37c: {  	v1 =	vadd.f32 v4, v1  }
0x37d: {  	v4 =	vld [tilespmem:s31+$0x200]  }
0x37e: {  	v1 =	vadd.f32 v2, v1  }
0x37f: {  	v2 =	vld [tilespmem:s31+$0x280]  }
0x380: {  	v1 =	vadd.f32 v3, v1  }
0x381: {  	v3 =	vld [tilespmem:s31+$0x300]  }
0x382: {  	v1 =	vadd.f32 v4, v1  }
0x383: {  	v4 =	vld [tilespmem:s31+$0x380]  }
0x384: {  	v1 =	vadd.f32 v2, v1;
	_ =	sdelay $0x1  }
0x385: {  	v1 =	vadd.f32 v3, v1;
	_ =	sdelay $0x1  }
0x386: {  	v1 =	vadd.f32 v4, v1  }
0x387: {  	s0 =	sshra.s32 s3, $0x2  }
0x388: {  	[tilespmem:s0+$0x15B00] =	vst v1  }
0x389: {  	v1 =	vld [tilespmem:s31+$0xFFFFFC10]  }
0x38a: {  	v2 =	vld [tilespmem:s31+$0xFFFFFC90];
	_ =	sdelay $0x1  }
0x38b: {  	v3 =	vld [tilespmem:s31+$0xFFFFFD10];
	_ =	sdelay $0x1  }
0x38c: {  	v4 =	vld [tilespmem:s31+$0xFFFFFD90]  }
0x38d: {  	v1 =	vadd.f32 v2, v1  }
0x38e: {  	v2 =	vld [tilespmem:s31+$0xFFFFFE10]  }
0x38f: {  	v1 =	vadd.f32 v3, v1  }
0x390: {  	v3 =	vld [tilespmem:s31+$0xFFFFFE90]  }
0x391: {  	v1 =	vadd.f32 v4, v1  }
0x392: {  	v4 =	vld [tilespmem:s31+$0xFFFFFF10]  }
0x393: {  	v1 =	vadd.f32 v2, v1  }
0x394: {  	v2 =	vld [tilespmem:s31+$0xFFFFFF90]  }
0x395: {  	v1 =	vadd.f32 v3, v1  }
0x396: {  	v3 =	vld [tilespmem:s31+$0x10]  }
0x397: {  	v1 =	vadd.f32 v4, v1  }
0x398: {  	v4 =	vld [tilespmem:s31+$0x90]  }
0x399: {  	v1 =	vadd.f32 v2, v1  }
0x39a: {  	v2 =	vld [tilespmem:s31+$0x110]  }
0x39b: {  	v1 =	vadd.f32 v3, v1  }
0x39c: {  	v3 =	vld [tilespmem:s31+$0x190]  }
0x39d: {  	v1 =	vadd.f32 v4, v1  }
0x39e: {  	v4 =	vld [tilespmem:s31+$0x210]  }
0x39f: {  	v1 =	vadd.f32 v2, v1  }
0x3a0: {  	v2 =	vld [tilespmem:s31+$0x290]  }
0x3a1: {  	v1 =	vadd.f32 v3, v1  }
0x3a2: {  	v3 =	vld [tilespmem:s31+$0x310]  }
0x3a3: {  	v1 =	vadd.f32 v4, v1  }
0x3a4: {  	v4 =	vld [tilespmem:s31+$0x390]  }
0x3a5: {  	v1 =	vadd.f32 v2, v1;
	_ =	sdelay $0x1  }
0x3a6: {  	v1 =	vadd.f32 v3, v1;
	_ =	sdelay $0x1  }
0x3a7: {  	v1 =	vadd.f32 v4, v1;
	_ =	sdelay $0x1  }
0x3a8: {  	[tilespmem:s0+$0x15B10] =	vst v1  }
0x3a9: {  	v1 =	vld [tilespmem:s31+$0xFFFFFC20]  }
0x3aa: {  	v2 =	vld [tilespmem:s31+$0xFFFFFCA0];
	_ =	sdelay $0x1  }
0x3ab: {  	v3 =	vld [tilespmem:s31+$0xFFFFFD20];
	_ =	sdelay $0x1  }
0x3ac: {  	v4 =	vld [tilespmem:s31+$0xFFFFFDA0]  }
0x3ad: {  	v1 =	vadd.f32 v2, v1  }
0x3ae: {  	v2 =	vld [tilespmem:s31+$0xFFFFFE20]  }
0x3af: {  	v1 =	vadd.f32 v3, v1  }
0x3b0: {  	v3 =	vld [tilespmem:s31+$0xFFFFFEA0]  }
0x3b1: {  	v1 =	vadd.f32 v4, v1  }
0x3b2: {  	v4 =	vld [tilespmem:s31+$0xFFFFFF20]  }
0x3b3: {  	v1 =	vadd.f32 v2, v1  }
0x3b4: {  	v2 =	vld [tilespmem:s31+$0xFFFFFFA0]  }
0x3b5: {  	v1 =	vadd.f32 v3, v1  }
0x3b6: {  	v3 =	vld [tilespmem:s31+$0x20]  }
0x3b7: {  	v1 =	vadd.f32 v4, v1  }
0x3b8: {  	v4 =	vld [tilespmem:s31+$0xA0]  }
0x3b9: {  	v1 =	vadd.f32 v2, v1  }
0x3ba: {  	v2 =	vld [tilespmem:s31+$0x120]  }
0x3bb: {  	v1 =	vadd.f32 v3, v1  }
0x3bc: {  	v3 =	vld [tilespmem:s31+$0x1A0]  }
0x3bd: {  	v1 =	vadd.f32 v4, v1  }
0x3be: {  	v4 =	vld [tilespmem:s31+$0x220]  }
0x3bf: {  	v1 =	vadd.f32 v2, v1  }
0x3c0: {  	v2 =	vld [tilespmem:s31+$0x2A0]  }
0x3c1: {  	v1 =	vadd.f32 v3, v1  }
0x3c2: {  	v3 =	vld [tilespmem:s31+$0x320]  }
0x3c3: {  	v1 =	vadd.f32 v4, v1  }
0x3c4: {  	v4 =	vld [tilespmem:s31+$0x3A0]  }
0x3c5: {  	v1 =	vadd.f32 v2, v1;
	_ =	sdelay $0x1  }
0x3c6: {  	v1 =	vadd.f32 v3, v1;
	_ =	sdelay $0x1  }
0x3c7: {  	v1 =	vadd.f32 v4, v1;
	_ =	sdelay $0x1  }
0x3c8: {  	[tilespmem:s0+$0x15B20] =	vst v1  }
0x3c9: {  	v1 =	vld [tilespmem:s31+$0xFFFFFC30]  }
0x3ca: {  	v2 =	vld [tilespmem:s31+$0xFFFFFCB0]  }
0x3cb: {  	v3 =	vld [tilespmem:s31+$0xFFFFFD30];
	_ =	sdelay $0x2  }
0x3cc: {  	v4 =	vld [tilespmem:s31+$0xFFFFFDB0]  }
0x3cd: {  	v1 =	vadd.f32 v2, v1  }
0x3ce: {  	v2 =	vld [tilespmem:s31+$0xFFFFFE30]  }
0x3cf: {  	v1 =	vadd.f32 v3, v1  }
0x3d0: {  	v3 =	vld [tilespmem:s31+$0xFFFFFEB0]  }
0x3d1: {  	v1 =	vadd.f32 v4, v1  }
0x3d2: {  	v4 =	vld [tilespmem:s31+$0xFFFFFF30]  }
0x3d3: {  	v1 =	vadd.f32 v2, v1  }
0x3d4: {  	v2 =	vld [tilespmem:s31+$0xFFFFFFB0]  }
0x3d5: {  	v1 =	vadd.f32 v3, v1  }
0x3d6: {  	v3 =	vld [tilespmem:s31+$0x30]  }
0x3d7: {  	v1 =	vadd.f32 v4, v1  }
0x3d8: {  	v4 =	vld [tilespmem:s31+$0xB0]  }
0x3d9: {  	v1 =	vadd.f32 v2, v1  }
0x3da: {  	v2 =	vld [tilespmem:s31+$0x130]  }
0x3db: {  	v1 =	vadd.f32 v3, v1  }
0x3dc: {  	v3 =	vld [tilespmem:s31+$0x1B0]  }
0x3dd: {  	v1 =	vadd.f32 v4, v1  }
0x3de: {  	v4 =	vld [tilespmem:s31+$0x230]  }
0x3df: {  	v1 =	vadd.f32 v2, v1  }
0x3e0: {  	v2 =	vld [tilespmem:s31+$0x2B0]  }
0x3e1: {  	v1 =	vadd.f32 v3, v1  }
0x3e2: {  	v3 =	vld [tilespmem:s31+$0x330]  }
0x3e3: {  	v1 =	vadd.f32 v4, v1  }
0x3e4: {  	v4 =	vld [tilespmem:s31+$0x3B0]  }
0x3e5: {  	v1 =	vadd.f32 v2, v1;
	_ =	sdelay $0x1  }
0x3e6: {  	v1 =	vadd.f32 v3, v1;
	_ =	sdelay $0x1  }
0x3e7: {  	v1 =	vadd.f32 v4, v1;
	_ =	sdelay $0x1  }
0x3e8: {  	[tilespmem:s0+$0x15B30] =	vst v1  }
0x3e9: {  	v1 =	vld [tilespmem:s31+$0xFFFFFC40]  }
0x3ea: {  	v2 =	vld [tilespmem:s31+$0xFFFFFCC0]  }
0x3eb: {  	v3 =	vld [tilespmem:s31+$0xFFFFFD40];
	_ =	sdelay $0x2  }
0x3ec: {  	v4 =	vld [tilespmem:s31+$0xFFFFFDC0]  }
0x3ed: {  	v1 =	vadd.f32 v2, v1  }
0x3ee: {  	v2 =	vld [tilespmem:s31+$0xFFFFFE40]  }
0x3ef: {  	v1 =	vadd.f32 v3, v1  }
0x3f0: {  	v3 =	vld [tilespmem:s31+$0xFFFFFEC0]  }
0x3f1: {  	v1 =	vadd.f32 v4, v1  }
0x3f2: {  	v4 =	vld [tilespmem:s31+$0xFFFFFF40]  }
0x3f3: {  	v1 =	vadd.f32 v2, v1  }
0x3f4: {  	v2 =	vld [tilespmem:s31+$0xFFFFFFC0]  }
0x3f5: {  	v1 =	vadd.f32 v3, v1  }
0x3f6: {  	v3 =	vld [tilespmem:s31+$0x40]  }
0x3f7: {  	v1 =	vadd.f32 v4, v1  }
0x3f8: {  	v4 =	vld [tilespmem:s31+$0xC0]  }
0x3f9: {  	v1 =	vadd.f32 v2, v1  }
0x3fa: {  	v2 =	vld [tilespmem:s31+$0x140]  }
0x3fb: {  	v1 =	vadd.f32 v3, v1  }
0x3fc: {  	v3 =	vld [tilespmem:s31+$0x1C0]  }
0x3fd: {  	v1 =	vadd.f32 v4, v1  }
0x3fe: {  	v4 =	vld [tilespmem:s31+$0x240]  }
0x3ff: {  	v1 =	vadd.f32 v2, v1  }
0x400: {  	v2 =	vld [tilespmem:s31+$0x2C0]  }
0x401: {  	v1 =	vadd.f32 v3, v1  }
0x402: {  	v3 =	vld [tilespmem:s31+$0x340]  }
0x403: {  	v1 =	vadd.f32 v4, v1  }
0x404: {  	v4 =	vld [tilespmem:s31+$0x3C0]  }
0x405: {  	v1 =	vadd.f32 v2, v1;
	_ =	sdelay $0x1  }
0x406: {  	v1 =	vadd.f32 v3, v1;
	_ =	sdelay $0x1  }
0x407: {  	v1 =	vadd.f32 v4, v1;
	_ =	sdelay $0x1  }
0x408: {  	[tilespmem:s0+$0x15B40] =	vst v1  }
0x409: {  	v1 =	vld [tilespmem:s31+$0xFFFFFC50]  }
0x40a: {  	v2 =	vld [tilespmem:s31+$0xFFFFFCD0]  }
0x40b: {  	v3 =	vld [tilespmem:s31+$0xFFFFFD50]  }
0x40c: {  	v4 =	vld [tilespmem:s31+$0xFFFFFDD0]  }
0x40d: {  	v5 =	vld [tilespmem:s31+$0xFFFFFE50]  }
0x40e: {  	v6 =	vld [tilespmem:s31+$0xFFFFFED0]  }
0x40f: {  	v1 =	vadd.f32 v2, v1;
	v2 =	vld [tilespmem:s31+$0xFFFFFF50]  }
0x410: {  	v7 =	vld [tilespmem:s31+$0xFFFFFFD0]  }
0x411: {  	v1 =	vadd.f32 v3, v1;
	v3 =	vld [tilespmem:s31+$0x50]  }
0x412: {  	v8 =	vld [tilespmem:s31+$0xD0]  }
0x413: {  	v1 =	vadd.f32 v4, v1;
	v4 =	vld [tilespmem:s31+$0x150]  }
0x414: {  	v9 =	vld [tilespmem:s31+$0x1D0]  }
0x415: {  	v1 =	vadd.f32 v5, v1;
	v5 =	vld [tilespmem:s31+$0x250]  }
0x416: {  	v10 =	vld [tilespmem:s31+$0x2D0]  }
0x417: {  	v1 =	vadd.f32 v6, v1;
	v6 =	vld [tilespmem:s31+$0x350]  }
0x418: {  	v11 =	vld [tilespmem:s31+$0x3D0]  }
0x419: {  	v1 =	vadd.f32 v2, v1;
	_ =	sdelay $0x1  }
0x41a: {  	v1 =	vadd.f32 v7, v1;
	_ =	sdelay $0x1  }
0x41b: {  	v1 =	vadd.f32 v3, v1;
	_ =	sdelay $0x1  }
0x41c: {  	v1 =	vadd.f32 v8, v1;
	_ =	sdelay $0x1  }
0x41d: {  	v1 =	vadd.f32 v4, v1;
	_ =	sdelay $0x1  }
0x41e: {  	v1 =	vadd.f32 v9, v1;
	_ =	sdelay $0x1  }
0x41f: {  	v1 =	vadd.f32 v5, v1;
	_ =	sdelay $0x1  }
0x420: {  	v1 =	vadd.f32 v10, v1;
	_ =	sdelay $0x1  }
0x421: {  	v1 =	vadd.f32 v6, v1;
	_ =	sdelay $0x1  }
0x422: {  	v1 =	vadd.f32 v11, v1;
	_ =	sdelay $0x1  }
0x423: {  	[tilespmem:s0+$0x15B50] =	vst v1  }
0x424: {  	v1 =	vld [tilespmem:s31+$0xFFFFFC60]  }
0x425: {  	v2 =	vld [tilespmem:s31+$0xFFFFFCE0]  }
0x426: {  	v3 =	vld [tilespmem:s31+$0xFFFFFD60]  }
0x427: {  	v4 =	vld [tilespmem:s31+$0xFFFFFDE0]  }
0x428: {  	v5 =	vld [tilespmem:s31+$0xFFFFFE60]  }
0x429: {  	v6 =	vld [tilespmem:s31+$0xFFFFFEE0]  }
0x42a: {  	v1 =	vadd.f32 v2, v1;
	v2 =	vld [tilespmem:s31+$0xFFFFFF60]  }
0x42b: {  	v7 =	vld [tilespmem:s31+$0xFFFFFFE0]  }
0x42c: {  	v1 =	vadd.f32 v3, v1;
	v3 =	vld [tilespmem:s31+$0x60]  }
0x42d: {  	v8 =	vld [tilespmem:s31+$0xE0]  }
0x42e: {  	v1 =	vadd.f32 v4, v1;
	v4 =	vld [tilespmem:s31+$0x160]  }
0x42f: {  	v9 =	vld [tilespmem:s31+$0x1E0]  }
0x430: {  	v1 =	vadd.f32 v5, v1;
	v5 =	vld [tilespmem:s31+$0x260]  }
0x431: {  	v10 =	vld [tilespmem:s31+$0x2E0]  }
0x432: {  	v1 =	vadd.f32 v6, v1;
	v6 =	vld [tilespmem:s31+$0x360]  }
0x433: {  	v11 =	vld [tilespmem:s31+$0x3E0]  }
0x434: {  	v1 =	vadd.f32 v2, v1;
	_ =	sdelay $0x1  }
0x435: {  	v1 =	vadd.f32 v7, v1;
	_ =	sdelay $0x1  }
0x436: {  	v1 =	vadd.f32 v3, v1;
	_ =	sdelay $0x1  }
0x437: {  	v1 =	vadd.f32 v8, v1;
	_ =	sdelay $0x1  }
0x438: {  	v1 =	vadd.f32 v4, v1;
	_ =	sdelay $0x1  }
0x439: {  	v1 =	vadd.f32 v9, v1;
	_ =	sdelay $0x1  }
0x43a: {  	v1 =	vadd.f32 v5, v1;
	_ =	sdelay $0x1  }
0x43b: {  	v1 =	vadd.f32 v10, v1;
	_ =	sdelay $0x1  }
0x43c: {  	v1 =	vadd.f32 v6, v1;
	_ =	sdelay $0x1  }
0x43d: {  	v1 =	vadd.f32 v11, v1;
	_ =	sdelay $0x1  }
0x43e: {  	[tilespmem:s0+$0x15B60] =	vst v1  }
0x43f: {  	v1 =	vld [tilespmem:s31+$0xFFFFFC70]  }
0x440: {  	v2 =	vld [tilespmem:s31+$0xFFFFFCF0]  }
0x441: {  	v3 =	vld [tilespmem:s31+$0xFFFFFD70]  }
0x442: {  	v4 =	vld [tilespmem:s31+$0xFFFFFDF0]  }
0x443: {  	v5 =	vld [tilespmem:s31+$0xFFFFFE70]  }
0x444: {  	v6 =	vld [tilespmem:s31+$0xFFFFFEF0]  }
0x445: {  	v1 =	vadd.f32 v2, v1;
	v7 =	vld [tilespmem:s31+$0xFFFFFF70]  }
0x446: {  	v8 =	vld [tilespmem:s31+$0xFFFFFFF0]  }
0x447: {  	v1 =	vadd.f32 v3, v1;
	v9 =	vld [tilespmem:s31+$0x70]  }
0x448: {  	v10 =	vld [tilespmem:s31+$0xF0]  }
0x449: {  	v1 =	vadd.f32 v4, v1;
	v11 =	vld [tilespmem:s31+$0x170]  }
0x44a: {  	v12 =	vld [tilespmem:s31+$0x1F0]  }
0x44b: {  	v2 =	vadd.f32 v5, v1;
	v4 =	vld [tilespmem:s31+$0x270]  }
0x44c: {  	v1 =	vld [tilespmem:s31+$0x2F0]  }
0x44d: {  	v5 =	vadd.f32 v6, v2;
	v2 =	vld [tilespmem:s31+$0x370]  }
0x44e: {  	v3 =	vld [tilespmem:s31+$0x3F0]  }
0x44f: {  	v5 =	vadd.f32 v7, v5;
	_ =	sdelay $0x1  }
0x450: {  	v5 =	vadd.f32 v8, v5;
	_ =	sdelay $0x1  }
0x451: {  	v5 =	vadd.f32 v9, v5;
	_ =	sdelay $0x1  }
.Ltmp1:
0x452: {  	v5 =	vadd.f32 v10, v5;
	(pc) =	sbr.rel @p0 .LBB2_4-.Ltmp1, $3  }
0x453: {  	_ = 	snop  }
0x454: {  	v5 =	vadd.f32 v11, v5;
	_ =	sdelay $0x1  }
0x455: {  	v5 =	vadd.f32 v12, v5  }
0x456: {  	_ = 	snop  }
0x457: {  	v4 =	vadd.f32 v4, v5;
	_ =	sdelay $0x1  }
0x458: {  	v1 =	vadd.f32 v1, v4;
	_ =	sdelay $0x1  }
0x459: {  	v1 =	vadd.f32 v2, v1;
	_ =	sdelay $0x1  }
0x45a: {  	v1 =	vadd.f32 v3, v1;
	_ =	sdelay $0x1  }
0x45b: {  	[tilespmem:s0+$0x15B70] =	vst v1  }
0x45c: {  	[tilespmem:s21], [sflag:$0x4] =	stream.indirect.gather [hbm4b:s1+s16], $0x80, s24, s16, $0xb8;
	[tilespmem:$0x17600] =	vst v63  }
0x45d: {  	_ =	swait.ge [sflag:s15], $0x9000  }
0x45e: {  	[sflag:s15] =	ssyncset.done $0x0  }
0x45f: {  	s31 =	simm.s32 $0x1200;
	[sflag:s15] =	ssyncadd.s32 $0xFFFF7000  }
0x460: {  	v1 =	vld [tilespmem:s31+$0xFFFFFC80]  }
0x461: {  	v2 =	vld [tilespmem:s31+$0xFFFFFC00];
	_ =	sdelay $0x1  }
0x462: {  	v3 =	vld [tilespmem:s31+$0xFFFFFD00];
	_ =	sdelay $0x1  }
0x463: {  	v4 =	vld [tilespmem:s31+$0xFFFFFD80]  }
0x464: {  	v1 =	vadd.f32 v1, v2  }
0x465: {  	v2 =	vld [tilespmem:s31+$0xFFFFFE00]  }
0x466: {  	v1 =	vadd.f32 v3, v1  }
0x467: {  	v3 =	vld [tilespmem:s31+$0xFFFFFE80]  }
0x468: {  	v1 =	vadd.f32 v4, v1  }
0x469: {  	v4 =	vld [tilespmem:s31+$0xFFFFFF00]  }
0x46a: {  	v1 =	vadd.f32 v2, v1  }
0x46b: {  	v2 =	vld [tilespmem:s31+$0xFFFFFF80]  }
0x46c: {  	v1 =	vadd.f32 v3, v1  }
0x46d: {  	v3 =	vld [tilespmem:s31+$0x0]  }
0x46e: {  	v1 =	vadd.f32 v4, v1  }
0x46f: {  	v4 =	vld [tilespmem:s31+$0x80]  }
0x470: {  	v1 =	vadd.f32 v2, v1  }
0x471: {  	v2 =	vld [tilespmem:s31+$0x100]  }
0x472: {  	v1 =	vadd.f32 v3, v1  }
0x473: {  	v3 =	vld [tilespmem:s31+$0x180]  }
0x474: {  	v1 =	vadd.f32 v4, v1  }
0x475: {  	v4 =	vld [tilespmem:s31+$0x200]  }
0x476: {  	v1 =	vadd.f32 v2, v1  }
0x477: {  	v2 =	vld [tilespmem:s31+$0x280]  }
0x478: {  	v1 =	vadd.f32 v3, v1  }
0x479: {  	v3 =	vld [tilespmem:s31+$0x300]  }
0x47a: {  	v1 =	vadd.f32 v4, v1  }
0x47b: {  	v4 =	vld [tilespmem:s31+$0x380]  }
0x47c: {  	v1 =	vadd.f32 v2, v1;
	_ =	sdelay $0x1  }
0x47d: {  	v1 =	vadd.f32 v3, v1;
	_ =	sdelay $0x1  }
0x47e: {  	v1 =	vadd.f32 v4, v1  }
0x47f: {  	s0 =	simm.s32 $0x0  }
0x480: {  	[tilespmem:s0+$0x16400] =	vst v1  }
0x481: {  	v1 =	vld [tilespmem:s31+$0xFFFFFC10]  }
0x482: {  	v2 =	vld [tilespmem:s31+$0xFFFFFC90];
	_ =	sdelay $0x1  }
0x483: {  	v3 =	vld [tilespmem:s31+$0xFFFFFD10];
	_ =	sdelay $0x1  }
0x484: {  	v4 =	vld [tilespmem:s31+$0xFFFFFD90]  }
0x485: {  	v1 =	vadd.f32 v2, v1  }
0x486: {  	v2 =	vld [tilespmem:s31+$0xFFFFFE10]  }
0x487: {  	v1 =	vadd.f32 v3, v1  }
0x488: {  	v3 =	vld [tilespmem:s31+$0xFFFFFE90]  }
0x489: {  	v1 =	vadd.f32 v4, v1  }
0x48a: {  	v4 =	vld [tilespmem:s31+$0xFFFFFF10]  }
0x48b: {  	v1 =	vadd.f32 v2, v1  }
0x48c: {  	v2 =	vld [tilespmem:s31+$0xFFFFFF90]  }
0x48d: {  	v1 =	vadd.f32 v3, v1  }
0x48e: {  	v3 =	vld [tilespmem:s31+$0x10]  }
0x48f: {  	v1 =	vadd.f32 v4, v1  }
0x490: {  	v4 =	vld [tilespmem:s31+$0x90]  }
0x491: {  	v1 =	vadd.f32 v2, v1  }
0x492: {  	v2 =	vld [tilespmem:s31+$0x110]  }
0x493: {  	v1 =	vadd.f32 v3, v1  }
0x494: {  	v3 =	vld [tilespmem:s31+$0x190]  }
0x495: {  	v1 =	vadd.f32 v4, v1  }
0x496: {  	v4 =	vld [tilespmem:s31+$0x210]  }
0x497: {  	v1 =	vadd.f32 v2, v1  }
0x498: {  	v2 =	vld [tilespmem:s31+$0x290]  }
0x499: {  	v1 =	vadd.f32 v3, v1  }
0x49a: {  	v3 =	vld [tilespmem:s31+$0x310]  }
0x49b: {  	v1 =	vadd.f32 v4, v1  }
0x49c: {  	v4 =	vld [tilespmem:s31+$0x390]  }
0x49d: {  	v1 =	vadd.f32 v2, v1;
	_ =	sdelay $0x1  }
0x49e: {  	v1 =	vadd.f32 v3, v1;
	_ =	sdelay $0x1  }
0x49f: {  	v1 =	vadd.f32 v4, v1;
	_ =	sdelay $0x1  }
0x4a0: {  	[tilespmem:s0+$0x16410] =	vst v1  }
0x4a1: {  	v1 =	vld [tilespmem:s31+$0xFFFFFC20]  }
0x4a2: {  	v2 =	vld [tilespmem:s31+$0xFFFFFCA0];
	_ =	sdelay $0x1  }
0x4a3: {  	v3 =	vld [tilespmem:s31+$0xFFFFFD20];
	_ =	sdelay $0x1  }
0x4a4: {  	v4 =	vld [tilespmem:s31+$0xFFFFFDA0]  }
0x4a5: {  	v1 =	vadd.f32 v2, v1  }
0x4a6: {  	v2 =	vld [tilespmem:s31+$0xFFFFFE20]  }
0x4a7: {  	v1 =	vadd.f32 v3, v1  }
0x4a8: {  	v3 =	vld [tilespmem:s31+$0xFFFFFEA0]  }
0x4a9: {  	v1 =	vadd.f32 v4, v1  }
0x4aa: {  	v4 =	vld [tilespmem:s31+$0xFFFFFF20]  }
0x4ab: {  	v1 =	vadd.f32 v2, v1  }
0x4ac: {  	v2 =	vld [tilespmem:s31+$0xFFFFFFA0]  }
0x4ad: {  	v1 =	vadd.f32 v3, v1  }
0x4ae: {  	v3 =	vld [tilespmem:s31+$0x20]  }
0x4af: {  	v1 =	vadd.f32 v4, v1  }
0x4b0: {  	v4 =	vld [tilespmem:s31+$0xA0]  }
0x4b1: {  	v1 =	vadd.f32 v2, v1  }
0x4b2: {  	v2 =	vld [tilespmem:s31+$0x120]  }
0x4b3: {  	v1 =	vadd.f32 v3, v1  }
0x4b4: {  	v3 =	vld [tilespmem:s31+$0x1A0]  }
0x4b5: {  	v1 =	vadd.f32 v4, v1  }
0x4b6: {  	v4 =	vld [tilespmem:s31+$0x220]  }
0x4b7: {  	v1 =	vadd.f32 v2, v1  }
0x4b8: {  	v2 =	vld [tilespmem:s31+$0x2A0]  }
0x4b9: {  	v1 =	vadd.f32 v3, v1  }
0x4ba: {  	v3 =	vld [tilespmem:s31+$0x320]  }
0x4bb: {  	v1 =	vadd.f32 v4, v1  }
0x4bc: {  	v4 =	vld [tilespmem:s31+$0x3A0]  }
0x4bd: {  	v1 =	vadd.f32 v2, v1;
	_ =	sdelay $0x1  }
0x4be: {  	v1 =	vadd.f32 v3, v1;
	_ =	sdelay $0x1  }
0x4bf: {  	v1 =	vadd.f32 v4, v1;
	_ =	sdelay $0x1  }
0x4c0: {  	[tilespmem:s0+$0x16420] =	vst v1  }
0x4c1: {  	v1 =	vld [tilespmem:s31+$0xFFFFFC30]  }
0x4c2: {  	v2 =	vld [tilespmem:s31+$0xFFFFFCB0];
	_ =	sdelay $0x1  }
0x4c3: {  	v3 =	vld [tilespmem:s31+$0xFFFFFD30];
	_ =	sdelay $0x1  }
0x4c4: {  	v4 =	vld [tilespmem:s31+$0xFFFFFDB0]  }
0x4c5: {  	v1 =	vadd.f32 v2, v1  }
0x4c6: {  	v2 =	vld [tilespmem:s31+$0xFFFFFE30]  }
0x4c7: {  	v1 =	vadd.f32 v3, v1  }
0x4c8: {  	v3 =	vld [tilespmem:s31+$0xFFFFFEB0]  }
0x4c9: {  	v1 =	vadd.f32 v4, v1  }
0x4ca: {  	v4 =	vld [tilespmem:s31+$0xFFFFFF30]  }
0x4cb: {  	v1 =	vadd.f32 v2, v1  }
0x4cc: {  	v2 =	vld [tilespmem:s31+$0xFFFFFFB0]  }
0x4cd: {  	v1 =	vadd.f32 v3, v1  }
0x4ce: {  	v3 =	vld [tilespmem:s31+$0x30]  }
0x4cf: {  	v1 =	vadd.f32 v4, v1  }
0x4d0: {  	v4 =	vld [tilespmem:s31+$0xB0]  }
0x4d1: {  	v1 =	vadd.f32 v2, v1  }
0x4d2: {  	v2 =	vld [tilespmem:s31+$0x130]  }
0x4d3: {  	v1 =	vadd.f32 v3, v1  }
0x4d4: {  	v3 =	vld [tilespmem:s31+$0x1B0]  }
0x4d5: {  	v1 =	vadd.f32 v4, v1  }
0x4d6: {  	v4 =	vld [tilespmem:s31+$0x230]  }
0x4d7: {  	v1 =	vadd.f32 v2, v1  }
0x4d8: {  	v2 =	vld [tilespmem:s31+$0x2B0]  }
0x4d9: {  	v1 =	vadd.f32 v3, v1  }
0x4da: {  	v3 =	vld [tilespmem:s31+$0x330]  }
0x4db: {  	v1 =	vadd.f32 v4, v1  }
0x4dc: {  	v4 =	vld [tilespmem:s31+$0x3B0]  }
0x4dd: {  	v1 =	vadd.f32 v2, v1;
	_ =	sdelay $0x1  }
0x4de: {  	v1 =	vadd.f32 v3, v1;
	_ =	sdelay $0x1  }
0x4df: {  	v1 =	vadd.f32 v4, v1;
	_ =	sdelay $0x1  }
0x4e0: {  	[tilespmem:s0+$0x16430] =	vst v1  }
0x4e1: {  	v1 =	vld [tilespmem:s31+$0xFFFFFC40]  }
0x4e2: {  	v2 =	vld [tilespmem:s31+$0xFFFFFCC0];
	_ =	sdelay $0x1  }
0x4e3: {  	v3 =	vld [tilespmem:s31+$0xFFFFFD40];
	_ =	sdelay $0x1  }
0x4e4: {  	v4 =	vld [tilespmem:s31+$0xFFFFFDC0]  }
0x4e5: {  	v1 =	vadd.f32 v2, v1  }
0x4e6: {  	v2 =	vld [tilespmem:s31+$0xFFFFFE40]  }
0x4e7: {  	v1 =	vadd.f32 v3, v1  }
0x4e8: {  	v3 =	vld [tilespmem:s31+$0xFFFFFEC0]  }
0x4e9: {  	v1 =	vadd.f32 v4, v1  }
0x4ea: {  	v4 =	vld [tilespmem:s31+$0xFFFFFF40]  }
0x4eb: {  	v1 =	vadd.f32 v2, v1  }
0x4ec: {  	v2 =	vld [tilespmem:s31+$0xFFFFFFC0]  }
0x4ed: {  	v1 =	vadd.f32 v3, v1  }
0x4ee: {  	v3 =	vld [tilespmem:s31+$0x40]  }
0x4ef: {  	v1 =	vadd.f32 v4, v1  }
0x4f0: {  	v4 =	vld [tilespmem:s31+$0xC0]  }
0x4f1: {  	v1 =	vadd.f32 v2, v1  }
0x4f2: {  	v2 =	vld [tilespmem:s31+$0x140]  }
0x4f3: {  	v1 =	vadd.f32 v3, v1  }
0x4f4: {  	v3 =	vld [tilespmem:s31+$0x1C0]  }
0x4f5: {  	v1 =	vadd.f32 v4, v1  }
0x4f6: {  	v4 =	vld [tilespmem:s31+$0x240]  }
0x4f7: {  	v1 =	vadd.f32 v2, v1  }
0x4f8: {  	v2 =	vld [tilespmem:s31+$0x2C0]  }
0x4f9: {  	v1 =	vadd.f32 v3, v1  }
0x4fa: {  	v3 =	vld [tilespmem:s31+$0x340]  }
0x4fb: {  	v1 =	vadd.f32 v4, v1  }
0x4fc: {  	v4 =	vld [tilespmem:s31+$0x3C0]  }
0x4fd: {  	v1 =	vadd.f32 v2, v1;
	_ =	sdelay $0x1  }
0x4fe: {  	v1 =	vadd.f32 v3, v1;
	_ =	sdelay $0x1  }
0x4ff: {  	v1 =	vadd.f32 v4, v1;
	_ =	sdelay $0x1  }
0x500: {  	[tilespmem:s0+$0x16440] =	vst v1  }
0x501: {  	v1 =	vld [tilespmem:s31+$0xFFFFFC50]  }
0x502: {  	v2 =	vld [tilespmem:s31+$0xFFFFFCD0];
	_ =	sdelay $0x1  }
0x503: {  	v3 =	vld [tilespmem:s31+$0xFFFFFD50];
	_ =	sdelay $0x1  }
0x504: {  	v4 =	vld [tilespmem:s31+$0xFFFFFDD0]  }
0x505: {  	v1 =	vadd.f32 v2, v1  }
0x506: {  	v2 =	vld [tilespmem:s31+$0xFFFFFE50]  }
0x507: {  	v1 =	vadd.f32 v3, v1  }
0x508: {  	v3 =	vld [tilespmem:s31+$0xFFFFFED0]  }
0x509: {  	v1 =	vadd.f32 v4, v1  }
0x50a: {  	v4 =	vld [tilespmem:s31+$0xFFFFFF50]  }
0x50b: {  	v1 =	vadd.f32 v2, v1  }
0x50c: {  	v2 =	vld [tilespmem:s31+$0xFFFFFFD0]  }
0x50d: {  	v1 =	vadd.f32 v3, v1  }
0x50e: {  	v3 =	vld [tilespmem:s31+$0x50]  }
0x50f: {  	v1 =	vadd.f32 v4, v1  }
0x510: {  	v4 =	vld [tilespmem:s31+$0xD0]  }
0x511: {  	v1 =	vadd.f32 v2, v1  }
0x512: {  	v2 =	vld [tilespmem:s31+$0x150]  }
0x513: {  	v1 =	vadd.f32 v3, v1  }
0x514: {  	v3 =	vld [tilespmem:s31+$0x1D0]  }
0x515: {  	v1 =	vadd.f32 v4, v1  }
0x516: {  	v4 =	vld [tilespmem:s31+$0x250]  }
0x517: {  	v1 =	vadd.f32 v2, v1  }
0x518: {  	v2 =	vld [tilespmem:s31+$0x2D0]  }
0x519: {  	v1 =	vadd.f32 v3, v1  }
0x51a: {  	v3 =	vld [tilespmem:s31+$0x350]  }
0x51b: {  	v1 =	vadd.f32 v4, v1  }
0x51c: {  	v4 =	vld [tilespmem:s31+$0x3D0]  }
0x51d: {  	v1 =	vadd.f32 v2, v1;
	_ =	sdelay $0x1  }
0x51e: {  	v1 =	vadd.f32 v3, v1;
	_ =	sdelay $0x1  }
0x51f: {  	v1 =	vadd.f32 v4, v1;
	_ =	sdelay $0x1  }
0x520: {  	[tilespmem:s0+$0x16450] =	vst v1  }
0x521: {  	v1 =	vld [tilespmem:s31+$0xFFFFFC60]  }
0x522: {  	v2 =	vld [tilespmem:s31+$0xFFFFFCE0];
	_ =	sdelay $0x1  }
0x523: {  	v3 =	vld [tilespmem:s31+$0xFFFFFD60];
	_ =	sdelay $0x1  }
0x524: {  	v4 =	vld [tilespmem:s31+$0xFFFFFDE0]  }
0x525: {  	v1 =	vadd.f32 v2, v1  }
0x526: {  	v2 =	vld [tilespmem:s31+$0xFFFFFE60]  }
0x527: {  	v1 =	vadd.f32 v3, v1  }
0x528: {  	v3 =	vld [tilespmem:s31+$0xFFFFFEE0]  }
0x529: {  	v1 =	vadd.f32 v4, v1  }
0x52a: {  	v4 =	vld [tilespmem:s31+$0xFFFFFF60]  }
0x52b: {  	v1 =	vadd.f32 v2, v1  }
0x52c: {  	v2 =	vld [tilespmem:s31+$0xFFFFFFE0]  }
0x52d: {  	v1 =	vadd.f32 v3, v1  }
0x52e: {  	v3 =	vld [tilespmem:s31+$0x60]  }
0x52f: {  	v1 =	vadd.f32 v4, v1  }
0x530: {  	v4 =	vld [tilespmem:s31+$0xE0]  }
0x531: {  	v1 =	vadd.f32 v2, v1  }
0x532: {  	v2 =	vld [tilespmem:s31+$0x160]  }
0x533: {  	v1 =	vadd.f32 v3, v1  }
0x534: {  	v3 =	vld [tilespmem:s31+$0x1E0]  }
0x535: {  	v1 =	vadd.f32 v4, v1  }
0x536: {  	v4 =	vld [tilespmem:s31+$0x260]  }
0x537: {  	v1 =	vadd.f32 v2, v1  }
0x538: {  	v2 =	vld [tilespmem:s31+$0x2E0]  }
0x539: {  	v1 =	vadd.f32 v3, v1  }
0x53a: {  	v3 =	vld [tilespmem:s31+$0x360]  }
0x53b: {  	v1 =	vadd.f32 v4, v1  }
0x53c: {  	v4 =	vld [tilespmem:s31+$0x3E0]  }
0x53d: {  	v1 =	vadd.f32 v2, v1;
	_ =	sdelay $0x1  }
0x53e: {  	v1 =	vadd.f32 v3, v1;
	_ =	sdelay $0x1  }
0x53f: {  	v1 =	vadd.f32 v4, v1;
	_ =	sdelay $0x1  }
0x540: {  	[tilespmem:s0+$0x16460] =	vst v1  }
0x541: {  	v1 =	vld [tilespmem:s31+$0xFFFFFC70]  }
0x542: {  	v2 =	vld [tilespmem:s31+$0xFFFFFCF0];
	_ =	sdelay $0x1  }
0x543: {  	v3 =	vld [tilespmem:s31+$0xFFFFFD70];
	_ =	sdelay $0x1  }
0x544: {  	v4 =	vld [tilespmem:s31+$0xFFFFFDF0]  }
0x545: {  	v1 =	vadd.f32 v2, v1  }
0x546: {  	v2 =	vld [tilespmem:s31+$0xFFFFFE70]  }
0x547: {  	v1 =	vadd.f32 v3, v1  }
0x548: {  	v3 =	vld [tilespmem:s31+$0xFFFFFEF0]  }
0x549: {  	v1 =	vadd.f32 v4, v1  }
0x54a: {  	v4 =	vld [tilespmem:s31+$0xFFFFFF70]  }
0x54b: {  	v1 =	vadd.f32 v2, v1  }
0x54c: {  	v2 =	vld [tilespmem:s31+$0xFFFFFFF0]  }
0x54d: {  	v1 =	vadd.f32 v3, v1  }
0x54e: {  	v3 =	vld [tilespmem:s31+$0x70]  }
0x54f: {  	v1 =	vadd.f32 v4, v1  }
0x550: {  	v4 =	vld [tilespmem:s31+$0xF0]  }
0x551: {  	v1 =	vadd.f32 v2, v1  }
0x552: {  	v2 =	vld [tilespmem:s31+$0x170]  }
0x553: {  	v1 =	vadd.f32 v3, v1  }
0x554: {  	v5 =	vld [tilespmem:s31+$0x1F0]  }
0x555: {  	v3 =	vadd.f32 v4, v1  }
0x556: {  	v4 =	vld [tilespmem:s31+$0x270]  }
0x557: {  	v1 =	vld [tilespmem:s31+$0x2F0];
	v6 =	vadd.f32 v2, v3  }
0x558: {  	v2 =	vld [tilespmem:s31+$0x370]  }
0x559: {  	s2 =	simm.s32 $0x200;
	v3 =	vld [tilespmem:s31+$0x3F0];
	v5 =	vadd.f32 v5, v6  }
.LBB2_6:
0x55a: {  	p0 =	sne.s32 s2, $0x2200  }
0x55b: {  	s31 =	sadd.s32 $0x800, s31;
	s3 =	smov.u32 s2;
	s2 =	sadd.s32 $0x200, s2;
	v4 =	vadd.f32 v4, v5  }
0x55c: {  	_ = 	snop  }
0x55d: {  	v1 =	vadd.f32 v1, v4;
	_ =	sdelay $0x1  }
0x55e: {  	v1 =	vadd.f32 v2, v1;
	_ =	sdelay $0x1  }
0x55f: {  	v1 =	vadd.f32 v3, v1;
	_ =	sdelay $0x1  }
0x560: {  	[tilespmem:s0+$0x16470] =	vst v1  }
0x561: {  	v1 =	vld [tilespmem:s31+$0xFFFFFC80]  }
0x562: {  	v2 =	vld [tilespmem:s31+$0xFFFFFC00]  }
0x563: {  	v3 =	vld [tilespmem:s31+$0xFFFFFD00];
	_ =	sdelay $0x2  }
0x564: {  	v4 =	vld [tilespmem:s31+$0xFFFFFD80]  }
0x565: {  	v1 =	vadd.f32 v1, v2  }
0x566: {  	v2 =	vld [tilespmem:s31+$0xFFFFFE00]  }
0x567: {  	v1 =	vadd.f32 v3, v1  }
0x568: {  	v3 =	vld [tilespmem:s31+$0xFFFFFE80]  }
0x569: {  	v1 =	vadd.f32 v4, v1  }
0x56a: {  	v4 =	vld [tilespmem:s31+$0xFFFFFF00]  }
0x56b: {  	v1 =	vadd.f32 v2, v1  }
0x56c: {  	v2 =	vld [tilespmem:s31+$0xFFFFFF80]  }
0x56d: {  	v1 =	vadd.f32 v3, v1  }
0x56e: {  	v3 =	vld [tilespmem:s31+$0x0]  }
0x56f: {  	v1 =	vadd.f32 v4, v1  }
0x570: {  	v4 =	vld [tilespmem:s31+$0x80]  }
0x571: {  	v1 =	vadd.f32 v2, v1  }
0x572: {  	v2 =	vld [tilespmem:s31+$0x100]  }
0x573: {  	v1 =	vadd.f32 v3, v1  }
0x574: {  	v3 =	vld [tilespmem:s31+$0x180]  }
0x575: {  	v1 =	vadd.f32 v4, v1  }
0x576: {  	v4 =	vld [tilespmem:s31+$0x200]  }
0x577: {  	v1 =	vadd.f32 v2, v1  }
0x578: {  	v2 =	vld [tilespmem:s31+$0x280]  }
0x579: {  	v1 =	vadd.f32 v3, v1  }
0x57a: {  	v3 =	vld [tilespmem:s31+$0x300]  }
0x57b: {  	v1 =	vadd.f32 v4, v1  }
0x57c: {  	v4 =	vld [tilespmem:s31+$0x380]  }
0x57d: {  	v1 =	vadd.f32 v2, v1;
	_ =	sdelay $0x1  }
0x57e: {  	v1 =	vadd.f32 v3, v1;
	_ =	sdelay $0x1  }
0x57f: {  	v1 =	vadd.f32 v4, v1  }
0x580: {  	s0 =	sshra.s32 s3, $0x2  }
0x581: {  	[tilespmem:s0+$0x16400] =	vst v1  }
0x582: {  	v1 =	vld [tilespmem:s31+$0xFFFFFC10]  }
0x583: {  	v2 =	vld [tilespmem:s31+$0xFFFFFC90];
	_ =	sdelay $0x1  }
0x584: {  	v3 =	vld [tilespmem:s31+$0xFFFFFD10];
	_ =	sdelay $0x1  }
0x585: {  	v4 =	vld [tilespmem:s31+$0xFFFFFD90]  }
0x586: {  	v1 =	vadd.f32 v2, v1  }
0x587: {  	v2 =	vld [tilespmem:s31+$0xFFFFFE10]  }
0x588: {  	v1 =	vadd.f32 v3, v1  }
0x589: {  	v3 =	vld [tilespmem:s31+$0xFFFFFE90]  }
0x58a: {  	v1 =	vadd.f32 v4, v1  }
0x58b: {  	v4 =	vld [tilespmem:s31+$0xFFFFFF10]  }
0x58c: {  	v1 =	vadd.f32 v2, v1  }
0x58d: {  	v2 =	vld [tilespmem:s31+$0xFFFFFF90]  }
0x58e: {  	v1 =	vadd.f32 v3, v1  }
0x58f: {  	v3 =	vld [tilespmem:s31+$0x10]  }
0x590: {  	v1 =	vadd.f32 v4, v1  }
0x591: {  	v4 =	vld [tilespmem:s31+$0x90]  }
0x592: {  	v1 =	vadd.f32 v2, v1  }
0x593: {  	v2 =	vld [tilespmem:s31+$0x110]  }
0x594: {  	v1 =	vadd.f32 v3, v1  }
0x595: {  	v3 =	vld [tilespmem:s31+$0x190]  }
0x596: {  	v1 =	vadd.f32 v4, v1  }
0x597: {  	v4 =	vld [tilespmem:s31+$0x210]  }
0x598: {  	v1 =	vadd.f32 v2, v1  }
0x599: {  	v2 =	vld [tilespmem:s31+$0x290]  }
0x59a: {  	v1 =	vadd.f32 v3, v1  }
0x59b: {  	v3 =	vld [tilespmem:s31+$0x310]  }
0x59c: {  	v1 =	vadd.f32 v4, v1  }
0x59d: {  	v4 =	vld [tilespmem:s31+$0x390]  }
0x59e: {  	v1 =	vadd.f32 v2, v1;
	_ =	sdelay $0x1  }
0x59f: {  	v1 =	vadd.f32 v3, v1;
	_ =	sdelay $0x1  }
0x5a0: {  	v1 =	vadd.f32 v4, v1;
	_ =	sdelay $0x1  }
0x5a1: {  	[tilespmem:s0+$0x16410] =	vst v1  }
0x5a2: {  	v1 =	vld [tilespmem:s31+$0xFFFFFC20]  }
0x5a3: {  	v2 =	vld [tilespmem:s31+$0xFFFFFCA0];
	_ =	sdelay $0x1  }
0x5a4: {  	v3 =	vld [tilespmem:s31+$0xFFFFFD20];
	_ =	sdelay $0x1  }
0x5a5: {  	v4 =	vld [tilespmem:s31+$0xFFFFFDA0]  }
0x5a6: {  	v1 =	vadd.f32 v2, v1  }
0x5a7: {  	v2 =	vld [tilespmem:s31+$0xFFFFFE20]  }
0x5a8: {  	v1 =	vadd.f32 v3, v1  }
0x5a9: {  	v3 =	vld [tilespmem:s31+$0xFFFFFEA0]  }
0x5aa: {  	v1 =	vadd.f32 v4, v1  }
0x5ab: {  	v4 =	vld [tilespmem:s31+$0xFFFFFF20]  }
0x5ac: {  	v1 =	vadd.f32 v2, v1  }
0x5ad: {  	v2 =	vld [tilespmem:s31+$0xFFFFFFA0]  }
0x5ae: {  	v1 =	vadd.f32 v3, v1  }
0x5af: {  	v3 =	vld [tilespmem:s31+$0x20]  }
0x5b0: {  	v1 =	vadd.f32 v4, v1  }
0x5b1: {  	v4 =	vld [tilespmem:s31+$0xA0]  }
0x5b2: {  	v1 =	vadd.f32 v2, v1  }
0x5b3: {  	v2 =	vld [tilespmem:s31+$0x120]  }
0x5b4: {  	v1 =	vadd.f32 v3, v1  }
0x5b5: {  	v3 =	vld [tilespmem:s31+$0x1A0]  }
0x5b6: {  	v1 =	vadd.f32 v4, v1  }
0x5b7: {  	v4 =	vld [tilespmem:s31+$0x220]  }
0x5b8: {  	v1 =	vadd.f32 v2, v1  }
0x5b9: {  	v2 =	vld [tilespmem:s31+$0x2A0]  }
0x5ba: {  	v1 =	vadd.f32 v3, v1  }
0x5bb: {  	v3 =	vld [tilespmem:s31+$0x320]  }
0x5bc: {  	v1 =	vadd.f32 v4, v1  }
0x5bd: {  	v4 =	vld [tilespmem:s31+$0x3A0]  }
0x5be: {  	v1 =	vadd.f32 v2, v1;
	_ =	sdelay $0x1  }
0x5bf: {  	v1 =	vadd.f32 v3, v1;
	_ =	sdelay $0x1  }
0x5c0: {  	v1 =	vadd.f32 v4, v1;
	_ =	sdelay $0x1  }
0x5c1: {  	[tilespmem:s0+$0x16420] =	vst v1  }
0x5c2: {  	v1 =	vld [tilespmem:s31+$0xFFFFFC30]  }
0x5c3: {  	v2 =	vld [tilespmem:s31+$0xFFFFFCB0]  }
0x5c4: {  	v3 =	vld [tilespmem:s31+$0xFFFFFD30];
	_ =	sdelay $0x2  }
0x5c5: {  	v4 =	vld [tilespmem:s31+$0xFFFFFDB0]  }
0x5c6: {  	v1 =	vadd.f32 v2, v1  }
0x5c7: {  	v2 =	vld [tilespmem:s31+$0xFFFFFE30]  }
0x5c8: {  	v1 =	vadd.f32 v3, v1  }
0x5c9: {  	v3 =	vld [tilespmem:s31+$0xFFFFFEB0]  }
0x5ca: {  	v1 =	vadd.f32 v4, v1  }
0x5cb: {  	v4 =	vld [tilespmem:s31+$0xFFFFFF30]  }
0x5cc: {  	v1 =	vadd.f32 v2, v1  }
0x5cd: {  	v2 =	vld [tilespmem:s31+$0xFFFFFFB0]  }
0x5ce: {  	v1 =	vadd.f32 v3, v1  }
0x5cf: {  	v3 =	vld [tilespmem:s31+$0x30]  }
0x5d0: {  	v1 =	vadd.f32 v4, v1  }
0x5d1: {  	v4 =	vld [tilespmem:s31+$0xB0]  }
0x5d2: {  	v1 =	vadd.f32 v2, v1  }
0x5d3: {  	v2 =	vld [tilespmem:s31+$0x130]  }
0x5d4: {  	v1 =	vadd.f32 v3, v1  }
0x5d5: {  	v3 =	vld [tilespmem:s31+$0x1B0]  }
0x5d6: {  	v1 =	vadd.f32 v4, v1  }
0x5d7: {  	v4 =	vld [tilespmem:s31+$0x230]  }
0x5d8: {  	v1 =	vadd.f32 v2, v1  }
0x5d9: {  	v2 =	vld [tilespmem:s31+$0x2B0]  }
0x5da: {  	v1 =	vadd.f32 v3, v1  }
0x5db: {  	v3 =	vld [tilespmem:s31+$0x330]  }
0x5dc: {  	v1 =	vadd.f32 v4, v1  }
0x5dd: {  	v4 =	vld [tilespmem:s31+$0x3B0]  }
0x5de: {  	v1 =	vadd.f32 v2, v1;
	_ =	sdelay $0x1  }
0x5df: {  	v1 =	vadd.f32 v3, v1;
	_ =	sdelay $0x1  }
0x5e0: {  	v1 =	vadd.f32 v4, v1;
	_ =	sdelay $0x1  }
0x5e1: {  	[tilespmem:s0+$0x16430] =	vst v1  }
0x5e2: {  	v1 =	vld [tilespmem:s31+$0xFFFFFC40]  }
0x5e3: {  	v2 =	vld [tilespmem:s31+$0xFFFFFCC0]  }
0x5e4: {  	v3 =	vld [tilespmem:s31+$0xFFFFFD40];
	_ =	sdelay $0x2  }
0x5e5: {  	v4 =	vld [tilespmem:s31+$0xFFFFFDC0]  }
0x5e6: {  	v1 =	vadd.f32 v2, v1  }
0x5e7: {  	v2 =	vld [tilespmem:s31+$0xFFFFFE40]  }
0x5e8: {  	v1 =	vadd.f32 v3, v1  }
0x5e9: {  	v3 =	vld [tilespmem:s31+$0xFFFFFEC0]  }
0x5ea: {  	v1 =	vadd.f32 v4, v1  }
0x5eb: {  	v4 =	vld [tilespmem:s31+$0xFFFFFF40]  }
0x5ec: {  	v1 =	vadd.f32 v2, v1  }
0x5ed: {  	v2 =	vld [tilespmem:s31+$0xFFFFFFC0]  }
0x5ee: {  	v1 =	vadd.f32 v3, v1  }
0x5ef: {  	v3 =	vld [tilespmem:s31+$0x40]  }
0x5f0: {  	v1 =	vadd.f32 v4, v1  }
0x5f1: {  	v4 =	vld [tilespmem:s31+$0xC0]  }
0x5f2: {  	v1 =	vadd.f32 v2, v1  }
0x5f3: {  	v2 =	vld [tilespmem:s31+$0x140]  }
0x5f4: {  	v1 =	vadd.f32 v3, v1  }
0x5f5: {  	v3 =	vld [tilespmem:s31+$0x1C0]  }
0x5f6: {  	v1 =	vadd.f32 v4, v1  }
0x5f7: {  	v4 =	vld [tilespmem:s31+$0x240]  }
0x5f8: {  	v1 =	vadd.f32 v2, v1  }
0x5f9: {  	v2 =	vld [tilespmem:s31+$0x2C0]  }
0x5fa: {  	v1 =	vadd.f32 v3, v1  }
0x5fb: {  	v3 =	vld [tilespmem:s31+$0x340]  }
0x5fc: {  	v1 =	vadd.f32 v4, v1  }
0x5fd: {  	v4 =	vld [tilespmem:s31+$0x3C0]  }
0x5fe: {  	v1 =	vadd.f32 v2, v1;
	_ =	sdelay $0x1  }
0x5ff: {  	v1 =	vadd.f32 v3, v1;
	_ =	sdelay $0x1  }
0x600: {  	v1 =	vadd.f32 v4, v1;
	_ =	sdelay $0x1  }
0x601: {  	[tilespmem:s0+$0x16440] =	vst v1  }
0x602: {  	v1 =	vld [tilespmem:s31+$0xFFFFFC50]  }
0x603: {  	v2 =	vld [tilespmem:s31+$0xFFFFFCD0]  }
0x604: {  	v3 =	vld [tilespmem:s31+$0xFFFFFD50]  }
0x605: {  	v4 =	vld [tilespmem:s31+$0xFFFFFDD0]  }
0x606: {  	v5 =	vld [tilespmem:s31+$0xFFFFFE50]  }
0x607: {  	v6 =	vld [tilespmem:s31+$0xFFFFFED0]  }
0x608: {  	v1 =	vadd.f32 v2, v1;
	v2 =	vld [tilespmem:s31+$0xFFFFFF50]  }
0x609: {  	v7 =	vld [tilespmem:s31+$0xFFFFFFD0]  }
0x60a: {  	v1 =	vadd.f32 v3, v1;
	v3 =	vld [tilespmem:s31+$0x50]  }
0x60b: {  	v8 =	vld [tilespmem:s31+$0xD0]  }
0x60c: {  	v1 =	vadd.f32 v4, v1;
	v4 =	vld [tilespmem:s31+$0x150]  }
0x60d: {  	v9 =	vld [tilespmem:s31+$0x1D0]  }
0x60e: {  	v1 =	vadd.f32 v5, v1;
	v5 =	vld [tilespmem:s31+$0x250]  }
0x60f: {  	v10 =	vld [tilespmem:s31+$0x2D0]  }
0x610: {  	v1 =	vadd.f32 v6, v1;
	v6 =	vld [tilespmem:s31+$0x350]  }
0x611: {  	v11 =	vld [tilespmem:s31+$0x3D0]  }
0x612: {  	v1 =	vadd.f32 v2, v1;
	_ =	sdelay $0x1  }
0x613: {  	v1 =	vadd.f32 v7, v1;
	_ =	sdelay $0x1  }
0x614: {  	v1 =	vadd.f32 v3, v1;
	_ =	sdelay $0x1  }
0x615: {  	v1 =	vadd.f32 v8, v1;
	_ =	sdelay $0x1  }
0x616: {  	v1 =	vadd.f32 v4, v1;
	_ =	sdelay $0x1  }
0x617: {  	v1 =	vadd.f32 v9, v1;
	_ =	sdelay $0x1  }
0x618: {  	v1 =	vadd.f32 v5, v1;
	_ =	sdelay $0x1  }
0x619: {  	v1 =	vadd.f32 v10, v1;
	_ =	sdelay $0x1  }
0x61a: {  	v1 =	vadd.f32 v6, v1;
	_ =	sdelay $0x1  }
0x61b: {  	v1 =	vadd.f32 v11, v1;
	_ =	sdelay $0x1  }
0x61c: {  	[tilespmem:s0+$0x16450] =	vst v1  }
0x61d: {  	v1 =	vld [tilespmem:s31+$0xFFFFFC60]  }
0x61e: {  	v2 =	vld [tilespmem:s31+$0xFFFFFCE0]  }
0x61f: {  	v3 =	vld [tilespmem:s31+$0xFFFFFD60]  }
0x620: {  	v4 =	vld [tilespmem:s31+$0xFFFFFDE0]  }
0x621: {  	v5 =	vld [tilespmem:s31+$0xFFFFFE60]  }
0x622: {  	v6 =	vld [tilespmem:s31+$0xFFFFFEE0]  }
0x623: {  	v1 =	vadd.f32 v2, v1;
	v2 =	vld [tilespmem:s31+$0xFFFFFF60]  }
0x624: {  	v7 =	vld [tilespmem:s31+$0xFFFFFFE0]  }
0x625: {  	v1 =	vadd.f32 v3, v1;
	v3 =	vld [tilespmem:s31+$0x60]  }
0x626: {  	v8 =	vld [tilespmem:s31+$0xE0]  }
0x627: {  	v1 =	vadd.f32 v4, v1;
	v4 =	vld [tilespmem:s31+$0x160]  }
0x628: {  	v9 =	vld [tilespmem:s31+$0x1E0]  }
0x629: {  	v1 =	vadd.f32 v5, v1;
	v5 =	vld [tilespmem:s31+$0x260]  }
0x62a: {  	v10 =	vld [tilespmem:s31+$0x2E0]  }
0x62b: {  	v1 =	vadd.f32 v6, v1;
	v6 =	vld [tilespmem:s31+$0x360]  }
0x62c: {  	v11 =	vld [tilespmem:s31+$0x3E0]  }
0x62d: {  	v1 =	vadd.f32 v2, v1;
	_ =	sdelay $0x1  }
0x62e: {  	v1 =	vadd.f32 v7, v1;
	_ =	sdelay $0x1  }
0x62f: {  	v1 =	vadd.f32 v3, v1;
	_ =	sdelay $0x1  }
0x630: {  	v1 =	vadd.f32 v8, v1;
	_ =	sdelay $0x1  }
0x631: {  	v1 =	vadd.f32 v4, v1;
	_ =	sdelay $0x1  }
0x632: {  	v1 =	vadd.f32 v9, v1;
	_ =	sdelay $0x1  }
0x633: {  	v1 =	vadd.f32 v5, v1;
	_ =	sdelay $0x1  }
0x634: {  	v1 =	vadd.f32 v10, v1;
	_ =	sdelay $0x1  }
0x635: {  	v1 =	vadd.f32 v6, v1;
	_ =	sdelay $0x1  }
0x636: {  	v1 =	vadd.f32 v11, v1;
	_ =	sdelay $0x1  }
0x637: {  	[tilespmem:s0+$0x16460] =	vst v1  }
0x638: {  	v1 =	vld [tilespmem:s31+$0xFFFFFC70]  }
0x639: {  	v2 =	vld [tilespmem:s31+$0xFFFFFCF0]  }
0x63a: {  	v3 =	vld [tilespmem:s31+$0xFFFFFD70]  }
0x63b: {  	v4 =	vld [tilespmem:s31+$0xFFFFFDF0]  }
0x63c: {  	v5 =	vld [tilespmem:s31+$0xFFFFFE70]  }
0x63d: {  	v6 =	vld [tilespmem:s31+$0xFFFFFEF0]  }
0x63e: {  	v1 =	vadd.f32 v2, v1;
	v7 =	vld [tilespmem:s31+$0xFFFFFF70]  }
0x63f: {  	v8 =	vld [tilespmem:s31+$0xFFFFFFF0]  }
0x640: {  	v1 =	vadd.f32 v3, v1;
	v9 =	vld [tilespmem:s31+$0x70]  }
0x641: {  	v10 =	vld [tilespmem:s31+$0xF0]  }
0x642: {  	v1 =	vadd.f32 v4, v1;
	v11 =	vld [tilespmem:s31+$0x170]  }
0x643: {  	v12 =	vld [tilespmem:s31+$0x1F0]  }
0x644: {  	v2 =	vadd.f32 v5, v1;
	v4 =	vld [tilespmem:s31+$0x270]  }
0x645: {  	v1 =	vld [tilespmem:s31+$0x2F0]  }
0x646: {  	v5 =	vadd.f32 v6, v2;
	v2 =	vld [tilespmem:s31+$0x370]  }
0x647: {  	v3 =	vld [tilespmem:s31+$0x3F0]  }
0x648: {  	v5 =	vadd.f32 v7, v5;
	_ =	sdelay $0x1  }
0x649: {  	v5 =	vadd.f32 v8, v5;
	_ =	sdelay $0x1  }
0x64a: {  	v5 =	vadd.f32 v9, v5;
	_ =	sdelay $0x1  }
.Ltmp2:
0x64b: {  	v5 =	vadd.f32 v10, v5;
	(pc) =	sbr.rel @p0 .LBB2_6-.Ltmp2, $3  }
0x64c: {  	_ = 	snop  }
0x64d: {  	v5 =	vadd.f32 v11, v5;
	_ =	sdelay $0x1  }
0x64e: {  	v5 =	vadd.f32 v12, v5  }
0x64f: {  	_ = 	snop  }
0x650: {  	v4 =	vadd.f32 v4, v5;
	_ =	sdelay $0x1  }
0x651: {  	v1 =	vadd.f32 v1, v4;
	_ =	sdelay $0x1  }
0x652: {  	v1 =	vadd.f32 v2, v1;
	_ =	sdelay $0x1  }
0x653: {  	v1 =	vadd.f32 v3, v1;
	_ =	sdelay $0x1  }
0x654: {  	[tilespmem:s0+$0x16470] =	vst v1  }
0x655: {  	_ =	swait.ge [sflag:s23], $0x9000  }
0x656: {  	[sflag:s23] =	ssyncset.done $0x0  }
0x657: {  	s31 =	simm.s32 $0xA200;
	[sflag:s23] =	ssyncadd.s32 $0xFFFF7000  }
0x658: {  	v1 =	vld [tilespmem:s31+$0xFFFFFC80]  }
0x659: {  	v2 =	vld [tilespmem:s31+$0xFFFFFC00];
	_ =	sdelay $0x1  }
0x65a: {  	v3 =	vld [tilespmem:s31+$0xFFFFFD00];
	_ =	sdelay $0x1  }
0x65b: {  	v4 =	vld [tilespmem:s31+$0xFFFFFD80]  }
0x65c: {  	v1 =	vadd.f32 v1, v2  }
0x65d: {  	v2 =	vld [tilespmem:s31+$0xFFFFFE00]  }
0x65e: {  	v1 =	vadd.f32 v3, v1  }
0x65f: {  	v3 =	vld [tilespmem:s31+$0xFFFFFE80]  }
0x660: {  	v1 =	vadd.f32 v4, v1  }
0x661: {  	v4 =	vld [tilespmem:s31+$0xFFFFFF00]  }
0x662: {  	v1 =	vadd.f32 v2, v1  }
0x663: {  	v2 =	vld [tilespmem:s31+$0xFFFFFF80]  }
0x664: {  	v1 =	vadd.f32 v3, v1  }
0x665: {  	v3 =	vld [tilespmem:s31+$0x0]  }
0x666: {  	v1 =	vadd.f32 v4, v1  }
0x667: {  	v4 =	vld [tilespmem:s31+$0x80]  }
0x668: {  	v1 =	vadd.f32 v2, v1  }
0x669: {  	v2 =	vld [tilespmem:s31+$0x100]  }
0x66a: {  	v1 =	vadd.f32 v3, v1  }
0x66b: {  	v3 =	vld [tilespmem:s31+$0x180]  }
0x66c: {  	v1 =	vadd.f32 v4, v1  }
0x66d: {  	v4 =	vld [tilespmem:s31+$0x200]  }
0x66e: {  	v1 =	vadd.f32 v2, v1  }
0x66f: {  	v2 =	vld [tilespmem:s31+$0x280]  }
0x670: {  	v1 =	vadd.f32 v3, v1  }
0x671: {  	v3 =	vld [tilespmem:s31+$0x300]  }
0x672: {  	v1 =	vadd.f32 v4, v1  }
0x673: {  	v4 =	vld [tilespmem:s31+$0x380]  }
0x674: {  	v1 =	vadd.f32 v2, v1;
	_ =	sdelay $0x1  }
0x675: {  	v1 =	vadd.f32 v3, v1;
	_ =	sdelay $0x1  }
0x676: {  	v1 =	vadd.f32 v4, v1  }
0x677: {  	s0 =	simm.s32 $0x0  }
0x678: {  	[tilespmem:s0+$0x16D00] =	vst v1  }
0x679: {  	v1 =	vld [tilespmem:s31+$0xFFFFFC10]  }
0x67a: {  	v2 =	vld [tilespmem:s31+$0xFFFFFC90];
	_ =	sdelay $0x1  }
0x67b: {  	v3 =	vld [tilespmem:s31+$0xFFFFFD10];
	_ =	sdelay $0x1  }
0x67c: {  	v4 =	vld [tilespmem:s31+$0xFFFFFD90]  }
0x67d: {  	v1 =	vadd.f32 v2, v1  }
0x67e: {  	v2 =	vld [tilespmem:s31+$0xFFFFFE10]  }
0x67f: {  	v1 =	vadd.f32 v3, v1  }
0x680: {  	v3 =	vld [tilespmem:s31+$0xFFFFFE90]  }
0x681: {  	v1 =	vadd.f32 v4, v1  }
0x682: {  	v4 =	vld [tilespmem:s31+$0xFFFFFF10]  }
0x683: {  	v1 =	vadd.f32 v2, v1  }
0x684: {  	v2 =	vld [tilespmem:s31+$0xFFFFFF90]  }
0x685: {  	v1 =	vadd.f32 v3, v1  }
0x686: {  	v3 =	vld [tilespmem:s31+$0x10]  }
0x687: {  	v1 =	vadd.f32 v4, v1  }
0x688: {  	v4 =	vld [tilespmem:s31+$0x90]  }
0x689: {  	v1 =	vadd.f32 v2, v1  }
0x68a: {  	v2 =	vld [tilespmem:s31+$0x110]  }
0x68b: {  	v1 =	vadd.f32 v3, v1  }
0x68c: {  	v3 =	vld [tilespmem:s31+$0x190]  }
0x68d: {  	v1 =	vadd.f32 v4, v1  }
0x68e: {  	v4 =	vld [tilespmem:s31+$0x210]  }
0x68f: {  	v1 =	vadd.f32 v2, v1  }
0x690: {  	v2 =	vld [tilespmem:s31+$0x290]  }
0x691: {  	v1 =	vadd.f32 v3, v1  }
0x692: {  	v3 =	vld [tilespmem:s31+$0x310]  }
0x693: {  	v1 =	vadd.f32 v4, v1  }
0x694: {  	v4 =	vld [tilespmem:s31+$0x390]  }
0x695: {  	v1 =	vadd.f32 v2, v1;
	_ =	sdelay $0x1  }
0x696: {  	v1 =	vadd.f32 v3, v1;
	_ =	sdelay $0x1  }
0x697: {  	v1 =	vadd.f32 v4, v1;
	_ =	sdelay $0x1  }
0x698: {  	[tilespmem:s0+$0x16D10] =	vst v1  }
0x699: {  	v1 =	vld [tilespmem:s31+$0xFFFFFC20]  }
0x69a: {  	v2 =	vld [tilespmem:s31+$0xFFFFFCA0];
	_ =	sdelay $0x1  }
0x69b: {  	v3 =	vld [tilespmem:s31+$0xFFFFFD20];
	_ =	sdelay $0x1  }
0x69c: {  	v4 =	vld [tilespmem:s31+$0xFFFFFDA0]  }
0x69d: {  	v1 =	vadd.f32 v2, v1  }
0x69e: {  	v2 =	vld [tilespmem:s31+$0xFFFFFE20]  }
0x69f: {  	v1 =	vadd.f32 v3, v1  }
0x6a0: {  	v3 =	vld [tilespmem:s31+$0xFFFFFEA0]  }
0x6a1: {  	v1 =	vadd.f32 v4, v1  }
0x6a2: {  	v4 =	vld [tilespmem:s31+$0xFFFFFF20]  }
0x6a3: {  	v1 =	vadd.f32 v2, v1  }
0x6a4: {  	v2 =	vld [tilespmem:s31+$0xFFFFFFA0]  }
0x6a5: {  	v1 =	vadd.f32 v3, v1  }
0x6a6: {  	v3 =	vld [tilespmem:s31+$0x20]  }
0x6a7: {  	v1 =	vadd.f32 v4, v1  }
0x6a8: {  	v4 =	vld [tilespmem:s31+$0xA0]  }
0x6a9: {  	v1 =	vadd.f32 v2, v1  }
0x6aa: {  	v2 =	vld [tilespmem:s31+$0x120]  }
0x6ab: {  	v1 =	vadd.f32 v3, v1  }
0x6ac: {  	v3 =	vld [tilespmem:s31+$0x1A0]  }
0x6ad: {  	v1 =	vadd.f32 v4, v1  }
0x6ae: {  	v4 =	vld [tilespmem:s31+$0x220]  }
0x6af: {  	v1 =	vadd.f32 v2, v1  }
0x6b0: {  	v2 =	vld [tilespmem:s31+$0x2A0]  }
0x6b1: {  	v1 =	vadd.f32 v3, v1  }
0x6b2: {  	v3 =	vld [tilespmem:s31+$0x320]  }
0x6b3: {  	v1 =	vadd.f32 v4, v1  }
0x6b4: {  	v4 =	vld [tilespmem:s31+$0x3A0]  }
0x6b5: {  	v1 =	vadd.f32 v2, v1;
	_ =	sdelay $0x1  }
0x6b6: {  	v1 =	vadd.f32 v3, v1;
	_ =	sdelay $0x1  }
0x6b7: {  	v1 =	vadd.f32 v4, v1;
	_ =	sdelay $0x1  }
0x6b8: {  	[tilespmem:s0+$0x16D20] =	vst v1  }
0x6b9: {  	v1 =	vld [tilespmem:s31+$0xFFFFFC30]  }
0x6ba: {  	v2 =	vld [tilespmem:s31+$0xFFFFFCB0];
	_ =	sdelay $0x1  }
0x6bb: {  	v3 =	vld [tilespmem:s31+$0xFFFFFD30];
	_ =	sdelay $0x1  }
0x6bc: {  	v4 =	vld [tilespmem:s31+$0xFFFFFDB0]  }
0x6bd: {  	v1 =	vadd.f32 v2, v1  }
0x6be: {  	v2 =	vld [tilespmem:s31+$0xFFFFFE30]  }
0x6bf: {  	v1 =	vadd.f32 v3, v1  }
0x6c0: {  	v3 =	vld [tilespmem:s31+$0xFFFFFEB0]  }
0x6c1: {  	v1 =	vadd.f32 v4, v1  }
0x6c2: {  	v4 =	vld [tilespmem:s31+$0xFFFFFF30]  }
0x6c3: {  	v1 =	vadd.f32 v2, v1  }
0x6c4: {  	v2 =	vld [tilespmem:s31+$0xFFFFFFB0]  }
0x6c5: {  	v1 =	vadd.f32 v3, v1  }
0x6c6: {  	v3 =	vld [tilespmem:s31+$0x30]  }
0x6c7: {  	v1 =	vadd.f32 v4, v1  }
0x6c8: {  	v4 =	vld [tilespmem:s31+$0xB0]  }
0x6c9: {  	v1 =	vadd.f32 v2, v1  }
0x6ca: {  	v2 =	vld [tilespmem:s31+$0x130]  }
0x6cb: {  	v1 =	vadd.f32 v3, v1  }
0x6cc: {  	v3 =	vld [tilespmem:s31+$0x1B0]  }
0x6cd: {  	v1 =	vadd.f32 v4, v1  }
0x6ce: {  	v4 =	vld [tilespmem:s31+$0x230]  }
0x6cf: {  	v1 =	vadd.f32 v2, v1  }
0x6d0: {  	v2 =	vld [tilespmem:s31+$0x2B0]  }
0x6d1: {  	v1 =	vadd.f32 v3, v1  }
0x6d2: {  	v3 =	vld [tilespmem:s31+$0x330]  }
0x6d3: {  	v1 =	vadd.f32 v4, v1  }
0x6d4: {  	v4 =	vld [tilespmem:s31+$0x3B0]  }
0x6d5: {  	v1 =	vadd.f32 v2, v1;
	_ =	sdelay $0x1  }
0x6d6: {  	v1 =	vadd.f32 v3, v1;
	_ =	sdelay $0x1  }
0x6d7: {  	v1 =	vadd.f32 v4, v1;
	_ =	sdelay $0x1  }
0x6d8: {  	[tilespmem:s0+$0x16D30] =	vst v1  }
0x6d9: {  	v1 =	vld [tilespmem:s31+$0xFFFFFC40]  }
0x6da: {  	v2 =	vld [tilespmem:s31+$0xFFFFFCC0];
	_ =	sdelay $0x1  }
0x6db: {  	v3 =	vld [tilespmem:s31+$0xFFFFFD40];
	_ =	sdelay $0x1  }
0x6dc: {  	v4 =	vld [tilespmem:s31+$0xFFFFFDC0]  }
0x6dd: {  	v1 =	vadd.f32 v2, v1  }
0x6de: {  	v2 =	vld [tilespmem:s31+$0xFFFFFE40]  }
0x6df: {  	v1 =	vadd.f32 v3, v1  }
0x6e0: {  	v3 =	vld [tilespmem:s31+$0xFFFFFEC0]  }
0x6e1: {  	v1 =	vadd.f32 v4, v1  }
0x6e2: {  	v4 =	vld [tilespmem:s31+$0xFFFFFF40]  }
0x6e3: {  	v1 =	vadd.f32 v2, v1  }
0x6e4: {  	v2 =	vld [tilespmem:s31+$0xFFFFFFC0]  }
0x6e5: {  	v1 =	vadd.f32 v3, v1  }
0x6e6: {  	v3 =	vld [tilespmem:s31+$0x40]  }
0x6e7: {  	v1 =	vadd.f32 v4, v1  }
0x6e8: {  	v4 =	vld [tilespmem:s31+$0xC0]  }
0x6e9: {  	v1 =	vadd.f32 v2, v1  }
0x6ea: {  	v2 =	vld [tilespmem:s31+$0x140]  }
0x6eb: {  	v1 =	vadd.f32 v3, v1  }
0x6ec: {  	v3 =	vld [tilespmem:s31+$0x1C0]  }
0x6ed: {  	v1 =	vadd.f32 v4, v1  }
0x6ee: {  	v4 =	vld [tilespmem:s31+$0x240]  }
0x6ef: {  	v1 =	vadd.f32 v2, v1  }
0x6f0: {  	v2 =	vld [tilespmem:s31+$0x2C0]  }
0x6f1: {  	v1 =	vadd.f32 v3, v1  }
0x6f2: {  	v3 =	vld [tilespmem:s31+$0x340]  }
0x6f3: {  	v1 =	vadd.f32 v4, v1  }
0x6f4: {  	v4 =	vld [tilespmem:s31+$0x3C0]  }
0x6f5: {  	v1 =	vadd.f32 v2, v1;
	_ =	sdelay $0x1  }
0x6f6: {  	v1 =	vadd.f32 v3, v1;
	_ =	sdelay $0x1  }
0x6f7: {  	v1 =	vadd.f32 v4, v1;
	_ =	sdelay $0x1  }
0x6f8: {  	[tilespmem:s0+$0x16D40] =	vst v1  }
0x6f9: {  	v1 =	vld [tilespmem:s31+$0xFFFFFC50]  }
0x6fa: {  	v2 =	vld [tilespmem:s31+$0xFFFFFCD0];
	_ =	sdelay $0x1  }
0x6fb: {  	v3 =	vld [tilespmem:s31+$0xFFFFFD50];
	_ =	sdelay $0x1  }
0x6fc: {  	v4 =	vld [tilespmem:s31+$0xFFFFFDD0]  }
0x6fd: {  	v1 =	vadd.f32 v2, v1  }
0x6fe: {  	v2 =	vld [tilespmem:s31+$0xFFFFFE50]  }
0x6ff: {  	v1 =	vadd.f32 v3, v1  }
0x700: {  	v3 =	vld [tilespmem:s31+$0xFFFFFED0]  }
0x701: {  	v1 =	vadd.f32 v4, v1  }
0x702: {  	v4 =	vld [tilespmem:s31+$0xFFFFFF50]  }
0x703: {  	v1 =	vadd.f32 v2, v1  }
0x704: {  	v2 =	vld [tilespmem:s31+$0xFFFFFFD0]  }
0x705: {  	v1 =	vadd.f32 v3, v1  }
0x706: {  	v3 =	vld [tilespmem:s31+$0x50]  }
0x707: {  	v1 =	vadd.f32 v4, v1  }
0x708: {  	v4 =	vld [tilespmem:s31+$0xD0]  }
0x709: {  	v1 =	vadd.f32 v2, v1  }
0x70a: {  	v2 =	vld [tilespmem:s31+$0x150]  }
0x70b: {  	v1 =	vadd.f32 v3, v1  }
0x70c: {  	v3 =	vld [tilespmem:s31+$0x1D0]  }
0x70d: {  	v1 =	vadd.f32 v4, v1  }
0x70e: {  	v4 =	vld [tilespmem:s31+$0x250]  }
0x70f: {  	v1 =	vadd.f32 v2, v1  }
0x710: {  	v2 =	vld [tilespmem:s31+$0x2D0]  }
0x711: {  	v1 =	vadd.f32 v3, v1  }
0x712: {  	v3 =	vld [tilespmem:s31+$0x350]  }
0x713: {  	v1 =	vadd.f32 v4, v1  }
0x714: {  	v4 =	vld [tilespmem:s31+$0x3D0]  }
0x715: {  	v1 =	vadd.f32 v2, v1;
	_ =	sdelay $0x1  }
0x716: {  	v1 =	vadd.f32 v3, v1;
	_ =	sdelay $0x1  }
0x717: {  	v1 =	vadd.f32 v4, v1;
	_ =	sdelay $0x1  }
0x718: {  	[tilespmem:s0+$0x16D50] =	vst v1  }
0x719: {  	v1 =	vld [tilespmem:s31+$0xFFFFFC60]  }
0x71a: {  	v2 =	vld [tilespmem:s31+$0xFFFFFCE0];
	_ =	sdelay $0x1  }
0x71b: {  	v3 =	vld [tilespmem:s31+$0xFFFFFD60];
	_ =	sdelay $0x1  }
0x71c: {  	v4 =	vld [tilespmem:s31+$0xFFFFFDE0]  }
0x71d: {  	v1 =	vadd.f32 v2, v1  }
0x71e: {  	v2 =	vld [tilespmem:s31+$0xFFFFFE60]  }
0x71f: {  	v1 =	vadd.f32 v3, v1  }
0x720: {  	v3 =	vld [tilespmem:s31+$0xFFFFFEE0]  }
0x721: {  	v1 =	vadd.f32 v4, v1  }
0x722: {  	v4 =	vld [tilespmem:s31+$0xFFFFFF60]  }
0x723: {  	v1 =	vadd.f32 v2, v1  }
0x724: {  	v2 =	vld [tilespmem:s31+$0xFFFFFFE0]  }
0x725: {  	v1 =	vadd.f32 v3, v1  }
0x726: {  	v3 =	vld [tilespmem:s31+$0x60]  }
0x727: {  	v1 =	vadd.f32 v4, v1  }
0x728: {  	v4 =	vld [tilespmem:s31+$0xE0]  }
0x729: {  	v1 =	vadd.f32 v2, v1  }
0x72a: {  	v2 =	vld [tilespmem:s31+$0x160]  }
0x72b: {  	v1 =	vadd.f32 v3, v1  }
0x72c: {  	v3 =	vld [tilespmem:s31+$0x1E0]  }
0x72d: {  	v1 =	vadd.f32 v4, v1  }
0x72e: {  	v4 =	vld [tilespmem:s31+$0x260]  }
0x72f: {  	v1 =	vadd.f32 v2, v1  }
0x730: {  	v2 =	vld [tilespmem:s31+$0x2E0]  }
0x731: {  	v1 =	vadd.f32 v3, v1  }
0x732: {  	v3 =	vld [tilespmem:s31+$0x360]  }
0x733: {  	v1 =	vadd.f32 v4, v1  }
0x734: {  	v4 =	vld [tilespmem:s31+$0x3E0]  }
0x735: {  	v1 =	vadd.f32 v2, v1;
	_ =	sdelay $0x1  }
0x736: {  	v1 =	vadd.f32 v3, v1;
	_ =	sdelay $0x1  }
0x737: {  	v1 =	vadd.f32 v4, v1;
	_ =	sdelay $0x1  }
0x738: {  	[tilespmem:s0+$0x16D60] =	vst v1  }
0x739: {  	v1 =	vld [tilespmem:s31+$0xFFFFFC70]  }
0x73a: {  	v2 =	vld [tilespmem:s31+$0xFFFFFCF0];
	_ =	sdelay $0x1  }
0x73b: {  	v3 =	vld [tilespmem:s31+$0xFFFFFD70];
	_ =	sdelay $0x1  }
0x73c: {  	v4 =	vld [tilespmem:s31+$0xFFFFFDF0]  }
0x73d: {  	v1 =	vadd.f32 v2, v1  }
0x73e: {  	v2 =	vld [tilespmem:s31+$0xFFFFFE70]  }
0x73f: {  	v1 =	vadd.f32 v3, v1  }
0x740: {  	v3 =	vld [tilespmem:s31+$0xFFFFFEF0]  }
0x741: {  	v1 =	vadd.f32 v4, v1  }
0x742: {  	v4 =	vld [tilespmem:s31+$0xFFFFFF70]  }
0x743: {  	v1 =	vadd.f32 v2, v1  }
0x744: {  	v2 =	vld [tilespmem:s31+$0xFFFFFFF0]  }
0x745: {  	v1 =	vadd.f32 v3, v1  }
0x746: {  	v3 =	vld [tilespmem:s31+$0x70]  }
0x747: {  	v1 =	vadd.f32 v4, v1  }
0x748: {  	v4 =	vld [tilespmem:s31+$0xF0]  }
0x749: {  	v1 =	vadd.f32 v2, v1  }
0x74a: {  	v2 =	vld [tilespmem:s31+$0x170]  }
0x74b: {  	v1 =	vadd.f32 v3, v1  }
0x74c: {  	v5 =	vld [tilespmem:s31+$0x1F0]  }
0x74d: {  	v3 =	vadd.f32 v4, v1  }
0x74e: {  	v4 =	vld [tilespmem:s31+$0x270]  }
0x74f: {  	v1 =	vld [tilespmem:s31+$0x2F0];
	v6 =	vadd.f32 v2, v3  }
0x750: {  	v2 =	vld [tilespmem:s31+$0x370]  }
0x751: {  	s2 =	simm.s32 $0x200;
	v3 =	vld [tilespmem:s31+$0x3F0];
	v5 =	vadd.f32 v5, v6  }
.LBB2_8:
0x752: {  	p0 =	sne.s32 s2, $0x2200  }
0x753: {  	s31 =	sadd.s32 $0x800, s31;
	s3 =	smov.u32 s2;
	s2 =	sadd.s32 $0x200, s2;
	v4 =	vadd.f32 v4, v5  }
0x754: {  	_ = 	snop  }
0x755: {  	v1 =	vadd.f32 v1, v4;
	_ =	sdelay $0x1  }
0x756: {  	v1 =	vadd.f32 v2, v1;
	_ =	sdelay $0x1  }
0x757: {  	v1 =	vadd.f32 v3, v1;
	_ =	sdelay $0x1  }
0x758: {  	[tilespmem:s0+$0x16D70] =	vst v1  }
0x759: {  	v1 =	vld [tilespmem:s31+$0xFFFFFC80]  }
0x75a: {  	v2 =	vld [tilespmem:s31+$0xFFFFFC00]  }
0x75b: {  	v3 =	vld [tilespmem:s31+$0xFFFFFD00];
	_ =	sdelay $0x2  }
0x75c: {  	v4 =	vld [tilespmem:s31+$0xFFFFFD80]  }
0x75d: {  	v1 =	vadd.f32 v1, v2  }
0x75e: {  	v2 =	vld [tilespmem:s31+$0xFFFFFE00]  }
0x75f: {  	v1 =	vadd.f32 v3, v1  }
0x760: {  	v3 =	vld [tilespmem:s31+$0xFFFFFE80]  }
0x761: {  	v1 =	vadd.f32 v4, v1  }
0x762: {  	v4 =	vld [tilespmem:s31+$0xFFFFFF00]  }
0x763: {  	v1 =	vadd.f32 v2, v1  }
0x764: {  	v2 =	vld [tilespmem:s31+$0xFFFFFF80]  }
0x765: {  	v1 =	vadd.f32 v3, v1  }
0x766: {  	v3 =	vld [tilespmem:s31+$0x0]  }
0x767: {  	v1 =	vadd.f32 v4, v1  }
0x768: {  	v4 =	vld [tilespmem:s31+$0x80]  }
0x769: {  	v1 =	vadd.f32 v2, v1  }
0x76a: {  	v2 =	vld [tilespmem:s31+$0x100]  }
0x76b: {  	v1 =	vadd.f32 v3, v1  }
0x76c: {  	v3 =	vld [tilespmem:s31+$0x180]  }
0x76d: {  	v1 =	vadd.f32 v4, v1  }
0x76e: {  	v4 =	vld [tilespmem:s31+$0x200]  }
0x76f: {  	v1 =	vadd.f32 v2, v1  }
0x770: {  	v2 =	vld [tilespmem:s31+$0x280]  }
0x771: {  	v1 =	vadd.f32 v3, v1  }
0x772: {  	v3 =	vld [tilespmem:s31+$0x300]  }
0x773: {  	v1 =	vadd.f32 v4, v1  }
0x774: {  	v4 =	vld [tilespmem:s31+$0x380]  }
0x775: {  	v1 =	vadd.f32 v2, v1;
	_ =	sdelay $0x1  }
0x776: {  	v1 =	vadd.f32 v3, v1;
	_ =	sdelay $0x1  }
0x777: {  	v1 =	vadd.f32 v4, v1  }
0x778: {  	s0 =	sshra.s32 s3, $0x2  }
0x779: {  	[tilespmem:s0+$0x16D00] =	vst v1  }
0x77a: {  	v1 =	vld [tilespmem:s31+$0xFFFFFC10]  }
0x77b: {  	v2 =	vld [tilespmem:s31+$0xFFFFFC90];
	_ =	sdelay $0x1  }
0x77c: {  	v3 =	vld [tilespmem:s31+$0xFFFFFD10];
	_ =	sdelay $0x1  }
0x77d: {  	v4 =	vld [tilespmem:s31+$0xFFFFFD90]  }
0x77e: {  	v1 =	vadd.f32 v2, v1  }
0x77f: {  	v2 =	vld [tilespmem:s31+$0xFFFFFE10]  }
0x780: {  	v1 =	vadd.f32 v3, v1  }
0x781: {  	v3 =	vld [tilespmem:s31+$0xFFFFFE90]  }
0x782: {  	v1 =	vadd.f32 v4, v1  }
0x783: {  	v4 =	vld [tilespmem:s31+$0xFFFFFF10]  }
0x784: {  	v1 =	vadd.f32 v2, v1  }
0x785: {  	v2 =	vld [tilespmem:s31+$0xFFFFFF90]  }
0x786: {  	v1 =	vadd.f32 v3, v1  }
0x787: {  	v3 =	vld [tilespmem:s31+$0x10]  }
0x788: {  	v1 =	vadd.f32 v4, v1  }
0x789: {  	v4 =	vld [tilespmem:s31+$0x90]  }
0x78a: {  	v1 =	vadd.f32 v2, v1  }
0x78b: {  	v2 =	vld [tilespmem:s31+$0x110]  }
0x78c: {  	v1 =	vadd.f32 v3, v1  }
0x78d: {  	v3 =	vld [tilespmem:s31+$0x190]  }
0x78e: {  	v1 =	vadd.f32 v4, v1  }
0x78f: {  	v4 =	vld [tilespmem:s31+$0x210]  }
0x790: {  	v1 =	vadd.f32 v2, v1  }
0x791: {  	v2 =	vld [tilespmem:s31+$0x290]  }
0x792: {  	v1 =	vadd.f32 v3, v1  }
0x793: {  	v3 =	vld [tilespmem:s31+$0x310]  }
0x794: {  	v1 =	vadd.f32 v4, v1  }
0x795: {  	v4 =	vld [tilespmem:s31+$0x390]  }
0x796: {  	v1 =	vadd.f32 v2, v1;
	_ =	sdelay $0x1  }
0x797: {  	v1 =	vadd.f32 v3, v1;
	_ =	sdelay $0x1  }
0x798: {  	v1 =	vadd.f32 v4, v1;
	_ =	sdelay $0x1  }
0x799: {  	[tilespmem:s0+$0x16D10] =	vst v1  }
0x79a: {  	v1 =	vld [tilespmem:s31+$0xFFFFFC20]  }
0x79b: {  	v2 =	vld [tilespmem:s31+$0xFFFFFCA0];
	_ =	sdelay $0x1  }
0x79c: {  	v3 =	vld [tilespmem:s31+$0xFFFFFD20];
	_ =	sdelay $0x1  }
0x79d: {  	v4 =	vld [tilespmem:s31+$0xFFFFFDA0]  }
0x79e: {  	v1 =	vadd.f32 v2, v1  }
0x79f: {  	v2 =	vld [tilespmem:s31+$0xFFFFFE20]  }
0x7a0: {  	v1 =	vadd.f32 v3, v1  }
0x7a1: {  	v3 =	vld [tilespmem:s31+$0xFFFFFEA0]  }
0x7a2: {  	v1 =	vadd.f32 v4, v1  }
0x7a3: {  	v4 =	vld [tilespmem:s31+$0xFFFFFF20]  }
0x7a4: {  	v1 =	vadd.f32 v2, v1  }
0x7a5: {  	v2 =	vld [tilespmem:s31+$0xFFFFFFA0]  }
0x7a6: {  	v1 =	vadd.f32 v3, v1  }
0x7a7: {  	v3 =	vld [tilespmem:s31+$0x20]  }
0x7a8: {  	v1 =	vadd.f32 v4, v1  }
0x7a9: {  	v4 =	vld [tilespmem:s31+$0xA0]  }
0x7aa: {  	v1 =	vadd.f32 v2, v1  }
0x7ab: {  	v2 =	vld [tilespmem:s31+$0x120]  }
0x7ac: {  	v1 =	vadd.f32 v3, v1  }
0x7ad: {  	v3 =	vld [tilespmem:s31+$0x1A0]  }
0x7ae: {  	v1 =	vadd.f32 v4, v1  }
0x7af: {  	v4 =	vld [tilespmem:s31+$0x220]  }
0x7b0: {  	v1 =	vadd.f32 v2, v1  }
0x7b1: {  	v2 =	vld [tilespmem:s31+$0x2A0]  }
0x7b2: {  	v1 =	vadd.f32 v3, v1  }
0x7b3: {  	v3 =	vld [tilespmem:s31+$0x320]  }
0x7b4: {  	v1 =	vadd.f32 v4, v1  }
0x7b5: {  	v4 =	vld [tilespmem:s31+$0x3A0]  }
0x7b6: {  	v1 =	vadd.f32 v2, v1;
	_ =	sdelay $0x1  }
0x7b7: {  	v1 =	vadd.f32 v3, v1;
	_ =	sdelay $0x1  }
0x7b8: {  	v1 =	vadd.f32 v4, v1;
	_ =	sdelay $0x1  }
0x7b9: {  	[tilespmem:s0+$0x16D20] =	vst v1  }
0x7ba: {  	v1 =	vld [tilespmem:s31+$0xFFFFFC30]  }
0x7bb: {  	v2 =	vld [tilespmem:s31+$0xFFFFFCB0]  }
0x7bc: {  	v3 =	vld [tilespmem:s31+$0xFFFFFD30];
	_ =	sdelay $0x2  }
0x7bd: {  	v4 =	vld [tilespmem:s31+$0xFFFFFDB0]  }
0x7be: {  	v1 =	vadd.f32 v2, v1  }
0x7bf: {  	v2 =	vld [tilespmem:s31+$0xFFFFFE30]  }
0x7c0: {  	v1 =	vadd.f32 v3, v1  }
0x7c1: {  	v3 =	vld [tilespmem:s31+$0xFFFFFEB0]  }
0x7c2: {  	v1 =	vadd.f32 v4, v1  }
0x7c3: {  	v4 =	vld [tilespmem:s31+$0xFFFFFF30]  }
0x7c4: {  	v1 =	vadd.f32 v2, v1  }
0x7c5: {  	v2 =	vld [tilespmem:s31+$0xFFFFFFB0]  }
0x7c6: {  	v1 =	vadd.f32 v3, v1  }
0x7c7: {  	v3 =	vld [tilespmem:s31+$0x30]  }
0x7c8: {  	v1 =	vadd.f32 v4, v1  }
0x7c9: {  	v4 =	vld [tilespmem:s31+$0xB0]  }
0x7ca: {  	v1 =	vadd.f32 v2, v1  }
0x7cb: {  	v2 =	vld [tilespmem:s31+$0x130]  }
0x7cc: {  	v1 =	vadd.f32 v3, v1  }
0x7cd: {  	v3 =	vld [tilespmem:s31+$0x1B0]  }
0x7ce: {  	v1 =	vadd.f32 v4, v1  }
0x7cf: {  	v4 =	vld [tilespmem:s31+$0x230]  }
0x7d0: {  	v1 =	vadd.f32 v2, v1  }
0x7d1: {  	v2 =	vld [tilespmem:s31+$0x2B0]  }
0x7d2: {  	v1 =	vadd.f32 v3, v1  }
0x7d3: {  	v3 =	vld [tilespmem:s31+$0x330]  }
0x7d4: {  	v1 =	vadd.f32 v4, v1  }
0x7d5: {  	v4 =	vld [tilespmem:s31+$0x3B0]  }
0x7d6: {  	v1 =	vadd.f32 v2, v1;
	_ =	sdelay $0x1  }
0x7d7: {  	v1 =	vadd.f32 v3, v1;
	_ =	sdelay $0x1  }
0x7d8: {  	v1 =	vadd.f32 v4, v1;
	_ =	sdelay $0x1  }
0x7d9: {  	[tilespmem:s0+$0x16D30] =	vst v1  }
0x7da: {  	v1 =	vld [tilespmem:s31+$0xFFFFFC40]  }
0x7db: {  	v2 =	vld [tilespmem:s31+$0xFFFFFCC0]  }
0x7dc: {  	v3 =	vld [tilespmem:s31+$0xFFFFFD40];
	_ =	sdelay $0x2  }
0x7dd: {  	v4 =	vld [tilespmem:s31+$0xFFFFFDC0]  }
0x7de: {  	v1 =	vadd.f32 v2, v1  }
0x7df: {  	v2 =	vld [tilespmem:s31+$0xFFFFFE40]  }
0x7e0: {  	v1 =	vadd.f32 v3, v1  }
0x7e1: {  	v3 =	vld [tilespmem:s31+$0xFFFFFEC0]  }
0x7e2: {  	v1 =	vadd.f32 v4, v1  }
0x7e3: {  	v4 =	vld [tilespmem:s31+$0xFFFFFF40]  }
0x7e4: {  	v1 =	vadd.f32 v2, v1  }
0x7e5: {  	v2 =	vld [tilespmem:s31+$0xFFFFFFC0]  }
0x7e6: {  	v1 =	vadd.f32 v3, v1  }
0x7e7: {  	v3 =	vld [tilespmem:s31+$0x40]  }
0x7e8: {  	v1 =	vadd.f32 v4, v1  }
0x7e9: {  	v4 =	vld [tilespmem:s31+$0xC0]  }
0x7ea: {  	v1 =	vadd.f32 v2, v1  }
0x7eb: {  	v2 =	vld [tilespmem:s31+$0x140]  }
0x7ec: {  	v1 =	vadd.f32 v3, v1  }
0x7ed: {  	v3 =	vld [tilespmem:s31+$0x1C0]  }
0x7ee: {  	v1 =	vadd.f32 v4, v1  }
0x7ef: {  	v4 =	vld [tilespmem:s31+$0x240]  }
0x7f0: {  	v1 =	vadd.f32 v2, v1  }
0x7f1: {  	v2 =	vld [tilespmem:s31+$0x2C0]  }
0x7f2: {  	v1 =	vadd.f32 v3, v1  }
0x7f3: {  	v3 =	vld [tilespmem:s31+$0x340]  }
0x7f4: {  	v1 =	vadd.f32 v4, v1  }
0x7f5: {  	v4 =	vld [tilespmem:s31+$0x3C0]  }
0x7f6: {  	v1 =	vadd.f32 v2, v1;
	_ =	sdelay $0x1  }
0x7f7: {  	v1 =	vadd.f32 v3, v1;
	_ =	sdelay $0x1  }
0x7f8: {  	v1 =	vadd.f32 v4, v1;
	_ =	sdelay $0x1  }
0x7f9: {  	[tilespmem:s0+$0x16D40] =	vst v1  }
0x7fa: {  	v1 =	vld [tilespmem:s31+$0xFFFFFC50]  }
0x7fb: {  	v2 =	vld [tilespmem:s31+$0xFFFFFCD0]  }
0x7fc: {  	v3 =	vld [tilespmem:s31+$0xFFFFFD50]  }
0x7fd: {  	v4 =	vld [tilespmem:s31+$0xFFFFFDD0]  }
0x7fe: {  	v5 =	vld [tilespmem:s31+$0xFFFFFE50]  }
0x7ff: {  	v6 =	vld [tilespmem:s31+$0xFFFFFED0]  }
0x800: {  	v1 =	vadd.f32 v2, v1;
	v2 =	vld [tilespmem:s31+$0xFFFFFF50]  }
0x801: {  	v7 =	vld [tilespmem:s31+$0xFFFFFFD0]  }
0x802: {  	v1 =	vadd.f32 v3, v1;
	v3 =	vld [tilespmem:s31+$0x50]  }
0x803: {  	v8 =	vld [tilespmem:s31+$0xD0]  }
0x804: {  	v1 =	vadd.f32 v4, v1;
	v4 =	vld [tilespmem:s31+$0x150]  }
0x805: {  	v9 =	vld [tilespmem:s31+$0x1D0]  }
0x806: {  	v1 =	vadd.f32 v5, v1;
	v5 =	vld [tilespmem:s31+$0x250]  }
0x807: {  	v10 =	vld [tilespmem:s31+$0x2D0]  }
0x808: {  	v1 =	vadd.f32 v6, v1;
	v6 =	vld [tilespmem:s31+$0x350]  }
0x809: {  	v11 =	vld [tilespmem:s31+$0x3D0]  }
0x80a: {  	v1 =	vadd.f32 v2, v1;
	_ =	sdelay $0x1  }
0x80b: {  	v1 =	vadd.f32 v7, v1;
	_ =	sdelay $0x1  }
0x80c: {  	v1 =	vadd.f32 v3, v1;
	_ =	sdelay $0x1  }
0x80d: {  	v1 =	vadd.f32 v8, v1;
	_ =	sdelay $0x1  }
0x80e: {  	v1 =	vadd.f32 v4, v1;
	_ =	sdelay $0x1  }
0x80f: {  	v1 =	vadd.f32 v9, v1;
	_ =	sdelay $0x1  }
0x810: {  	v1 =	vadd.f32 v5, v1;
	_ =	sdelay $0x1  }
0x811: {  	v1 =	vadd.f32 v10, v1;
	_ =	sdelay $0x1  }
0x812: {  	v1 =	vadd.f32 v6, v1;
	_ =	sdelay $0x1  }
0x813: {  	v1 =	vadd.f32 v11, v1;
	_ =	sdelay $0x1  }
0x814: {  	[tilespmem:s0+$0x16D50] =	vst v1  }
0x815: {  	v1 =	vld [tilespmem:s31+$0xFFFFFC60]  }
0x816: {  	v2 =	vld [tilespmem:s31+$0xFFFFFCE0]  }
0x817: {  	v3 =	vld [tilespmem:s31+$0xFFFFFD60]  }
0x818: {  	v4 =	vld [tilespmem:s31+$0xFFFFFDE0]  }
0x819: {  	v5 =	vld [tilespmem:s31+$0xFFFFFE60]  }
0x81a: {  	v6 =	vld [tilespmem:s31+$0xFFFFFEE0]  }
0x81b: {  	v1 =	vadd.f32 v2, v1;
	v2 =	vld [tilespmem:s31+$0xFFFFFF60]  }
0x81c: {  	v7 =	vld [tilespmem:s31+$0xFFFFFFE0]  }
0x81d: {  	v1 =	vadd.f32 v3, v1;
	v3 =	vld [tilespmem:s31+$0x60]  }
0x81e: {  	v8 =	vld [tilespmem:s31+$0xE0]  }
0x81f: {  	v1 =	vadd.f32 v4, v1;
	v4 =	vld [tilespmem:s31+$0x160]  }
0x820: {  	v9 =	vld [tilespmem:s31+$0x1E0]  }
0x821: {  	v1 =	vadd.f32 v5, v1;
	v5 =	vld [tilespmem:s31+$0x260]  }
0x822: {  	v10 =	vld [tilespmem:s31+$0x2E0]  }
0x823: {  	v1 =	vadd.f32 v6, v1;
	v6 =	vld [tilespmem:s31+$0x360]  }
0x824: {  	v11 =	vld [tilespmem:s31+$0x3E0]  }
0x825: {  	v1 =	vadd.f32 v2, v1;
	_ =	sdelay $0x1  }
0x826: {  	v1 =	vadd.f32 v7, v1;
	_ =	sdelay $0x1  }
0x827: {  	v1 =	vadd.f32 v3, v1;
	_ =	sdelay $0x1  }
0x828: {  	v1 =	vadd.f32 v8, v1;
	_ =	sdelay $0x1  }
0x829: {  	v1 =	vadd.f32 v4, v1;
	_ =	sdelay $0x1  }
0x82a: {  	v1 =	vadd.f32 v9, v1;
	_ =	sdelay $0x1  }
0x82b: {  	v1 =	vadd.f32 v5, v1;
	_ =	sdelay $0x1  }
0x82c: {  	v1 =	vadd.f32 v10, v1;
	_ =	sdelay $0x1  }
0x82d: {  	v1 =	vadd.f32 v6, v1;
	_ =	sdelay $0x1  }
0x82e: {  	v1 =	vadd.f32 v11, v1;
	_ =	sdelay $0x1  }
0x82f: {  	[tilespmem:s0+$0x16D60] =	vst v1  }
0x830: {  	v1 =	vld [tilespmem:s31+$0xFFFFFC70]  }
0x831: {  	v2 =	vld [tilespmem:s31+$0xFFFFFCF0]  }
0x832: {  	v3 =	vld [tilespmem:s31+$0xFFFFFD70]  }
0x833: {  	v4 =	vld [tilespmem:s31+$0xFFFFFDF0]  }
0x834: {  	v5 =	vld [tilespmem:s31+$0xFFFFFE70]  }
0x835: {  	v6 =	vld [tilespmem:s31+$0xFFFFFEF0]  }
0x836: {  	v1 =	vadd.f32 v2, v1;
	v7 =	vld [tilespmem:s31+$0xFFFFFF70]  }
0x837: {  	v8 =	vld [tilespmem:s31+$0xFFFFFFF0]  }
0x838: {  	v1 =	vadd.f32 v3, v1;
	v9 =	vld [tilespmem:s31+$0x70]  }
0x839: {  	v10 =	vld [tilespmem:s31+$0xF0]  }
0x83a: {  	v1 =	vadd.f32 v4, v1;
	v11 =	vld [tilespmem:s31+$0x170]  }
0x83b: {  	v12 =	vld [tilespmem:s31+$0x1F0]  }
0x83c: {  	v2 =	vadd.f32 v5, v1;
	v4 =	vld [tilespmem:s31+$0x270]  }
0x83d: {  	v1 =	vld [tilespmem:s31+$0x2F0]  }
0x83e: {  	v5 =	vadd.f32 v6, v2;
	v2 =	vld [tilespmem:s31+$0x370]  }
0x83f: {  	v3 =	vld [tilespmem:s31+$0x3F0]  }
0x840: {  	v5 =	vadd.f32 v7, v5;
	_ =	sdelay $0x1  }
0x841: {  	v5 =	vadd.f32 v8, v5;
	_ =	sdelay $0x1  }
0x842: {  	v5 =	vadd.f32 v9, v5;
	_ =	sdelay $0x1  }
.Ltmp3:
0x843: {  	v5 =	vadd.f32 v10, v5;
	(pc) =	sbr.rel @p0 .LBB2_8-.Ltmp3, $3  }
0x844: {  	_ = 	snop  }
0x845: {  	v5 =	vadd.f32 v11, v5;
	_ =	sdelay $0x1  }
0x846: {  	v5 =	vadd.f32 v12, v5  }
0x847: {  	_ = 	snop  }
0x848: {  	v4 =	vadd.f32 v4, v5;
	_ =	sdelay $0x1  }
0x849: {  	v1 =	vadd.f32 v1, v4;
	_ =	sdelay $0x1  }
0x84a: {  	v1 =	vadd.f32 v2, v1;
	_ =	sdelay $0x1  }
0x84b: {  	v1 =	vadd.f32 v3, v1;
	_ =	sdelay $0x1  }
0x84c: {  	[tilespmem:s0+$0x16D70] =	vst v1  }
0x84d: {  	[hbm4b:s7+s4] =	stream.linear.scatter [tilespmem:s25], [sflag:$0x5], $0x2400, $0x38;
	[tilespmem:$0x17600] =	vst v63  }
0x84e: {  	_ =	swait.ge [sflag:s11], $0x2400  }
0x84f: {  	[sflag:s11] =	ssyncset.done $0x0  }
0x850: {  	[sflag:s11] =	ssyncadd.s32 $0xFFFFDC00  }
0x851: {  	_ =	swait.ge [sflag:s26], $0x2400  }
0x852: {  	[sflag:s26] =	ssyncset.done $0x0  }
0x853: {  	[sflag:s26] =	ssyncadd.s32 $0xFFFFDC00  }
0x854: {  	[hbm4b:s8+s4] =	stream.linear.scatter [tilespmem:s19], [sflag:$0x5], $0x2400, $0x38;
	[tilespmem:$0x17600] =	vst v63  }
0x855: {  	_ =	swait.ge [sflag:s11], $0x2400  }
0x856: {  	[sflag:s11] =	ssyncset.done $0x0  }
0x857: {  	[sflag:s11] =	ssyncadd.s32 $0xFFFFDC00  }
0x858: {  	s31 =	rddreg [dreg:$0x3]  }
0x859: {  	[tilespmem:s28], [sflag:$0x2] =	stream.indirect.gather [hbm4b:s31+s12], $0x1, s14, s12, $0xb8;
	[tilespmem:$0x17600] =	vst v63  }
0x85a: {  	s30 =	sadd.s32 $0x1, s30;
	_ =	swait.ge [sflag:s29], $0x480  }
0x85b: {  	p0 =	sne.s32 s30, s10;
	[sflag:s29] =	ssyncset.done $0x0  }
.Ltmp4:
0x85c: {  	[sflag:s29] =	ssyncadd.s32 $0xFFFFFB80;
	(pc) =	sbr.rel @p0 .LBB2_1-.Ltmp4, $4  }
0x85d: {  	[hbm4b:s9+s4] =	stream.linear.scatter [tilespmem:s28], [sflag:$0x5], $0x480, $0x38;
	[tilespmem:$0x17600] =	vst v63  }
0x85e: {  	_ =	swait.ge [sflag:s11], $0x480  }
0x85f: {  	[sflag:s11] =	ssyncset.done $0x0  }
0x860: {  	[sflag:s11] =	ssyncadd.s32 $0xFFFFFB80  }
0x861: {  	_ =	sfence.sel $0x180000  }
0x862: {  	[bflag:$0x0] =	sbarrier.arrive $0xFFFF  }
0x863: {  	_ =	strace $0x90000047  }
0x864: {  	s0 =	stileid.u32;
	[bflag:$0x2] =	sbarrier.arrive $0xFFFF  }
0x865: {  	p0 =	sne.s32 s0, $0x0;
	s0 =	rddreg [dreg:$0x5]  }
0x866: {  	s0 =	sadd.s32 @!p0 $0x100000, s0  }
0x867: {  	[sflag:s0] =	ssyncadd.tile.s32 @!p0 $0x1;
	_ =	shalt  }
.Lfunc_end2:
_tile_overlayer_lowered:
.L_overlay_start_2:
0x868: {  	(tag) =	ssettag $0x2  }
0x869: {  	s0 =	rddreg [dreg:$0x0];
	s2 =	stileid.u32  }
0x86a: {  	s1 =	rddreg [dreg:$0x1];
	p0 =	sne.s32 s2, $0x0  }
0x86b: {  	s3 =	rddreg [dreg:$0x2];
	[bflag:$0x3] =	sbarrier.arrive $0xFFFF;
	s2 =	simm.s32 @!p0 $0x1C05  }
0x86c: {  	[timem:s3], [sflag:s2] =	dma.local @!p0 [hbm:s0], s1  }
0x86d: {  	s0 =	simm.s32 @!p0 $0x5  }
0x86e: {  	_ =	swait.ge @!p0 [sflag:s0], s1  }
0x86f: {  	s1 =	ssub.s32 @!p0 $0x0, s1;
	[sflag:s0] =	ssyncset.done @!p0 $0x0  }
0x870: {  	[sflag:s0] =	ssyncadd.s32 @!p0 s1  }
0x871: {  	[bflag:$0x3] =	sbarrier.arrive $0xFFFF  }
0x872: {  	_ =	shalt  }

</sc_bundles>
